<compile_context>
chip_gen: v7x
topology: tpu7x:2x2x1
jax: 0.10.2.dev20260603
libtpu: 0.0.44.dev20260713+nightly
codegen_flags: <defaults>
</compile_context>

<pallas_src>
import functools

import jax
import jax.numpy as jnp
from jax import lax
from jax.experimental import pallas as pl
from jax.experimental.pallas import tpu as pltpu
from jax.experimental.pallas import tpu_sc as plsc

E = 64
H = 1024
F = 768
TILE = 128
EPG = 2


def _sc_gather(table, idx):
    T, D = table.shape
    B = idx.shape[0]
    info = plsc.get_sparse_core_info()
    nw = info.num_cores * info.num_subcores
    b_per_w = B // nw
    mesh = plsc.VectorSubcoreMesh(core_axis_name="c", subcore_axis_name="s")

    @functools.partial(
        pl.kernel,
        out_type=jax.ShapeDtypeStruct((B, D), table.dtype),
        mesh=mesh,
        scratch_types=[
            pltpu.VMEM((b_per_w,), jnp.int32),
            pltpu.VMEM((b_per_w, D), table.dtype),
            pltpu.SemaphoreType.DMA,
        ],
    )
    def k(table_hbm, idx_hbm, out_hbm, idx_v, rows_v, sem):
        wid = lax.axis_index("s") * info.num_cores + lax.axis_index("c")
        base = wid * b_per_w
        pltpu.sync_copy(idx_hbm.at[pl.ds(base, b_per_w)], idx_v)
        pltpu.async_copy(table_hbm.at[idx_v], rows_v, sem).wait()
        pltpu.sync_copy(rows_v, out_hbm.at[pl.ds(base, b_per_w)])

    return k(table, idx)


def _make_sc_sort_kernels(T):
    info = plsc.get_sparse_core_info()
    NC, NS = info.num_cores, info.num_subcores
    NW = NC * NS
    TPW = T // NW
    NV = TPW // 16
    mesh = plsc.VectorSubcoreMesh(core_axis_name="c", subcore_axis_name="s")

    def _rank_chunks(ids_v, rank_v, hist_v, lane, zeros16):
        for j in range(E // 16):
            hist_v[pl.ds(16 * j, 16)] = zeros16
        for v in range(NV):
            ids = ids_v[pl.ds(16 + 16 * v, 16)]
            rank = zeros16
            cnt = zeros16
            for kk in range(16):
                idk = plsc.load_gather(
                    ids_v, [jnp.full((16,), 16 + 16 * v + kk, jnp.int32)])
                eq = ids == idk
                rank = rank + jnp.where(eq & (lane > kk), 1, 0)
                cnt = cnt + jnp.where(eq, 1, 0)
            pre = plsc.load_gather(hist_v, [ids])
            rank_v[pl.ds(16 * v, 16)] = pre + rank
            plsc.store_scatter(hist_v, [ids], pre + cnt,
                               mask=(cnt - rank) == 1)

    @functools.partial(
        pl.kernel,
        out_type=(jax.ShapeDtypeStruct((T,), jnp.int32),
                  jax.ShapeDtypeStruct((NW, E), jnp.int32)),
        mesh=mesh,
        compiler_params=pltpu.CompilerParams(needs_layout_passes=False),
        scratch_types=[
            pltpu.VMEM((TPW + 16,), jnp.int32),
            pltpu.VMEM((TPW,), jnp.int32),
            pltpu.VMEM((E,), jnp.int32),
        ],
    )
    def k1(ids_hbm, rank_hbm, hist_hbm, ids_v, rank_v, hist_v):
        wid = lax.axis_index("s") * NC + lax.axis_index("c")
        base = wid * TPW
        lane = lax.iota(jnp.int32, 16)
        zeros16 = jnp.zeros((16,), jnp.int32)
        pltpu.sync_copy(ids_hbm.at[pl.ds(base, TPW)], ids_v.at[pl.ds(16, TPW)])
        _rank_chunks(ids_v, rank_v, hist_v, lane, zeros16)
        pltpu.sync_copy(rank_v, rank_hbm.at[pl.ds(base, TPW)])
        pltpu.sync_copy(hist_v, hist_hbm.at[wid])

    @functools.partial(
        pl.kernel,
        out_type=(jax.ShapeDtypeStruct((T,), jnp.int32),
                  jax.ShapeDtypeStruct((80,), jnp.int32),
                  jax.ShapeDtypeStruct((T, H + 128), jnp.float32)),
        mesh=mesh,
        compiler_params=pltpu.CompilerParams(needs_layout_passes=False),
        scratch_types=[
            pltpu.VMEM((TPW,), jnp.int32),
            pltpu.VMEM((TPW,), jnp.int32),
            pltpu.VMEM((TPW,), jnp.int32),
            pltpu.VMEM((NW, E), jnp.int32),
            pltpu.VMEM((E,), jnp.int32),
            pltpu.VMEM((E,), jnp.int32),
            pltpu.VMEM((80,), jnp.int32),
            pltpu.VMEM((16,), jnp.int32),
            pltpu.VMEM((16,), jnp.int32),
            pltpu.VMEM((TPW, H + 128), jnp.float32),
            pltpu.VMEM((TPW,), jnp.float32),
            pltpu.SemaphoreType.DMA,
        ],
    )
    def k2(ids_hbm, rank_hbm, hist_hbm, hid_hbm, r_hbm, pos_hbm, starts_hbm,
           xs_hbm, ids_v, rank_v, pos_v, hist_all_v, base_v, pw_v,
           starts_v, tmp_v, carry_v, rows_v, r_v, sem):
        wid = lax.axis_index("s") * NC + lax.axis_index("c")
        base = wid * TPW
        lane = lax.iota(jnp.int32, 16)
        zeros16 = jnp.zeros((16,), jnp.int32)
        pltpu.sync_copy(ids_hbm.at[pl.ds(base, TPW)], ids_v)
        pltpu.sync_copy(rank_hbm.at[pl.ds(base, TPW)], rank_v)
        pltpu.sync_copy(hist_hbm, hist_all_v)
        carry_v[pl.ds(0, 16)] = zeros16
        for j in range(E // 16):
            pw_v[pl.ds(16 * j, 16)] = zeros16
            tot = zeros16
            for w in range(NW):
                h = hist_all_v[w, pl.ds(16 * j, 16)]
                tot = tot + h

                @pl.when(w < wid)
                def _(h=h, j=j):
                    pw_v[pl.ds(16 * j, 16)] = pw_v[pl.ds(16 * j, 16)] + h

            carry = carry_v[pl.ds(0, 16)]
            incc = plsc.cumsum(tot) + carry
            exc = incc - tot
            starts_v[pl.ds(16 * j, 16)] = exc
            base_v[pl.ds(16 * j, 16)] = exc + pw_v[pl.ds(16 * j, 16)]
            tmp_v[pl.ds(0, 16)] = incc
            carry_v[pl.ds(0, 16)] = plsc.load_gather(
                tmp_v, [jnp.full((16,), 15, jnp.int32)])
        starts_v[pl.ds(E, 16)] = jnp.where(lane == 0, T, 0)
        for v in range(NV):
            ids = ids_v[pl.ds(16 * v, 16)]
            b = plsc.load_gather(base_v, [ids])
            pos_v[pl.ds(16 * v, 16)] = b + rank_v[pl.ds(16 * v, 16)]
        pltpu.sync_copy(pos_v, pos_hbm.at[pl.ds(base, TPW)])

        @pl.when(wid == 0)
        def _():
            pltpu.sync_copy(starts_v, starts_hbm)

        pltpu.sync_copy(hid_hbm.at[pl.ds(base, TPW)],
                        rows_v.at[:, pl.ds(0, H)])
        pltpu.sync_copy(r_hbm.at[pl.ds(base, TPW)], r_v)

        def row_body(i, _):
            ri = plsc.load_gather(r_v, [jnp.zeros((16,), jnp.int32) + i])
            rows_v[i, pl.ds(H, 16)] = ri
            return 0

        lax.fori_loop(0, TPW, row_body, 0)
        pltpu.async_copy(rows_v, xs_hbm.at[pos_v], sem).wait()

    return k1, k2


def _sc_sort_stage(expert_ids, hidden_flat, routing_flat):
    k1, k2 = _make_sc_sort_kernels(expert_ids.shape[0])
    rank, hist = k1(expert_ids)
    pos, starts_pad, xs = k2(expert_ids, rank, hist, hidden_flat, routing_flat)
    return pos, starts_pad, xs


def _grouped_mlp(starts, xs, gate_w, up_w, down_w):
    T = xs.shape[0]

    def body(starts_ref, xs_ref, gw_ref, uw_ref, dw_ref, out_ref):
        eg = pl.program_id(0)
        for sub in range(EPG):
            e = eg * EPG + sub
            start = starts_ref[e]
            end = starts_ref[e + 1]
            astart = (start // TILE) * TILE
            n = pl.cdiv(end - astart, TILE)
            gw = gw_ref[sub]
            uw = uw_ref[sub]
            dw = dw_ref[sub]

            def tile_body(i, _):
                off = pl.multiple_of(astart + i * TILE, TILE)
                x = xs_ref[pl.ds(off, TILE), :H]
                r = xs_ref[pl.ds(off, TILE), H:H + 1]
                g = lax.dot_general(x, gw, (((1,), (1,)), ((), ())),
                                    preferred_element_type=jnp.float32)
                u = lax.dot_general(x, uw, (((1,), (1,)), ((), ())),
                                    preferred_element_type=jnp.float32)
                a = g * jax.nn.sigmoid(g) * u
                y = lax.dot_general(a, dw, (((1,), (1,)), ((), ())),
                                    preferred_element_type=jnp.float32)
                y = y * r
                rows = off + lax.broadcasted_iota(jnp.int32, (TILE, 1), 0)
                mask = (rows >= start) & (rows < end)
                old = out_ref[pl.ds(off, TILE), :]
                out_ref[pl.ds(off, TILE), :] = jnp.where(mask, y, old)
                return 0

            lax.fori_loop(0, n, tile_body, 0)

    grid_spec = pltpu.PrefetchScalarGridSpec(
        num_scalar_prefetch=1,
        grid=(E // EPG,),
        in_specs=[
            pl.BlockSpec((T, H + 128), lambda e, s: (0, 0)),
            pl.BlockSpec((EPG, F, H), lambda e, s: (e, 0, 0)),
            pl.BlockSpec((EPG, F, H), lambda e, s: (e, 0, 0)),
            pl.BlockSpec((EPG, H, F), lambda e, s: (e, 0, 0)),
        ],
        out_specs=pl.BlockSpec((T, H), lambda e, s: (0, 0)),
    )
    return pl.pallas_call(
        body,
        grid_spec=grid_spec,
        out_shape=jax.ShapeDtypeStruct((T, H), jnp.float32),
        compiler_params=pltpu.CompilerParams(
            vmem_limit_bytes=100 * 1024 * 1024),
    )(starts, xs, gate_w, up_w, down_w)


def kernel(hidden_states, routing_weights, selected_experts,
           gate_weight, up_weight, down_weight):
    bsz, seq_len, hidden = hidden_states.shape
    hidden_flat = hidden_states.reshape(-1, hidden)
    T = hidden_flat.shape[0]

    expert_ids = selected_experts.reshape(-1).astype(jnp.int32)
    routing_flat = routing_weights.reshape(-1).astype(jnp.float32)

    pos, starts_pad, xs = _sc_sort_stage(expert_ids, hidden_flat, routing_flat)
    starts = starts_pad[:E + 1]

    ys = _grouped_mlp(starts, xs, gate_weight, up_weight, down_weight)

    out = _sc_gather(ys, pos)
    return out.reshape(bsz, seq_len, hidden)

# --- scband reference (transcript-rebuilt; emitter-appended) ---
"""Pipeline reference for scband-qwen3-moe-grouped-experts-35691178230103 (READ-ONLY COPY).

The authoritative reference and input builder live on the scoring server;
editing this copy changes nothing except your own understanding.
"""

import jax, jax.numpy as jnp
import numpy as np

NUM_EXPERTS = 64
TOP_K = 1
HIDDEN = 1024
D_FF = 768
BSZ = 1
SEQ = 2048


def setup_inputs(seed: int = 0) -> dict:
    key = jax.random.key(seed)
    ks = jax.random.split(key, 6)
    hidden_states = jax.random.normal(ks[0], (BSZ, SEQ, HIDDEN), dtype=jnp.float32)
    routing_weights = jax.random.uniform(ks[1], (BSZ * SEQ, TOP_K), dtype=jnp.float32)
    selected_experts = jax.random.randint(ks[2], (BSZ * SEQ, TOP_K), 0, NUM_EXPERTS)
    gate_weight = jax.random.normal(ks[3], (NUM_EXPERTS, D_FF, HIDDEN), dtype=jnp.float32) * 0.02
    up_weight = jax.random.normal(ks[4], (NUM_EXPERTS, D_FF, HIDDEN), dtype=jnp.float32) * 0.02
    down_weight = jax.random.normal(ks[5], (NUM_EXPERTS, HIDDEN, D_FF), dtype=jnp.float32) * 0.02
    return {
        'hidden_states': hidden_states,
        'routing_weights': routing_weights,
        'selected_experts': selected_experts,
        'gate_weight': gate_weight,
        'up_weight': up_weight,
        'down_weight': down_weight,
    }


def reference(hidden_states, routing_weights, selected_experts, gate_weight, up_weight, down_weight):
    bsz, seq_len, hidden = hidden_states.shape
    hidden_flat = hidden_states.reshape(-1, hidden)
    T = hidden_flat.shape[0]
    topk = selected_experts.shape[-1]
    token_indices = jnp.repeat(jnp.arange(T), topk)
    expert_ids = selected_experts.reshape(-1)
    routing_flat = routing_weights.reshape(-1).astype(hidden_states.dtype)
    # sort token-expert assignments by expert id (stable, like torch.sort)
    sort_perm = jnp.argsort(expert_ids, stable=True)
    sorted_tokens = token_indices[sort_perm]
    sorted_routing = routing_flat[sort_perm]
    sorted_experts = expert_ids[sort_perm]
    expert_inputs = hidden_flat[sorted_tokens]
    y = jnp.zeros((T * topk, hidden), dtype=hidden_states.dtype)
    for e in range(NUM_EXPERTS):
        gate_out = expert_inputs @ gate_weight[e].T
        up_out = expert_inputs @ up_weight[e].T
        activated = jax.nn.silu(gate_out) * up_out
        expert_out = activated @ down_weight[e].T
        mask = (sorted_experts == e)[:, None]
        y = jnp.where(mask, expert_out, y)
    weighted = y * sorted_routing[:, None]
    out = jnp.zeros((T, hidden), dtype=hidden_states.dtype).at[sorted_tokens].add(weighted)
    return out.reshape(bsz, seq_len, hidden)

if __name__ == "__main__":
    import jax
    _d = setup_inputs()
    print(jax.jit(kernel)(*tuple(_d.values())))

</pallas_src>

<mosaic_0001>
#map = affine_map<(d0, d1) -> (0)>
#map1 = affine_map<(d0, d1) -> (0, 0)>
module attributes {stable_mosaic.version = 14 : i64} {
  func.func @k1(%arg0: i32, %arg1: i32, %arg2: memref<2048xi32, #tpu.memory_space<hbm>>, %arg3: memref<2048xi32, #tpu.memory_space<hbm>>, %arg4: memref<32x64xi32, #tpu.memory_space<hbm>>, %arg5: memref<80xi32, #tpu.memory_space<vmem>>, %arg6: memref<64xi32, #tpu.memory_space<vmem>>, %arg7: memref<64xi32, #tpu.memory_space<vmem>>) attributes {dimension_semantics = [#tpu.dimension_semantics<core_parallel>, #tpu.dimension_semantics<subcore_parallel>], iteration_bounds = array<i64: 2, 16>, scalar_prefetch = 0 : i64, scratch_operands = 3 : i64, tpu.core_type = #tpu.core_type<sc_vector_subcore>, window_params = [{transform_indices = #map}, {transform_indices = #map}, {transform_indices = #map1}]} {
    %mul3A = arith.constant 2 : i32
    %mul3A_0 = arith.muli %arg1, %mul3A : i32
    %add3A = arith.addi %mul3A_0, %arg0 : i32
    %mul3A_1 = arith.constant 64 : i32
    %mul3A_2 = arith.muli %add3A, %mul3A_1 : i32
    %iota3A = tpu.iota {dimensions = array<i32: 0>} : vector<16xi32>
    %broadcast_in_dim3A = arith.constant 0 : i32
    %broadcast_in_dim3A_3 = vector.broadcast %broadcast_in_dim3A : i32 to vector<16xi32>
    "tpu.region"() ({
      %run_scoped3A = tpu.sem_alloc : memref<!tpu.dma_semaphore, #tpu.memory_space<semaphore_mem>>
      %dma_start3A = arith.constant 16 : i32
      %dma_start3A_1327 = tpu.memref_slice %arg5[%dma_start3A] : memref<80xi32, #tpu.memory_space<vmem>> -> memref<64xi32, #tpu.memory_space<vmem>>
      %dma_start3A_1328 = tpu.memref_slice %arg2[%mul3A_2] : memref<2048xi32, #tpu.memory_space<hbm>> -> memref<64xi32, #tpu.memory_space<hbm>>
      %dma_start3A_1329 = arith.constant 16 : i32
      %dma_start3A_1330 = tpu.memref_slice %arg5[%dma_start3A_1329] : memref<80xi32, #tpu.memory_space<vmem>> -> memref<64xi32, #tpu.memory_space<vmem>>
      %dma_start3A_1331 = tpu.memref_slice %arg2[%mul3A_2] : memref<2048xi32, #tpu.memory_space<hbm>> -> memref<64xi32, #tpu.memory_space<hbm>>
      tpu.enqueue_dma source(%dma_start3A_1331 : memref<64xi32, #tpu.memory_space<hbm>>) target(%dma_start3A_1330 : memref<64xi32, #tpu.memory_space<vmem>>) target_semaphore(%run_scoped3A : memref<!tpu.dma_semaphore, #tpu.memory_space<semaphore_mem>>)
      %dma_wait3A = arith.constant 16 : i32
      %dma_wait3A_1332 = tpu.memref_slice %arg5[%dma_wait3A] : memref<80xi32, #tpu.memory_space<vmem>> -> memref<64xi32, #tpu.memory_space<vmem>>
      %dma_wait3A_1333 = tpu.memref_slice %arg2[%mul3A_2] : memref<2048xi32, #tpu.memory_space<hbm>> -> memref<64xi32, #tpu.memory_space<hbm>>
      %dma_wait3A_1334 = arith.constant 16 : i32
      %dma_wait3A_1335 = tpu.memref_slice %arg5[%dma_wait3A_1334] : memref<80xi32, #tpu.memory_space<vmem>> -> memref<64xi32, #tpu.memory_space<vmem>>
      %dma_wait3A_1336 = tpu.memref_slice %arg2[%mul3A_2] : memref<2048xi32, #tpu.memory_space<hbm>> -> memref<64xi32, #tpu.memory_space<hbm>>
      tpu.wait_dma2 semaphore(%run_scoped3A : memref<!tpu.dma_semaphore, #tpu.memory_space<semaphore_mem>>) src(%dma_wait3A_1336 : memref<64xi32, #tpu.memory_space<hbm>>) dst(%dma_wait3A_1335 : memref<64xi32, #tpu.memory_space<vmem>>)
      tpu.yield
    }) : () -> ()
    %swap3A = arith.constant 0 : index
    %swap3A_4 = tpu.vector_load %arg7[%swap3A] {strides = array<i32>} : memref<64xi32, #tpu.memory_space<vmem>>, vector<16xi32>,
    tpu.vector_store %arg7[%swap3A], %broadcast_in_dim3A_3 {strides = array<i32>} : memref<64xi32, #tpu.memory_space<vmem>>, vector<16xi32>,
    %swap3A_5 = arith.constant 16 : index
    %swap3A_6 = tpu.vector_load %arg7[%swap3A_5] {strides = array<i32>} : memref<64xi32, #tpu.memory_space<vmem>>, vector<16xi32>,
    tpu.vector_store %arg7[%swap3A_5], %broadcast_in_dim3A_3 {strides = array<i32>} : memref<64xi32, #tpu.memory_space<vmem>>, vector<16xi32>,
    %swap3A_7 = arith.constant 32 : index
    %swap3A_8 = tpu.vector_load %arg7[%swap3A_7] {strides = array<i32>} : memref<64xi32, #tpu.memory_space<vmem>>, vector<16xi32>,
    tpu.vector_store %arg7[%swap3A_7], %broadcast_in_dim3A_3 {strides = array<i32>} : memref<64xi32, #tpu.memory_space<vmem>>, vector<16xi32>,
    %swap3A_9 = arith.constant 48 : index
    %swap3A_10 = tpu.vector_load %arg7[%swap3A_9] {strides = array<i32>} : memref<64xi32, #tpu.memory_space<vmem>>, vector<16xi32>,
    tpu.vector_store %arg7[%swap3A_9], %broadcast_in_dim3A_3 {strides = array<i32>} : memref<64xi32, #tpu.memory_space<vmem>>, vector<16xi32>,
    %get3A = arith.constant 16 : index
    %get3A_11 = tpu.vector_load %arg5[%get3A] {strides = array<i32>} : memref<80xi32, #tpu.memory_space<vmem>>, vector<16xi32>,
    %broadcast_in_dim3A_12 = arith.constant 16 : i32
    %broadcast_in_dim3A_13 = vector.broadcast %broadcast_in_dim3A_12 : i32 to vector<16xi32>
    %gather3A = tpu.vector_load_idx %arg5[%broadcast_in_dim3A_13] : memref<80xi32, #tpu.memory_space<vmem>>[vector<16xi32>], vector<16xi32>,
    %eq3A = arith.cmpi eq, %get3A_11, %gather3A : vector<16xi32>
    %gt3A = arith.constant 0 : i32
    %gt3A_14 = vector.broadcast %gt3A : i32 to vector<16xi32>
    %gt3A_15 = arith.cmpi sgt, %iota3A, %gt3A_14 : vector<16xi32>
    %and3A = arith.andi %eq3A, %gt3A_15 : vector<16xi1>
    %jit3A = arith.constant 1 : i32
    %jit3A_16 = arith.constant 0 : i32
    %broadcast_in_dim3A_17 = vector.broadcast %jit3A : i32 to vector<16xi32>
    %broadcast_in_dim3A_18 = vector.broadcast %jit3A_16 : i32 to vector<16xi32>
    %select_n3A = arith.select %and3A, %broadcast_in_dim3A_17, %broadcast_in_dim3A_18 : vector<16xi1>, vector<16xi32>
    %add3A_19 = arith.addi %broadcast_in_dim3A_3, %select_n3A : vector<16xi32>
    %jit3A_20 = arith.constant 1 : i32
    %jit3A_21 = arith.constant 0 : i32
    %broadcast_in_dim3A_22 = vector.broadcast %jit3A_20 : i32 to vector<16xi32>
    %broadcast_in_dim3A_23 = vector.broadcast %jit3A_21 : i32 to vector<16xi32>
    %select_n3A_24 = arith.select %eq3A, %broadcast_in_dim3A_22, %broadcast_in_dim3A_23 : vector<16xi1>, vector<16xi32>
    %add3A_25 = arith.addi %broadcast_in_dim3A_3, %select_n3A_24 : vector<16xi32>
    %broadcast_in_dim3A_26 = arith.constant 17 : i32
    %broadcast_in_dim3A_27 = vector.broadcast %broadcast_in_dim3A_26 : i32 to vector<16xi32>
    %gather3A_28 = tpu.vector_load_idx %arg5[%broadcast_in_dim3A_27] : memref<80xi32, #tpu.memory_space<vmem>>[vector<16xi32>], vector<16xi32>,
    %eq3A_29 = arith.cmpi eq, %get3A_11, %gather3A_28 : vector<16xi32>
    %gt3A_30 = arith.constant 1 : i32
    %gt3A_31 = vector.broadcast %gt3A_30 : i32 to vector<16xi32>
    %gt3A_32 = arith.cmpi sgt, %iota3A, %gt3A_31 : vector<16xi32>
    %and3A_33 = arith.andi %eq3A_29, %gt3A_32 : vector<16xi1>
    %jit3A_34 = arith.constant 1 : i32
    %jit3A_35 = arith.constant 0 : i32
    %broadcast_in_dim3A_36 = vector.broadcast %jit3A_34 : i32 to vector<16xi32>
    %broadcast_in_dim3A_37 = vector.broadcast %jit3A_35 : i32 to vector<16xi32>
    %select_n3A_38 = arith.select %and3A_33, %broadcast_in_dim3A_36, %broadcast_in_dim3A_37 : vector<16xi1>, vector<16xi32>
    %add3A_39 = arith.addi %add3A_19, %select_n3A_38 : vector<16xi32>
    %jit3A_40 = arith.constant 1 : i32
    %jit3A_41 = arith.constant 0 : i32
    %broadcast_in_dim3A_42 = vector.broadcast %jit3A_40 : i32 to vector<16xi32>
    %broadcast_in_dim3A_43 = vector.broadcast %jit3A_41 : i32 to vector<16xi32>
    %select_n3A_44 = arith.select %eq3A_29, %broadcast_in_dim3A_42, %broadcast_in_dim3A_43 : vector<16xi1>, vector<16xi32>
    %add3A_45 = arith.addi %add3A_25, %select_n3A_44 : vector<16xi32>
    %broadcast_in_dim3A_46 = arith.constant 18 : i32
    %broadcast_in_dim3A_47 = vector.broadcast %broadcast_in_dim3A_46 : i32 to vector<16xi32>
    %gather3A_48 = tpu.vector_load_idx %arg5[%broadcast_in_dim3A_47] : memref<80xi32, #tpu.memory_space<vmem>>[vector<16xi32>], vector<16xi32>,
    %eq3A_49 = arith.cmpi eq, %get3A_11, %gather3A_48 : vector<16xi32>
    %gt3A_50 = arith.constant 2 : i32
    %gt3A_51 = vector.broadcast %gt3A_50 : i32 to vector<16xi32>
    %gt3A_52 = arith.cmpi sgt, %iota3A, %gt3A_51 : vector<16xi32>
    %and3A_53 = arith.andi %eq3A_49, %gt3A_52 : vector<16xi1>
    %jit3A_54 = arith.constant 1 : i32
    %jit3A_55 = arith.constant 0 : i32
    %broadcast_in_dim3A_56 = vector.broadcast %jit3A_54 : i32 to vector<16xi32>
    %broadcast_in_dim3A_57 = vector.broadcast %jit3A_55 : i32 to vector<16xi32>
    %select_n3A_58 = arith.select %and3A_53, %broadcast_in_dim3A_56, %broadcast_in_dim3A_57 : vector<16xi1>, vector<16xi32>
    %add3A_59 = arith.addi %add3A_39, %select_n3A_58 : vector<16xi32>
    %jit3A_60 = arith.constant 1 : i32
    %jit3A_61 = arith.constant 0 : i32
    %broadcast_in_dim3A_62 = vector.broadcast %jit3A_60 : i32 to vector<16xi32>
    %broadcast_in_dim3A_63 = vector.broadcast %jit3A_61 : i32 to vector<16xi32>
    %select_n3A_64 = arith.select %eq3A_49, %broadcast_in_dim3A_62, %broadcast_in_dim3A_63 : vector<16xi1>, vector<16xi32>
    %add3A_65 = arith.addi %add3A_45, %select_n3A_64 : vector<16xi32>
    %broadcast_in_dim3A_66 = arith.constant 19 : i32
    %broadcast_in_dim3A_67 = vector.broadcast %broadcast_in_dim3A_66 : i32 to vector<16xi32>
    %gather3A_68 = tpu.vector_load_idx %arg5[%broadcast_in_dim3A_67] : memref<80xi32, #tpu.memory_space<vmem>>[vector<16xi32>], vector<16xi32>,
    %eq3A_69 = arith.cmpi eq, %get3A_11, %gather3A_68 : vector<16xi32>
    %gt3A_70 = arith.constant 3 : i32
    %gt3A_71 = vector.broadcast %gt3A_70 : i32 to vector<16xi32>
    %gt3A_72 = arith.cmpi sgt, %iota3A, %gt3A_71 : vector<16xi32>
    %and3A_73 = arith.andi %eq3A_69, %gt3A_72 : vector<16xi1>
    %jit3A_74 = arith.constant 1 : i32
    %jit3A_75 = arith.constant 0 : i32
    %broadcast_in_dim3A_76 = vector.broadcast %jit3A_74 : i32 to vector<16xi32>
    %broadcast_in_dim3A_77 = vector.broadcast %jit3A_75 : i32 to vector<16xi32>
    %select_n3A_78 = arith.select %and3A_73, %broadcast_in_dim3A_76, %broadcast_in_dim3A_77 : vector<16xi1>, vector<16xi32>
    %add3A_79 = arith.addi %add3A_59, %select_n3A_78 : vector<16xi32>
    %jit3A_80 = arith.constant 1 : i32
    %jit3A_81 = arith.constant 0 : i32
    %broadcast_in_dim3A_82 = vector.broadcast %jit3A_80 : i32 to vector<16xi32>
    %broadcast_in_dim3A_83 = vector.broadcast %jit3A_81 : i32 to vector<16xi32>
    %select_n3A_84 = arith.select %eq3A_69, %broadcast_in_dim3A_82, %broadcast_in_dim3A_83 : vector<16xi1>, vector<16xi32>
    %add3A_85 = arith.addi %add3A_65, %select_n3A_84 : vector<16xi32>
    %broadcast_in_dim3A_86 = arith.constant 20 : i32
    %broadcast_in_dim3A_87 = vector.broadcast %broadcast_in_dim3A_86 : i32 to vector<16xi32>
    %gather3A_88 = tpu.vector_load_idx %arg5[%broadcast_in_dim3A_87] : memref<80xi32, #tpu.memory_space<vmem>>[vector<16xi32>], vector<16xi32>,
    %eq3A_89 = arith.cmpi eq, %get3A_11, %gather3A_88 : vector<16xi32>
    %gt3A_90 = arith.constant 4 : i32
    %gt3A_91 = vector.broadcast %gt3A_90 : i32 to vector<16xi32>
    %gt3A_92 = arith.cmpi sgt, %iota3A, %gt3A_91 : vector<16xi32>
    %and3A_93 = arith.andi %eq3A_89, %gt3A_92 : vector<16xi1>
    %jit3A_94 = arith.constant 1 : i32
    %jit3A_95 = arith.constant 0 : i32
    %broadcast_in_dim3A_96 = vector.broadcast %jit3A_94 : i32 to vector<16xi32>
    %broadcast_in_dim3A_97 = vector.broadcast %jit3A_95 : i32 to vector<16xi32>
    %select_n3A_98 = arith.select %and3A_93, %broadcast_in_dim3A_96, %broadcast_in_dim3A_97 : vector<16xi1>, vector<16xi32>
    %add3A_99 = arith.addi %add3A_79, %select_n3A_98 : vector<16xi32>
    %jit3A_100 = arith.constant 1 : i32
    %jit3A_101 = arith.constant 0 : i32
    %broadcast_in_dim3A_102 = vector.broadcast %jit3A_100 : i32 to vector<16xi32>
    %broadcast_in_dim3A_103 = vector.broadcast %jit3A_101 : i32 to vector<16xi32>
    %select_n3A_104 = arith.select %eq3A_89, %broadcast_in_dim3A_102, %broadcast_in_dim3A_103 : vector<16xi1>, vector<16xi32>
    %add3A_105 = arith.addi %add3A_85, %select_n3A_104 : vector<16xi32>
    %broadcast_in_dim3A_106 = arith.constant 21 : i32
    %broadcast_in_dim3A_107 = vector.broadcast %broadcast_in_dim3A_106 : i32 to vector<16xi32>
    %gather3A_108 = tpu.vector_load_idx %arg5[%broadcast_in_dim3A_107] : memref<80xi32, #tpu.memory_space<vmem>>[vector<16xi32>], vector<16xi32>,
    %eq3A_109 = arith.cmpi eq, %get3A_11, %gather3A_108 : vector<16xi32>
    %gt3A_110 = arith.constant 5 : i32
    %gt3A_111 = vector.broadcast %gt3A_110 : i32 to vector<16xi32>
    %gt3A_112 = arith.cmpi sgt, %iota3A, %gt3A_111 : vector<16xi32>
    %and3A_113 = arith.andi %eq3A_109, %gt3A_112 : vector<16xi1>
    %jit3A_114 = arith.constant 1 : i32
    %jit3A_115 = arith.constant 0 : i32
    %broadcast_in_dim3A_116 = vector.broadcast %jit3A_114 : i32 to vector<16xi32>
    %broadcast_in_dim3A_117 = vector.broadcast %jit3A_115 : i32 to vector<16xi32>
    %select_n3A_118 = arith.select %and3A_113, %broadcast_in_dim3A_116, %broadcast_in_dim3A_117 : vector<16xi1>, vector<16xi32>
    %add3A_119 = arith.addi %add3A_99, %select_n3A_118 : vector<16xi32>
    %jit3A_120 = arith.constant 1 : i32
    %jit3A_121 = arith.constant 0 : i32
    %broadcast_in_dim3A_122 = vector.broadcast %jit3A_120 : i32 to vector<16xi32>
    %broadcast_in_dim3A_123 = vector.broadcast %jit3A_121 : i32 to vector<16xi32>
    %select_n3A_124 = arith.select %eq3A_109, %broadcast_in_dim3A_122, %broadcast_in_dim3A_123 : vector<16xi1>, vector<16xi32>
    %add3A_125 = arith.addi %add3A_105, %select_n3A_124 : vector<16xi32>
    %broadcast_in_dim3A_126 = arith.constant 22 : i32
    %broadcast_in_dim3A_127 = vector.broadcast %broadcast_in_dim3A_126 : i32 to vector<16xi32>
    %gather3A_128 = tpu.vector_load_idx %arg5[%broadcast_in_dim3A_127] : memref<80xi32, #tpu.memory_space<vmem>>[vector<16xi32>], vector<16xi32>,
    %eq3A_129 = arith.cmpi eq, %get3A_11, %gather3A_128 : vector<16xi32>
    %gt3A_130 = arith.constant 6 : i32
    %gt3A_131 = vector.broadcast %gt3A_130 : i32 to vector<16xi32>
    %gt3A_132 = arith.cmpi sgt, %iota3A, %gt3A_131 : vector<16xi32>
    %and3A_133 = arith.andi %eq3A_129, %gt3A_132 : vector<16xi1>
    %jit3A_134 = arith.constant 1 : i32
    %jit3A_135 = arith.constant 0 : i32
    %broadcast_in_dim3A_136 = vector.broadcast %jit3A_134 : i32 to vector<16xi32>
    %broadcast_in_dim3A_137 = vector.broadcast %jit3A_135 : i32 to vector<16xi32>
    %select_n3A_138 = arith.select %and3A_133, %broadcast_in_dim3A_136, %broadcast_in_dim3A_137 : vector<16xi1>, vector<16xi32>
    %add3A_139 = arith.addi %add3A_119, %select_n3A_138 : vector<16xi32>
    %jit3A_140 = arith.constant 1 : i32
    %jit3A_141 = arith.constant 0 : i32
    %broadcast_in_dim3A_142 = vector.broadcast %jit3A_140 : i32 to vector<16xi32>
    %broadcast_in_dim3A_143 = vector.broadcast %jit3A_141 : i32 to vector<16xi32>
    %select_n3A_144 = arith.select %eq3A_129, %broadcast_in_dim3A_142, %broadcast_in_dim3A_143 : vector<16xi1>, vector<16xi32>
    %add3A_145 = arith.addi %add3A_125, %select_n3A_144 : vector<16xi32>
    %broadcast_in_dim3A_146 = arith.constant 23 : i32
    %broadcast_in_dim3A_147 = vector.broadcast %broadcast_in_dim3A_146 : i32 to vector<16xi32>
    %gather3A_148 = tpu.vector_load_idx %arg5[%broadcast_in_dim3A_147] : memref<80xi32, #tpu.memory_space<vmem>>[vector<16xi32>], vector<16xi32>,
    %eq3A_149 = arith.cmpi eq, %get3A_11, %gather3A_148 : vector<16xi32>
    %gt3A_150 = arith.constant 7 : i32
    %gt3A_151 = vector.broadcast %gt3A_150 : i32 to vector<16xi32>
    %gt3A_152 = arith.cmpi sgt, %iota3A, %gt3A_151 : vector<16xi32>
    %and3A_153 = arith.andi %eq3A_149, %gt3A_152 : vector<16xi1>
    %jit3A_154 = arith.constant 1 : i32
    %jit3A_155 = arith.constant 0 : i32
    %broadcast_in_dim3A_156 = vector.broadcast %jit3A_154 : i32 to vector<16xi32>
    %broadcast_in_dim3A_157 = vector.broadcast %jit3A_155 : i32 to vector<16xi32>
    %select_n3A_158 = arith.select %and3A_153, %broadcast_in_dim3A_156, %broadcast_in_dim3A_157 : vector<16xi1>, vector<16xi32>
    %add3A_159 = arith.addi %add3A_139, %select_n3A_158 : vector<16xi32>
    %jit3A_160 = arith.constant 1 : i32
    %jit3A_161 = arith.constant 0 : i32
    %broadcast_in_dim3A_162 = vector.broadcast %jit3A_160 : i32 to vector<16xi32>
    %broadcast_in_dim3A_163 = vector.broadcast %jit3A_161 : i32 to vector<16xi32>
    %select_n3A_164 = arith.select %eq3A_149, %broadcast_in_dim3A_162, %broadcast_in_dim3A_163 : vector<16xi1>, vector<16xi32>
    %add3A_165 = arith.addi %add3A_145, %select_n3A_164 : vector<16xi32>
    %broadcast_in_dim3A_166 = arith.constant 24 : i32
    %broadcast_in_dim3A_167 = vector.broadcast %broadcast_in_dim3A_166 : i32 to vector<16xi32>
    %gather3A_168 = tpu.vector_load_idx %arg5[%broadcast_in_dim3A_167] : memref<80xi32, #tpu.memory_space<vmem>>[vector<16xi32>], vector<16xi32>,
    %eq3A_169 = arith.cmpi eq, %get3A_11, %gather3A_168 : vector<16xi32>
    %gt3A_170 = arith.constant 8 : i32
    %gt3A_171 = vector.broadcast %gt3A_170 : i32 to vector<16xi32>
    %gt3A_172 = arith.cmpi sgt, %iota3A, %gt3A_171 : vector<16xi32>
    %and3A_173 = arith.andi %eq3A_169, %gt3A_172 : vector<16xi1>
    %jit3A_174 = arith.constant 1 : i32
    %jit3A_175 = arith.constant 0 : i32
    %broadcast_in_dim3A_176 = vector.broadcast %jit3A_174 : i32 to vector<16xi32>
    %broadcast_in_dim3A_177 = vector.broadcast %jit3A_175 : i32 to vector<16xi32>
    %select_n3A_178 = arith.select %and3A_173, %broadcast_in_dim3A_176, %broadcast_in_dim3A_177 : vector<16xi1>, vector<16xi32>
    %add3A_179 = arith.addi %add3A_159, %select_n3A_178 : vector<16xi32>
    %jit3A_180 = arith.constant 1 : i32
    %jit3A_181 = arith.constant 0 : i32
    %broadcast_in_dim3A_182 = vector.broadcast %jit3A_180 : i32 to vector<16xi32>
    %broadcast_in_dim3A_183 = vector.broadcast %jit3A_181 : i32 to vector<16xi32>
    %select_n3A_184 = arith.select %eq3A_169, %broadcast_in_dim3A_182, %broadcast_in_dim3A_183 : vector<16xi1>, vector<16xi32>
    %add3A_185 = arith.addi %add3A_165, %select_n3A_184 : vector<16xi32>
    %broadcast_in_dim3A_186 = arith.constant 25 : i32
    %broadcast_in_dim3A_187 = vector.broadcast %broadcast_in_dim3A_186 : i32 to vector<16xi32>
    %gather3A_188 = tpu.vector_load_idx %arg5[%broadcast_in_dim3A_187] : memref<80xi32, #tpu.memory_space<vmem>>[vector<16xi32>], vector<16xi32>,
    %eq3A_189 = arith.cmpi eq, %get3A_11, %gather3A_188 : vector<16xi32>
    %gt3A_190 = arith.constant 9 : i32
    %gt3A_191 = vector.broadcast %gt3A_190 : i32 to vector<16xi32>
    %gt3A_192 = arith.cmpi sgt, %iota3A, %gt3A_191 : vector<16xi32>
    %and3A_193 = arith.andi %eq3A_189, %gt3A_192 : vector<16xi1>
    %jit3A_194 = arith.constant 1 : i32
    %jit3A_195 = arith.constant 0 : i32
    %broadcast_in_dim3A_196 = vector.broadcast %jit3A_194 : i32 to vector<16xi32>
    %broadcast_in_dim3A_197 = vector.broadcast %jit3A_195 : i32 to vector<16xi32>
    %select_n3A_198 = arith.select %and3A_193, %broadcast_in_dim3A_196, %broadcast_in_dim3A_197 : vector<16xi1>, vector<16xi32>
    %add3A_199 = arith.addi %add3A_179, %select_n3A_198 : vector<16xi32>
    %jit3A_200 = arith.constant 1 : i32
    %jit3A_201 = arith.constant 0 : i32
    %broadcast_in_dim3A_202 = vector.broadcast %jit3A_200 : i32 to vector<16xi32>
    %broadcast_in_dim3A_203 = vector.broadcast %jit3A_201 : i32 to vector<16xi32>
    %select_n3A_204 = arith.select %eq3A_189, %broadcast_in_dim3A_202, %broadcast_in_dim3A_203 : vector<16xi1>, vector<16xi32>
    %add3A_205 = arith.addi %add3A_185, %select_n3A_204 : vector<16xi32>
    %broadcast_in_dim3A_206 = arith.constant 26 : i32
    %broadcast_in_dim3A_207 = vector.broadcast %broadcast_in_dim3A_206 : i32 to vector<16xi32>
    %gather3A_208 = tpu.vector_load_idx %arg5[%broadcast_in_dim3A_207] : memref<80xi32, #tpu.memory_space<vmem>>[vector<16xi32>], vector<16xi32>,
    %eq3A_209 = arith.cmpi eq, %get3A_11, %gather3A_208 : vector<16xi32>
    %gt3A_210 = arith.constant 10 : i32
    %gt3A_211 = vector.broadcast %gt3A_210 : i32 to vector<16xi32>
    %gt3A_212 = arith.cmpi sgt, %iota3A, %gt3A_211 : vector<16xi32>
    %and3A_213 = arith.andi %eq3A_209, %gt3A_212 : vector<16xi1>
    %jit3A_214 = arith.constant 1 : i32
    %jit3A_215 = arith.constant 0 : i32
    %broadcast_in_dim3A_216 = vector.broadcast %jit3A_214 : i32 to vector<16xi32>
    %broadcast_in_dim3A_217 = vector.broadcast %jit3A_215 : i32 to vector<16xi32>
    %select_n3A_218 = arith.select %and3A_213, %broadcast_in_dim3A_216, %broadcast_in_dim3A_217 : vector<16xi1>, vector<16xi32>
    %add3A_219 = arith.addi %add3A_199, %select_n3A_218 : vector<16xi32>
    %jit3A_220 = arith.constant 1 : i32
    %jit3A_221 = arith.constant 0 : i32
    %broadcast_in_dim3A_222 = vector.broadcast %jit3A_220 : i32 to vector<16xi32>
    %broadcast_in_dim3A_223 = vector.broadcast %jit3A_221 : i32 to vector<16xi32>
    %select_n3A_224 = arith.select %eq3A_209, %broadcast_in_dim3A_222, %broadcast_in_dim3A_223 : vector<16xi1>, vector<16xi32>
    %add3A_225 = arith.addi %add3A_205, %select_n3A_224 : vector<16xi32>
    %broadcast_in_dim3A_226 = arith.constant 27 : i32
    %broadcast_in_dim3A_227 = vector.broadcast %broadcast_in_dim3A_226 : i32 to vector<16xi32>
    %gather3A_228 = tpu.vector_load_idx %arg5[%broadcast_in_dim3A_227] : memref<80xi32, #tpu.memory_space<vmem>>[vector<16xi32>], vector<16xi32>,
    %eq3A_229 = arith.cmpi eq, %get3A_11, %gather3A_228 : vector<16xi32>
    %gt3A_230 = arith.constant 11 : i32
    %gt3A_231 = vector.broadcast %gt3A_230 : i32 to vector<16xi32>
    %gt3A_232 = arith.cmpi sgt, %iota3A, %gt3A_231 : vector<16xi32>
    %and3A_233 = arith.andi %eq3A_229, %gt3A_232 : vector<16xi1>
    %jit3A_234 = arith.constant 1 : i32
    %jit3A_235 = arith.constant 0 : i32
    %broadcast_in_dim3A_236 = vector.broadcast %jit3A_234 : i32 to vector<16xi32>
    %broadcast_in_dim3A_237 = vector.broadcast %jit3A_235 : i32 to vector<16xi32>
    %select_n3A_238 = arith.select %and3A_233, %broadcast_in_dim3A_236, %broadcast_in_dim3A_237 : vector<16xi1>, vector<16xi32>
    %add3A_239 = arith.addi %add3A_219, %select_n3A_238 : vector<16xi32>
    %jit3A_240 = arith.constant 1 : i32
    %jit3A_241 = arith.constant 0 : i32
    %broadcast_in_dim3A_242 = vector.broadcast %jit3A_240 : i32 to vector<16xi32>
    %broadcast_in_dim3A_243 = vector.broadcast %jit3A_241 : i32 to vector<16xi32>
    %select_n3A_244 = arith.select %eq3A_229, %broadcast_in_dim3A_242, %broadcast_in_dim3A_243 : vector<16xi1>, vector<16xi32>
    %add3A_245 = arith.addi %add3A_225, %select_n3A_244 : vector<16xi32>
    %broadcast_in_dim3A_246 = arith.constant 28 : i32
    %broadcast_in_dim3A_247 = vector.broadcast %broadcast_in_dim3A_246 : i32 to vector<16xi32>
    %gather3A_248 = tpu.vector_load_idx %arg5[%broadcast_in_dim3A_247] : memref<80xi32, #tpu.memory_space<vmem>>[vector<16xi32>], vector<16xi32>,
    %eq3A_249 = arith.cmpi eq, %get3A_11, %gather3A_248 : vector<16xi32>
    %gt3A_250 = arith.constant 12 : i32
    %gt3A_251 = vector.broadcast %gt3A_250 : i32 to vector<16xi32>
    %gt3A_252 = arith.cmpi sgt, %iota3A, %gt3A_251 : vector<16xi32>
    %and3A_253 = arith.andi %eq3A_249, %gt3A_252 : vector<16xi1>
    %jit3A_254 = arith.constant 1 : i32
    %jit3A_255 = arith.constant 0 : i32
    %broadcast_in_dim3A_256 = vector.broadcast %jit3A_254 : i32 to vector<16xi32>
    %broadcast_in_dim3A_257 = vector.broadcast %jit3A_255 : i32 to vector<16xi32>
    %select_n3A_258 = arith.select %and3A_253, %broadcast_in_dim3A_256, %broadcast_in_dim3A_257 : vector<16xi1>, vector<16xi32>
    %add3A_259 = arith.addi %add3A_239, %select_n3A_258 : vector<16xi32>
    %jit3A_260 = arith.constant 1 : i32
    %jit3A_261 = arith.constant 0 : i32
    %broadcast_in_dim3A_262 = vector.broadcast %jit3A_260 : i32 to vector<16xi32>
    %broadcast_in_dim3A_263 = vector.broadcast %jit3A_261 : i32 to vector<16xi32>
    %select_n3A_264 = arith.select %eq3A_249, %broadcast_in_dim3A_262, %broadcast_in_dim3A_263 : vector<16xi1>, vector<16xi32>
    %add3A_265 = arith.addi %add3A_245, %select_n3A_264 : vector<16xi32>
    %broadcast_in_dim3A_266 = arith.constant 29 : i32
    %broadcast_in_dim3A_267 = vector.broadcast %broadcast_in_dim3A_266 : i32 to vector<16xi32>
    %gather3A_268 = tpu.vector_load_idx %arg5[%broadcast_in_dim3A_267] : memref<80xi32, #tpu.memory_space<vmem>>[vector<16xi32>], vector<16xi32>,
    %eq3A_269 = arith.cmpi eq, %get3A_11, %gather3A_268 : vector<16xi32>
    %gt3A_270 = arith.constant 13 : i32
    %gt3A_271 = vector.broadcast %gt3A_270 : i32 to vector<16xi32>
    %gt3A_272 = arith.cmpi sgt, %iota3A, %gt3A_271 : vector<16xi32>
    %and3A_273 = arith.andi %eq3A_269, %gt3A_272 : vector<16xi1>
    %jit3A_274 = arith.constant 1 : i32
    %jit3A_275 = arith.constant 0 : i32
    %broadcast_in_dim3A_276 = vector.broadcast %jit3A_274 : i32 to vector<16xi32>
    %broadcast_in_dim3A_277 = vector.broadcast %jit3A_275 : i32 to vector<16xi32>
    %select_n3A_278 = arith.select %and3A_273, %broadcast_in_dim3A_276, %broadcast_in_dim3A_277 : vector<16xi1>, vector<16xi32>
    %add3A_279 = arith.addi %add3A_259, %select_n3A_278 : vector<16xi32>
    %jit3A_280 = arith.constant 1 : i32
    %jit3A_281 = arith.constant 0 : i32
    %broadcast_in_dim3A_282 = vector.broadcast %jit3A_280 : i32 to vector<16xi32>
    %broadcast_in_dim3A_283 = vector.broadcast %jit3A_281 : i32 to vector<16xi32>
    %select_n3A_284 = arith.select %eq3A_269, %broadcast_in_dim3A_282, %broadcast_in_dim3A_283 : vector<16xi1>, vector<16xi32>
    %add3A_285 = arith.addi %add3A_265, %select_n3A_284 : vector<16xi32>
    %broadcast_in_dim3A_286 = arith.constant 30 : i32
    %broadcast_in_dim3A_287 = vector.broadcast %broadcast_in_dim3A_286 : i32 to vector<16xi32>
    %gather3A_288 = tpu.vector_load_idx %arg5[%broadcast_in_dim3A_287] : memref<80xi32, #tpu.memory_space<vmem>>[vector<16xi32>], vector<16xi32>,
    %eq3A_289 = arith.cmpi eq, %get3A_11, %gather3A_288 : vector<16xi32>
    %gt3A_290 = arith.constant 14 : i32
    %gt3A_291 = vector.broadcast %gt3A_290 : i32 to vector<16xi32>
    %gt3A_292 = arith.cmpi sgt, %iota3A, %gt3A_291 : vector<16xi32>
    %and3A_293 = arith.andi %eq3A_289, %gt3A_292 : vector<16xi1>
    %jit3A_294 = arith.constant 1 : i32
    %jit3A_295 = arith.constant 0 : i32
    %broadcast_in_dim3A_296 = vector.broadcast %jit3A_294 : i32 to vector<16xi32>
    %broadcast_in_dim3A_297 = vector.broadcast %jit3A_295 : i32 to vector<16xi32>
    %select_n3A_298 = arith.select %and3A_293, %broadcast_in_dim3A_296, %broadcast_in_dim3A_297 : vector<16xi1>, vector<16xi32>
    %add3A_299 = arith.addi %add3A_279, %select_n3A_298 : vector<16xi32>
    %jit3A_300 = arith.constant 1 : i32
    %jit3A_301 = arith.constant 0 : i32
    %broadcast_in_dim3A_302 = vector.broadcast %jit3A_300 : i32 to vector<16xi32>
    %broadcast_in_dim3A_303 = vector.broadcast %jit3A_301 : i32 to vector<16xi32>
    %select_n3A_304 = arith.select %eq3A_289, %broadcast_in_dim3A_302, %broadcast_in_dim3A_303 : vector<16xi1>, vector<16xi32>
    %add3A_305 = arith.addi %add3A_285, %select_n3A_304 : vector<16xi32>
    %broadcast_in_dim3A_306 = arith.constant 31 : i32
    %broadcast_in_dim3A_307 = vector.broadcast %broadcast_in_dim3A_306 : i32 to vector<16xi32>
    %gather3A_308 = tpu.vector_load_idx %arg5[%broadcast_in_dim3A_307] : memref<80xi32, #tpu.memory_space<vmem>>[vector<16xi32>], vector<16xi32>,
    %eq3A_309 = arith.cmpi eq, %get3A_11, %gather3A_308 : vector<16xi32>
    %gt3A_310 = arith.constant 15 : i32
    %gt3A_311 = vector.broadcast %gt3A_310 : i32 to vector<16xi32>
    %gt3A_312 = arith.cmpi sgt, %iota3A, %gt3A_311 : vector<16xi32>
    %and3A_313 = arith.andi %eq3A_309, %gt3A_312 : vector<16xi1>
    %jit3A_314 = arith.constant 1 : i32
    %jit3A_315 = arith.constant 0 : i32
    %broadcast_in_dim3A_316 = vector.broadcast %jit3A_314 : i32 to vector<16xi32>
    %broadcast_in_dim3A_317 = vector.broadcast %jit3A_315 : i32 to vector<16xi32>
    %select_n3A_318 = arith.select %and3A_313, %broadcast_in_dim3A_316, %broadcast_in_dim3A_317 : vector<16xi1>, vector<16xi32>
    %add3A_319 = arith.addi %add3A_299, %select_n3A_318 : vector<16xi32>
    %jit3A_320 = arith.constant 1 : i32
    %jit3A_321 = arith.constant 0 : i32
    %broadcast_in_dim3A_322 = vector.broadcast %jit3A_320 : i32 to vector<16xi32>
    %broadcast_in_dim3A_323 = vector.broadcast %jit3A_321 : i32 to vector<16xi32>
    %select_n3A_324 = arith.select %eq3A_309, %broadcast_in_dim3A_322, %broadcast_in_dim3A_323 : vector<16xi1>, vector<16xi32>
    %add3A_325 = arith.addi %add3A_305, %select_n3A_324 : vector<16xi32>
    %gather3A_326 = tpu.vector_load_idx %arg7[%get3A_11] : memref<64xi32, #tpu.memory_space<vmem>>[vector<16xi32>], vector<16xi32>,
    %add3A_327 = arith.addi %gather3A_326, %add3A_319 : vector<16xi32>
    %swap3A_328 = arith.constant 0 : index
    %swap3A_329 = tpu.vector_load %arg6[%swap3A_328] {strides = array<i32>} : memref<64xi32, #tpu.memory_space<vmem>>, vector<16xi32>,
    tpu.vector_store %arg6[%swap3A_328], %add3A_327 {strides = array<i32>} : memref<64xi32, #tpu.memory_space<vmem>>, vector<16xi32>,
    %add3A_330 = arith.addi %gather3A_326, %add3A_325 : vector<16xi32>
    %sub3A = arith.subi %add3A_325, %add3A_319 : vector<16xi32>
    %eq3A_331 = arith.constant 1 : i32
    %eq3A_332 = vector.broadcast %eq3A_331 : i32 to vector<16xi32>
    %eq3A_333 = arith.cmpi eq, %sub3A, %eq3A_332 : vector<16xi32>
    tpu.vector_store_idx %arg7[%get3A_11], %add3A_330 masked %eq3A_333 : memref<64xi32, #tpu.memory_space<vmem>>[vector<16xi32>], vector<16xi32>, vector<16xi1>
    %get3A_334 = arith.constant 32 : index
    %get3A_335 = tpu.vector_load %arg5[%get3A_334] {strides = array<i32>} : memref<80xi32, #tpu.memory_space<vmem>>, vector<16xi32>,
    %broadcast_in_dim3A_336 = arith.constant 32 : i32
    %broadcast_in_dim3A_337 = vector.broadcast %broadcast_in_dim3A_336 : i32 to vector<16xi32>
    %gather3A_338 = tpu.vector_load_idx %arg5[%broadcast_in_dim3A_337] : memref<80xi32, #tpu.memory_space<vmem>>[vector<16xi32>], vector<16xi32>,
    %eq3A_339 = arith.cmpi eq, %get3A_335, %gather3A_338 : vector<16xi32>
    %gt3A_340 = arith.constant 0 : i32
    %gt3A_341 = vector.broadcast %gt3A_340 : i32 to vector<16xi32>
    %gt3A_342 = arith.cmpi sgt, %iota3A, %gt3A_341 : vector<16xi32>
    %and3A_343 = arith.andi %eq3A_339, %gt3A_342 : vector<16xi1>
    %jit3A_344 = arith.constant 1 : i32
    %jit3A_345 = arith.constant 0 : i32
    %broadcast_in_dim3A_346 = vector.broadcast %jit3A_344 : i32 to vector<16xi32>
    %broadcast_in_dim3A_347 = vector.broadcast %jit3A_345 : i32 to vector<16xi32>
    %select_n3A_348 = arith.select %and3A_343, %broadcast_in_dim3A_346, %broadcast_in_dim3A_347 : vector<16xi1>, vector<16xi32>
    %add3A_349 = arith.addi %broadcast_in_dim3A_3, %select_n3A_348 : vector<16xi32>
    %jit3A_350 = arith.constant 1 : i32
    %jit3A_351 = arith.constant 0 : i32
    %broadcast_in_dim3A_352 = vector.broadcast %jit3A_350 : i32 to vector<16xi32>
    %broadcast_in_dim3A_353 = vector.broadcast %jit3A_351 : i32 to vector<16xi32>
    %select_n3A_354 = arith.select %eq3A_339, %broadcast_in_dim3A_352, %broadcast_in_dim3A_353 : vector<16xi1>, vector<16xi32>
    %add3A_355 = arith.addi %broadcast_in_dim3A_3, %select_n3A_354 : vector<16xi32>
    %broadcast_in_dim3A_356 = arith.constant 33 : i32
    %broadcast_in_dim3A_357 = vector.broadcast %broadcast_in_dim3A_356 : i32 to vector<16xi32>
    %gather3A_358 = tpu.vector_load_idx %arg5[%broadcast_in_dim3A_357] : memref<80xi32, #tpu.memory_space<vmem>>[vector<16xi32>], vector<16xi32>,
    %eq3A_359 = arith.cmpi eq, %get3A_335, %gather3A_358 : vector<16xi32>
    %gt3A_360 = arith.constant 1 : i32
    %gt3A_361 = vector.broadcast %gt3A_360 : i32 to vector<16xi32>
    %gt3A_362 = arith.cmpi sgt, %iota3A, %gt3A_361 : vector<16xi32>
    %and3A_363 = arith.andi %eq3A_359, %gt3A_362 : vector<16xi1>
    %jit3A_364 = arith.constant 1 : i32
    %jit3A_365 = arith.constant 0 : i32
    %broadcast_in_dim3A_366 = vector.broadcast %jit3A_364 : i32 to vector<16xi32>
    %broadcast_in_dim3A_367 = vector.broadcast %jit3A_365 : i32 to vector<16xi32>
    %select_n3A_368 = arith.select %and3A_363, %broadcast_in_dim3A_366, %broadcast_in_dim3A_367 : vector<16xi1>, vector<16xi32>
    %add3A_369 = arith.addi %add3A_349, %select_n3A_368 : vector<16xi32>
    %jit3A_370 = arith.constant 1 : i32
    %jit3A_371 = arith.constant 0 : i32
    %broadcast_in_dim3A_372 = vector.broadcast %jit3A_370 : i32 to vector<16xi32>
    %broadcast_in_dim3A_373 = vector.broadcast %jit3A_371 : i32 to vector<16xi32>
    %select_n3A_374 = arith.select %eq3A_359, %broadcast_in_dim3A_372, %broadcast_in_dim3A_373 : vector<16xi1>, vector<16xi32>
    %add3A_375 = arith.addi %add3A_355, %select_n3A_374 : vector<16xi32>
    %broadcast_in_dim3A_376 = arith.constant 34 : i32
    %broadcast_in_dim3A_377 = vector.broadcast %broadcast_in_dim3A_376 : i32 to vector<16xi32>
    %gather3A_378 = tpu.vector_load_idx %arg5[%broadcast_in_dim3A_377] : memref<80xi32, #tpu.memory_space<vmem>>[vector<16xi32>], vector<16xi32>,
    %eq3A_379 = arith.cmpi eq, %get3A_335, %gather3A_378 : vector<16xi32>
    %gt3A_380 = arith.constant 2 : i32
    %gt3A_381 = vector.broadcast %gt3A_380 : i32 to vector<16xi32>
    %gt3A_382 = arith.cmpi sgt, %iota3A, %gt3A_381 : vector<16xi32>
    %and3A_383 = arith.andi %eq3A_379, %gt3A_382 : vector<16xi1>
    %jit3A_384 = arith.constant 1 : i32
    %jit3A_385 = arith.constant 0 : i32
    %broadcast_in_dim3A_386 = vector.broadcast %jit3A_384 : i32 to vector<16xi32>
    %broadcast_in_dim3A_387 = vector.broadcast %jit3A_385 : i32 to vector<16xi32>
    %select_n3A_388 = arith.select %and3A_383, %broadcast_in_dim3A_386, %broadcast_in_dim3A_387 : vector<16xi1>, vector<16xi32>
    %add3A_389 = arith.addi %add3A_369, %select_n3A_388 : vector<16xi32>
    %jit3A_390 = arith.constant 1 : i32
    %jit3A_391 = arith.constant 0 : i32
    %broadcast_in_dim3A_392 = vector.broadcast %jit3A_390 : i32 to vector<16xi32>
    %broadcast_in_dim3A_393 = vector.broadcast %jit3A_391 : i32 to vector<16xi32>
    %select_n3A_394 = arith.select %eq3A_379, %broadcast_in_dim3A_392, %broadcast_in_dim3A_393 : vector<16xi1>, vector<16xi32>
    %add3A_395 = arith.addi %add3A_375, %select_n3A_394 : vector<16xi32>
    %broadcast_in_dim3A_396 = arith.constant 35 : i32
    %broadcast_in_dim3A_397 = vector.broadcast %broadcast_in_dim3A_396 : i32 to vector<16xi32>
    %gather3A_398 = tpu.vector_load_idx %arg5[%broadcast_in_dim3A_397] : memref<80xi32, #tpu.memory_space<vmem>>[vector<16xi32>], vector<16xi32>,
    %eq3A_399 = arith.cmpi eq, %get3A_335, %gather3A_398 : vector<16xi32>
    %gt3A_400 = arith.constant 3 : i32
    %gt3A_401 = vector.broadcast %gt3A_400 : i32 to vector<16xi32>
    %gt3A_402 = arith.cmpi sgt, %iota3A, %gt3A_401 : vector<16xi32>
    %and3A_403 = arith.andi %eq3A_399, %gt3A_402 : vector<16xi1>
    %jit3A_404 = arith.constant 1 : i32
    %jit3A_405 = arith.constant 0 : i32
    %broadcast_in_dim3A_406 = vector.broadcast %jit3A_404 : i32 to vector<16xi32>
    %broadcast_in_dim3A_407 = vector.broadcast %jit3A_405 : i32 to vector<16xi32>
    %select_n3A_408 = arith.select %and3A_403, %broadcast_in_dim3A_406, %broadcast_in_dim3A_407 : vector<16xi1>, vector<16xi32>
    %add3A_409 = arith.addi %add3A_389, %select_n3A_408 : vector<16xi32>
    %jit3A_410 = arith.constant 1 : i32
    %jit3A_411 = arith.constant 0 : i32
    %broadcast_in_dim3A_412 = vector.broadcast %jit3A_410 : i32 to vector<16xi32>
    %broadcast_in_dim3A_413 = vector.broadcast %jit3A_411 : i32 to vector<16xi32>
    %select_n3A_414 = arith.select %eq3A_399, %broadcast_in_dim3A_412, %broadcast_in_dim3A_413 : vector<16xi1>, vector<16xi32>
    %add3A_415 = arith.addi %add3A_395, %select_n3A_414 : vector<16xi32>
    %broadcast_in_dim3A_416 = arith.constant 36 : i32
    %broadcast_in_dim3A_417 = vector.broadcast %broadcast_in_dim3A_416 : i32 to vector<16xi32>
    %gather3A_418 = tpu.vector_load_idx %arg5[%broadcast_in_dim3A_417] : memref<80xi32, #tpu.memory_space<vmem>>[vector<16xi32>], vector<16xi32>,
    %eq3A_419 = arith.cmpi eq, %get3A_335, %gather3A_418 : vector<16xi32>
    %gt3A_420 = arith.constant 4 : i32
    %gt3A_421 = vector.broadcast %gt3A_420 : i32 to vector<16xi32>
    %gt3A_422 = arith.cmpi sgt, %iota3A, %gt3A_421 : vector<16xi32>
    %and3A_423 = arith.andi %eq3A_419, %gt3A_422 : vector<16xi1>
    %jit3A_424 = arith.constant 1 : i32
    %jit3A_425 = arith.constant 0 : i32
    %broadcast_in_dim3A_426 = vector.broadcast %jit3A_424 : i32 to vector<16xi32>
    %broadcast_in_dim3A_427 = vector.broadcast %jit3A_425 : i32 to vector<16xi32>
    %select_n3A_428 = arith.select %and3A_423, %broadcast_in_dim3A_426, %broadcast_in_dim3A_427 : vector<16xi1>, vector<16xi32>
    %add3A_429 = arith.addi %add3A_409, %select_n3A_428 : vector<16xi32>
    %jit3A_430 = arith.constant 1 : i32
    %jit3A_431 = arith.constant 0 : i32
    %broadcast_in_dim3A_432 = vector.broadcast %jit3A_430 : i32 to vector<16xi32>
    %broadcast_in_dim3A_433 = vector.broadcast %jit3A_431 : i32 to vector<16xi32>
    %select_n3A_434 = arith.select %eq3A_419, %broadcast_in_dim3A_432, %broadcast_in_dim3A_433 : vector<16xi1>, vector<16xi32>
    %add3A_435 = arith.addi %add3A_415, %select_n3A_434 : vector<16xi32>
    %broadcast_in_dim3A_436 = arith.constant 37 : i32
    %broadcast_in_dim3A_437 = vector.broadcast %broadcast_in_dim3A_436 : i32 to vector<16xi32>
    %gather3A_438 = tpu.vector_load_idx %arg5[%broadcast_in_dim3A_437] : memref<80xi32, #tpu.memory_space<vmem>>[vector<16xi32>], vector<16xi32>,
    %eq3A_439 = arith.cmpi eq, %get3A_335, %gather3A_438 : vector<16xi32>
    %gt3A_440 = arith.constant 5 : i32
    %gt3A_441 = vector.broadcast %gt3A_440 : i32 to vector<16xi32>
    %gt3A_442 = arith.cmpi sgt, %iota3A, %gt3A_441 : vector<16xi32>
    %and3A_443 = arith.andi %eq3A_439, %gt3A_442 : vector<16xi1>
    %jit3A_444 = arith.constant 1 : i32
    %jit3A_445 = arith.constant 0 : i32
    %broadcast_in_dim3A_446 = vector.broadcast %jit3A_444 : i32 to vector<16xi32>
    %broadcast_in_dim3A_447 = vector.broadcast %jit3A_445 : i32 to vector<16xi32>
    %select_n3A_448 = arith.select %and3A_443, %broadcast_in_dim3A_446, %broadcast_in_dim3A_447 : vector<16xi1>, vector<16xi32>
    %add3A_449 = arith.addi %add3A_429, %select_n3A_448 : vector<16xi32>
    %jit3A_450 = arith.constant 1 : i32
    %jit3A_451 = arith.constant 0 : i32
    %broadcast_in_dim3A_452 = vector.broadcast %jit3A_450 : i32 to vector<16xi32>
    %broadcast_in_dim3A_453 = vector.broadcast %jit3A_451 : i32 to vector<16xi32>
    %select_n3A_454 = arith.select %eq3A_439, %broadcast_in_dim3A_452, %broadcast_in_dim3A_453 : vector<16xi1>, vector<16xi32>
    %add3A_455 = arith.addi %add3A_435, %select_n3A_454 : vector<16xi32>
    %broadcast_in_dim3A_456 = arith.constant 38 : i32
    %broadcast_in_dim3A_457 = vector.broadcast %broadcast_in_dim3A_456 : i32 to vector<16xi32>
    %gather3A_458 = tpu.vector_load_idx %arg5[%broadcast_in_dim3A_457] : memref<80xi32, #tpu.memory_space<vmem>>[vector<16xi32>], vector<16xi32>,
    %eq3A_459 = arith.cmpi eq, %get3A_335, %gather3A_458 : vector<16xi32>
    %gt3A_460 = arith.constant 6 : i32
    %gt3A_461 = vector.broadcast %gt3A_460 : i32 to vector<16xi32>
    %gt3A_462 = arith.cmpi sgt, %iota3A, %gt3A_461 : vector<16xi32>
    %and3A_463 = arith.andi %eq3A_459, %gt3A_462 : vector<16xi1>
    %jit3A_464 = arith.constant 1 : i32
    %jit3A_465 = arith.constant 0 : i32
    %broadcast_in_dim3A_466 = vector.broadcast %jit3A_464 : i32 to vector<16xi32>
    %broadcast_in_dim3A_467 = vector.broadcast %jit3A_465 : i32 to vector<16xi32>
    %select_n3A_468 = arith.select %and3A_463, %broadcast_in_dim3A_466, %broadcast_in_dim3A_467 : vector<16xi1>, vector<16xi32>
    %add3A_469 = arith.addi %add3A_449, %select_n3A_468 : vector<16xi32>
    %jit3A_470 = arith.constant 1 : i32
    %jit3A_471 = arith.constant 0 : i32
    %broadcast_in_dim3A_472 = vector.broadcast %jit3A_470 : i32 to vector<16xi32>
    %broadcast_in_dim3A_473 = vector.broadcast %jit3A_471 : i32 to vector<16xi32>
    %select_n3A_474 = arith.select %eq3A_459, %broadcast_in_dim3A_472, %broadcast_in_dim3A_473 : vector<16xi1>, vector<16xi32>
    %add3A_475 = arith.addi %add3A_455, %select_n3A_474 : vector<16xi32>
    %broadcast_in_dim3A_476 = arith.constant 39 : i32
    %broadcast_in_dim3A_477 = vector.broadcast %broadcast_in_dim3A_476 : i32 to vector<16xi32>
    %gather3A_478 = tpu.vector_load_idx %arg5[%broadcast_in_dim3A_477] : memref<80xi32, #tpu.memory_space<vmem>>[vector<16xi32>], vector<16xi32>,
    %eq3A_479 = arith.cmpi eq, %get3A_335, %gather3A_478 : vector<16xi32>
    %gt3A_480 = arith.constant 7 : i32
    %gt3A_481 = vector.broadcast %gt3A_480 : i32 to vector<16xi32>
    %gt3A_482 = arith.cmpi sgt, %iota3A, %gt3A_481 : vector<16xi32>
    %and3A_483 = arith.andi %eq3A_479, %gt3A_482 : vector<16xi1>
    %jit3A_484 = arith.constant 1 : i32
    %jit3A_485 = arith.constant 0 : i32
    %broadcast_in_dim3A_486 = vector.broadcast %jit3A_484 : i32 to vector<16xi32>
    %broadcast_in_dim3A_487 = vector.broadcast %jit3A_485 : i32 to vector<16xi32>
    %select_n3A_488 = arith.select %and3A_483, %broadcast_in_dim3A_486, %broadcast_in_dim3A_487 : vector<16xi1>, vector<16xi32>
    %add3A_489 = arith.addi %add3A_469, %select_n3A_488 : vector<16xi32>
    %jit3A_490 = arith.constant 1 : i32
    %jit3A_491 = arith.constant 0 : i32
    %broadcast_in_dim3A_492 = vector.broadcast %jit3A_490 : i32 to vector<16xi32>
    %broadcast_in_dim3A_493 = vector.broadcast %jit3A_491 : i32 to vector<16xi32>
    %select_n3A_494 = arith.select %eq3A_479, %broadcast_in_dim3A_492, %broadcast_in_dim3A_493 : vector<16xi1>, vector<16xi32>
    %add3A_495 = arith.addi %add3A_475, %select_n3A_494 : vector<16xi32>
    %broadcast_in_dim3A_496 = arith.constant 40 : i32
    %broadcast_in_dim3A_497 = vector.broadcast %broadcast_in_dim3A_496 : i32 to vector<16xi32>
    %gather3A_498 = tpu.vector_load_idx %arg5[%broadcast_in_dim3A_497] : memref<80xi32, #tpu.memory_space<vmem>>[vector<16xi32>], vector<16xi32>,
    %eq3A_499 = arith.cmpi eq, %get3A_335, %gather3A_498 : vector<16xi32>
    %gt3A_500 = arith.constant 8 : i32
    %gt3A_501 = vector.broadcast %gt3A_500 : i32 to vector<16xi32>
    %gt3A_502 = arith.cmpi sgt, %iota3A, %gt3A_501 : vector<16xi32>
    %and3A_503 = arith.andi %eq3A_499, %gt3A_502 : vector<16xi1>
    %jit3A_504 = arith.constant 1 : i32
    %jit3A_505 = arith.constant 0 : i32
    %broadcast_in_dim3A_506 = vector.broadcast %jit3A_504 : i32 to vector<16xi32>
    %broadcast_in_dim3A_507 = vector.broadcast %jit3A_505 : i32 to vector<16xi32>
    %select_n3A_508 = arith.select %and3A_503, %broadcast_in_dim3A_506, %broadcast_in_dim3A_507 : vector<16xi1>, vector<16xi32>
    %add3A_509 = arith.addi %add3A_489, %select_n3A_508 : vector<16xi32>
    %jit3A_510 = arith.constant 1 : i32
    %jit3A_511 = arith.constant 0 : i32
    %broadcast_in_dim3A_512 = vector.broadcast %jit3A_510 : i32 to vector<16xi32>
    %broadcast_in_dim3A_513 = vector.broadcast %jit3A_511 : i32 to vector<16xi32>
    %select_n3A_514 = arith.select %eq3A_499, %broadcast_in_dim3A_512, %broadcast_in_dim3A_513 : vector<16xi1>, vector<16xi32>
    %add3A_515 = arith.addi %add3A_495, %select_n3A_514 : vector<16xi32>
    %broadcast_in_dim3A_516 = arith.constant 41 : i32
    %broadcast_in_dim3A_517 = vector.broadcast %broadcast_in_dim3A_516 : i32 to vector<16xi32>
    %gather3A_518 = tpu.vector_load_idx %arg5[%broadcast_in_dim3A_517] : memref<80xi32, #tpu.memory_space<vmem>>[vector<16xi32>], vector<16xi32>,
    %eq3A_519 = arith.cmpi eq, %get3A_335, %gather3A_518 : vector<16xi32>
    %gt3A_520 = arith.constant 9 : i32
    %gt3A_521 = vector.broadcast %gt3A_520 : i32 to vector<16xi32>
    %gt3A_522 = arith.cmpi sgt, %iota3A, %gt3A_521 : vector<16xi32>
    %and3A_523 = arith.andi %eq3A_519, %gt3A_522 : vector<16xi1>
    %jit3A_524 = arith.constant 1 : i32
    %jit3A_525 = arith.constant 0 : i32
    %broadcast_in_dim3A_526 = vector.broadcast %jit3A_524 : i32 to vector<16xi32>
    %broadcast_in_dim3A_527 = vector.broadcast %jit3A_525 : i32 to vector<16xi32>
    %select_n3A_528 = arith.select %and3A_523, %broadcast_in_dim3A_526, %broadcast_in_dim3A_527 : vector<16xi1>, vector<16xi32>
    %add3A_529 = arith.addi %add3A_509, %select_n3A_528 : vector<16xi32>
    %jit3A_530 = arith.constant 1 : i32
    %jit3A_531 = arith.constant 0 : i32
    %broadcast_in_dim3A_532 = vector.broadcast %jit3A_530 : i32 to vector<16xi32>
    %broadcast_in_dim3A_533 = vector.broadcast %jit3A_531 : i32 to vector<16xi32>
    %select_n3A_534 = arith.select %eq3A_519, %broadcast_in_dim3A_532, %broadcast_in_dim3A_533 : vector<16xi1>, vector<16xi32>
    %add3A_535 = arith.addi %add3A_515, %select_n3A_534 : vector<16xi32>
    %broadcast_in_dim3A_536 = arith.constant 42 : i32
    %broadcast_in_dim3A_537 = vector.broadcast %broadcast_in_dim3A_536 : i32 to vector<16xi32>
    %gather3A_538 = tpu.vector_load_idx %arg5[%broadcast_in_dim3A_537] : memref<80xi32, #tpu.memory_space<vmem>>[vector<16xi32>], vector<16xi32>,
    %eq3A_539 = arith.cmpi eq, %get3A_335, %gather3A_538 : vector<16xi32>
    %gt3A_540 = arith.constant 10 : i32
    %gt3A_541 = vector.broadcast %gt3A_540 : i32 to vector<16xi32>
    %gt3A_542 = arith.cmpi sgt, %iota3A, %gt3A_541 : vector<16xi32>
    %and3A_543 = arith.andi %eq3A_539, %gt3A_542 : vector<16xi1>
    %jit3A_544 = arith.constant 1 : i32
    %jit3A_545 = arith.constant 0 : i32
    %broadcast_in_dim3A_546 = vector.broadcast %jit3A_544 : i32 to vector<16xi32>
    %broadcast_in_dim3A_547 = vector.broadcast %jit3A_545 : i32 to vector<16xi32>
    %select_n3A_548 = arith.select %and3A_543, %broadcast_in_dim3A_546, %broadcast_in_dim3A_547 : vector<16xi1>, vector<16xi32>
    %add3A_549 = arith.addi %add3A_529, %select_n3A_548 : vector<16xi32>
    %jit3A_550 = arith.constant 1 : i32
    %jit3A_551 = arith.constant 0 : i32
    %broadcast_in_dim3A_552 = vector.broadcast %jit3A_550 : i32 to vector<16xi32>
    %broadcast_in_dim3A_553 = vector.broadcast %jit3A_551 : i32 to vector<16xi32>
    %select_n3A_554 = arith.select %eq3A_539, %broadcast_in_dim3A_552, %broadcast_in_dim3A_553 : vector<16xi1>, vector<16xi32>
    %add3A_555 = arith.addi %add3A_535, %select_n3A_554 : vector<16xi32>
    %broadcast_in_dim3A_556 = arith.constant 43 : i32
    %broadcast_in_dim3A_557 = vector.broadcast %broadcast_in_dim3A_556 : i32 to vector<16xi32>
    %gather3A_558 = tpu.vector_load_idx %arg5[%broadcast_in_dim3A_557] : memref<80xi32, #tpu.memory_space<vmem>>[vector<16xi32>], vector<16xi32>,
    %eq3A_559 = arith.cmpi eq, %get3A_335, %gather3A_558 : vector<16xi32>
    %gt3A_560 = arith.constant 11 : i32
    %gt3A_561 = vector.broadcast %gt3A_560 : i32 to vector<16xi32>
    %gt3A_562 = arith.cmpi sgt, %iota3A, %gt3A_561 : vector<16xi32>
    %and3A_563 = arith.andi %eq3A_559, %gt3A_562 : vector<16xi1>
    %jit3A_564 = arith.constant 1 : i32
    %jit3A_565 = arith.constant 0 : i32
    %broadcast_in_dim3A_566 = vector.broadcast %jit3A_564 : i32 to vector<16xi32>
    %broadcast_in_dim3A_567 = vector.broadcast %jit3A_565 : i32 to vector<16xi32>
    %select_n3A_568 = arith.select %and3A_563, %broadcast_in_dim3A_566, %broadcast_in_dim3A_567 : vector<16xi1>, vector<16xi32>
    %add3A_569 = arith.addi %add3A_549, %select_n3A_568 : vector<16xi32>
    %jit3A_570 = arith.constant 1 : i32
    %jit3A_571 = arith.constant 0 : i32
    %broadcast_in_dim3A_572 = vector.broadcast %jit3A_570 : i32 to vector<16xi32>
    %broadcast_in_dim3A_573 = vector.broadcast %jit3A_571 : i32 to vector<16xi32>
    %select_n3A_574 = arith.select %eq3A_559, %broadcast_in_dim3A_572, %broadcast_in_dim3A_573 : vector<16xi1>, vector<16xi32>
    %add3A_575 = arith.addi %add3A_555, %select_n3A_574 : vector<16xi32>
    %broadcast_in_dim3A_576 = arith.constant 44 : i32
    %broadcast_in_dim3A_577 = vector.broadcast %broadcast_in_dim3A_576 : i32 to vector<16xi32>
    %gather3A_578 = tpu.vector_load_idx %arg5[%broadcast_in_dim3A_577] : memref<80xi32, #tpu.memory_space<vmem>>[vector<16xi32>], vector<16xi32>,
    %eq3A_579 = arith.cmpi eq, %get3A_335, %gather3A_578 : vector<16xi32>
    %gt3A_580 = arith.constant 12 : i32
    %gt3A_581 = vector.broadcast %gt3A_580 : i32 to vector<16xi32>
    %gt3A_582 = arith.cmpi sgt, %iota3A, %gt3A_581 : vector<16xi32>
    %and3A_583 = arith.andi %eq3A_579, %gt3A_582 : vector<16xi1>
    %jit3A_584 = arith.constant 1 : i32
    %jit3A_585 = arith.constant 0 : i32
    %broadcast_in_dim3A_586 = vector.broadcast %jit3A_584 : i32 to vector<16xi32>
    %broadcast_in_dim3A_587 = vector.broadcast %jit3A_585 : i32 to vector<16xi32>
    %select_n3A_588 = arith.select %and3A_583, %broadcast_in_dim3A_586, %broadcast_in_dim3A_587 : vector<16xi1>, vector<16xi32>
    %add3A_589 = arith.addi %add3A_569, %select_n3A_588 : vector<16xi32>
    %jit3A_590 = arith.constant 1 : i32
    %jit3A_591 = arith.constant 0 : i32
    %broadcast_in_dim3A_592 = vector.broadcast %jit3A_590 : i32 to vector<16xi32>
    %broadcast_in_dim3A_593 = vector.broadcast %jit3A_591 : i32 to vector<16xi32>
    %select_n3A_594 = arith.select %eq3A_579, %broadcast_in_dim3A_592, %broadcast_in_dim3A_593 : vector<16xi1>, vector<16xi32>
    %add3A_595 = arith.addi %add3A_575, %select_n3A_594 : vector<16xi32>
    %broadcast_in_dim3A_596 = arith.constant 45 : i32
    %broadcast_in_dim3A_597 = vector.broadcast %broadcast_in_dim3A_596 : i32 to vector<16xi32>
    %gather3A_598 = tpu.vector_load_idx %arg5[%broadcast_in_dim3A_597] : memref<80xi32, #tpu.memory_space<vmem>>[vector<16xi32>], vector<16xi32>,
    %eq3A_599 = arith.cmpi eq, %get3A_335, %gather3A_598 : vector<16xi32>
    %gt3A_600 = arith.constant 13 : i32
    %gt3A_601 = vector.broadcast %gt3A_600 : i32 to vector<16xi32>
    %gt3A_602 = arith.cmpi sgt, %iota3A, %gt3A_601 : vector<16xi32>
    %and3A_603 = arith.andi %eq3A_599, %gt3A_602 : vector<16xi1>
    %jit3A_604 = arith.constant 1 : i32
    %jit3A_605 = arith.constant 0 : i32
    %broadcast_in_dim3A_606 = vector.broadcast %jit3A_604 : i32 to vector<16xi32>
    %broadcast_in_dim3A_607 = vector.broadcast %jit3A_605 : i32 to vector<16xi32>
    %select_n3A_608 = arith.select %and3A_603, %broadcast_in_dim3A_606, %broadcast_in_dim3A_607 : vector<16xi1>, vector<16xi32>
    %add3A_609 = arith.addi %add3A_589, %select_n3A_608 : vector<16xi32>
    %jit3A_610 = arith.constant 1 : i32
    %jit3A_611 = arith.constant 0 : i32
    %broadcast_in_dim3A_612 = vector.broadcast %jit3A_610 : i32 to vector<16xi32>
    %broadcast_in_dim3A_613 = vector.broadcast %jit3A_611 : i32 to vector<16xi32>
    %select_n3A_614 = arith.select %eq3A_599, %broadcast_in_dim3A_612, %broadcast_in_dim3A_613 : vector<16xi1>, vector<16xi32>
    %add3A_615 = arith.addi %add3A_595, %select_n3A_614 : vector<16xi32>
    %broadcast_in_dim3A_616 = arith.constant 46 : i32
    %broadcast_in_dim3A_617 = vector.broadcast %broadcast_in_dim3A_616 : i32 to vector<16xi32>
    %gather3A_618 = tpu.vector_load_idx %arg5[%broadcast_in_dim3A_617] : memref<80xi32, #tpu.memory_space<vmem>>[vector<16xi32>], vector<16xi32>,
    %eq3A_619 = arith.cmpi eq, %get3A_335, %gather3A_618 : vector<16xi32>
    %gt3A_620 = arith.constant 14 : i32
    %gt3A_621 = vector.broadcast %gt3A_620 : i32 to vector<16xi32>
    %gt3A_622 = arith.cmpi sgt, %iota3A, %gt3A_621 : vector<16xi32>
    %and3A_623 = arith.andi %eq3A_619, %gt3A_622 : vector<16xi1>
    %jit3A_624 = arith.constant 1 : i32
    %jit3A_625 = arith.constant 0 : i32
    %broadcast_in_dim3A_626 = vector.broadcast %jit3A_624 : i32 to vector<16xi32>
    %broadcast_in_dim3A_627 = vector.broadcast %jit3A_625 : i32 to vector<16xi32>
    %select_n3A_628 = arith.select %and3A_623, %broadcast_in_dim3A_626, %broadcast_in_dim3A_627 : vector<16xi1>, vector<16xi32>
    %add3A_629 = arith.addi %add3A_609, %select_n3A_628 : vector<16xi32>
    %jit3A_630 = arith.constant 1 : i32
    %jit3A_631 = arith.constant 0 : i32
    %broadcast_in_dim3A_632 = vector.broadcast %jit3A_630 : i32 to vector<16xi32>
    %broadcast_in_dim3A_633 = vector.broadcast %jit3A_631 : i32 to vector<16xi32>
    %select_n3A_634 = arith.select %eq3A_619, %broadcast_in_dim3A_632, %broadcast_in_dim3A_633 : vector<16xi1>, vector<16xi32>
    %add3A_635 = arith.addi %add3A_615, %select_n3A_634 : vector<16xi32>
    %broadcast_in_dim3A_636 = arith.constant 47 : i32
    %broadcast_in_dim3A_637 = vector.broadcast %broadcast_in_dim3A_636 : i32 to vector<16xi32>
    %gather3A_638 = tpu.vector_load_idx %arg5[%broadcast_in_dim3A_637] : memref<80xi32, #tpu.memory_space<vmem>>[vector<16xi32>], vector<16xi32>,
    %eq3A_639 = arith.cmpi eq, %get3A_335, %gather3A_638 : vector<16xi32>
    %gt3A_640 = arith.constant 15 : i32
    %gt3A_641 = vector.broadcast %gt3A_640 : i32 to vector<16xi32>
    %gt3A_642 = arith.cmpi sgt, %iota3A, %gt3A_641 : vector<16xi32>
    %and3A_643 = arith.andi %eq3A_639, %gt3A_642 : vector<16xi1>
    %jit3A_644 = arith.constant 1 : i32
    %jit3A_645 = arith.constant 0 : i32
    %broadcast_in_dim3A_646 = vector.broadcast %jit3A_644 : i32 to vector<16xi32>
    %broadcast_in_dim3A_647 = vector.broadcast %jit3A_645 : i32 to vector<16xi32>
    %select_n3A_648 = arith.select %and3A_643, %broadcast_in_dim3A_646, %broadcast_in_dim3A_647 : vector<16xi1>, vector<16xi32>
    %add3A_649 = arith.addi %add3A_629, %select_n3A_648 : vector<16xi32>
    %jit3A_650 = arith.constant 1 : i32
    %jit3A_651 = arith.constant 0 : i32
    %broadcast_in_dim3A_652 = vector.broadcast %jit3A_650 : i32 to vector<16xi32>
    %broadcast_in_dim3A_653 = vector.broadcast %jit3A_651 : i32 to vector<16xi32>
    %select_n3A_654 = arith.select %eq3A_639, %broadcast_in_dim3A_652, %broadcast_in_dim3A_653 : vector<16xi1>, vector<16xi32>
    %add3A_655 = arith.addi %add3A_635, %select_n3A_654 : vector<16xi32>
    %gather3A_656 = tpu.vector_load_idx %arg7[%get3A_335] : memref<64xi32, #tpu.memory_space<vmem>>[vector<16xi32>], vector<16xi32>,
    %add3A_657 = arith.addi %gather3A_656, %add3A_649 : vector<16xi32>
    %swap3A_658 = arith.constant 16 : index
    %swap3A_659 = tpu.vector_load %arg6[%swap3A_658] {strides = array<i32>} : memref<64xi32, #tpu.memory_space<vmem>>, vector<16xi32>,
    tpu.vector_store %arg6[%swap3A_658], %add3A_657 {strides = array<i32>} : memref<64xi32, #tpu.memory_space<vmem>>, vector<16xi32>,
    %add3A_660 = arith.addi %gather3A_656, %add3A_655 : vector<16xi32>
    %sub3A_661 = arith.subi %add3A_655, %add3A_649 : vector<16xi32>
    %eq3A_662 = arith.constant 1 : i32
    %eq3A_663 = vector.broadcast %eq3A_662 : i32 to vector<16xi32>
    %eq3A_664 = arith.cmpi eq, %sub3A_661, %eq3A_663 : vector<16xi32>
    tpu.vector_store_idx %arg7[%get3A_335], %add3A_660 masked %eq3A_664 : memref<64xi32, #tpu.memory_space<vmem>>[vector<16xi32>], vector<16xi32>, vector<16xi1>
    %get3A_665 = arith.constant 48 : index
    %get3A_666 = tpu.vector_load %arg5[%get3A_665] {strides = array<i32>} : memref<80xi32, #tpu.memory_space<vmem>>, vector<16xi32>,
    %broadcast_in_dim3A_667 = arith.constant 48 : i32
    %broadcast_in_dim3A_668 = vector.broadcast %broadcast_in_dim3A_667 : i32 to vector<16xi32>
    %gather3A_669 = tpu.vector_load_idx %arg5[%broadcast_in_dim3A_668] : memref<80xi32, #tpu.memory_space<vmem>>[vector<16xi32>], vector<16xi32>,
    %eq3A_670 = arith.cmpi eq, %get3A_666, %gather3A_669 : vector<16xi32>
    %gt3A_671 = arith.constant 0 : i32
    %gt3A_672 = vector.broadcast %gt3A_671 : i32 to vector<16xi32>
    %gt3A_673 = arith.cmpi sgt, %iota3A, %gt3A_672 : vector<16xi32>
    %and3A_674 = arith.andi %eq3A_670, %gt3A_673 : vector<16xi1>
    %jit3A_675 = arith.constant 1 : i32
    %jit3A_676 = arith.constant 0 : i32
    %broadcast_in_dim3A_677 = vector.broadcast %jit3A_675 : i32 to vector<16xi32>
    %broadcast_in_dim3A_678 = vector.broadcast %jit3A_676 : i32 to vector<16xi32>
    %select_n3A_679 = arith.select %and3A_674, %broadcast_in_dim3A_677, %broadcast_in_dim3A_678 : vector<16xi1>, vector<16xi32>
    %add3A_680 = arith.addi %broadcast_in_dim3A_3, %select_n3A_679 : vector<16xi32>
    %jit3A_681 = arith.constant 1 : i32
    %jit3A_682 = arith.constant 0 : i32
    %broadcast_in_dim3A_683 = vector.broadcast %jit3A_681 : i32 to vector<16xi32>
    %broadcast_in_dim3A_684 = vector.broadcast %jit3A_682 : i32 to vector<16xi32>
    %select_n3A_685 = arith.select %eq3A_670, %broadcast_in_dim3A_683, %broadcast_in_dim3A_684 : vector<16xi1>, vector<16xi32>
    %add3A_686 = arith.addi %broadcast_in_dim3A_3, %select_n3A_685 : vector<16xi32>
    %broadcast_in_dim3A_687 = arith.constant 49 : i32
    %broadcast_in_dim3A_688 = vector.broadcast %broadcast_in_dim3A_687 : i32 to vector<16xi32>
    %gather3A_689 = tpu.vector_load_idx %arg5[%broadcast_in_dim3A_688] : memref<80xi32, #tpu.memory_space<vmem>>[vector<16xi32>], vector<16xi32>,
    %eq3A_690 = arith.cmpi eq, %get3A_666, %gather3A_689 : vector<16xi32>
    %gt3A_691 = arith.constant 1 : i32
    %gt3A_692 = vector.broadcast %gt3A_691 : i32 to vector<16xi32>
    %gt3A_693 = arith.cmpi sgt, %iota3A, %gt3A_692 : vector<16xi32>
    %and3A_694 = arith.andi %eq3A_690, %gt3A_693 : vector<16xi1>
    %jit3A_695 = arith.constant 1 : i32
    %jit3A_696 = arith.constant 0 : i32
    %broadcast_in_dim3A_697 = vector.broadcast %jit3A_695 : i32 to vector<16xi32>
    %broadcast_in_dim3A_698 = vector.broadcast %jit3A_696 : i32 to vector<16xi32>
    %select_n3A_699 = arith.select %and3A_694, %broadcast_in_dim3A_697, %broadcast_in_dim3A_698 : vector<16xi1>, vector<16xi32>
    %add3A_700 = arith.addi %add3A_680, %select_n3A_699 : vector<16xi32>
    %jit3A_701 = arith.constant 1 : i32
    %jit3A_702 = arith.constant 0 : i32
    %broadcast_in_dim3A_703 = vector.broadcast %jit3A_701 : i32 to vector<16xi32>
    %broadcast_in_dim3A_704 = vector.broadcast %jit3A_702 : i32 to vector<16xi32>
    %select_n3A_705 = arith.select %eq3A_690, %broadcast_in_dim3A_703, %broadcast_in_dim3A_704 : vector<16xi1>, vector<16xi32>
    %add3A_706 = arith.addi %add3A_686, %select_n3A_705 : vector<16xi32>
    %broadcast_in_dim3A_707 = arith.constant 50 : i32
    %broadcast_in_dim3A_708 = vector.broadcast %broadcast_in_dim3A_707 : i32 to vector<16xi32>
    %gather3A_709 = tpu.vector_load_idx %arg5[%broadcast_in_dim3A_708] : memref<80xi32, #tpu.memory_space<vmem>>[vector<16xi32>], vector<16xi32>,
    %eq3A_710 = arith.cmpi eq, %get3A_666, %gather3A_709 : vector<16xi32>
    %gt3A_711 = arith.constant 2 : i32
    %gt3A_712 = vector.broadcast %gt3A_711 : i32 to vector<16xi32>
    %gt3A_713 = arith.cmpi sgt, %iota3A, %gt3A_712 : vector<16xi32>
    %and3A_714 = arith.andi %eq3A_710, %gt3A_713 : vector<16xi1>
    %jit3A_715 = arith.constant 1 : i32
    %jit3A_716 = arith.constant 0 : i32
    %broadcast_in_dim3A_717 = vector.broadcast %jit3A_715 : i32 to vector<16xi32>
    %broadcast_in_dim3A_718 = vector.broadcast %jit3A_716 : i32 to vector<16xi32>
    %select_n3A_719 = arith.select %and3A_714, %broadcast_in_dim3A_717, %broadcast_in_dim3A_718 : vector<16xi1>, vector<16xi32>
    %add3A_720 = arith.addi %add3A_700, %select_n3A_719 : vector<16xi32>
    %jit3A_721 = arith.constant 1 : i32
    %jit3A_722 = arith.constant 0 : i32
    %broadcast_in_dim3A_723 = vector.broadcast %jit3A_721 : i32 to vector<16xi32>
    %broadcast_in_dim3A_724 = vector.broadcast %jit3A_722 : i32 to vector<16xi32>
    %select_n3A_725 = arith.select %eq3A_710, %broadcast_in_dim3A_723, %broadcast_in_dim3A_724 : vector<16xi1>, vector<16xi32>
    %add3A_726 = arith.addi %add3A_706, %select_n3A_725 : vector<16xi32>
    %broadcast_in_dim3A_727 = arith.constant 51 : i32
    %broadcast_in_dim3A_728 = vector.broadcast %broadcast_in_dim3A_727 : i32 to vector<16xi32>
    %gather3A_729 = tpu.vector_load_idx %arg5[%broadcast_in_dim3A_728] : memref<80xi32, #tpu.memory_space<vmem>>[vector<16xi32>], vector<16xi32>,
    %eq3A_730 = arith.cmpi eq, %get3A_666, %gather3A_729 : vector<16xi32>
    %gt3A_731 = arith.constant 3 : i32
    %gt3A_732 = vector.broadcast %gt3A_731 : i32 to vector<16xi32>
    %gt3A_733 = arith.cmpi sgt, %iota3A, %gt3A_732 : vector<16xi32>
    %and3A_734 = arith.andi %eq3A_730, %gt3A_733 : vector<16xi1>
    %jit3A_735 = arith.constant 1 : i32
    %jit3A_736 = arith.constant 0 : i32
    %broadcast_in_dim3A_737 = vector.broadcast %jit3A_735 : i32 to vector<16xi32>
    %broadcast_in_dim3A_738 = vector.broadcast %jit3A_736 : i32 to vector<16xi32>
    %select_n3A_739 = arith.select %and3A_734, %broadcast_in_dim3A_737, %broadcast_in_dim3A_738 : vector<16xi1>, vector<16xi32>
    %add3A_740 = arith.addi %add3A_720, %select_n3A_739 : vector<16xi32>
    %jit3A_741 = arith.constant 1 : i32
    %jit3A_742 = arith.constant 0 : i32
    %broadcast_in_dim3A_743 = vector.broadcast %jit3A_741 : i32 to vector<16xi32>
    %broadcast_in_dim3A_744 = vector.broadcast %jit3A_742 : i32 to vector<16xi32>
    %select_n3A_745 = arith.select %eq3A_730, %broadcast_in_dim3A_743, %broadcast_in_dim3A_744 : vector<16xi1>, vector<16xi32>
    %add3A_746 = arith.addi %add3A_726, %select_n3A_745 : vector<16xi32>
    %broadcast_in_dim3A_747 = arith.constant 52 : i32
    %broadcast_in_dim3A_748 = vector.broadcast %broadcast_in_dim3A_747 : i32 to vector<16xi32>
    %gather3A_749 = tpu.vector_load_idx %arg5[%broadcast_in_dim3A_748] : memref<80xi32, #tpu.memory_space<vmem>>[vector<16xi32>], vector<16xi32>,
    %eq3A_750 = arith.cmpi eq, %get3A_666, %gather3A_749 : vector<16xi32>
    %gt3A_751 = arith.constant 4 : i32
    %gt3A_752 = vector.broadcast %gt3A_751 : i32 to vector<16xi32>
    %gt3A_753 = arith.cmpi sgt, %iota3A, %gt3A_752 : vector<16xi32>
    %and3A_754 = arith.andi %eq3A_750, %gt3A_753 : vector<16xi1>
    %jit3A_755 = arith.constant 1 : i32
    %jit3A_756 = arith.constant 0 : i32
    %broadcast_in_dim3A_757 = vector.broadcast %jit3A_755 : i32 to vector<16xi32>
    %broadcast_in_dim3A_758 = vector.broadcast %jit3A_756 : i32 to vector<16xi32>
    %select_n3A_759 = arith.select %and3A_754, %broadcast_in_dim3A_757, %broadcast_in_dim3A_758 : vector<16xi1>, vector<16xi32>
    %add3A_760 = arith.addi %add3A_740, %select_n3A_759 : vector<16xi32>
    %jit3A_761 = arith.constant 1 : i32
    %jit3A_762 = arith.constant 0 : i32
    %broadcast_in_dim3A_763 = vector.broadcast %jit3A_761 : i32 to vector<16xi32>
    %broadcast_in_dim3A_764 = vector.broadcast %jit3A_762 : i32 to vector<16xi32>
    %select_n3A_765 = arith.select %eq3A_750, %broadcast_in_dim3A_763, %broadcast_in_dim3A_764 : vector<16xi1>, vector<16xi32>
    %add3A_766 = arith.addi %add3A_746, %select_n3A_765 : vector<16xi32>
    %broadcast_in_dim3A_767 = arith.constant 53 : i32
    %broadcast_in_dim3A_768 = vector.broadcast %broadcast_in_dim3A_767 : i32 to vector<16xi32>
    %gather3A_769 = tpu.vector_load_idx %arg5[%broadcast_in_dim3A_768] : memref<80xi32, #tpu.memory_space<vmem>>[vector<16xi32>], vector<16xi32>,
    %eq3A_770 = arith.cmpi eq, %get3A_666, %gather3A_769 : vector<16xi32>
    %gt3A_771 = arith.constant 5 : i32
    %gt3A_772 = vector.broadcast %gt3A_771 : i32 to vector<16xi32>
    %gt3A_773 = arith.cmpi sgt, %iota3A, %gt3A_772 : vector<16xi32>
    %and3A_774 = arith.andi %eq3A_770, %gt3A_773 : vector<16xi1>
    %jit3A_775 = arith.constant 1 : i32
    %jit3A_776 = arith.constant 0 : i32
    %broadcast_in_dim3A_777 = vector.broadcast %jit3A_775 : i32 to vector<16xi32>
    %broadcast_in_dim3A_778 = vector.broadcast %jit3A_776 : i32 to vector<16xi32>
    %select_n3A_779 = arith.select %and3A_774, %broadcast_in_dim3A_777, %broadcast_in_dim3A_778 : vector<16xi1>, vector<16xi32>
    %add3A_780 = arith.addi %add3A_760, %select_n3A_779 : vector<16xi32>
    %jit3A_781 = arith.constant 1 : i32
    %jit3A_782 = arith.constant 0 : i32
    %broadcast_in_dim3A_783 = vector.broadcast %jit3A_781 : i32 to vector<16xi32>
    %broadcast_in_dim3A_784 = vector.broadcast %jit3A_782 : i32 to vector<16xi32>
    %select_n3A_785 = arith.select %eq3A_770, %broadcast_in_dim3A_783, %broadcast_in_dim3A_784 : vector<16xi1>, vector<16xi32>
    %add3A_786 = arith.addi %add3A_766, %select_n3A_785 : vector<16xi32>
    %broadcast_in_dim3A_787 = arith.constant 54 : i32
    %broadcast_in_dim3A_788 = vector.broadcast %broadcast_in_dim3A_787 : i32 to vector<16xi32>
    %gather3A_789 = tpu.vector_load_idx %arg5[%broadcast_in_dim3A_788] : memref<80xi32, #tpu.memory_space<vmem>>[vector<16xi32>], vector<16xi32>,
    %eq3A_790 = arith.cmpi eq, %get3A_666, %gather3A_789 : vector<16xi32>
    %gt3A_791 = arith.constant 6 : i32
    %gt3A_792 = vector.broadcast %gt3A_791 : i32 to vector<16xi32>
    %gt3A_793 = arith.cmpi sgt, %iota3A, %gt3A_792 : vector<16xi32>
    %and3A_794 = arith.andi %eq3A_790, %gt3A_793 : vector<16xi1>
    %jit3A_795 = arith.constant 1 : i32
    %jit3A_796 = arith.constant 0 : i32
    %broadcast_in_dim3A_797 = vector.broadcast %jit3A_795 : i32 to vector<16xi32>
    %broadcast_in_dim3A_798 = vector.broadcast %jit3A_796 : i32 to vector<16xi32>
    %select_n3A_799 = arith.select %and3A_794, %broadcast_in_dim3A_797, %broadcast_in_dim3A_798 : vector<16xi1>, vector<16xi32>
    %add3A_800 = arith.addi %add3A_780, %select_n3A_799 : vector<16xi32>
    %jit3A_801 = arith.constant 1 : i32
    %jit3A_802 = arith.constant 0 : i32
    %broadcast_in_dim3A_803 = vector.broadcast %jit3A_801 : i32 to vector<16xi32>
    %broadcast_in_dim3A_804 = vector.broadcast %jit3A_802 : i32 to vector<16xi32>
    %select_n3A_805 = arith.select %eq3A_790, %broadcast_in_dim3A_803, %broadcast_in_dim3A_804 : vector<16xi1>, vector<16xi32>
    %add3A_806 = arith.addi %add3A_786, %select_n3A_805 : vector<16xi32>
    %broadcast_in_dim3A_807 = arith.constant 55 : i32
    %broadcast_in_dim3A_808 = vector.broadcast %broadcast_in_dim3A_807 : i32 to vector<16xi32>
    %gather3A_809 = tpu.vector_load_idx %arg5[%broadcast_in_dim3A_808] : memref<80xi32, #tpu.memory_space<vmem>>[vector<16xi32>], vector<16xi32>,
    %eq3A_810 = arith.cmpi eq, %get3A_666, %gather3A_809 : vector<16xi32>
    %gt3A_811 = arith.constant 7 : i32
    %gt3A_812 = vector.broadcast %gt3A_811 : i32 to vector<16xi32>
    %gt3A_813 = arith.cmpi sgt, %iota3A, %gt3A_812 : vector<16xi32>
    %and3A_814 = arith.andi %eq3A_810, %gt3A_813 : vector<16xi1>
    %jit3A_815 = arith.constant 1 : i32
    %jit3A_816 = arith.constant 0 : i32
    %broadcast_in_dim3A_817 = vector.broadcast %jit3A_815 : i32 to vector<16xi32>
    %broadcast_in_dim3A_818 = vector.broadcast %jit3A_816 : i32 to vector<16xi32>
    %select_n3A_819 = arith.select %and3A_814, %broadcast_in_dim3A_817, %broadcast_in_dim3A_818 : vector<16xi1>, vector<16xi32>
    %add3A_820 = arith.addi %add3A_800, %select_n3A_819 : vector<16xi32>
    %jit3A_821 = arith.constant 1 : i32
    %jit3A_822 = arith.constant 0 : i32
    %broadcast_in_dim3A_823 = vector.broadcast %jit3A_821 : i32 to vector<16xi32>
    %broadcast_in_dim3A_824 = vector.broadcast %jit3A_822 : i32 to vector<16xi32>
    %select_n3A_825 = arith.select %eq3A_810, %broadcast_in_dim3A_823, %broadcast_in_dim3A_824 : vector<16xi1>, vector<16xi32>
    %add3A_826 = arith.addi %add3A_806, %select_n3A_825 : vector<16xi32>
    %broadcast_in_dim3A_827 = arith.constant 56 : i32
    %broadcast_in_dim3A_828 = vector.broadcast %broadcast_in_dim3A_827 : i32 to vector<16xi32>
    %gather3A_829 = tpu.vector_load_idx %arg5[%broadcast_in_dim3A_828] : memref<80xi32, #tpu.memory_space<vmem>>[vector<16xi32>], vector<16xi32>,
    %eq3A_830 = arith.cmpi eq, %get3A_666, %gather3A_829 : vector<16xi32>
    %gt3A_831 = arith.constant 8 : i32
    %gt3A_832 = vector.broadcast %gt3A_831 : i32 to vector<16xi32>
    %gt3A_833 = arith.cmpi sgt, %iota3A, %gt3A_832 : vector<16xi32>
    %and3A_834 = arith.andi %eq3A_830, %gt3A_833 : vector<16xi1>
    %jit3A_835 = arith.constant 1 : i32
    %jit3A_836 = arith.constant 0 : i32
    %broadcast_in_dim3A_837 = vector.broadcast %jit3A_835 : i32 to vector<16xi32>
    %broadcast_in_dim3A_838 = vector.broadcast %jit3A_836 : i32 to vector<16xi32>
    %select_n3A_839 = arith.select %and3A_834, %broadcast_in_dim3A_837, %broadcast_in_dim3A_838 : vector<16xi1>, vector<16xi32>
    %add3A_840 = arith.addi %add3A_820, %select_n3A_839 : vector<16xi32>
    %jit3A_841 = arith.constant 1 : i32
    %jit3A_842 = arith.constant 0 : i32
    %broadcast_in_dim3A_843 = vector.broadcast %jit3A_841 : i32 to vector<16xi32>
    %broadcast_in_dim3A_844 = vector.broadcast %jit3A_842 : i32 to vector<16xi32>
    %select_n3A_845 = arith.select %eq3A_830, %broadcast_in_dim3A_843, %broadcast_in_dim3A_844 : vector<16xi1>, vector<16xi32>
    %add3A_846 = arith.addi %add3A_826, %select_n3A_845 : vector<16xi32>
    %broadcast_in_dim3A_847 = arith.constant 57 : i32
    %broadcast_in_dim3A_848 = vector.broadcast %broadcast_in_dim3A_847 : i32 to vector<16xi32>
    %gather3A_849 = tpu.vector_load_idx %arg5[%broadcast_in_dim3A_848] : memref<80xi32, #tpu.memory_space<vmem>>[vector<16xi32>], vector<16xi32>,
    %eq3A_850 = arith.cmpi eq, %get3A_666, %gather3A_849 : vector<16xi32>
    %gt3A_851 = arith.constant 9 : i32
    %gt3A_852 = vector.broadcast %gt3A_851 : i32 to vector<16xi32>
    %gt3A_853 = arith.cmpi sgt, %iota3A, %gt3A_852 : vector<16xi32>
    %and3A_854 = arith.andi %eq3A_850, %gt3A_853 : vector<16xi1>
    %jit3A_855 = arith.constant 1 : i32
    %jit3A_856 = arith.constant 0 : i32
    %broadcast_in_dim3A_857 = vector.broadcast %jit3A_855 : i32 to vector<16xi32>
    %broadcast_in_dim3A_858 = vector.broadcast %jit3A_856 : i32 to vector<16xi32>
    %select_n3A_859 = arith.select %and3A_854, %broadcast_in_dim3A_857, %broadcast_in_dim3A_858 : vector<16xi1>, vector<16xi32>
    %add3A_860 = arith.addi %add3A_840, %select_n3A_859 : vector<16xi32>
    %jit3A_861 = arith.constant 1 : i32
    %jit3A_862 = arith.constant 0 : i32
    %broadcast_in_dim3A_863 = vector.broadcast %jit3A_861 : i32 to vector<16xi32>
    %broadcast_in_dim3A_864 = vector.broadcast %jit3A_862 : i32 to vector<16xi32>
    %select_n3A_865 = arith.select %eq3A_850, %broadcast_in_dim3A_863, %broadcast_in_dim3A_864 : vector<16xi1>, vector<16xi32>
    %add3A_866 = arith.addi %add3A_846, %select_n3A_865 : vector<16xi32>
    %broadcast_in_dim3A_867 = arith.constant 58 : i32
    %broadcast_in_dim3A_868 = vector.broadcast %broadcast_in_dim3A_867 : i32 to vector<16xi32>
    %gather3A_869 = tpu.vector_load_idx %arg5[%broadcast_in_dim3A_868] : memref<80xi32, #tpu.memory_space<vmem>>[vector<16xi32>], vector<16xi32>,
    %eq3A_870 = arith.cmpi eq, %get3A_666, %gather3A_869 : vector<16xi32>
    %gt3A_871 = arith.constant 10 : i32
    %gt3A_872 = vector.broadcast %gt3A_871 : i32 to vector<16xi32>
    %gt3A_873 = arith.cmpi sgt, %iota3A, %gt3A_872 : vector<16xi32>
    %and3A_874 = arith.andi %eq3A_870, %gt3A_873 : vector<16xi1>
    %jit3A_875 = arith.constant 1 : i32
    %jit3A_876 = arith.constant 0 : i32
    %broadcast_in_dim3A_877 = vector.broadcast %jit3A_875 : i32 to vector<16xi32>
    %broadcast_in_dim3A_878 = vector.broadcast %jit3A_876 : i32 to vector<16xi32>
    %select_n3A_879 = arith.select %and3A_874, %broadcast_in_dim3A_877, %broadcast_in_dim3A_878 : vector<16xi1>, vector<16xi32>
    %add3A_880 = arith.addi %add3A_860, %select_n3A_879 : vector<16xi32>
    %jit3A_881 = arith.constant 1 : i32
    %jit3A_882 = arith.constant 0 : i32
    %broadcast_in_dim3A_883 = vector.broadcast %jit3A_881 : i32 to vector<16xi32>
    %broadcast_in_dim3A_884 = vector.broadcast %jit3A_882 : i32 to vector<16xi32>
    %select_n3A_885 = arith.select %eq3A_870, %broadcast_in_dim3A_883, %broadcast_in_dim3A_884 : vector<16xi1>, vector<16xi32>
    %add3A_886 = arith.addi %add3A_866, %select_n3A_885 : vector<16xi32>
    %broadcast_in_dim3A_887 = arith.constant 59 : i32
    %broadcast_in_dim3A_888 = vector.broadcast %broadcast_in_dim3A_887 : i32 to vector<16xi32>
    %gather3A_889 = tpu.vector_load_idx %arg5[%broadcast_in_dim3A_888] : memref<80xi32, #tpu.memory_space<vmem>>[vector<16xi32>], vector<16xi32>,
    %eq3A_890 = arith.cmpi eq, %get3A_666, %gather3A_889 : vector<16xi32>
    %gt3A_891 = arith.constant 11 : i32
    %gt3A_892 = vector.broadcast %gt3A_891 : i32 to vector<16xi32>
    %gt3A_893 = arith.cmpi sgt, %iota3A, %gt3A_892 : vector<16xi32>
    %and3A_894 = arith.andi %eq3A_890, %gt3A_893 : vector<16xi1>
    %jit3A_895 = arith.constant 1 : i32
    %jit3A_896 = arith.constant 0 : i32
    %broadcast_in_dim3A_897 = vector.broadcast %jit3A_895 : i32 to vector<16xi32>
    %broadcast_in_dim3A_898 = vector.broadcast %jit3A_896 : i32 to vector<16xi32>
    %select_n3A_899 = arith.select %and3A_894, %broadcast_in_dim3A_897, %broadcast_in_dim3A_898 : vector<16xi1>, vector<16xi32>
    %add3A_900 = arith.addi %add3A_880, %select_n3A_899 : vector<16xi32>
    %jit3A_901 = arith.constant 1 : i32
    %jit3A_902 = arith.constant 0 : i32
    %broadcast_in_dim3A_903 = vector.broadcast %jit3A_901 : i32 to vector<16xi32>
    %broadcast_in_dim3A_904 = vector.broadcast %jit3A_902 : i32 to vector<16xi32>
    %select_n3A_905 = arith.select %eq3A_890, %broadcast_in_dim3A_903, %broadcast_in_dim3A_904 : vector<16xi1>, vector<16xi32>
    %add3A_906 = arith.addi %add3A_886, %select_n3A_905 : vector<16xi32>
    %broadcast_in_dim3A_907 = arith.constant 60 : i32
    %broadcast_in_dim3A_908 = vector.broadcast %broadcast_in_dim3A_907 : i32 to vector<16xi32>
    %gather3A_909 = tpu.vector_load_idx %arg5[%broadcast_in_dim3A_908] : memref<80xi32, #tpu.memory_space<vmem>>[vector<16xi32>], vector<16xi32>,
    %eq3A_910 = arith.cmpi eq, %get3A_666, %gather3A_909 : vector<16xi32>
    %gt3A_911 = arith.constant 12 : i32
    %gt3A_912 = vector.broadcast %gt3A_911 : i32 to vector<16xi32>
    %gt3A_913 = arith.cmpi sgt, %iota3A, %gt3A_912 : vector<16xi32>
    %and3A_914 = arith.andi %eq3A_910, %gt3A_913 : vector<16xi1>
    %jit3A_915 = arith.constant 1 : i32
    %jit3A_916 = arith.constant 0 : i32
    %broadcast_in_dim3A_917 = vector.broadcast %jit3A_915 : i32 to vector<16xi32>
    %broadcast_in_dim3A_918 = vector.broadcast %jit3A_916 : i32 to vector<16xi32>
    %select_n3A_919 = arith.select %and3A_914, %broadcast_in_dim3A_917, %broadcast_in_dim3A_918 : vector<16xi1>, vector<16xi32>
    %add3A_920 = arith.addi %add3A_900, %select_n3A_919 : vector<16xi32>
    %jit3A_921 = arith.constant 1 : i32
    %jit3A_922 = arith.constant 0 : i32
    %broadcast_in_dim3A_923 = vector.broadcast %jit3A_921 : i32 to vector<16xi32>
    %broadcast_in_dim3A_924 = vector.broadcast %jit3A_922 : i32 to vector<16xi32>
    %select_n3A_925 = arith.select %eq3A_910, %broadcast_in_dim3A_923, %broadcast_in_dim3A_924 : vector<16xi1>, vector<16xi32>
    %add3A_926 = arith.addi %add3A_906, %select_n3A_925 : vector<16xi32>
    %broadcast_in_dim3A_927 = arith.constant 61 : i32
    %broadcast_in_dim3A_928 = vector.broadcast %broadcast_in_dim3A_927 : i32 to vector<16xi32>
    %gather3A_929 = tpu.vector_load_idx %arg5[%broadcast_in_dim3A_928] : memref<80xi32, #tpu.memory_space<vmem>>[vector<16xi32>], vector<16xi32>,
    %eq3A_930 = arith.cmpi eq, %get3A_666, %gather3A_929 : vector<16xi32>
    %gt3A_931 = arith.constant 13 : i32
    %gt3A_932 = vector.broadcast %gt3A_931 : i32 to vector<16xi32>
    %gt3A_933 = arith.cmpi sgt, %iota3A, %gt3A_932 : vector<16xi32>
    %and3A_934 = arith.andi %eq3A_930, %gt3A_933 : vector<16xi1>
    %jit3A_935 = arith.constant 1 : i32
    %jit3A_936 = arith.constant 0 : i32
    %broadcast_in_dim3A_937 = vector.broadcast %jit3A_935 : i32 to vector<16xi32>
    %broadcast_in_dim3A_938 = vector.broadcast %jit3A_936 : i32 to vector<16xi32>
    %select_n3A_939 = arith.select %and3A_934, %broadcast_in_dim3A_937, %broadcast_in_dim3A_938 : vector<16xi1>, vector<16xi32>
    %add3A_940 = arith.addi %add3A_920, %select_n3A_939 : vector<16xi32>
    %jit3A_941 = arith.constant 1 : i32
    %jit3A_942 = arith.constant 0 : i32
    %broadcast_in_dim3A_943 = vector.broadcast %jit3A_941 : i32 to vector<16xi32>
    %broadcast_in_dim3A_944 = vector.broadcast %jit3A_942 : i32 to vector<16xi32>
    %select_n3A_945 = arith.select %eq3A_930, %broadcast_in_dim3A_943, %broadcast_in_dim3A_944 : vector<16xi1>, vector<16xi32>
    %add3A_946 = arith.addi %add3A_926, %select_n3A_945 : vector<16xi32>
    %broadcast_in_dim3A_947 = arith.constant 62 : i32
    %broadcast_in_dim3A_948 = vector.broadcast %broadcast_in_dim3A_947 : i32 to vector<16xi32>
    %gather3A_949 = tpu.vector_load_idx %arg5[%broadcast_in_dim3A_948] : memref<80xi32, #tpu.memory_space<vmem>>[vector<16xi32>], vector<16xi32>,
    %eq3A_950 = arith.cmpi eq, %get3A_666, %gather3A_949 : vector<16xi32>
    %gt3A_951 = arith.constant 14 : i32
    %gt3A_952 = vector.broadcast %gt3A_951 : i32 to vector<16xi32>
    %gt3A_953 = arith.cmpi sgt, %iota3A, %gt3A_952 : vector<16xi32>
    %and3A_954 = arith.andi %eq3A_950, %gt3A_953 : vector<16xi1>
    %jit3A_955 = arith.constant 1 : i32
    %jit3A_956 = arith.constant 0 : i32
    %broadcast_in_dim3A_957 = vector.broadcast %jit3A_955 : i32 to vector<16xi32>
    %broadcast_in_dim3A_958 = vector.broadcast %jit3A_956 : i32 to vector<16xi32>
    %select_n3A_959 = arith.select %and3A_954, %broadcast_in_dim3A_957, %broadcast_in_dim3A_958 : vector<16xi1>, vector<16xi32>
    %add3A_960 = arith.addi %add3A_940, %select_n3A_959 : vector<16xi32>
    %jit3A_961 = arith.constant 1 : i32
    %jit3A_962 = arith.constant 0 : i32
    %broadcast_in_dim3A_963 = vector.broadcast %jit3A_961 : i32 to vector<16xi32>
    %broadcast_in_dim3A_964 = vector.broadcast %jit3A_962 : i32 to vector<16xi32>
    %select_n3A_965 = arith.select %eq3A_950, %broadcast_in_dim3A_963, %broadcast_in_dim3A_964 : vector<16xi1>, vector<16xi32>
    %add3A_966 = arith.addi %add3A_946, %select_n3A_965 : vector<16xi32>
    %broadcast_in_dim3A_967 = arith.constant 63 : i32
    %broadcast_in_dim3A_968 = vector.broadcast %broadcast_in_dim3A_967 : i32 to vector<16xi32>
    %gather3A_969 = tpu.vector_load_idx %arg5[%broadcast_in_dim3A_968] : memref<80xi32, #tpu.memory_space<vmem>>[vector<16xi32>], vector<16xi32>,
    %eq3A_970 = arith.cmpi eq, %get3A_666, %gather3A_969 : vector<16xi32>
    %gt3A_971 = arith.constant 15 : i32
    %gt3A_972 = vector.broadcast %gt3A_971 : i32 to vector<16xi32>
    %gt3A_973 = arith.cmpi sgt, %iota3A, %gt3A_972 : vector<16xi32>
    %and3A_974 = arith.andi %eq3A_970, %gt3A_973 : vector<16xi1>
    %jit3A_975 = arith.constant 1 : i32
    %jit3A_976 = arith.constant 0 : i32
    %broadcast_in_dim3A_977 = vector.broadcast %jit3A_975 : i32 to vector<16xi32>
    %broadcast_in_dim3A_978 = vector.broadcast %jit3A_976 : i32 to vector<16xi32>
    %select_n3A_979 = arith.select %and3A_974, %broadcast_in_dim3A_977, %broadcast_in_dim3A_978 : vector<16xi1>, vector<16xi32>
    %add3A_980 = arith.addi %add3A_960, %select_n3A_979 : vector<16xi32>
    %jit3A_981 = arith.constant 1 : i32
    %jit3A_982 = arith.constant 0 : i32
    %broadcast_in_dim3A_983 = vector.broadcast %jit3A_981 : i32 to vector<16xi32>
    %broadcast_in_dim3A_984 = vector.broadcast %jit3A_982 : i32 to vector<16xi32>
    %select_n3A_985 = arith.select %eq3A_970, %broadcast_in_dim3A_983, %broadcast_in_dim3A_984 : vector<16xi1>, vector<16xi32>
    %add3A_986 = arith.addi %add3A_966, %select_n3A_985 : vector<16xi32>
    %gather3A_987 = tpu.vector_load_idx %arg7[%get3A_666] : memref<64xi32, #tpu.memory_space<vmem>>[vector<16xi32>], vector<16xi32>,
    %add3A_988 = arith.addi %gather3A_987, %add3A_980 : vector<16xi32>
    %swap3A_989 = arith.constant 32 : index
    %swap3A_990 = tpu.vector_load %arg6[%swap3A_989] {strides = array<i32>} : memref<64xi32, #tpu.memory_space<vmem>>, vector<16xi32>,
    tpu.vector_store %arg6[%swap3A_989], %add3A_988 {strides = array<i32>} : memref<64xi32, #tpu.memory_space<vmem>>, vector<16xi32>,
    %add3A_991 = arith.addi %gather3A_987, %add3A_986 : vector<16xi32>
    %sub3A_992 = arith.subi %add3A_986, %add3A_980 : vector<16xi32>
    %eq3A_993 = arith.constant 1 : i32
    %eq3A_994 = vector.broadcast %eq3A_993 : i32 to vector<16xi32>
    %eq3A_995 = arith.cmpi eq, %sub3A_992, %eq3A_994 : vector<16xi32>
    tpu.vector_store_idx %arg7[%get3A_666], %add3A_991 masked %eq3A_995 : memref<64xi32, #tpu.memory_space<vmem>>[vector<16xi32>], vector<16xi32>, vector<16xi1>
    %get3A_996 = arith.constant 64 : index
    %get3A_997 = tpu.vector_load %arg5[%get3A_996] {strides = array<i32>} : memref<80xi32, #tpu.memory_space<vmem>>, vector<16xi32>,
    %broadcast_in_dim3A_998 = arith.constant 64 : i32
    %broadcast_in_dim3A_999 = vector.broadcast %broadcast_in_dim3A_998 : i32 to vector<16xi32>
    %gather3A_1000 = tpu.vector_load_idx %arg5[%broadcast_in_dim3A_999] : memref<80xi32, #tpu.memory_space<vmem>>[vector<16xi32>], vector<16xi32>,
    %eq3A_1001 = arith.cmpi eq, %get3A_997, %gather3A_1000 : vector<16xi32>
    %gt3A_1002 = arith.constant 0 : i32
    %gt3A_1003 = vector.broadcast %gt3A_1002 : i32 to vector<16xi32>
    %gt3A_1004 = arith.cmpi sgt, %iota3A, %gt3A_1003 : vector<16xi32>
    %and3A_1005 = arith.andi %eq3A_1001, %gt3A_1004 : vector<16xi1>
    %jit3A_1006 = arith.constant 1 : i32
    %jit3A_1007 = arith.constant 0 : i32
    %broadcast_in_dim3A_1008 = vector.broadcast %jit3A_1006 : i32 to vector<16xi32>
    %broadcast_in_dim3A_1009 = vector.broadcast %jit3A_1007 : i32 to vector<16xi32>
    %select_n3A_1010 = arith.select %and3A_1005, %broadcast_in_dim3A_1008, %broadcast_in_dim3A_1009 : vector<16xi1>, vector<16xi32>
    %add3A_1011 = arith.addi %broadcast_in_dim3A_3, %select_n3A_1010 : vector<16xi32>
    %jit3A_1012 = arith.constant 1 : i32
    %jit3A_1013 = arith.constant 0 : i32
    %broadcast_in_dim3A_1014 = vector.broadcast %jit3A_1012 : i32 to vector<16xi32>
    %broadcast_in_dim3A_1015 = vector.broadcast %jit3A_1013 : i32 to vector<16xi32>
    %select_n3A_1016 = arith.select %eq3A_1001, %broadcast_in_dim3A_1014, %broadcast_in_dim3A_1015 : vector<16xi1>, vector<16xi32>
    %add3A_1017 = arith.addi %broadcast_in_dim3A_3, %select_n3A_1016 : vector<16xi32>
    %broadcast_in_dim3A_1018 = arith.constant 65 : i32
    %broadcast_in_dim3A_1019 = vector.broadcast %broadcast_in_dim3A_1018 : i32 to vector<16xi32>
    %gather3A_1020 = tpu.vector_load_idx %arg5[%broadcast_in_dim3A_1019] : memref<80xi32, #tpu.memory_space<vmem>>[vector<16xi32>], vector<16xi32>,
    %eq3A_1021 = arith.cmpi eq, %get3A_997, %gather3A_1020 : vector<16xi32>
    %gt3A_1022 = arith.constant 1 : i32
    %gt3A_1023 = vector.broadcast %gt3A_1022 : i32 to vector<16xi32>
    %gt3A_1024 = arith.cmpi sgt, %iota3A, %gt3A_1023 : vector<16xi32>
    %and3A_1025 = arith.andi %eq3A_1021, %gt3A_1024 : vector<16xi1>
    %jit3A_1026 = arith.constant 1 : i32
    %jit3A_1027 = arith.constant 0 : i32
    %broadcast_in_dim3A_1028 = vector.broadcast %jit3A_1026 : i32 to vector<16xi32>
    %broadcast_in_dim3A_1029 = vector.broadcast %jit3A_1027 : i32 to vector<16xi32>
    %select_n3A_1030 = arith.select %and3A_1025, %broadcast_in_dim3A_1028, %broadcast_in_dim3A_1029 : vector<16xi1>, vector<16xi32>
    %add3A_1031 = arith.addi %add3A_1011, %select_n3A_1030 : vector<16xi32>
    %jit3A_1032 = arith.constant 1 : i32
    %jit3A_1033 = arith.constant 0 : i32
    %broadcast_in_dim3A_1034 = vector.broadcast %jit3A_1032 : i32 to vector<16xi32>
    %broadcast_in_dim3A_1035 = vector.broadcast %jit3A_1033 : i32 to vector<16xi32>
    %select_n3A_1036 = arith.select %eq3A_1021, %broadcast_in_dim3A_1034, %broadcast_in_dim3A_1035 : vector<16xi1>, vector<16xi32>
    %add3A_1037 = arith.addi %add3A_1017, %select_n3A_1036 : vector<16xi32>
    %broadcast_in_dim3A_1038 = arith.constant 66 : i32
    %broadcast_in_dim3A_1039 = vector.broadcast %broadcast_in_dim3A_1038 : i32 to vector<16xi32>
    %gather3A_1040 = tpu.vector_load_idx %arg5[%broadcast_in_dim3A_1039] : memref<80xi32, #tpu.memory_space<vmem>>[vector<16xi32>], vector<16xi32>,
    %eq3A_1041 = arith.cmpi eq, %get3A_997, %gather3A_1040 : vector<16xi32>
    %gt3A_1042 = arith.constant 2 : i32
    %gt3A_1043 = vector.broadcast %gt3A_1042 : i32 to vector<16xi32>
    %gt3A_1044 = arith.cmpi sgt, %iota3A, %gt3A_1043 : vector<16xi32>
    %and3A_1045 = arith.andi %eq3A_1041, %gt3A_1044 : vector<16xi1>
    %jit3A_1046 = arith.constant 1 : i32
    %jit3A_1047 = arith.constant 0 : i32
    %broadcast_in_dim3A_1048 = vector.broadcast %jit3A_1046 : i32 to vector<16xi32>
    %broadcast_in_dim3A_1049 = vector.broadcast %jit3A_1047 : i32 to vector<16xi32>
    %select_n3A_1050 = arith.select %and3A_1045, %broadcast_in_dim3A_1048, %broadcast_in_dim3A_1049 : vector<16xi1>, vector<16xi32>
    %add3A_1051 = arith.addi %add3A_1031, %select_n3A_1050 : vector<16xi32>
    %jit3A_1052 = arith.constant 1 : i32
    %jit3A_1053 = arith.constant 0 : i32
    %broadcast_in_dim3A_1054 = vector.broadcast %jit3A_1052 : i32 to vector<16xi32>
    %broadcast_in_dim3A_1055 = vector.broadcast %jit3A_1053 : i32 to vector<16xi32>
    %select_n3A_1056 = arith.select %eq3A_1041, %broadcast_in_dim3A_1054, %broadcast_in_dim3A_1055 : vector<16xi1>, vector<16xi32>
    %add3A_1057 = arith.addi %add3A_1037, %select_n3A_1056 : vector<16xi32>
    %broadcast_in_dim3A_1058 = arith.constant 67 : i32
    %broadcast_in_dim3A_1059 = vector.broadcast %broadcast_in_dim3A_1058 : i32 to vector<16xi32>
    %gather3A_1060 = tpu.vector_load_idx %arg5[%broadcast_in_dim3A_1059] : memref<80xi32, #tpu.memory_space<vmem>>[vector<16xi32>], vector<16xi32>,
    %eq3A_1061 = arith.cmpi eq, %get3A_997, %gather3A_1060 : vector<16xi32>
    %gt3A_1062 = arith.constant 3 : i32
    %gt3A_1063 = vector.broadcast %gt3A_1062 : i32 to vector<16xi32>
    %gt3A_1064 = arith.cmpi sgt, %iota3A, %gt3A_1063 : vector<16xi32>
    %and3A_1065 = arith.andi %eq3A_1061, %gt3A_1064 : vector<16xi1>
    %jit3A_1066 = arith.constant 1 : i32
    %jit3A_1067 = arith.constant 0 : i32
    %broadcast_in_dim3A_1068 = vector.broadcast %jit3A_1066 : i32 to vector<16xi32>
    %broadcast_in_dim3A_1069 = vector.broadcast %jit3A_1067 : i32 to vector<16xi32>
    %select_n3A_1070 = arith.select %and3A_1065, %broadcast_in_dim3A_1068, %broadcast_in_dim3A_1069 : vector<16xi1>, vector<16xi32>
    %add3A_1071 = arith.addi %add3A_1051, %select_n3A_1070 : vector<16xi32>
    %jit3A_1072 = arith.constant 1 : i32
    %jit3A_1073 = arith.constant 0 : i32
    %broadcast_in_dim3A_1074 = vector.broadcast %jit3A_1072 : i32 to vector<16xi32>
    %broadcast_in_dim3A_1075 = vector.broadcast %jit3A_1073 : i32 to vector<16xi32>
    %select_n3A_1076 = arith.select %eq3A_1061, %broadcast_in_dim3A_1074, %broadcast_in_dim3A_1075 : vector<16xi1>, vector<16xi32>
    %add3A_1077 = arith.addi %add3A_1057, %select_n3A_1076 : vector<16xi32>
    %broadcast_in_dim3A_1078 = arith.constant 68 : i32
    %broadcast_in_dim3A_1079 = vector.broadcast %broadcast_in_dim3A_1078 : i32 to vector<16xi32>
    %gather3A_1080 = tpu.vector_load_idx %arg5[%broadcast_in_dim3A_1079] : memref<80xi32, #tpu.memory_space<vmem>>[vector<16xi32>], vector<16xi32>,
    %eq3A_1081 = arith.cmpi eq, %get3A_997, %gather3A_1080 : vector<16xi32>
    %gt3A_1082 = arith.constant 4 : i32
    %gt3A_1083 = vector.broadcast %gt3A_1082 : i32 to vector<16xi32>
    %gt3A_1084 = arith.cmpi sgt, %iota3A, %gt3A_1083 : vector<16xi32>
    %and3A_1085 = arith.andi %eq3A_1081, %gt3A_1084 : vector<16xi1>
    %jit3A_1086 = arith.constant 1 : i32
    %jit3A_1087 = arith.constant 0 : i32
    %broadcast_in_dim3A_1088 = vector.broadcast %jit3A_1086 : i32 to vector<16xi32>
    %broadcast_in_dim3A_1089 = vector.broadcast %jit3A_1087 : i32 to vector<16xi32>
    %select_n3A_1090 = arith.select %and3A_1085, %broadcast_in_dim3A_1088, %broadcast_in_dim3A_1089 : vector<16xi1>, vector<16xi32>
    %add3A_1091 = arith.addi %add3A_1071, %select_n3A_1090 : vector<16xi32>
    %jit3A_1092 = arith.constant 1 : i32
    %jit3A_1093 = arith.constant 0 : i32
    %broadcast_in_dim3A_1094 = vector.broadcast %jit3A_1092 : i32 to vector<16xi32>
    %broadcast_in_dim3A_1095 = vector.broadcast %jit3A_1093 : i32 to vector<16xi32>
    %select_n3A_1096 = arith.select %eq3A_1081, %broadcast_in_dim3A_1094, %broadcast_in_dim3A_1095 : vector<16xi1>, vector<16xi32>
    %add3A_1097 = arith.addi %add3A_1077, %select_n3A_1096 : vector<16xi32>
    %broadcast_in_dim3A_1098 = arith.constant 69 : i32
    %broadcast_in_dim3A_1099 = vector.broadcast %broadcast_in_dim3A_1098 : i32 to vector<16xi32>
    %gather3A_1100 = tpu.vector_load_idx %arg5[%broadcast_in_dim3A_1099] : memref<80xi32, #tpu.memory_space<vmem>>[vector<16xi32>], vector<16xi32>,
    %eq3A_1101 = arith.cmpi eq, %get3A_997, %gather3A_1100 : vector<16xi32>
    %gt3A_1102 = arith.constant 5 : i32
    %gt3A_1103 = vector.broadcast %gt3A_1102 : i32 to vector<16xi32>
    %gt3A_1104 = arith.cmpi sgt, %iota3A, %gt3A_1103 : vector<16xi32>
    %and3A_1105 = arith.andi %eq3A_1101, %gt3A_1104 : vector<16xi1>
    %jit3A_1106 = arith.constant 1 : i32
    %jit3A_1107 = arith.constant 0 : i32
    %broadcast_in_dim3A_1108 = vector.broadcast %jit3A_1106 : i32 to vector<16xi32>
    %broadcast_in_dim3A_1109 = vector.broadcast %jit3A_1107 : i32 to vector<16xi32>
    %select_n3A_1110 = arith.select %and3A_1105, %broadcast_in_dim3A_1108, %broadcast_in_dim3A_1109 : vector<16xi1>, vector<16xi32>
    %add3A_1111 = arith.addi %add3A_1091, %select_n3A_1110 : vector<16xi32>
    %jit3A_1112 = arith.constant 1 : i32
    %jit3A_1113 = arith.constant 0 : i32
    %broadcast_in_dim3A_1114 = vector.broadcast %jit3A_1112 : i32 to vector<16xi32>
    %broadcast_in_dim3A_1115 = vector.broadcast %jit3A_1113 : i32 to vector<16xi32>
    %select_n3A_1116 = arith.select %eq3A_1101, %broadcast_in_dim3A_1114, %broadcast_in_dim3A_1115 : vector<16xi1>, vector<16xi32>
    %add3A_1117 = arith.addi %add3A_1097, %select_n3A_1116 : vector<16xi32>
    %broadcast_in_dim3A_1118 = arith.constant 70 : i32
    %broadcast_in_dim3A_1119 = vector.broadcast %broadcast_in_dim3A_1118 : i32 to vector<16xi32>
    %gather3A_1120 = tpu.vector_load_idx %arg5[%broadcast_in_dim3A_1119] : memref<80xi32, #tpu.memory_space<vmem>>[vector<16xi32>], vector<16xi32>,
    %eq3A_1121 = arith.cmpi eq, %get3A_997, %gather3A_1120 : vector<16xi32>
    %gt3A_1122 = arith.constant 6 : i32
    %gt3A_1123 = vector.broadcast %gt3A_1122 : i32 to vector<16xi32>
    %gt3A_1124 = arith.cmpi sgt, %iota3A, %gt3A_1123 : vector<16xi32>
    %and3A_1125 = arith.andi %eq3A_1121, %gt3A_1124 : vector<16xi1>
    %jit3A_1126 = arith.constant 1 : i32
    %jit3A_1127 = arith.constant 0 : i32
    %broadcast_in_dim3A_1128 = vector.broadcast %jit3A_1126 : i32 to vector<16xi32>
    %broadcast_in_dim3A_1129 = vector.broadcast %jit3A_1127 : i32 to vector<16xi32>
    %select_n3A_1130 = arith.select %and3A_1125, %broadcast_in_dim3A_1128, %broadcast_in_dim3A_1129 : vector<16xi1>, vector<16xi32>
    %add3A_1131 = arith.addi %add3A_1111, %select_n3A_1130 : vector<16xi32>
    %jit3A_1132 = arith.constant 1 : i32
    %jit3A_1133 = arith.constant 0 : i32
    %broadcast_in_dim3A_1134 = vector.broadcast %jit3A_1132 : i32 to vector<16xi32>
    %broadcast_in_dim3A_1135 = vector.broadcast %jit3A_1133 : i32 to vector<16xi32>
    %select_n3A_1136 = arith.select %eq3A_1121, %broadcast_in_dim3A_1134, %broadcast_in_dim3A_1135 : vector<16xi1>, vector<16xi32>
    %add3A_1137 = arith.addi %add3A_1117, %select_n3A_1136 : vector<16xi32>
    %broadcast_in_dim3A_1138 = arith.constant 71 : i32
    %broadcast_in_dim3A_1139 = vector.broadcast %broadcast_in_dim3A_1138 : i32 to vector<16xi32>
    %gather3A_1140 = tpu.vector_load_idx %arg5[%broadcast_in_dim3A_1139] : memref<80xi32, #tpu.memory_space<vmem>>[vector<16xi32>], vector<16xi32>,
    %eq3A_1141 = arith.cmpi eq, %get3A_997, %gather3A_1140 : vector<16xi32>
    %gt3A_1142 = arith.constant 7 : i32
    %gt3A_1143 = vector.broadcast %gt3A_1142 : i32 to vector<16xi32>
    %gt3A_1144 = arith.cmpi sgt, %iota3A, %gt3A_1143 : vector<16xi32>
    %and3A_1145 = arith.andi %eq3A_1141, %gt3A_1144 : vector<16xi1>
    %jit3A_1146 = arith.constant 1 : i32
    %jit3A_1147 = arith.constant 0 : i32
    %broadcast_in_dim3A_1148 = vector.broadcast %jit3A_1146 : i32 to vector<16xi32>
    %broadcast_in_dim3A_1149 = vector.broadcast %jit3A_1147 : i32 to vector<16xi32>
    %select_n3A_1150 = arith.select %and3A_1145, %broadcast_in_dim3A_1148, %broadcast_in_dim3A_1149 : vector<16xi1>, vector<16xi32>
    %add3A_1151 = arith.addi %add3A_1131, %select_n3A_1150 : vector<16xi32>
    %jit3A_1152 = arith.constant 1 : i32
    %jit3A_1153 = arith.constant 0 : i32
    %broadcast_in_dim3A_1154 = vector.broadcast %jit3A_1152 : i32 to vector<16xi32>
    %broadcast_in_dim3A_1155 = vector.broadcast %jit3A_1153 : i32 to vector<16xi32>
    %select_n3A_1156 = arith.select %eq3A_1141, %broadcast_in_dim3A_1154, %broadcast_in_dim3A_1155 : vector<16xi1>, vector<16xi32>
    %add3A_1157 = arith.addi %add3A_1137, %select_n3A_1156 : vector<16xi32>
    %broadcast_in_dim3A_1158 = arith.constant 72 : i32
    %broadcast_in_dim3A_1159 = vector.broadcast %broadcast_in_dim3A_1158 : i32 to vector<16xi32>
    %gather3A_1160 = tpu.vector_load_idx %arg5[%broadcast_in_dim3A_1159] : memref<80xi32, #tpu.memory_space<vmem>>[vector<16xi32>], vector<16xi32>,
    %eq3A_1161 = arith.cmpi eq, %get3A_997, %gather3A_1160 : vector<16xi32>
    %gt3A_1162 = arith.constant 8 : i32
    %gt3A_1163 = vector.broadcast %gt3A_1162 : i32 to vector<16xi32>
    %gt3A_1164 = arith.cmpi sgt, %iota3A, %gt3A_1163 : vector<16xi32>
    %and3A_1165 = arith.andi %eq3A_1161, %gt3A_1164 : vector<16xi1>
    %jit3A_1166 = arith.constant 1 : i32
    %jit3A_1167 = arith.constant 0 : i32
    %broadcast_in_dim3A_1168 = vector.broadcast %jit3A_1166 : i32 to vector<16xi32>
    %broadcast_in_dim3A_1169 = vector.broadcast %jit3A_1167 : i32 to vector<16xi32>
    %select_n3A_1170 = arith.select %and3A_1165, %broadcast_in_dim3A_1168, %broadcast_in_dim3A_1169 : vector<16xi1>, vector<16xi32>
    %add3A_1171 = arith.addi %add3A_1151, %select_n3A_1170 : vector<16xi32>
    %jit3A_1172 = arith.constant 1 : i32
    %jit3A_1173 = arith.constant 0 : i32
    %broadcast_in_dim3A_1174 = vector.broadcast %jit3A_1172 : i32 to vector<16xi32>
    %broadcast_in_dim3A_1175 = vector.broadcast %jit3A_1173 : i32 to vector<16xi32>
    %select_n3A_1176 = arith.select %eq3A_1161, %broadcast_in_dim3A_1174, %broadcast_in_dim3A_1175 : vector<16xi1>, vector<16xi32>
    %add3A_1177 = arith.addi %add3A_1157, %select_n3A_1176 : vector<16xi32>
    %broadcast_in_dim3A_1178 = arith.constant 73 : i32
    %broadcast_in_dim3A_1179 = vector.broadcast %broadcast_in_dim3A_1178 : i32 to vector<16xi32>
    %gather3A_1180 = tpu.vector_load_idx %arg5[%broadcast_in_dim3A_1179] : memref<80xi32, #tpu.memory_space<vmem>>[vector<16xi32>], vector<16xi32>,
    %eq3A_1181 = arith.cmpi eq, %get3A_997, %gather3A_1180 : vector<16xi32>
    %gt3A_1182 = arith.constant 9 : i32
    %gt3A_1183 = vector.broadcast %gt3A_1182 : i32 to vector<16xi32>
    %gt3A_1184 = arith.cmpi sgt, %iota3A, %gt3A_1183 : vector<16xi32>
    %and3A_1185 = arith.andi %eq3A_1181, %gt3A_1184 : vector<16xi1>
    %jit3A_1186 = arith.constant 1 : i32
    %jit3A_1187 = arith.constant 0 : i32
    %broadcast_in_dim3A_1188 = vector.broadcast %jit3A_1186 : i32 to vector<16xi32>
    %broadcast_in_dim3A_1189 = vector.broadcast %jit3A_1187 : i32 to vector<16xi32>
    %select_n3A_1190 = arith.select %and3A_1185, %broadcast_in_dim3A_1188, %broadcast_in_dim3A_1189 : vector<16xi1>, vector<16xi32>
    %add3A_1191 = arith.addi %add3A_1171, %select_n3A_1190 : vector<16xi32>
    %jit3A_1192 = arith.constant 1 : i32
    %jit3A_1193 = arith.constant 0 : i32
    %broadcast_in_dim3A_1194 = vector.broadcast %jit3A_1192 : i32 to vector<16xi32>
    %broadcast_in_dim3A_1195 = vector.broadcast %jit3A_1193 : i32 to vector<16xi32>
    %select_n3A_1196 = arith.select %eq3A_1181, %broadcast_in_dim3A_1194, %broadcast_in_dim3A_1195 : vector<16xi1>, vector<16xi32>
    %add3A_1197 = arith.addi %add3A_1177, %select_n3A_1196 : vector<16xi32>
    %broadcast_in_dim3A_1198 = arith.constant 74 : i32
    %broadcast_in_dim3A_1199 = vector.broadcast %broadcast_in_dim3A_1198 : i32 to vector<16xi32>
    %gather3A_1200 = tpu.vector_load_idx %arg5[%broadcast_in_dim3A_1199] : memref<80xi32, #tpu.memory_space<vmem>>[vector<16xi32>], vector<16xi32>,
    %eq3A_1201 = arith.cmpi eq, %get3A_997, %gather3A_1200 : vector<16xi32>
    %gt3A_1202 = arith.constant 10 : i32
    %gt3A_1203 = vector.broadcast %gt3A_1202 : i32 to vector<16xi32>
    %gt3A_1204 = arith.cmpi sgt, %iota3A, %gt3A_1203 : vector<16xi32>
    %and3A_1205 = arith.andi %eq3A_1201, %gt3A_1204 : vector<16xi1>
    %jit3A_1206 = arith.constant 1 : i32
    %jit3A_1207 = arith.constant 0 : i32
    %broadcast_in_dim3A_1208 = vector.broadcast %jit3A_1206 : i32 to vector<16xi32>
    %broadcast_in_dim3A_1209 = vector.broadcast %jit3A_1207 : i32 to vector<16xi32>
    %select_n3A_1210 = arith.select %and3A_1205, %broadcast_in_dim3A_1208, %broadcast_in_dim3A_1209 : vector<16xi1>, vector<16xi32>
    %add3A_1211 = arith.addi %add3A_1191, %select_n3A_1210 : vector<16xi32>
    %jit3A_1212 = arith.constant 1 : i32
    %jit3A_1213 = arith.constant 0 : i32
    %broadcast_in_dim3A_1214 = vector.broadcast %jit3A_1212 : i32 to vector<16xi32>
    %broadcast_in_dim3A_1215 = vector.broadcast %jit3A_1213 : i32 to vector<16xi32>
    %select_n3A_1216 = arith.select %eq3A_1201, %broadcast_in_dim3A_1214, %broadcast_in_dim3A_1215 : vector<16xi1>, vector<16xi32>
    %add3A_1217 = arith.addi %add3A_1197, %select_n3A_1216 : vector<16xi32>
    %broadcast_in_dim3A_1218 = arith.constant 75 : i32
    %broadcast_in_dim3A_1219 = vector.broadcast %broadcast_in_dim3A_1218 : i32 to vector<16xi32>
    %gather3A_1220 = tpu.vector_load_idx %arg5[%broadcast_in_dim3A_1219] : memref<80xi32, #tpu.memory_space<vmem>>[vector<16xi32>], vector<16xi32>,
    %eq3A_1221 = arith.cmpi eq, %get3A_997, %gather3A_1220 : vector<16xi32>
    %gt3A_1222 = arith.constant 11 : i32
    %gt3A_1223 = vector.broadcast %gt3A_1222 : i32 to vector<16xi32>
    %gt3A_1224 = arith.cmpi sgt, %iota3A, %gt3A_1223 : vector<16xi32>
    %and3A_1225 = arith.andi %eq3A_1221, %gt3A_1224 : vector<16xi1>
    %jit3A_1226 = arith.constant 1 : i32
    %jit3A_1227 = arith.constant 0 : i32
    %broadcast_in_dim3A_1228 = vector.broadcast %jit3A_1226 : i32 to vector<16xi32>
    %broadcast_in_dim3A_1229 = vector.broadcast %jit3A_1227 : i32 to vector<16xi32>
    %select_n3A_1230 = arith.select %and3A_1225, %broadcast_in_dim3A_1228, %broadcast_in_dim3A_1229 : vector<16xi1>, vector<16xi32>
    %add3A_1231 = arith.addi %add3A_1211, %select_n3A_1230 : vector<16xi32>
    %jit3A_1232 = arith.constant 1 : i32
    %jit3A_1233 = arith.constant 0 : i32
    %broadcast_in_dim3A_1234 = vector.broadcast %jit3A_1232 : i32 to vector<16xi32>
    %broadcast_in_dim3A_1235 = vector.broadcast %jit3A_1233 : i32 to vector<16xi32>
    %select_n3A_1236 = arith.select %eq3A_1221, %broadcast_in_dim3A_1234, %broadcast_in_dim3A_1235 : vector<16xi1>, vector<16xi32>
    %add3A_1237 = arith.addi %add3A_1217, %select_n3A_1236 : vector<16xi32>
    %broadcast_in_dim3A_1238 = arith.constant 76 : i32
    %broadcast_in_dim3A_1239 = vector.broadcast %broadcast_in_dim3A_1238 : i32 to vector<16xi32>
    %gather3A_1240 = tpu.vector_load_idx %arg5[%broadcast_in_dim3A_1239] : memref<80xi32, #tpu.memory_space<vmem>>[vector<16xi32>], vector<16xi32>,
    %eq3A_1241 = arith.cmpi eq, %get3A_997, %gather3A_1240 : vector<16xi32>
    %gt3A_1242 = arith.constant 12 : i32
    %gt3A_1243 = vector.broadcast %gt3A_1242 : i32 to vector<16xi32>
    %gt3A_1244 = arith.cmpi sgt, %iota3A, %gt3A_1243 : vector<16xi32>
    %and3A_1245 = arith.andi %eq3A_1241, %gt3A_1244 : vector<16xi1>
    %jit3A_1246 = arith.constant 1 : i32
    %jit3A_1247 = arith.constant 0 : i32
    %broadcast_in_dim3A_1248 = vector.broadcast %jit3A_1246 : i32 to vector<16xi32>
    %broadcast_in_dim3A_1249 = vector.broadcast %jit3A_1247 : i32 to vector<16xi32>
    %select_n3A_1250 = arith.select %and3A_1245, %broadcast_in_dim3A_1248, %broadcast_in_dim3A_1249 : vector<16xi1>, vector<16xi32>
    %add3A_1251 = arith.addi %add3A_1231, %select_n3A_1250 : vector<16xi32>
    %jit3A_1252 = arith.constant 1 : i32
    %jit3A_1253 = arith.constant 0 : i32
    %broadcast_in_dim3A_1254 = vector.broadcast %jit3A_1252 : i32 to vector<16xi32>
    %broadcast_in_dim3A_1255 = vector.broadcast %jit3A_1253 : i32 to vector<16xi32>
    %select_n3A_1256 = arith.select %eq3A_1241, %broadcast_in_dim3A_1254, %broadcast_in_dim3A_1255 : vector<16xi1>, vector<16xi32>
    %add3A_1257 = arith.addi %add3A_1237, %select_n3A_1256 : vector<16xi32>
    %broadcast_in_dim3A_1258 = arith.constant 77 : i32
    %broadcast_in_dim3A_1259 = vector.broadcast %broadcast_in_dim3A_1258 : i32 to vector<16xi32>
    %gather3A_1260 = tpu.vector_load_idx %arg5[%broadcast_in_dim3A_1259] : memref<80xi32, #tpu.memory_space<vmem>>[vector<16xi32>], vector<16xi32>,
    %eq3A_1261 = arith.cmpi eq, %get3A_997, %gather3A_1260 : vector<16xi32>
    %gt3A_1262 = arith.constant 13 : i32
    %gt3A_1263 = vector.broadcast %gt3A_1262 : i32 to vector<16xi32>
    %gt3A_1264 = arith.cmpi sgt, %iota3A, %gt3A_1263 : vector<16xi32>
    %and3A_1265 = arith.andi %eq3A_1261, %gt3A_1264 : vector<16xi1>
    %jit3A_1266 = arith.constant 1 : i32
    %jit3A_1267 = arith.constant 0 : i32
    %broadcast_in_dim3A_1268 = vector.broadcast %jit3A_1266 : i32 to vector<16xi32>
    %broadcast_in_dim3A_1269 = vector.broadcast %jit3A_1267 : i32 to vector<16xi32>
    %select_n3A_1270 = arith.select %and3A_1265, %broadcast_in_dim3A_1268, %broadcast_in_dim3A_1269 : vector<16xi1>, vector<16xi32>
    %add3A_1271 = arith.addi %add3A_1251, %select_n3A_1270 : vector<16xi32>
    %jit3A_1272 = arith.constant 1 : i32
    %jit3A_1273 = arith.constant 0 : i32
    %broadcast_in_dim3A_1274 = vector.broadcast %jit3A_1272 : i32 to vector<16xi32>
    %broadcast_in_dim3A_1275 = vector.broadcast %jit3A_1273 : i32 to vector<16xi32>
    %select_n3A_1276 = arith.select %eq3A_1261, %broadcast_in_dim3A_1274, %broadcast_in_dim3A_1275 : vector<16xi1>, vector<16xi32>
    %add3A_1277 = arith.addi %add3A_1257, %select_n3A_1276 : vector<16xi32>
    %broadcast_in_dim3A_1278 = arith.constant 78 : i32
    %broadcast_in_dim3A_1279 = vector.broadcast %broadcast_in_dim3A_1278 : i32 to vector<16xi32>
    %gather3A_1280 = tpu.vector_load_idx %arg5[%broadcast_in_dim3A_1279] : memref<80xi32, #tpu.memory_space<vmem>>[vector<16xi32>], vector<16xi32>,
    %eq3A_1281 = arith.cmpi eq, %get3A_997, %gather3A_1280 : vector<16xi32>
    %gt3A_1282 = arith.constant 14 : i32
    %gt3A_1283 = vector.broadcast %gt3A_1282 : i32 to vector<16xi32>
    %gt3A_1284 = arith.cmpi sgt, %iota3A, %gt3A_1283 : vector<16xi32>
    %and3A_1285 = arith.andi %eq3A_1281, %gt3A_1284 : vector<16xi1>
    %jit3A_1286 = arith.constant 1 : i32
    %jit3A_1287 = arith.constant 0 : i32
    %broadcast_in_dim3A_1288 = vector.broadcast %jit3A_1286 : i32 to vector<16xi32>
    %broadcast_in_dim3A_1289 = vector.broadcast %jit3A_1287 : i32 to vector<16xi32>
    %select_n3A_1290 = arith.select %and3A_1285, %broadcast_in_dim3A_1288, %broadcast_in_dim3A_1289 : vector<16xi1>, vector<16xi32>
    %add3A_1291 = arith.addi %add3A_1271, %select_n3A_1290 : vector<16xi32>
    %jit3A_1292 = arith.constant 1 : i32
    %jit3A_1293 = arith.constant 0 : i32
    %broadcast_in_dim3A_1294 = vector.broadcast %jit3A_1292 : i32 to vector<16xi32>
    %broadcast_in_dim3A_1295 = vector.broadcast %jit3A_1293 : i32 to vector<16xi32>
    %select_n3A_1296 = arith.select %eq3A_1281, %broadcast_in_dim3A_1294, %broadcast_in_dim3A_1295 : vector<16xi1>, vector<16xi32>
    %add3A_1297 = arith.addi %add3A_1277, %select_n3A_1296 : vector<16xi32>
    %broadcast_in_dim3A_1298 = arith.constant 79 : i32
    %broadcast_in_dim3A_1299 = vector.broadcast %broadcast_in_dim3A_1298 : i32 to vector<16xi32>
    %gather3A_1300 = tpu.vector_load_idx %arg5[%broadcast_in_dim3A_1299] : memref<80xi32, #tpu.memory_space<vmem>>[vector<16xi32>], vector<16xi32>,
    %eq3A_1301 = arith.cmpi eq, %get3A_997, %gather3A_1300 : vector<16xi32>
    %gt3A_1302 = arith.constant 15 : i32
    %gt3A_1303 = vector.broadcast %gt3A_1302 : i32 to vector<16xi32>
    %gt3A_1304 = arith.cmpi sgt, %iota3A, %gt3A_1303 : vector<16xi32>
    %and3A_1305 = arith.andi %eq3A_1301, %gt3A_1304 : vector<16xi1>
    %jit3A_1306 = arith.constant 1 : i32
    %jit3A_1307 = arith.constant 0 : i32
    %broadcast_in_dim3A_1308 = vector.broadcast %jit3A_1306 : i32 to vector<16xi32>
    %broadcast_in_dim3A_1309 = vector.broadcast %jit3A_1307 : i32 to vector<16xi32>
    %select_n3A_1310 = arith.select %and3A_1305, %broadcast_in_dim3A_1308, %broadcast_in_dim3A_1309 : vector<16xi1>, vector<16xi32>
    %add3A_1311 = arith.addi %add3A_1291, %select_n3A_1310 : vector<16xi32>
    %jit3A_1312 = arith.constant 1 : i32
    %jit3A_1313 = arith.constant 0 : i32
    %broadcast_in_dim3A_1314 = vector.broadcast %jit3A_1312 : i32 to vector<16xi32>
    %broadcast_in_dim3A_1315 = vector.broadcast %jit3A_1313 : i32 to vector<16xi32>
    %select_n3A_1316 = arith.select %eq3A_1301, %broadcast_in_dim3A_1314, %broadcast_in_dim3A_1315 : vector<16xi1>, vector<16xi32>
    %add3A_1317 = arith.addi %add3A_1297, %select_n3A_1316 : vector<16xi32>
    %gather3A_1318 = tpu.vector_load_idx %arg7[%get3A_997] : memref<64xi32, #tpu.memory_space<vmem>>[vector<16xi32>], vector<16xi32>,
    %add3A_1319 = arith.addi %gather3A_1318, %add3A_1311 : vector<16xi32>
    %swap3A_1320 = arith.constant 48 : index
    %swap3A_1321 = tpu.vector_load %arg6[%swap3A_1320] {strides = array<i32>} : memref<64xi32, #tpu.memory_space<vmem>>, vector<16xi32>,
    tpu.vector_store %arg6[%swap3A_1320], %add3A_1319 {strides = array<i32>} : memref<64xi32, #tpu.memory_space<vmem>>, vector<16xi32>,
    %add3A_1322 = arith.addi %gather3A_1318, %add3A_1317 : vector<16xi32>
    %sub3A_1323 = arith.subi %add3A_1317, %add3A_1311 : vector<16xi32>
    %eq3A_1324 = arith.constant 1 : i32
    %eq3A_1325 = vector.broadcast %eq3A_1324 : i32 to vector<16xi32>
    %eq3A_1326 = arith.cmpi eq, %sub3A_1323, %eq3A_1325 : vector<16xi32>
    tpu.vector_store_idx %arg7[%get3A_997], %add3A_1322 masked %eq3A_1326 : memref<64xi32, #tpu.memory_space<vmem>>[vector<16xi32>], vector<16xi32>, vector<16xi1>
    "tpu.region"() ({
      %run_scoped3A = tpu.sem_alloc : memref<!tpu.dma_semaphore, #tpu.memory_space<semaphore_mem>>
      %dma_start3A = tpu.memref_slice %arg3[%mul3A_2] : memref<2048xi32, #tpu.memory_space<hbm>> -> memref<64xi32, #tpu.memory_space<hbm>>
      %dma_start3A_1327 = tpu.memref_slice %arg3[%mul3A_2] : memref<2048xi32, #tpu.memory_space<hbm>> -> memref<64xi32, #tpu.memory_space<hbm>>
      tpu.enqueue_dma source(%arg6 : memref<64xi32, #tpu.memory_space<vmem>>) target(%dma_start3A_1327 : memref<64xi32, #tpu.memory_space<hbm>>) target_semaphore(%run_scoped3A : memref<!tpu.dma_semaphore, #tpu.memory_space<semaphore_mem>>)
      %dma_wait3A = tpu.memref_slice %arg3[%mul3A_2] : memref<2048xi32, #tpu.memory_space<hbm>> -> memref<64xi32, #tpu.memory_space<hbm>>
      %dma_wait3A_1328 = tpu.memref_slice %arg3[%mul3A_2] : memref<2048xi32, #tpu.memory_space<hbm>> -> memref<64xi32, #tpu.memory_space<hbm>>
      tpu.wait_dma2 semaphore(%run_scoped3A : memref<!tpu.dma_semaphore, #tpu.memory_space<semaphore_mem>>) src(%arg6 : memref<64xi32, #tpu.memory_space<vmem>>) dst(%dma_wait3A_1328 : memref<64xi32, #tpu.memory_space<hbm>>)
      tpu.yield
    }) : () -> ()
    "tpu.region"() ({
      %run_scoped3A = tpu.sem_alloc : memref<!tpu.dma_semaphore, #tpu.memory_space<semaphore_mem>>
      %dma_start3A = arith.constant 0 : i32
      %dma_start3A_1327 = tpu.memref_slice %arg4[%add3A, %dma_start3A] : memref<32x64xi32, #tpu.memory_space<hbm>> -> memref<1x64xi32, #tpu.memory_space<hbm>>
      %dma_start3A_1328 = tpu.memref_squeeze %dma_start3A_1327 : memref<1x64xi32, #tpu.memory_space<hbm>> -> memref<64xi32, #tpu.memory_space<hbm>>
      %dma_start3A_1329 = arith.constant 0 : i32
      %dma_start3A_1330 = tpu.memref_slice %arg4[%add3A, %dma_start3A_1329] : memref<32x64xi32, #tpu.memory_space<hbm>> -> memref<1x64xi32, #tpu.memory_space<hbm>>
      %dma_start3A_1331 = tpu.memref_squeeze %dma_start3A_1330 : memref<1x64xi32, #tpu.memory_space<hbm>> -> memref<64xi32, #tpu.memory_space<hbm>>
      tpu.enqueue_dma source(%arg7 : memref<64xi32, #tpu.memory_space<vmem>>) target(%dma_start3A_1331 : memref<64xi32, #tpu.memory_space<hbm>>) target_semaphore(%run_scoped3A : memref<!tpu.dma_semaphore, #tpu.memory_space<semaphore_mem>>)
      %dma_wait3A = arith.constant 0 : i32
      %dma_wait3A_1332 = tpu.memref_slice %arg4[%add3A, %dma_wait3A] : memref<32x64xi32, #tpu.memory_space<hbm>> -> memref<1x64xi32, #tpu.memory_space<hbm>>
      %dma_wait3A_1333 = tpu.memref_squeeze %dma_wait3A_1332 : memref<1x64xi32, #tpu.memory_space<hbm>> -> memref<64xi32, #tpu.memory_space<hbm>>
      %dma_wait3A_1334 = arith.constant 0 : i32
      %dma_wait3A_1335 = tpu.memref_slice %arg4[%add3A, %dma_wait3A_1334] : memref<32x64xi32, #tpu.memory_space<hbm>> -> memref<1x64xi32, #tpu.memory_space<hbm>>
      %dma_wait3A_1336 = tpu.memref_squeeze %dma_wait3A_1335 : memref<1x64xi32, #tpu.memory_space<hbm>> -> memref<64xi32, #tpu.memory_space<hbm>>
      tpu.wait_dma2 semaphore(%run_scoped3A : memref<!tpu.dma_semaphore, #tpu.memory_space<semaphore_mem>>) src(%arg7 : memref<64xi32, #tpu.memory_space<vmem>>) dst(%dma_wait3A_1336 : memref<64xi32, #tpu.memory_space<hbm>>)
      tpu.yield
    }) : () -> ()
    return
  }
}

#map = affine_map<(d0, d1) -> (0)>
#map1 = affine_map<(d0, d1) -> (0, 0)>
module attributes {stable_mosaic.version = 14 : i64} {
  func.func @k2(%arg0: i32, %arg1: i32, %arg2: memref<2048xi32, #tpu.memory_space<hbm>>, %arg3: memref<2048xi32, #tpu.memory_space<hbm>>, %arg4: memref<32x64xi32, #tpu.memory_space<hbm>>, %arg5: memref<2048x1024xf32, #tpu.memory_space<hbm>>, %arg6: memref<2048xf32, #tpu.memory_space<hbm>>, %arg7: memref<2048xi32, #tpu.memory_space<hbm>>, %arg8: memref<80xi32, #tpu.memory_space<hbm>>, %arg9: memref<2048x1152xf32, #tpu.memory_space<hbm>>, %arg10: memref<64xi32, #tpu.memory_space<vmem>>, %arg11: memref<64xi32, #tpu.memory_space<vmem>>, %arg12: memref<64xi32, #tpu.memory_space<vmem>>, %arg13: memref<32x64xi32, #tpu.memory_space<vmem>>, %arg14: memref<64xi32, #tpu.memory_space<vmem>>, %arg15: memref<64xi32, #tpu.memory_space<vmem>>, %arg16: memref<80xi32, #tpu.memory_space<vmem>>, %arg17: memref<16xi32, #tpu.memory_space<vmem>>, %arg18: memref<16xi32, #tpu.memory_space<vmem>>, %arg19: memref<64x1152xf32, #tpu.memory_space<vmem>>, %arg20: memref<64xf32, #tpu.memory_space<vmem>>, %arg21: memref<!tpu.dma_semaphore, #tpu.memory_space<semaphore_mem>>) attributes {dimension_semantics = [#tpu.dimension_semantics<core_parallel>, #tpu.dimension_semantics<subcore_parallel>], iteration_bounds = array<i64: 2, 16>, scalar_prefetch = 0 : i64, scratch_operands = 12 : i64, tpu.core_type = #tpu.core_type<sc_vector_subcore>, window_params = [{transform_indices = #map}, {transform_indices = #map}, {transform_indices = #map1}, {transform_indices = #map1}, {transform_indices = #map}, {transform_indices = #map}, {transform_indices = #map}, {transform_indices = #map1}]} {
    %mul3A = arith.constant 2 : i32
    %mul3A_0 = arith.muli %arg1, %mul3A : i32
    %add3A = arith.addi %mul3A_0, %arg0 : i32
    %mul3A_1 = arith.constant 64 : i32
    %mul3A_2 = arith.muli %add3A, %mul3A_1 : i32
    %iota3A = tpu.iota {dimensions = array<i32: 0>} : vector<16xi32>
    %broadcast_in_dim3A = arith.constant 0 : i32
    %broadcast_in_dim3A_3 = vector.broadcast %broadcast_in_dim3A : i32 to vector<16xi32>
    "tpu.region"() ({
      %run_scoped3A = tpu.sem_alloc : memref<!tpu.dma_semaphore, #tpu.memory_space<semaphore_mem>>
      %dma_start3A_1424 = tpu.memref_slice %arg2[%mul3A_2] : memref<2048xi32, #tpu.memory_space<hbm>> -> memref<64xi32, #tpu.memory_space<hbm>>
      %dma_start3A_1425 = tpu.memref_slice %arg2[%mul3A_2] : memref<2048xi32, #tpu.memory_space<hbm>> -> memref<64xi32, #tpu.memory_space<hbm>>
      tpu.enqueue_dma source(%dma_start3A_1425 : memref<64xi32, #tpu.memory_space<hbm>>) target(%arg10 : memref<64xi32, #tpu.memory_space<vmem>>) target_semaphore(%run_scoped3A : memref<!tpu.dma_semaphore, #tpu.memory_space<semaphore_mem>>)
      %dma_wait3A_1426 = tpu.memref_slice %arg2[%mul3A_2] : memref<2048xi32, #tpu.memory_space<hbm>> -> memref<64xi32, #tpu.memory_space<hbm>>
      %dma_wait3A_1427 = tpu.memref_slice %arg2[%mul3A_2] : memref<2048xi32, #tpu.memory_space<hbm>> -> memref<64xi32, #tpu.memory_space<hbm>>
      tpu.wait_dma2 semaphore(%run_scoped3A : memref<!tpu.dma_semaphore, #tpu.memory_space<semaphore_mem>>) src(%dma_wait3A_1427 : memref<64xi32, #tpu.memory_space<hbm>>) dst(%arg10 : memref<64xi32, #tpu.memory_space<vmem>>)
      tpu.yield
    }) : () -> ()
    "tpu.region"() ({
      %run_scoped3A = tpu.sem_alloc : memref<!tpu.dma_semaphore, #tpu.memory_space<semaphore_mem>>
      %dma_start3A_1424 = tpu.memref_slice %arg3[%mul3A_2] : memref<2048xi32, #tpu.memory_space<hbm>> -> memref<64xi32, #tpu.memory_space<hbm>>
      %dma_start3A_1425 = tpu.memref_slice %arg3[%mul3A_2] : memref<2048xi32, #tpu.memory_space<hbm>> -> memref<64xi32, #tpu.memory_space<hbm>>
      tpu.enqueue_dma source(%dma_start3A_1425 : memref<64xi32, #tpu.memory_space<hbm>>) target(%arg11 : memref<64xi32, #tpu.memory_space<vmem>>) target_semaphore(%run_scoped3A : memref<!tpu.dma_semaphore, #tpu.memory_space<semaphore_mem>>)
      %dma_wait3A_1426 = tpu.memref_slice %arg3[%mul3A_2] : memref<2048xi32, #tpu.memory_space<hbm>> -> memref<64xi32, #tpu.memory_space<hbm>>
      %dma_wait3A_1427 = tpu.memref_slice %arg3[%mul3A_2] : memref<2048xi32, #tpu.memory_space<hbm>> -> memref<64xi32, #tpu.memory_space<hbm>>
      tpu.wait_dma2 semaphore(%run_scoped3A : memref<!tpu.dma_semaphore, #tpu.memory_space<semaphore_mem>>) src(%dma_wait3A_1427 : memref<64xi32, #tpu.memory_space<hbm>>) dst(%arg11 : memref<64xi32, #tpu.memory_space<vmem>>)
      tpu.yield
    }) : () -> ()
    "tpu.region"() ({
      %run_scoped3A = tpu.sem_alloc : memref<!tpu.dma_semaphore, #tpu.memory_space<semaphore_mem>>
      tpu.enqueue_dma source(%arg4 : memref<32x64xi32, #tpu.memory_space<hbm>>) target(%arg13 : memref<32x64xi32, #tpu.memory_space<vmem>>) target_semaphore(%run_scoped3A : memref<!tpu.dma_semaphore, #tpu.memory_space<semaphore_mem>>)
      tpu.wait_dma2 semaphore(%run_scoped3A : memref<!tpu.dma_semaphore, #tpu.memory_space<semaphore_mem>>) src(%arg4 : memref<32x64xi32, #tpu.memory_space<hbm>>) dst(%arg13 : memref<32x64xi32, #tpu.memory_space<vmem>>)
      tpu.yield
    }) : () -> ()
    %swap3A = arith.constant 0 : index
    %swap3A_4 = tpu.vector_load %arg18[%swap3A] {strides = array<i32>} : memref<16xi32, #tpu.memory_space<vmem>>, vector<16xi32>,
    tpu.vector_store %arg18[%swap3A], %broadcast_in_dim3A_3 {strides = array<i32>} : memref<16xi32, #tpu.memory_space<vmem>>, vector<16xi32>,
    %swap3A_5 = arith.constant 0 : index
    %swap3A_6 = tpu.vector_load %arg15[%swap3A_5] {strides = array<i32>} : memref<64xi32, #tpu.memory_space<vmem>>, vector<16xi32>,
    tpu.vector_store %arg15[%swap3A_5], %broadcast_in_dim3A_3 {strides = array<i32>} : memref<64xi32, #tpu.memory_space<vmem>>, vector<16xi32>,
    %get3A = arith.constant 0 : i32
    %get3A_7 = arith.index_cast %get3A : i32 to index
    %get3A_8 = arith.constant 0 : index
    %get3A_9 = tpu.vector_load %arg13[%get3A_7, %get3A_8] {strides = array<i32>} : memref<32x64xi32, #tpu.memory_space<vmem>>, vector<16xi32>,
    %add3A_10 = arith.addi %broadcast_in_dim3A_3, %get3A_9 : vector<16xi32>
    %gt3A = arith.constant 0 : i32
    %gt3A_11 = arith.cmpi sgt, %add3A, %gt3A : i32
    %convert_element_type3A = arith.extui %gt3A_11 : i1 to i32
    %cond3A = arith.constant 0 : i32
    %cond3A_12 = arith.cmpi ne, %convert_element_type3A, %cond3A : i32
    scf.if %cond3A_12 {
      %get3A_1424 = arith.constant 0 : index
      %get3A_1425 = tpu.vector_load %arg15[%get3A_1424] {strides = array<i32>} : memref<64xi32, #tpu.memory_space<vmem>>, vector<16xi32>,
      %add3A_1426 = arith.addi %get3A_1425, %get3A_9 : vector<16xi32>
      %swap3A_1427 = arith.constant 0 : index
      %swap3A_1428 = tpu.vector_load %arg15[%swap3A_1427] {strides = array<i32>} : memref<64xi32, #tpu.memory_space<vmem>>, vector<16xi32>,
      tpu.vector_store %arg15[%swap3A_1427], %add3A_1426 {strides = array<i32>} : memref<64xi32, #tpu.memory_space<vmem>>, vector<16xi32>,
    } else {
    }
    %get3A_13 = arith.constant 1 : i32
    %get3A_14 = arith.index_cast %get3A_13 : i32 to index
    %get3A_15 = arith.constant 0 : index
    %get3A_16 = tpu.vector_load %arg13[%get3A_14, %get3A_15] {strides = array<i32>} : memref<32x64xi32, #tpu.memory_space<vmem>>, vector<16xi32>,
    %add3A_17 = arith.addi %add3A_10, %get3A_16 : vector<16xi32>
    %gt3A_18 = arith.constant 1 : i32
    %gt3A_19 = arith.cmpi sgt, %add3A, %gt3A_18 : i32
    %convert_element_type3A_20 = arith.extui %gt3A_19 : i1 to i32
    %cond3A_21 = arith.constant 0 : i32
    %cond3A_22 = arith.cmpi ne, %convert_element_type3A_20, %cond3A_21 : i32
    scf.if %cond3A_22 {
      %get3A_1424 = arith.constant 0 : index
      %get3A_1425 = tpu.vector_load %arg15[%get3A_1424] {strides = array<i32>} : memref<64xi32, #tpu.memory_space<vmem>>, vector<16xi32>,
      %add3A_1426 = arith.addi %get3A_1425, %get3A_16 : vector<16xi32>
      %swap3A_1427 = arith.constant 0 : index
      %swap3A_1428 = tpu.vector_load %arg15[%swap3A_1427] {strides = array<i32>} : memref<64xi32, #tpu.memory_space<vmem>>, vector<16xi32>,
      tpu.vector_store %arg15[%swap3A_1427], %add3A_1426 {strides = array<i32>} : memref<64xi32, #tpu.memory_space<vmem>>, vector<16xi32>,
    } else {
    }
    %get3A_23 = arith.constant 2 : i32
    %get3A_24 = arith.index_cast %get3A_23 : i32 to index
    %get3A_25 = arith.constant 0 : index
    %get3A_26 = tpu.vector_load %arg13[%get3A_24, %get3A_25] {strides = array<i32>} : memref<32x64xi32, #tpu.memory_space<vmem>>, vector<16xi32>,
    %add3A_27 = arith.addi %add3A_17, %get3A_26 : vector<16xi32>
    %gt3A_28 = arith.constant 2 : i32
    %gt3A_29 = arith.cmpi sgt, %add3A, %gt3A_28 : i32
    %convert_element_type3A_30 = arith.extui %gt3A_29 : i1 to i32
    %cond3A_31 = arith.constant 0 : i32
    %cond3A_32 = arith.cmpi ne, %convert_element_type3A_30, %cond3A_31 : i32
    scf.if %cond3A_32 {
      %get3A_1424 = arith.constant 0 : index
      %get3A_1425 = tpu.vector_load %arg15[%get3A_1424] {strides = array<i32>} : memref<64xi32, #tpu.memory_space<vmem>>, vector<16xi32>,
      %add3A_1426 = arith.addi %get3A_1425, %get3A_26 : vector<16xi32>
      %swap3A_1427 = arith.constant 0 : index
      %swap3A_1428 = tpu.vector_load %arg15[%swap3A_1427] {strides = array<i32>} : memref<64xi32, #tpu.memory_space<vmem>>, vector<16xi32>,
      tpu.vector_store %arg15[%swap3A_1427], %add3A_1426 {strides = array<i32>} : memref<64xi32, #tpu.memory_space<vmem>>, vector<16xi32>,
    } else {
    }
    %get3A_33 = arith.constant 3 : i32
    %get3A_34 = arith.index_cast %get3A_33 : i32 to index
    %get3A_35 = arith.constant 0 : index
    %get3A_36 = tpu.vector_load %arg13[%get3A_34, %get3A_35] {strides = array<i32>} : memref<32x64xi32, #tpu.memory_space<vmem>>, vector<16xi32>,
    %add3A_37 = arith.addi %add3A_27, %get3A_36 : vector<16xi32>
    %gt3A_38 = arith.constant 3 : i32
    %gt3A_39 = arith.cmpi sgt, %add3A, %gt3A_38 : i32
    %convert_element_type3A_40 = arith.extui %gt3A_39 : i1 to i32
    %cond3A_41 = arith.constant 0 : i32
    %cond3A_42 = arith.cmpi ne, %convert_element_type3A_40, %cond3A_41 : i32
    scf.if %cond3A_42 {
      %get3A_1424 = arith.constant 0 : index
      %get3A_1425 = tpu.vector_load %arg15[%get3A_1424] {strides = array<i32>} : memref<64xi32, #tpu.memory_space<vmem>>, vector<16xi32>,
      %add3A_1426 = arith.addi %get3A_1425, %get3A_36 : vector<16xi32>
      %swap3A_1427 = arith.constant 0 : index
      %swap3A_1428 = tpu.vector_load %arg15[%swap3A_1427] {strides = array<i32>} : memref<64xi32, #tpu.memory_space<vmem>>, vector<16xi32>,
      tpu.vector_store %arg15[%swap3A_1427], %add3A_1426 {strides = array<i32>} : memref<64xi32, #tpu.memory_space<vmem>>, vector<16xi32>,
    } else {
    }
    %get3A_43 = arith.constant 4 : i32
    %get3A_44 = arith.index_cast %get3A_43 : i32 to index
    %get3A_45 = arith.constant 0 : index
    %get3A_46 = tpu.vector_load %arg13[%get3A_44, %get3A_45] {strides = array<i32>} : memref<32x64xi32, #tpu.memory_space<vmem>>, vector<16xi32>,
    %add3A_47 = arith.addi %add3A_37, %get3A_46 : vector<16xi32>
    %gt3A_48 = arith.constant 4 : i32
    %gt3A_49 = arith.cmpi sgt, %add3A, %gt3A_48 : i32
    %convert_element_type3A_50 = arith.extui %gt3A_49 : i1 to i32
    %cond3A_51 = arith.constant 0 : i32
    %cond3A_52 = arith.cmpi ne, %convert_element_type3A_50, %cond3A_51 : i32
    scf.if %cond3A_52 {
      %get3A_1424 = arith.constant 0 : index
      %get3A_1425 = tpu.vector_load %arg15[%get3A_1424] {strides = array<i32>} : memref<64xi32, #tpu.memory_space<vmem>>, vector<16xi32>,
      %add3A_1426 = arith.addi %get3A_1425, %get3A_46 : vector<16xi32>
      %swap3A_1427 = arith.constant 0 : index
      %swap3A_1428 = tpu.vector_load %arg15[%swap3A_1427] {strides = array<i32>} : memref<64xi32, #tpu.memory_space<vmem>>, vector<16xi32>,
      tpu.vector_store %arg15[%swap3A_1427], %add3A_1426 {strides = array<i32>} : memref<64xi32, #tpu.memory_space<vmem>>, vector<16xi32>,
    } else {
    }
    %get3A_53 = arith.constant 5 : i32
    %get3A_54 = arith.index_cast %get3A_53 : i32 to index
    %get3A_55 = arith.constant 0 : index
    %get3A_56 = tpu.vector_load %arg13[%get3A_54, %get3A_55] {strides = array<i32>} : memref<32x64xi32, #tpu.memory_space<vmem>>, vector<16xi32>,
    %add3A_57 = arith.addi %add3A_47, %get3A_56 : vector<16xi32>
    %gt3A_58 = arith.constant 5 : i32
    %gt3A_59 = arith.cmpi sgt, %add3A, %gt3A_58 : i32
    %convert_element_type3A_60 = arith.extui %gt3A_59 : i1 to i32
    %cond3A_61 = arith.constant 0 : i32
    %cond3A_62 = arith.cmpi ne, %convert_element_type3A_60, %cond3A_61 : i32
    scf.if %cond3A_62 {
      %get3A_1424 = arith.constant 0 : index
      %get3A_1425 = tpu.vector_load %arg15[%get3A_1424] {strides = array<i32>} : memref<64xi32, #tpu.memory_space<vmem>>, vector<16xi32>,
      %add3A_1426 = arith.addi %get3A_1425, %get3A_56 : vector<16xi32>
      %swap3A_1427 = arith.constant 0 : index
      %swap3A_1428 = tpu.vector_load %arg15[%swap3A_1427] {strides = array<i32>} : memref<64xi32, #tpu.memory_space<vmem>>, vector<16xi32>,
      tpu.vector_store %arg15[%swap3A_1427], %add3A_1426 {strides = array<i32>} : memref<64xi32, #tpu.memory_space<vmem>>, vector<16xi32>,
    } else {
    }
    %get3A_63 = arith.constant 6 : i32
    %get3A_64 = arith.index_cast %get3A_63 : i32 to index
    %get3A_65 = arith.constant 0 : index
    %get3A_66 = tpu.vector_load %arg13[%get3A_64, %get3A_65] {strides = array<i32>} : memref<32x64xi32, #tpu.memory_space<vmem>>, vector<16xi32>,
    %add3A_67 = arith.addi %add3A_57, %get3A_66 : vector<16xi32>
    %gt3A_68 = arith.constant 6 : i32
    %gt3A_69 = arith.cmpi sgt, %add3A, %gt3A_68 : i32
    %convert_element_type3A_70 = arith.extui %gt3A_69 : i1 to i32
    %cond3A_71 = arith.constant 0 : i32
    %cond3A_72 = arith.cmpi ne, %convert_element_type3A_70, %cond3A_71 : i32
    scf.if %cond3A_72 {
      %get3A_1424 = arith.constant 0 : index
      %get3A_1425 = tpu.vector_load %arg15[%get3A_1424] {strides = array<i32>} : memref<64xi32, #tpu.memory_space<vmem>>, vector<16xi32>,
      %add3A_1426 = arith.addi %get3A_1425, %get3A_66 : vector<16xi32>
      %swap3A_1427 = arith.constant 0 : index
      %swap3A_1428 = tpu.vector_load %arg15[%swap3A_1427] {strides = array<i32>} : memref<64xi32, #tpu.memory_space<vmem>>, vector<16xi32>,
      tpu.vector_store %arg15[%swap3A_1427], %add3A_1426 {strides = array<i32>} : memref<64xi32, #tpu.memory_space<vmem>>, vector<16xi32>,
    } else {
    }
    %get3A_73 = arith.constant 7 : i32
    %get3A_74 = arith.index_cast %get3A_73 : i32 to index
    %get3A_75 = arith.constant 0 : index
    %get3A_76 = tpu.vector_load %arg13[%get3A_74, %get3A_75] {strides = array<i32>} : memref<32x64xi32, #tpu.memory_space<vmem>>, vector<16xi32>,
    %add3A_77 = arith.addi %add3A_67, %get3A_76 : vector<16xi32>
    %gt3A_78 = arith.constant 7 : i32
    %gt3A_79 = arith.cmpi sgt, %add3A, %gt3A_78 : i32
    %convert_element_type3A_80 = arith.extui %gt3A_79 : i1 to i32
    %cond3A_81 = arith.constant 0 : i32
    %cond3A_82 = arith.cmpi ne, %convert_element_type3A_80, %cond3A_81 : i32
    scf.if %cond3A_82 {
      %get3A_1424 = arith.constant 0 : index
      %get3A_1425 = tpu.vector_load %arg15[%get3A_1424] {strides = array<i32>} : memref<64xi32, #tpu.memory_space<vmem>>, vector<16xi32>,
      %add3A_1426 = arith.addi %get3A_1425, %get3A_76 : vector<16xi32>
      %swap3A_1427 = arith.constant 0 : index
      %swap3A_1428 = tpu.vector_load %arg15[%swap3A_1427] {strides = array<i32>} : memref<64xi32, #tpu.memory_space<vmem>>, vector<16xi32>,
      tpu.vector_store %arg15[%swap3A_1427], %add3A_1426 {strides = array<i32>} : memref<64xi32, #tpu.memory_space<vmem>>, vector<16xi32>,
    } else {
    }
    %get3A_83 = arith.constant 8 : i32
    %get3A_84 = arith.index_cast %get3A_83 : i32 to index
    %get3A_85 = arith.constant 0 : index
    %get3A_86 = tpu.vector_load %arg13[%get3A_84, %get3A_85] {strides = array<i32>} : memref<32x64xi32, #tpu.memory_space<vmem>>, vector<16xi32>,
    %add3A_87 = arith.addi %add3A_77, %get3A_86 : vector<16xi32>
    %gt3A_88 = arith.constant 8 : i32
    %gt3A_89 = arith.cmpi sgt, %add3A, %gt3A_88 : i32
    %convert_element_type3A_90 = arith.extui %gt3A_89 : i1 to i32
    %cond3A_91 = arith.constant 0 : i32
    %cond3A_92 = arith.cmpi ne, %convert_element_type3A_90, %cond3A_91 : i32
    scf.if %cond3A_92 {
      %get3A_1424 = arith.constant 0 : index
      %get3A_1425 = tpu.vector_load %arg15[%get3A_1424] {strides = array<i32>} : memref<64xi32, #tpu.memory_space<vmem>>, vector<16xi32>,
      %add3A_1426 = arith.addi %get3A_1425, %get3A_86 : vector<16xi32>
      %swap3A_1427 = arith.constant 0 : index
      %swap3A_1428 = tpu.vector_load %arg15[%swap3A_1427] {strides = array<i32>} : memref<64xi32, #tpu.memory_space<vmem>>, vector<16xi32>,
      tpu.vector_store %arg15[%swap3A_1427], %add3A_1426 {strides = array<i32>} : memref<64xi32, #tpu.memory_space<vmem>>, vector<16xi32>,
    } else {
    }
    %get3A_93 = arith.constant 9 : i32
    %get3A_94 = arith.index_cast %get3A_93 : i32 to index
    %get3A_95 = arith.constant 0 : index
    %get3A_96 = tpu.vector_load %arg13[%get3A_94, %get3A_95] {strides = array<i32>} : memref<32x64xi32, #tpu.memory_space<vmem>>, vector<16xi32>,
    %add3A_97 = arith.addi %add3A_87, %get3A_96 : vector<16xi32>
    %gt3A_98 = arith.constant 9 : i32
    %gt3A_99 = arith.cmpi sgt, %add3A, %gt3A_98 : i32
    %convert_element_type3A_100 = arith.extui %gt3A_99 : i1 to i32
    %cond3A_101 = arith.constant 0 : i32
    %cond3A_102 = arith.cmpi ne, %convert_element_type3A_100, %cond3A_101 : i32
    scf.if %cond3A_102 {
      %get3A_1424 = arith.constant 0 : index
      %get3A_1425 = tpu.vector_load %arg15[%get3A_1424] {strides = array<i32>} : memref<64xi32, #tpu.memory_space<vmem>>, vector<16xi32>,
      %add3A_1426 = arith.addi %get3A_1425, %get3A_96 : vector<16xi32>
      %swap3A_1427 = arith.constant 0 : index
      %swap3A_1428 = tpu.vector_load %arg15[%swap3A_1427] {strides = array<i32>} : memref<64xi32, #tpu.memory_space<vmem>>, vector<16xi32>,
      tpu.vector_store %arg15[%swap3A_1427], %add3A_1426 {strides = array<i32>} : memref<64xi32, #tpu.memory_space<vmem>>, vector<16xi32>,
    } else {
    }
    %get3A_103 = arith.constant 10 : i32
    %get3A_104 = arith.index_cast %get3A_103 : i32 to index
    %get3A_105 = arith.constant 0 : index
    %get3A_106 = tpu.vector_load %arg13[%get3A_104, %get3A_105] {strides = array<i32>} : memref<32x64xi32, #tpu.memory_space<vmem>>, vector<16xi32>,
    %add3A_107 = arith.addi %add3A_97, %get3A_106 : vector<16xi32>
    %gt3A_108 = arith.constant 10 : i32
    %gt3A_109 = arith.cmpi sgt, %add3A, %gt3A_108 : i32
    %convert_element_type3A_110 = arith.extui %gt3A_109 : i1 to i32
    %cond3A_111 = arith.constant 0 : i32
    %cond3A_112 = arith.cmpi ne, %convert_element_type3A_110, %cond3A_111 : i32
    scf.if %cond3A_112 {
      %get3A_1424 = arith.constant 0 : index
      %get3A_1425 = tpu.vector_load %arg15[%get3A_1424] {strides = array<i32>} : memref<64xi32, #tpu.memory_space<vmem>>, vector<16xi32>,
      %add3A_1426 = arith.addi %get3A_1425, %get3A_106 : vector<16xi32>
      %swap3A_1427 = arith.constant 0 : index
      %swap3A_1428 = tpu.vector_load %arg15[%swap3A_1427] {strides = array<i32>} : memref<64xi32, #tpu.memory_space<vmem>>, vector<16xi32>,
      tpu.vector_store %arg15[%swap3A_1427], %add3A_1426 {strides = array<i32>} : memref<64xi32, #tpu.memory_space<vmem>>, vector<16xi32>,
    } else {
    }
    %get3A_113 = arith.constant 11 : i32
    %get3A_114 = arith.index_cast %get3A_113 : i32 to index
    %get3A_115 = arith.constant 0 : index
    %get3A_116 = tpu.vector_load %arg13[%get3A_114, %get3A_115] {strides = array<i32>} : memref<32x64xi32, #tpu.memory_space<vmem>>, vector<16xi32>,
    %add3A_117 = arith.addi %add3A_107, %get3A_116 : vector<16xi32>
    %gt3A_118 = arith.constant 11 : i32
    %gt3A_119 = arith.cmpi sgt, %add3A, %gt3A_118 : i32
    %convert_element_type3A_120 = arith.extui %gt3A_119 : i1 to i32
    %cond3A_121 = arith.constant 0 : i32
    %cond3A_122 = arith.cmpi ne, %convert_element_type3A_120, %cond3A_121 : i32
    scf.if %cond3A_122 {
      %get3A_1424 = arith.constant 0 : index
      %get3A_1425 = tpu.vector_load %arg15[%get3A_1424] {strides = array<i32>} : memref<64xi32, #tpu.memory_space<vmem>>, vector<16xi32>,
      %add3A_1426 = arith.addi %get3A_1425, %get3A_116 : vector<16xi32>
      %swap3A_1427 = arith.constant 0 : index
      %swap3A_1428 = tpu.vector_load %arg15[%swap3A_1427] {strides = array<i32>} : memref<64xi32, #tpu.memory_space<vmem>>, vector<16xi32>,
      tpu.vector_store %arg15[%swap3A_1427], %add3A_1426 {strides = array<i32>} : memref<64xi32, #tpu.memory_space<vmem>>, vector<16xi32>,
    } else {
    }
    %get3A_123 = arith.constant 12 : i32
    %get3A_124 = arith.index_cast %get3A_123 : i32 to index
    %get3A_125 = arith.constant 0 : index
    %get3A_126 = tpu.vector_load %arg13[%get3A_124, %get3A_125] {strides = array<i32>} : memref<32x64xi32, #tpu.memory_space<vmem>>, vector<16xi32>,
    %add3A_127 = arith.addi %add3A_117, %get3A_126 : vector<16xi32>
    %gt3A_128 = arith.constant 12 : i32
    %gt3A_129 = arith.cmpi sgt, %add3A, %gt3A_128 : i32
    %convert_element_type3A_130 = arith.extui %gt3A_129 : i1 to i32
    %cond3A_131 = arith.constant 0 : i32
    %cond3A_132 = arith.cmpi ne, %convert_element_type3A_130, %cond3A_131 : i32
    scf.if %cond3A_132 {
      %get3A_1424 = arith.constant 0 : index
      %get3A_1425 = tpu.vector_load %arg15[%get3A_1424] {strides = array<i32>} : memref<64xi32, #tpu.memory_space<vmem>>, vector<16xi32>,
      %add3A_1426 = arith.addi %get3A_1425, %get3A_126 : vector<16xi32>
      %swap3A_1427 = arith.constant 0 : index
      %swap3A_1428 = tpu.vector_load %arg15[%swap3A_1427] {strides = array<i32>} : memref<64xi32, #tpu.memory_space<vmem>>, vector<16xi32>,
      tpu.vector_store %arg15[%swap3A_1427], %add3A_1426 {strides = array<i32>} : memref<64xi32, #tpu.memory_space<vmem>>, vector<16xi32>,
    } else {
    }
    %get3A_133 = arith.constant 13 : i32
    %get3A_134 = arith.index_cast %get3A_133 : i32 to index
    %get3A_135 = arith.constant 0 : index
    %get3A_136 = tpu.vector_load %arg13[%get3A_134, %get3A_135] {strides = array<i32>} : memref<32x64xi32, #tpu.memory_space<vmem>>, vector<16xi32>,
    %add3A_137 = arith.addi %add3A_127, %get3A_136 : vector<16xi32>
    %gt3A_138 = arith.constant 13 : i32
    %gt3A_139 = arith.cmpi sgt, %add3A, %gt3A_138 : i32
    %convert_element_type3A_140 = arith.extui %gt3A_139 : i1 to i32
    %cond3A_141 = arith.constant 0 : i32
    %cond3A_142 = arith.cmpi ne, %convert_element_type3A_140, %cond3A_141 : i32
    scf.if %cond3A_142 {
      %get3A_1424 = arith.constant 0 : index
      %get3A_1425 = tpu.vector_load %arg15[%get3A_1424] {strides = array<i32>} : memref<64xi32, #tpu.memory_space<vmem>>, vector<16xi32>,
      %add3A_1426 = arith.addi %get3A_1425, %get3A_136 : vector<16xi32>
      %swap3A_1427 = arith.constant 0 : index
      %swap3A_1428 = tpu.vector_load %arg15[%swap3A_1427] {strides = array<i32>} : memref<64xi32, #tpu.memory_space<vmem>>, vector<16xi32>,
      tpu.vector_store %arg15[%swap3A_1427], %add3A_1426 {strides = array<i32>} : memref<64xi32, #tpu.memory_space<vmem>>, vector<16xi32>,
    } else {
    }
    %get3A_143 = arith.constant 14 : i32
    %get3A_144 = arith.index_cast %get3A_143 : i32 to index
    %get3A_145 = arith.constant 0 : index
    %get3A_146 = tpu.vector_load %arg13[%get3A_144, %get3A_145] {strides = array<i32>} : memref<32x64xi32, #tpu.memory_space<vmem>>, vector<16xi32>,
    %add3A_147 = arith.addi %add3A_137, %get3A_146 : vector<16xi32>
    %gt3A_148 = arith.constant 14 : i32
    %gt3A_149 = arith.cmpi sgt, %add3A, %gt3A_148 : i32
    %convert_element_type3A_150 = arith.extui %gt3A_149 : i1 to i32
    %cond3A_151 = arith.constant 0 : i32
    %cond3A_152 = arith.cmpi ne, %convert_element_type3A_150, %cond3A_151 : i32
    scf.if %cond3A_152 {
      %get3A_1424 = arith.constant 0 : index
      %get3A_1425 = tpu.vector_load %arg15[%get3A_1424] {strides = array<i32>} : memref<64xi32, #tpu.memory_space<vmem>>, vector<16xi32>,
      %add3A_1426 = arith.addi %get3A_1425, %get3A_146 : vector<16xi32>
      %swap3A_1427 = arith.constant 0 : index
      %swap3A_1428 = tpu.vector_load %arg15[%swap3A_1427] {strides = array<i32>} : memref<64xi32, #tpu.memory_space<vmem>>, vector<16xi32>,
      tpu.vector_store %arg15[%swap3A_1427], %add3A_1426 {strides = array<i32>} : memref<64xi32, #tpu.memory_space<vmem>>, vector<16xi32>,
    } else {
    }
    %get3A_153 = arith.constant 15 : i32
    %get3A_154 = arith.index_cast %get3A_153 : i32 to index
    %get3A_155 = arith.constant 0 : index
    %get3A_156 = tpu.vector_load %arg13[%get3A_154, %get3A_155] {strides = array<i32>} : memref<32x64xi32, #tpu.memory_space<vmem>>, vector<16xi32>,
    %add3A_157 = arith.addi %add3A_147, %get3A_156 : vector<16xi32>
    %gt3A_158 = arith.constant 15 : i32
    %gt3A_159 = arith.cmpi sgt, %add3A, %gt3A_158 : i32
    %convert_element_type3A_160 = arith.extui %gt3A_159 : i1 to i32
    %cond3A_161 = arith.constant 0 : i32
    %cond3A_162 = arith.cmpi ne, %convert_element_type3A_160, %cond3A_161 : i32
    scf.if %cond3A_162 {
      %get3A_1424 = arith.constant 0 : index
      %get3A_1425 = tpu.vector_load %arg15[%get3A_1424] {strides = array<i32>} : memref<64xi32, #tpu.memory_space<vmem>>, vector<16xi32>,
      %add3A_1426 = arith.addi %get3A_1425, %get3A_156 : vector<16xi32>
      %swap3A_1427 = arith.constant 0 : index
      %swap3A_1428 = tpu.vector_load %arg15[%swap3A_1427] {strides = array<i32>} : memref<64xi32, #tpu.memory_space<vmem>>, vector<16xi32>,
      tpu.vector_store %arg15[%swap3A_1427], %add3A_1426 {strides = array<i32>} : memref<64xi32, #tpu.memory_space<vmem>>, vector<16xi32>,
    } else {
    }
    %get3A_163 = arith.constant 16 : i32
    %get3A_164 = arith.index_cast %get3A_163 : i32 to index
    %get3A_165 = arith.constant 0 : index
    %get3A_166 = tpu.vector_load %arg13[%get3A_164, %get3A_165] {strides = array<i32>} : memref<32x64xi32, #tpu.memory_space<vmem>>, vector<16xi32>,
    %add3A_167 = arith.addi %add3A_157, %get3A_166 : vector<16xi32>
    %gt3A_168 = arith.constant 16 : i32
    %gt3A_169 = arith.cmpi sgt, %add3A, %gt3A_168 : i32
    %convert_element_type3A_170 = arith.extui %gt3A_169 : i1 to i32
    %cond3A_171 = arith.constant 0 : i32
    %cond3A_172 = arith.cmpi ne, %convert_element_type3A_170, %cond3A_171 : i32
    scf.if %cond3A_172 {
      %get3A_1424 = arith.constant 0 : index
      %get3A_1425 = tpu.vector_load %arg15[%get3A_1424] {strides = array<i32>} : memref<64xi32, #tpu.memory_space<vmem>>, vector<16xi32>,
      %add3A_1426 = arith.addi %get3A_1425, %get3A_166 : vector<16xi32>
      %swap3A_1427 = arith.constant 0 : index
      %swap3A_1428 = tpu.vector_load %arg15[%swap3A_1427] {strides = array<i32>} : memref<64xi32, #tpu.memory_space<vmem>>, vector<16xi32>,
      tpu.vector_store %arg15[%swap3A_1427], %add3A_1426 {strides = array<i32>} : memref<64xi32, #tpu.memory_space<vmem>>, vector<16xi32>,
    } else {
    }
    %get3A_173 = arith.constant 17 : i32
    %get3A_174 = arith.index_cast %get3A_173 : i32 to index
    %get3A_175 = arith.constant 0 : index
    %get3A_176 = tpu.vector_load %arg13[%get3A_174, %get3A_175] {strides = array<i32>} : memref<32x64xi32, #tpu.memory_space<vmem>>, vector<16xi32>,
    %add3A_177 = arith.addi %add3A_167, %get3A_176 : vector<16xi32>
    %gt3A_178 = arith.constant 17 : i32
    %gt3A_179 = arith.cmpi sgt, %add3A, %gt3A_178 : i32
    %convert_element_type3A_180 = arith.extui %gt3A_179 : i1 to i32
    %cond3A_181 = arith.constant 0 : i32
    %cond3A_182 = arith.cmpi ne, %convert_element_type3A_180, %cond3A_181 : i32
    scf.if %cond3A_182 {
      %get3A_1424 = arith.constant 0 : index
      %get3A_1425 = tpu.vector_load %arg15[%get3A_1424] {strides = array<i32>} : memref<64xi32, #tpu.memory_space<vmem>>, vector<16xi32>,
      %add3A_1426 = arith.addi %get3A_1425, %get3A_176 : vector<16xi32>
      %swap3A_1427 = arith.constant 0 : index
      %swap3A_1428 = tpu.vector_load %arg15[%swap3A_1427] {strides = array<i32>} : memref<64xi32, #tpu.memory_space<vmem>>, vector<16xi32>,
      tpu.vector_store %arg15[%swap3A_1427], %add3A_1426 {strides = array<i32>} : memref<64xi32, #tpu.memory_space<vmem>>, vector<16xi32>,
    } else {
    }
    %get3A_183 = arith.constant 18 : i32
    %get3A_184 = arith.index_cast %get3A_183 : i32 to index
    %get3A_185 = arith.constant 0 : index
    %get3A_186 = tpu.vector_load %arg13[%get3A_184, %get3A_185] {strides = array<i32>} : memref<32x64xi32, #tpu.memory_space<vmem>>, vector<16xi32>,
    %add3A_187 = arith.addi %add3A_177, %get3A_186 : vector<16xi32>
    %gt3A_188 = arith.constant 18 : i32
    %gt3A_189 = arith.cmpi sgt, %add3A, %gt3A_188 : i32
    %convert_element_type3A_190 = arith.extui %gt3A_189 : i1 to i32
    %cond3A_191 = arith.constant 0 : i32
    %cond3A_192 = arith.cmpi ne, %convert_element_type3A_190, %cond3A_191 : i32
    scf.if %cond3A_192 {
      %get3A_1424 = arith.constant 0 : index
      %get3A_1425 = tpu.vector_load %arg15[%get3A_1424] {strides = array<i32>} : memref<64xi32, #tpu.memory_space<vmem>>, vector<16xi32>,
      %add3A_1426 = arith.addi %get3A_1425, %get3A_186 : vector<16xi32>
      %swap3A_1427 = arith.constant 0 : index
      %swap3A_1428 = tpu.vector_load %arg15[%swap3A_1427] {strides = array<i32>} : memref<64xi32, #tpu.memory_space<vmem>>, vector<16xi32>,
      tpu.vector_store %arg15[%swap3A_1427], %add3A_1426 {strides = array<i32>} : memref<64xi32, #tpu.memory_space<vmem>>, vector<16xi32>,
    } else {
    }
    %get3A_193 = arith.constant 19 : i32
    %get3A_194 = arith.index_cast %get3A_193 : i32 to index
    %get3A_195 = arith.constant 0 : index
    %get3A_196 = tpu.vector_load %arg13[%get3A_194, %get3A_195] {strides = array<i32>} : memref<32x64xi32, #tpu.memory_space<vmem>>, vector<16xi32>,
    %add3A_197 = arith.addi %add3A_187, %get3A_196 : vector<16xi32>
    %gt3A_198 = arith.constant 19 : i32
    %gt3A_199 = arith.cmpi sgt, %add3A, %gt3A_198 : i32
    %convert_element_type3A_200 = arith.extui %gt3A_199 : i1 to i32
    %cond3A_201 = arith.constant 0 : i32
    %cond3A_202 = arith.cmpi ne, %convert_element_type3A_200, %cond3A_201 : i32
    scf.if %cond3A_202 {
      %get3A_1424 = arith.constant 0 : index
      %get3A_1425 = tpu.vector_load %arg15[%get3A_1424] {strides = array<i32>} : memref<64xi32, #tpu.memory_space<vmem>>, vector<16xi32>,
      %add3A_1426 = arith.addi %get3A_1425, %get3A_196 : vector<16xi32>
      %swap3A_1427 = arith.constant 0 : index
      %swap3A_1428 = tpu.vector_load %arg15[%swap3A_1427] {strides = array<i32>} : memref<64xi32, #tpu.memory_space<vmem>>, vector<16xi32>,
      tpu.vector_store %arg15[%swap3A_1427], %add3A_1426 {strides = array<i32>} : memref<64xi32, #tpu.memory_space<vmem>>, vector<16xi32>,
    } else {
    }
    %get3A_203 = arith.constant 20 : i32
    %get3A_204 = arith.index_cast %get3A_203 : i32 to index
    %get3A_205 = arith.constant 0 : index
    %get3A_206 = tpu.vector_load %arg13[%get3A_204, %get3A_205] {strides = array<i32>} : memref<32x64xi32, #tpu.memory_space<vmem>>, vector<16xi32>,
    %add3A_207 = arith.addi %add3A_197, %get3A_206 : vector<16xi32>
    %gt3A_208 = arith.constant 20 : i32
    %gt3A_209 = arith.cmpi sgt, %add3A, %gt3A_208 : i32
    %convert_element_type3A_210 = arith.extui %gt3A_209 : i1 to i32
    %cond3A_211 = arith.constant 0 : i32
    %cond3A_212 = arith.cmpi ne, %convert_element_type3A_210, %cond3A_211 : i32
    scf.if %cond3A_212 {
      %get3A_1424 = arith.constant 0 : index
      %get3A_1425 = tpu.vector_load %arg15[%get3A_1424] {strides = array<i32>} : memref<64xi32, #tpu.memory_space<vmem>>, vector<16xi32>,
      %add3A_1426 = arith.addi %get3A_1425, %get3A_206 : vector<16xi32>
      %swap3A_1427 = arith.constant 0 : index
      %swap3A_1428 = tpu.vector_load %arg15[%swap3A_1427] {strides = array<i32>} : memref<64xi32, #tpu.memory_space<vmem>>, vector<16xi32>,
      tpu.vector_store %arg15[%swap3A_1427], %add3A_1426 {strides = array<i32>} : memref<64xi32, #tpu.memory_space<vmem>>, vector<16xi32>,
    } else {
    }
    %get3A_213 = arith.constant 21 : i32
    %get3A_214 = arith.index_cast %get3A_213 : i32 to index
    %get3A_215 = arith.constant 0 : index
    %get3A_216 = tpu.vector_load %arg13[%get3A_214, %get3A_215] {strides = array<i32>} : memref<32x64xi32, #tpu.memory_space<vmem>>, vector<16xi32>,
    %add3A_217 = arith.addi %add3A_207, %get3A_216 : vector<16xi32>
    %gt3A_218 = arith.constant 21 : i32
    %gt3A_219 = arith.cmpi sgt, %add3A, %gt3A_218 : i32
    %convert_element_type3A_220 = arith.extui %gt3A_219 : i1 to i32
    %cond3A_221 = arith.constant 0 : i32
    %cond3A_222 = arith.cmpi ne, %convert_element_type3A_220, %cond3A_221 : i32
    scf.if %cond3A_222 {
      %get3A_1424 = arith.constant 0 : index
      %get3A_1425 = tpu.vector_load %arg15[%get3A_1424] {strides = array<i32>} : memref<64xi32, #tpu.memory_space<vmem>>, vector<16xi32>,
      %add3A_1426 = arith.addi %get3A_1425, %get3A_216 : vector<16xi32>
      %swap3A_1427 = arith.constant 0 : index
      %swap3A_1428 = tpu.vector_load %arg15[%swap3A_1427] {strides = array<i32>} : memref<64xi32, #tpu.memory_space<vmem>>, vector<16xi32>,
      tpu.vector_store %arg15[%swap3A_1427], %add3A_1426 {strides = array<i32>} : memref<64xi32, #tpu.memory_space<vmem>>, vector<16xi32>,
    } else {
    }
    %get3A_223 = arith.constant 22 : i32
    %get3A_224 = arith.index_cast %get3A_223 : i32 to index
    %get3A_225 = arith.constant 0 : index
    %get3A_226 = tpu.vector_load %arg13[%get3A_224, %get3A_225] {strides = array<i32>} : memref<32x64xi32, #tpu.memory_space<vmem>>, vector<16xi32>,
    %add3A_227 = arith.addi %add3A_217, %get3A_226 : vector<16xi32>
    %gt3A_228 = arith.constant 22 : i32
    %gt3A_229 = arith.cmpi sgt, %add3A, %gt3A_228 : i32
    %convert_element_type3A_230 = arith.extui %gt3A_229 : i1 to i32
    %cond3A_231 = arith.constant 0 : i32
    %cond3A_232 = arith.cmpi ne, %convert_element_type3A_230, %cond3A_231 : i32
    scf.if %cond3A_232 {
      %get3A_1424 = arith.constant 0 : index
      %get3A_1425 = tpu.vector_load %arg15[%get3A_1424] {strides = array<i32>} : memref<64xi32, #tpu.memory_space<vmem>>, vector<16xi32>,
      %add3A_1426 = arith.addi %get3A_1425, %get3A_226 : vector<16xi32>
      %swap3A_1427 = arith.constant 0 : index
      %swap3A_1428 = tpu.vector_load %arg15[%swap3A_1427] {strides = array<i32>} : memref<64xi32, #tpu.memory_space<vmem>>, vector<16xi32>,
      tpu.vector_store %arg15[%swap3A_1427], %add3A_1426 {strides = array<i32>} : memref<64xi32, #tpu.memory_space<vmem>>, vector<16xi32>,
    } else {
    }
    %get3A_233 = arith.constant 23 : i32
    %get3A_234 = arith.index_cast %get3A_233 : i32 to index
    %get3A_235 = arith.constant 0 : index
    %get3A_236 = tpu.vector_load %arg13[%get3A_234, %get3A_235] {strides = array<i32>} : memref<32x64xi32, #tpu.memory_space<vmem>>, vector<16xi32>,
    %add3A_237 = arith.addi %add3A_227, %get3A_236 : vector<16xi32>
    %gt3A_238 = arith.constant 23 : i32
    %gt3A_239 = arith.cmpi sgt, %add3A, %gt3A_238 : i32
    %convert_element_type3A_240 = arith.extui %gt3A_239 : i1 to i32
    %cond3A_241 = arith.constant 0 : i32
    %cond3A_242 = arith.cmpi ne, %convert_element_type3A_240, %cond3A_241 : i32
    scf.if %cond3A_242 {
      %get3A_1424 = arith.constant 0 : index
      %get3A_1425 = tpu.vector_load %arg15[%get3A_1424] {strides = array<i32>} : memref<64xi32, #tpu.memory_space<vmem>>, vector<16xi32>,
      %add3A_1426 = arith.addi %get3A_1425, %get3A_236 : vector<16xi32>
      %swap3A_1427 = arith.constant 0 : index
      %swap3A_1428 = tpu.vector_load %arg15[%swap3A_1427] {strides = array<i32>} : memref<64xi32, #tpu.memory_space<vmem>>, vector<16xi32>,
      tpu.vector_store %arg15[%swap3A_1427], %add3A_1426 {strides = array<i32>} : memref<64xi32, #tpu.memory_space<vmem>>, vector<16xi32>,
    } else {
    }
    %get3A_243 = arith.constant 24 : i32
    %get3A_244 = arith.index_cast %get3A_243 : i32 to index
    %get3A_245 = arith.constant 0 : index
    %get3A_246 = tpu.vector_load %arg13[%get3A_244, %get3A_245] {strides = array<i32>} : memref<32x64xi32, #tpu.memory_space<vmem>>, vector<16xi32>,
    %add3A_247 = arith.addi %add3A_237, %get3A_246 : vector<16xi32>
    %gt3A_248 = arith.constant 24 : i32
    %gt3A_249 = arith.cmpi sgt, %add3A, %gt3A_248 : i32
    %convert_element_type3A_250 = arith.extui %gt3A_249 : i1 to i32
    %cond3A_251 = arith.constant 0 : i32
    %cond3A_252 = arith.cmpi ne, %convert_element_type3A_250, %cond3A_251 : i32
    scf.if %cond3A_252 {
      %get3A_1424 = arith.constant 0 : index
      %get3A_1425 = tpu.vector_load %arg15[%get3A_1424] {strides = array<i32>} : memref<64xi32, #tpu.memory_space<vmem>>, vector<16xi32>,
      %add3A_1426 = arith.addi %get3A_1425, %get3A_246 : vector<16xi32>
      %swap3A_1427 = arith.constant 0 : index
      %swap3A_1428 = tpu.vector_load %arg15[%swap3A_1427] {strides = array<i32>} : memref<64xi32, #tpu.memory_space<vmem>>, vector<16xi32>,
      tpu.vector_store %arg15[%swap3A_1427], %add3A_1426 {strides = array<i32>} : memref<64xi32, #tpu.memory_space<vmem>>, vector<16xi32>,
    } else {
    }
    %get3A_253 = arith.constant 25 : i32
    %get3A_254 = arith.index_cast %get3A_253 : i32 to index
    %get3A_255 = arith.constant 0 : index
    %get3A_256 = tpu.vector_load %arg13[%get3A_254, %get3A_255] {strides = array<i32>} : memref<32x64xi32, #tpu.memory_space<vmem>>, vector<16xi32>,
    %add3A_257 = arith.addi %add3A_247, %get3A_256 : vector<16xi32>
    %gt3A_258 = arith.constant 25 : i32
    %gt3A_259 = arith.cmpi sgt, %add3A, %gt3A_258 : i32
    %convert_element_type3A_260 = arith.extui %gt3A_259 : i1 to i32
    %cond3A_261 = arith.constant 0 : i32
    %cond3A_262 = arith.cmpi ne, %convert_element_type3A_260, %cond3A_261 : i32
    scf.if %cond3A_262 {
      %get3A_1424 = arith.constant 0 : index
      %get3A_1425 = tpu.vector_load %arg15[%get3A_1424] {strides = array<i32>} : memref<64xi32, #tpu.memory_space<vmem>>, vector<16xi32>,
      %add3A_1426 = arith.addi %get3A_1425, %get3A_256 : vector<16xi32>
      %swap3A_1427 = arith.constant 0 : index
      %swap3A_1428 = tpu.vector_load %arg15[%swap3A_1427] {strides = array<i32>} : memref<64xi32, #tpu.memory_space<vmem>>, vector<16xi32>,
      tpu.vector_store %arg15[%swap3A_1427], %add3A_1426 {strides = array<i32>} : memref<64xi32, #tpu.memory_space<vmem>>, vector<16xi32>,
    } else {
    }
    %get3A_263 = arith.constant 26 : i32
    %get3A_264 = arith.index_cast %get3A_263 : i32 to index
    %get3A_265 = arith.constant 0 : index
    %get3A_266 = tpu.vector_load %arg13[%get3A_264, %get3A_265] {strides = array<i32>} : memref<32x64xi32, #tpu.memory_space<vmem>>, vector<16xi32>,
    %add3A_267 = arith.addi %add3A_257, %get3A_266 : vector<16xi32>
    %gt3A_268 = arith.constant 26 : i32
    %gt3A_269 = arith.cmpi sgt, %add3A, %gt3A_268 : i32
    %convert_element_type3A_270 = arith.extui %gt3A_269 : i1 to i32
    %cond3A_271 = arith.constant 0 : i32
    %cond3A_272 = arith.cmpi ne, %convert_element_type3A_270, %cond3A_271 : i32
    scf.if %cond3A_272 {
      %get3A_1424 = arith.constant 0 : index
      %get3A_1425 = tpu.vector_load %arg15[%get3A_1424] {strides = array<i32>} : memref<64xi32, #tpu.memory_space<vmem>>, vector<16xi32>,
      %add3A_1426 = arith.addi %get3A_1425, %get3A_266 : vector<16xi32>
      %swap3A_1427 = arith.constant 0 : index
      %swap3A_1428 = tpu.vector_load %arg15[%swap3A_1427] {strides = array<i32>} : memref<64xi32, #tpu.memory_space<vmem>>, vector<16xi32>,
      tpu.vector_store %arg15[%swap3A_1427], %add3A_1426 {strides = array<i32>} : memref<64xi32, #tpu.memory_space<vmem>>, vector<16xi32>,
    } else {
    }
    %get3A_273 = arith.constant 27 : i32
    %get3A_274 = arith.index_cast %get3A_273 : i32 to index
    %get3A_275 = arith.constant 0 : index
    %get3A_276 = tpu.vector_load %arg13[%get3A_274, %get3A_275] {strides = array<i32>} : memref<32x64xi32, #tpu.memory_space<vmem>>, vector<16xi32>,
    %add3A_277 = arith.addi %add3A_267, %get3A_276 : vector<16xi32>
    %gt3A_278 = arith.constant 27 : i32
    %gt3A_279 = arith.cmpi sgt, %add3A, %gt3A_278 : i32
    %convert_element_type3A_280 = arith.extui %gt3A_279 : i1 to i32
    %cond3A_281 = arith.constant 0 : i32
    %cond3A_282 = arith.cmpi ne, %convert_element_type3A_280, %cond3A_281 : i32
    scf.if %cond3A_282 {
      %get3A_1424 = arith.constant 0 : index
      %get3A_1425 = tpu.vector_load %arg15[%get3A_1424] {strides = array<i32>} : memref<64xi32, #tpu.memory_space<vmem>>, vector<16xi32>,
      %add3A_1426 = arith.addi %get3A_1425, %get3A_276 : vector<16xi32>
      %swap3A_1427 = arith.constant 0 : index
      %swap3A_1428 = tpu.vector_load %arg15[%swap3A_1427] {strides = array<i32>} : memref<64xi32, #tpu.memory_space<vmem>>, vector<16xi32>,
      tpu.vector_store %arg15[%swap3A_1427], %add3A_1426 {strides = array<i32>} : memref<64xi32, #tpu.memory_space<vmem>>, vector<16xi32>,
    } else {
    }
    %get3A_283 = arith.constant 28 : i32
    %get3A_284 = arith.index_cast %get3A_283 : i32 to index
    %get3A_285 = arith.constant 0 : index
    %get3A_286 = tpu.vector_load %arg13[%get3A_284, %get3A_285] {strides = array<i32>} : memref<32x64xi32, #tpu.memory_space<vmem>>, vector<16xi32>,
    %add3A_287 = arith.addi %add3A_277, %get3A_286 : vector<16xi32>
    %gt3A_288 = arith.constant 28 : i32
    %gt3A_289 = arith.cmpi sgt, %add3A, %gt3A_288 : i32
    %convert_element_type3A_290 = arith.extui %gt3A_289 : i1 to i32
    %cond3A_291 = arith.constant 0 : i32
    %cond3A_292 = arith.cmpi ne, %convert_element_type3A_290, %cond3A_291 : i32
    scf.if %cond3A_292 {
      %get3A_1424 = arith.constant 0 : index
      %get3A_1425 = tpu.vector_load %arg15[%get3A_1424] {strides = array<i32>} : memref<64xi32, #tpu.memory_space<vmem>>, vector<16xi32>,
      %add3A_1426 = arith.addi %get3A_1425, %get3A_286 : vector<16xi32>
      %swap3A_1427 = arith.constant 0 : index
      %swap3A_1428 = tpu.vector_load %arg15[%swap3A_1427] {strides = array<i32>} : memref<64xi32, #tpu.memory_space<vmem>>, vector<16xi32>,
      tpu.vector_store %arg15[%swap3A_1427], %add3A_1426 {strides = array<i32>} : memref<64xi32, #tpu.memory_space<vmem>>, vector<16xi32>,
    } else {
    }
    %get3A_293 = arith.constant 29 : i32
    %get3A_294 = arith.index_cast %get3A_293 : i32 to index
    %get3A_295 = arith.constant 0 : index
    %get3A_296 = tpu.vector_load %arg13[%get3A_294, %get3A_295] {strides = array<i32>} : memref<32x64xi32, #tpu.memory_space<vmem>>, vector<16xi32>,
    %add3A_297 = arith.addi %add3A_287, %get3A_296 : vector<16xi32>
    %gt3A_298 = arith.constant 29 : i32
    %gt3A_299 = arith.cmpi sgt, %add3A, %gt3A_298 : i32
    %convert_element_type3A_300 = arith.extui %gt3A_299 : i1 to i32
    %cond3A_301 = arith.constant 0 : i32
    %cond3A_302 = arith.cmpi ne, %convert_element_type3A_300, %cond3A_301 : i32
    scf.if %cond3A_302 {
      %get3A_1424 = arith.constant 0 : index
      %get3A_1425 = tpu.vector_load %arg15[%get3A_1424] {strides = array<i32>} : memref<64xi32, #tpu.memory_space<vmem>>, vector<16xi32>,
      %add3A_1426 = arith.addi %get3A_1425, %get3A_296 : vector<16xi32>
      %swap3A_1427 = arith.constant 0 : index
      %swap3A_1428 = tpu.vector_load %arg15[%swap3A_1427] {strides = array<i32>} : memref<64xi32, #tpu.memory_space<vmem>>, vector<16xi32>,
      tpu.vector_store %arg15[%swap3A_1427], %add3A_1426 {strides = array<i32>} : memref<64xi32, #tpu.memory_space<vmem>>, vector<16xi32>,
    } else {
    }
    %get3A_303 = arith.constant 30 : i32
    %get3A_304 = arith.index_cast %get3A_303 : i32 to index
    %get3A_305 = arith.constant 0 : index
    %get3A_306 = tpu.vector_load %arg13[%get3A_304, %get3A_305] {strides = array<i32>} : memref<32x64xi32, #tpu.memory_space<vmem>>, vector<16xi32>,
    %add3A_307 = arith.addi %add3A_297, %get3A_306 : vector<16xi32>
    %gt3A_308 = arith.constant 30 : i32
    %gt3A_309 = arith.cmpi sgt, %add3A, %gt3A_308 : i32
    %convert_element_type3A_310 = arith.extui %gt3A_309 : i1 to i32
    %cond3A_311 = arith.constant 0 : i32
    %cond3A_312 = arith.cmpi ne, %convert_element_type3A_310, %cond3A_311 : i32
    scf.if %cond3A_312 {
      %get3A_1424 = arith.constant 0 : index
      %get3A_1425 = tpu.vector_load %arg15[%get3A_1424] {strides = array<i32>} : memref<64xi32, #tpu.memory_space<vmem>>, vector<16xi32>,
      %add3A_1426 = arith.addi %get3A_1425, %get3A_306 : vector<16xi32>
      %swap3A_1427 = arith.constant 0 : index
      %swap3A_1428 = tpu.vector_load %arg15[%swap3A_1427] {strides = array<i32>} : memref<64xi32, #tpu.memory_space<vmem>>, vector<16xi32>,
      tpu.vector_store %arg15[%swap3A_1427], %add3A_1426 {strides = array<i32>} : memref<64xi32, #tpu.memory_space<vmem>>, vector<16xi32>,
    } else {
    }
    %get3A_313 = arith.constant 31 : i32
    %get3A_314 = arith.index_cast %get3A_313 : i32 to index
    %get3A_315 = arith.constant 0 : index
    %get3A_316 = tpu.vector_load %arg13[%get3A_314, %get3A_315] {strides = array<i32>} : memref<32x64xi32, #tpu.memory_space<vmem>>, vector<16xi32>,
    %add3A_317 = arith.addi %add3A_307, %get3A_316 : vector<16xi32>
    %gt3A_318 = arith.constant 31 : i32
    %gt3A_319 = arith.cmpi sgt, %add3A, %gt3A_318 : i32
    %convert_element_type3A_320 = arith.extui %gt3A_319 : i1 to i32
    %cond3A_321 = arith.constant 0 : i32
    %cond3A_322 = arith.cmpi ne, %convert_element_type3A_320, %cond3A_321 : i32
    scf.if %cond3A_322 {
      %get3A_1424 = arith.constant 0 : index
      %get3A_1425 = tpu.vector_load %arg15[%get3A_1424] {strides = array<i32>} : memref<64xi32, #tpu.memory_space<vmem>>, vector<16xi32>,
      %add3A_1426 = arith.addi %get3A_1425, %get3A_316 : vector<16xi32>
      %swap3A_1427 = arith.constant 0 : index
      %swap3A_1428 = tpu.vector_load %arg15[%swap3A_1427] {strides = array<i32>} : memref<64xi32, #tpu.memory_space<vmem>>, vector<16xi32>,
      tpu.vector_store %arg15[%swap3A_1427], %add3A_1426 {strides = array<i32>} : memref<64xi32, #tpu.memory_space<vmem>>, vector<16xi32>,
    } else {
    }
    %get3A_323 = arith.constant 0 : index
    %get3A_324 = tpu.vector_load %arg18[%get3A_323] {strides = array<i32>} : memref<16xi32, #tpu.memory_space<vmem>>, vector<16xi32>,
    %broadcast_in_dim3A_325 = arith.constant true
    %broadcast_in_dim3A_326 = vector.broadcast %broadcast_in_dim3A_325 : i1 to vector<16xi1>
    %masked_cumsum3A = tpu.scan <sum>, %add3A_317 masked %broadcast_in_dim3A_326 : vector<16xi32>, vector<16xi1> -> vector<16xi32>
    %add3A_327 = arith.addi %masked_cumsum3A, %get3A_324 : vector<16xi32>
    %sub3A = arith.subi %add3A_327, %add3A_317 : vector<16xi32>
    %swap3A_328 = arith.constant 0 : index
    %swap3A_329 = tpu.vector_load %arg16[%swap3A_328] {strides = array<i32>} : memref<80xi32, #tpu.memory_space<vmem>>, vector<16xi32>,
    tpu.vector_store %arg16[%swap3A_328], %sub3A {strides = array<i32>} : memref<80xi32, #tpu.memory_space<vmem>>, vector<16xi32>,
    %get3A_330 = arith.constant 0 : index
    %get3A_331 = tpu.vector_load %arg15[%get3A_330] {strides = array<i32>} : memref<64xi32, #tpu.memory_space<vmem>>, vector<16xi32>,
    %add3A_332 = arith.addi %sub3A, %get3A_331 : vector<16xi32>
    %swap3A_333 = arith.constant 0 : index
    %swap3A_334 = tpu.vector_load %arg14[%swap3A_333] {strides = array<i32>} : memref<64xi32, #tpu.memory_space<vmem>>, vector<16xi32>,
    tpu.vector_store %arg14[%swap3A_333], %add3A_332 {strides = array<i32>} : memref<64xi32, #tpu.memory_space<vmem>>, vector<16xi32>,
    %swap3A_335 = arith.constant 0 : index
    %swap3A_336 = tpu.vector_load %arg17[%swap3A_335] {strides = array<i32>} : memref<16xi32, #tpu.memory_space<vmem>>, vector<16xi32>,
    tpu.vector_store %arg17[%swap3A_335], %add3A_327 {strides = array<i32>} : memref<16xi32, #tpu.memory_space<vmem>>, vector<16xi32>,
    %broadcast_in_dim3A_337 = arith.constant 15 : i32
    %broadcast_in_dim3A_338 = vector.broadcast %broadcast_in_dim3A_337 : i32 to vector<16xi32>
    %gather3A = tpu.vector_load_idx %arg17[%broadcast_in_dim3A_338] : memref<16xi32, #tpu.memory_space<vmem>>[vector<16xi32>], vector<16xi32>,
    %swap3A_339 = arith.constant 0 : index
    %swap3A_340 = tpu.vector_load %arg18[%swap3A_339] {strides = array<i32>} : memref<16xi32, #tpu.memory_space<vmem>>, vector<16xi32>,
    tpu.vector_store %arg18[%swap3A_339], %gather3A {strides = array<i32>} : memref<16xi32, #tpu.memory_space<vmem>>, vector<16xi32>,
    %swap3A_341 = arith.constant 16 : index
    %swap3A_342 = tpu.vector_load %arg15[%swap3A_341] {strides = array<i32>} : memref<64xi32, #tpu.memory_space<vmem>>, vector<16xi32>,
    tpu.vector_store %arg15[%swap3A_341], %broadcast_in_dim3A_3 {strides = array<i32>} : memref<64xi32, #tpu.memory_space<vmem>>, vector<16xi32>,
    %get3A_343 = arith.constant 0 : i32
    %get3A_344 = arith.index_cast %get3A_343 : i32 to index
    %get3A_345 = arith.constant 16 : index
    %get3A_346 = tpu.vector_load %arg13[%get3A_344, %get3A_345] {strides = array<i32>} : memref<32x64xi32, #tpu.memory_space<vmem>>, vector<16xi32>,
    %add3A_347 = arith.addi %broadcast_in_dim3A_3, %get3A_346 : vector<16xi32>
    %gt3A_348 = arith.constant 0 : i32
    %gt3A_349 = arith.cmpi sgt, %add3A, %gt3A_348 : i32
    %convert_element_type3A_350 = arith.extui %gt3A_349 : i1 to i32
    %cond3A_351 = arith.constant 0 : i32
    %cond3A_352 = arith.cmpi ne, %convert_element_type3A_350, %cond3A_351 : i32
    scf.if %cond3A_352 {
      %get3A_1424 = arith.constant 16 : index
      %get3A_1425 = tpu.vector_load %arg15[%get3A_1424] {strides = array<i32>} : memref<64xi32, #tpu.memory_space<vmem>>, vector<16xi32>,
      %add3A_1426 = arith.addi %get3A_1425, %get3A_346 : vector<16xi32>
      %swap3A_1427 = arith.constant 16 : index
      %swap3A_1428 = tpu.vector_load %arg15[%swap3A_1427] {strides = array<i32>} : memref<64xi32, #tpu.memory_space<vmem>>, vector<16xi32>,
      tpu.vector_store %arg15[%swap3A_1427], %add3A_1426 {strides = array<i32>} : memref<64xi32, #tpu.memory_space<vmem>>, vector<16xi32>,
    } else {
    }
    %get3A_353 = arith.constant 1 : i32
    %get3A_354 = arith.index_cast %get3A_353 : i32 to index
    %get3A_355 = arith.constant 16 : index
    %get3A_356 = tpu.vector_load %arg13[%get3A_354, %get3A_355] {strides = array<i32>} : memref<32x64xi32, #tpu.memory_space<vmem>>, vector<16xi32>,
    %add3A_357 = arith.addi %add3A_347, %get3A_356 : vector<16xi32>
    %gt3A_358 = arith.constant 1 : i32
    %gt3A_359 = arith.cmpi sgt, %add3A, %gt3A_358 : i32
    %convert_element_type3A_360 = arith.extui %gt3A_359 : i1 to i32
    %cond3A_361 = arith.constant 0 : i32
    %cond3A_362 = arith.cmpi ne, %convert_element_type3A_360, %cond3A_361 : i32
    scf.if %cond3A_362 {
      %get3A_1424 = arith.constant 16 : index
      %get3A_1425 = tpu.vector_load %arg15[%get3A_1424] {strides = array<i32>} : memref<64xi32, #tpu.memory_space<vmem>>, vector<16xi32>,
      %add3A_1426 = arith.addi %get3A_1425, %get3A_356 : vector<16xi32>
      %swap3A_1427 = arith.constant 16 : index
      %swap3A_1428 = tpu.vector_load %arg15[%swap3A_1427] {strides = array<i32>} : memref<64xi32, #tpu.memory_space<vmem>>, vector<16xi32>,
      tpu.vector_store %arg15[%swap3A_1427], %add3A_1426 {strides = array<i32>} : memref<64xi32, #tpu.memory_space<vmem>>, vector<16xi32>,
    } else {
    }
    %get3A_363 = arith.constant 2 : i32
    %get3A_364 = arith.index_cast %get3A_363 : i32 to index
    %get3A_365 = arith.constant 16 : index
    %get3A_366 = tpu.vector_load %arg13[%get3A_364, %get3A_365] {strides = array<i32>} : memref<32x64xi32, #tpu.memory_space<vmem>>, vector<16xi32>,
    %add3A_367 = arith.addi %add3A_357, %get3A_366 : vector<16xi32>
    %gt3A_368 = arith.constant 2 : i32
    %gt3A_369 = arith.cmpi sgt, %add3A, %gt3A_368 : i32
    %convert_element_type3A_370 = arith.extui %gt3A_369 : i1 to i32
    %cond3A_371 = arith.constant 0 : i32
    %cond3A_372 = arith.cmpi ne, %convert_element_type3A_370, %cond3A_371 : i32
    scf.if %cond3A_372 {
      %get3A_1424 = arith.constant 16 : index
      %get3A_1425 = tpu.vector_load %arg15[%get3A_1424] {strides = array<i32>} : memref<64xi32, #tpu.memory_space<vmem>>, vector<16xi32>,
      %add3A_1426 = arith.addi %get3A_1425, %get3A_366 : vector<16xi32>
      %swap3A_1427 = arith.constant 16 : index
      %swap3A_1428 = tpu.vector_load %arg15[%swap3A_1427] {strides = array<i32>} : memref<64xi32, #tpu.memory_space<vmem>>, vector<16xi32>,
      tpu.vector_store %arg15[%swap3A_1427], %add3A_1426 {strides = array<i32>} : memref<64xi32, #tpu.memory_space<vmem>>, vector<16xi32>,
    } else {
    }
    %get3A_373 = arith.constant 3 : i32
    %get3A_374 = arith.index_cast %get3A_373 : i32 to index
    %get3A_375 = arith.constant 16 : index
    %get3A_376 = tpu.vector_load %arg13[%get3A_374, %get3A_375] {strides = array<i32>} : memref<32x64xi32, #tpu.memory_space<vmem>>, vector<16xi32>,
    %add3A_377 = arith.addi %add3A_367, %get3A_376 : vector<16xi32>
    %gt3A_378 = arith.constant 3 : i32
    %gt3A_379 = arith.cmpi sgt, %add3A, %gt3A_378 : i32
    %convert_element_type3A_380 = arith.extui %gt3A_379 : i1 to i32
    %cond3A_381 = arith.constant 0 : i32
    %cond3A_382 = arith.cmpi ne, %convert_element_type3A_380, %cond3A_381 : i32
    scf.if %cond3A_382 {
      %get3A_1424 = arith.constant 16 : index
      %get3A_1425 = tpu.vector_load %arg15[%get3A_1424] {strides = array<i32>} : memref<64xi32, #tpu.memory_space<vmem>>, vector<16xi32>,
      %add3A_1426 = arith.addi %get3A_1425, %get3A_376 : vector<16xi32>
      %swap3A_1427 = arith.constant 16 : index
      %swap3A_1428 = tpu.vector_load %arg15[%swap3A_1427] {strides = array<i32>} : memref<64xi32, #tpu.memory_space<vmem>>, vector<16xi32>,
      tpu.vector_store %arg15[%swap3A_1427], %add3A_1426 {strides = array<i32>} : memref<64xi32, #tpu.memory_space<vmem>>, vector<16xi32>,
    } else {
    }
    %get3A_383 = arith.constant 4 : i32
    %get3A_384 = arith.index_cast %get3A_383 : i32 to index
    %get3A_385 = arith.constant 16 : index
    %get3A_386 = tpu.vector_load %arg13[%get3A_384, %get3A_385] {strides = array<i32>} : memref<32x64xi32, #tpu.memory_space<vmem>>, vector<16xi32>,
    %add3A_387 = arith.addi %add3A_377, %get3A_386 : vector<16xi32>
    %gt3A_388 = arith.constant 4 : i32
    %gt3A_389 = arith.cmpi sgt, %add3A, %gt3A_388 : i32
    %convert_element_type3A_390 = arith.extui %gt3A_389 : i1 to i32
    %cond3A_391 = arith.constant 0 : i32
    %cond3A_392 = arith.cmpi ne, %convert_element_type3A_390, %cond3A_391 : i32
    scf.if %cond3A_392 {
      %get3A_1424 = arith.constant 16 : index
      %get3A_1425 = tpu.vector_load %arg15[%get3A_1424] {strides = array<i32>} : memref<64xi32, #tpu.memory_space<vmem>>, vector<16xi32>,
      %add3A_1426 = arith.addi %get3A_1425, %get3A_386 : vector<16xi32>
      %swap3A_1427 = arith.constant 16 : index
      %swap3A_1428 = tpu.vector_load %arg15[%swap3A_1427] {strides = array<i32>} : memref<64xi32, #tpu.memory_space<vmem>>, vector<16xi32>,
      tpu.vector_store %arg15[%swap3A_1427], %add3A_1426 {strides = array<i32>} : memref<64xi32, #tpu.memory_space<vmem>>, vector<16xi32>,
    } else {
    }
    %get3A_393 = arith.constant 5 : i32
    %get3A_394 = arith.index_cast %get3A_393 : i32 to index
    %get3A_395 = arith.constant 16 : index
    %get3A_396 = tpu.vector_load %arg13[%get3A_394, %get3A_395] {strides = array<i32>} : memref<32x64xi32, #tpu.memory_space<vmem>>, vector<16xi32>,
    %add3A_397 = arith.addi %add3A_387, %get3A_396 : vector<16xi32>
    %gt3A_398 = arith.constant 5 : i32
    %gt3A_399 = arith.cmpi sgt, %add3A, %gt3A_398 : i32
    %convert_element_type3A_400 = arith.extui %gt3A_399 : i1 to i32
    %cond3A_401 = arith.constant 0 : i32
    %cond3A_402 = arith.cmpi ne, %convert_element_type3A_400, %cond3A_401 : i32
    scf.if %cond3A_402 {
      %get3A_1424 = arith.constant 16 : index
      %get3A_1425 = tpu.vector_load %arg15[%get3A_1424] {strides = array<i32>} : memref<64xi32, #tpu.memory_space<vmem>>, vector<16xi32>,
      %add3A_1426 = arith.addi %get3A_1425, %get3A_396 : vector<16xi32>
      %swap3A_1427 = arith.constant 16 : index
      %swap3A_1428 = tpu.vector_load %arg15[%swap3A_1427] {strides = array<i32>} : memref<64xi32, #tpu.memory_space<vmem>>, vector<16xi32>,
      tpu.vector_store %arg15[%swap3A_1427], %add3A_1426 {strides = array<i32>} : memref<64xi32, #tpu.memory_space<vmem>>, vector<16xi32>,
    } else {
    }
    %get3A_403 = arith.constant 6 : i32
    %get3A_404 = arith.index_cast %get3A_403 : i32 to index
    %get3A_405 = arith.constant 16 : index
    %get3A_406 = tpu.vector_load %arg13[%get3A_404, %get3A_405] {strides = array<i32>} : memref<32x64xi32, #tpu.memory_space<vmem>>, vector<16xi32>,
    %add3A_407 = arith.addi %add3A_397, %get3A_406 : vector<16xi32>
    %gt3A_408 = arith.constant 6 : i32
    %gt3A_409 = arith.cmpi sgt, %add3A, %gt3A_408 : i32
    %convert_element_type3A_410 = arith.extui %gt3A_409 : i1 to i32
    %cond3A_411 = arith.constant 0 : i32
    %cond3A_412 = arith.cmpi ne, %convert_element_type3A_410, %cond3A_411 : i32
    scf.if %cond3A_412 {
      %get3A_1424 = arith.constant 16 : index
      %get3A_1425 = tpu.vector_load %arg15[%get3A_1424] {strides = array<i32>} : memref<64xi32, #tpu.memory_space<vmem>>, vector<16xi32>,
      %add3A_1426 = arith.addi %get3A_1425, %get3A_406 : vector<16xi32>
      %swap3A_1427 = arith.constant 16 : index
      %swap3A_1428 = tpu.vector_load %arg15[%swap3A_1427] {strides = array<i32>} : memref<64xi32, #tpu.memory_space<vmem>>, vector<16xi32>,
      tpu.vector_store %arg15[%swap3A_1427], %add3A_1426 {strides = array<i32>} : memref<64xi32, #tpu.memory_space<vmem>>, vector<16xi32>,
    } else {
    }
    %get3A_413 = arith.constant 7 : i32
    %get3A_414 = arith.index_cast %get3A_413 : i32 to index
    %get3A_415 = arith.constant 16 : index
    %get3A_416 = tpu.vector_load %arg13[%get3A_414, %get3A_415] {strides = array<i32>} : memref<32x64xi32, #tpu.memory_space<vmem>>, vector<16xi32>,
    %add3A_417 = arith.addi %add3A_407, %get3A_416 : vector<16xi32>
    %gt3A_418 = arith.constant 7 : i32
    %gt3A_419 = arith.cmpi sgt, %add3A, %gt3A_418 : i32
    %convert_element_type3A_420 = arith.extui %gt3A_419 : i1 to i32
    %cond3A_421 = arith.constant 0 : i32
    %cond3A_422 = arith.cmpi ne, %convert_element_type3A_420, %cond3A_421 : i32
    scf.if %cond3A_422 {
      %get3A_1424 = arith.constant 16 : index
      %get3A_1425 = tpu.vector_load %arg15[%get3A_1424] {strides = array<i32>} : memref<64xi32, #tpu.memory_space<vmem>>, vector<16xi32>,
      %add3A_1426 = arith.addi %get3A_1425, %get3A_416 : vector<16xi32>
      %swap3A_1427 = arith.constant 16 : index
      %swap3A_1428 = tpu.vector_load %arg15[%swap3A_1427] {strides = array<i32>} : memref<64xi32, #tpu.memory_space<vmem>>, vector<16xi32>,
      tpu.vector_store %arg15[%swap3A_1427], %add3A_1426 {strides = array<i32>} : memref<64xi32, #tpu.memory_space<vmem>>, vector<16xi32>,
    } else {
    }
    %get3A_423 = arith.constant 8 : i32
    %get3A_424 = arith.index_cast %get3A_423 : i32 to index
    %get3A_425 = arith.constant 16 : index
    %get3A_426 = tpu.vector_load %arg13[%get3A_424, %get3A_425] {strides = array<i32>} : memref<32x64xi32, #tpu.memory_space<vmem>>, vector<16xi32>,
    %add3A_427 = arith.addi %add3A_417, %get3A_426 : vector<16xi32>
    %gt3A_428 = arith.constant 8 : i32
    %gt3A_429 = arith.cmpi sgt, %add3A, %gt3A_428 : i32
    %convert_element_type3A_430 = arith.extui %gt3A_429 : i1 to i32
    %cond3A_431 = arith.constant 0 : i32
    %cond3A_432 = arith.cmpi ne, %convert_element_type3A_430, %cond3A_431 : i32
    scf.if %cond3A_432 {
      %get3A_1424 = arith.constant 16 : index
      %get3A_1425 = tpu.vector_load %arg15[%get3A_1424] {strides = array<i32>} : memref<64xi32, #tpu.memory_space<vmem>>, vector<16xi32>,
      %add3A_1426 = arith.addi %get3A_1425, %get3A_426 : vector<16xi32>
      %swap3A_1427 = arith.constant 16 : index
      %swap3A_1428 = tpu.vector_load %arg15[%swap3A_1427] {strides = array<i32>} : memref<64xi32, #tpu.memory_space<vmem>>, vector<16xi32>,
      tpu.vector_store %arg15[%swap3A_1427], %add3A_1426 {strides = array<i32>} : memref<64xi32, #tpu.memory_space<vmem>>, vector<16xi32>,
    } else {
    }
    %get3A_433 = arith.constant 9 : i32
    %get3A_434 = arith.index_cast %get3A_433 : i32 to index
    %get3A_435 = arith.constant 16 : index
    %get3A_436 = tpu.vector_load %arg13[%get3A_434, %get3A_435] {strides = array<i32>} : memref<32x64xi32, #tpu.memory_space<vmem>>, vector<16xi32>,
    %add3A_437 = arith.addi %add3A_427, %get3A_436 : vector<16xi32>
    %gt3A_438 = arith.constant 9 : i32
    %gt3A_439 = arith.cmpi sgt, %add3A, %gt3A_438 : i32
    %convert_element_type3A_440 = arith.extui %gt3A_439 : i1 to i32
    %cond3A_441 = arith.constant 0 : i32
    %cond3A_442 = arith.cmpi ne, %convert_element_type3A_440, %cond3A_441 : i32
    scf.if %cond3A_442 {
      %get3A_1424 = arith.constant 16 : index
      %get3A_1425 = tpu.vector_load %arg15[%get3A_1424] {strides = array<i32>} : memref<64xi32, #tpu.memory_space<vmem>>, vector<16xi32>,
      %add3A_1426 = arith.addi %get3A_1425, %get3A_436 : vector<16xi32>
      %swap3A_1427 = arith.constant 16 : index
      %swap3A_1428 = tpu.vector_load %arg15[%swap3A_1427] {strides = array<i32>} : memref<64xi32, #tpu.memory_space<vmem>>, vector<16xi32>,
      tpu.vector_store %arg15[%swap3A_1427], %add3A_1426 {strides = array<i32>} : memref<64xi32, #tpu.memory_space<vmem>>, vector<16xi32>,
    } else {
    }
    %get3A_443 = arith.constant 10 : i32
    %get3A_444 = arith.index_cast %get3A_443 : i32 to index
    %get3A_445 = arith.constant 16 : index
    %get3A_446 = tpu.vector_load %arg13[%get3A_444, %get3A_445] {strides = array<i32>} : memref<32x64xi32, #tpu.memory_space<vmem>>, vector<16xi32>,
    %add3A_447 = arith.addi %add3A_437, %get3A_446 : vector<16xi32>
    %gt3A_448 = arith.constant 10 : i32
    %gt3A_449 = arith.cmpi sgt, %add3A, %gt3A_448 : i32
    %convert_element_type3A_450 = arith.extui %gt3A_449 : i1 to i32
    %cond3A_451 = arith.constant 0 : i32
    %cond3A_452 = arith.cmpi ne, %convert_element_type3A_450, %cond3A_451 : i32
    scf.if %cond3A_452 {
      %get3A_1424 = arith.constant 16 : index
      %get3A_1425 = tpu.vector_load %arg15[%get3A_1424] {strides = array<i32>} : memref<64xi32, #tpu.memory_space<vmem>>, vector<16xi32>,
      %add3A_1426 = arith.addi %get3A_1425, %get3A_446 : vector<16xi32>
      %swap3A_1427 = arith.constant 16 : index
      %swap3A_1428 = tpu.vector_load %arg15[%swap3A_1427] {strides = array<i32>} : memref<64xi32, #tpu.memory_space<vmem>>, vector<16xi32>,
      tpu.vector_store %arg15[%swap3A_1427], %add3A_1426 {strides = array<i32>} : memref<64xi32, #tpu.memory_space<vmem>>, vector<16xi32>,
    } else {
    }
    %get3A_453 = arith.constant 11 : i32
    %get3A_454 = arith.index_cast %get3A_453 : i32 to index
    %get3A_455 = arith.constant 16 : index
    %get3A_456 = tpu.vector_load %arg13[%get3A_454, %get3A_455] {strides = array<i32>} : memref<32x64xi32, #tpu.memory_space<vmem>>, vector<16xi32>,
    %add3A_457 = arith.addi %add3A_447, %get3A_456 : vector<16xi32>
    %gt3A_458 = arith.constant 11 : i32
    %gt3A_459 = arith.cmpi sgt, %add3A, %gt3A_458 : i32
    %convert_element_type3A_460 = arith.extui %gt3A_459 : i1 to i32
    %cond3A_461 = arith.constant 0 : i32
    %cond3A_462 = arith.cmpi ne, %convert_element_type3A_460, %cond3A_461 : i32
    scf.if %cond3A_462 {
      %get3A_1424 = arith.constant 16 : index
      %get3A_1425 = tpu.vector_load %arg15[%get3A_1424] {strides = array<i32>} : memref<64xi32, #tpu.memory_space<vmem>>, vector<16xi32>,
      %add3A_1426 = arith.addi %get3A_1425, %get3A_456 : vector<16xi32>
      %swap3A_1427 = arith.constant 16 : index
      %swap3A_1428 = tpu.vector_load %arg15[%swap3A_1427] {strides = array<i32>} : memref<64xi32, #tpu.memory_space<vmem>>, vector<16xi32>,
      tpu.vector_store %arg15[%swap3A_1427], %add3A_1426 {strides = array<i32>} : memref<64xi32, #tpu.memory_space<vmem>>, vector<16xi32>,
    } else {
    }
    %get3A_463 = arith.constant 12 : i32
    %get3A_464 = arith.index_cast %get3A_463 : i32 to index
    %get3A_465 = arith.constant 16 : index
    %get3A_466 = tpu.vector_load %arg13[%get3A_464, %get3A_465] {strides = array<i32>} : memref<32x64xi32, #tpu.memory_space<vmem>>, vector<16xi32>,
    %add3A_467 = arith.addi %add3A_457, %get3A_466 : vector<16xi32>
    %gt3A_468 = arith.constant 12 : i32
    %gt3A_469 = arith.cmpi sgt, %add3A, %gt3A_468 : i32
    %convert_element_type3A_470 = arith.extui %gt3A_469 : i1 to i32
    %cond3A_471 = arith.constant 0 : i32
    %cond3A_472 = arith.cmpi ne, %convert_element_type3A_470, %cond3A_471 : i32
    scf.if %cond3A_472 {
      %get3A_1424 = arith.constant 16 : index
      %get3A_1425 = tpu.vector_load %arg15[%get3A_1424] {strides = array<i32>} : memref<64xi32, #tpu.memory_space<vmem>>, vector<16xi32>,
      %add3A_1426 = arith.addi %get3A_1425, %get3A_466 : vector<16xi32>
      %swap3A_1427 = arith.constant 16 : index
      %swap3A_1428 = tpu.vector_load %arg15[%swap3A_1427] {strides = array<i32>} : memref<64xi32, #tpu.memory_space<vmem>>, vector<16xi32>,
      tpu.vector_store %arg15[%swap3A_1427], %add3A_1426 {strides = array<i32>} : memref<64xi32, #tpu.memory_space<vmem>>, vector<16xi32>,
    } else {
    }
    %get3A_473 = arith.constant 13 : i32
    %get3A_474 = arith.index_cast %get3A_473 : i32 to index
    %get3A_475 = arith.constant 16 : index
    %get3A_476 = tpu.vector_load %arg13[%get3A_474, %get3A_475] {strides = array<i32>} : memref<32x64xi32, #tpu.memory_space<vmem>>, vector<16xi32>,
    %add3A_477 = arith.addi %add3A_467, %get3A_476 : vector<16xi32>
    %gt3A_478 = arith.constant 13 : i32
    %gt3A_479 = arith.cmpi sgt, %add3A, %gt3A_478 : i32
    %convert_element_type3A_480 = arith.extui %gt3A_479 : i1 to i32
    %cond3A_481 = arith.constant 0 : i32
    %cond3A_482 = arith.cmpi ne, %convert_element_type3A_480, %cond3A_481 : i32
    scf.if %cond3A_482 {
      %get3A_1424 = arith.constant 16 : index
      %get3A_1425 = tpu.vector_load %arg15[%get3A_1424] {strides = array<i32>} : memref<64xi32, #tpu.memory_space<vmem>>, vector<16xi32>,
      %add3A_1426 = arith.addi %get3A_1425, %get3A_476 : vector<16xi32>
      %swap3A_1427 = arith.constant 16 : index
      %swap3A_1428 = tpu.vector_load %arg15[%swap3A_1427] {strides = array<i32>} : memref<64xi32, #tpu.memory_space<vmem>>, vector<16xi32>,
      tpu.vector_store %arg15[%swap3A_1427], %add3A_1426 {strides = array<i32>} : memref<64xi32, #tpu.memory_space<vmem>>, vector<16xi32>,
    } else {
    }
    %get3A_483 = arith.constant 14 : i32
    %get3A_484 = arith.index_cast %get3A_483 : i32 to index
    %get3A_485 = arith.constant 16 : index
    %get3A_486 = tpu.vector_load %arg13[%get3A_484, %get3A_485] {strides = array<i32>} : memref<32x64xi32, #tpu.memory_space<vmem>>, vector<16xi32>,
    %add3A_487 = arith.addi %add3A_477, %get3A_486 : vector<16xi32>
    %gt3A_488 = arith.constant 14 : i32
    %gt3A_489 = arith.cmpi sgt, %add3A, %gt3A_488 : i32
    %convert_element_type3A_490 = arith.extui %gt3A_489 : i1 to i32
    %cond3A_491 = arith.constant 0 : i32
    %cond3A_492 = arith.cmpi ne, %convert_element_type3A_490, %cond3A_491 : i32
    scf.if %cond3A_492 {
      %get3A_1424 = arith.constant 16 : index
      %get3A_1425 = tpu.vector_load %arg15[%get3A_1424] {strides = array<i32>} : memref<64xi32, #tpu.memory_space<vmem>>, vector<16xi32>,
      %add3A_1426 = arith.addi %get3A_1425, %get3A_486 : vector<16xi32>
      %swap3A_1427 = arith.constant 16 : index
      %swap3A_1428 = tpu.vector_load %arg15[%swap3A_1427] {strides = array<i32>} : memref<64xi32, #tpu.memory_space<vmem>>, vector<16xi32>,
      tpu.vector_store %arg15[%swap3A_1427], %add3A_1426 {strides = array<i32>} : memref<64xi32, #tpu.memory_space<vmem>>, vector<16xi32>,
    } else {
    }
    %get3A_493 = arith.constant 15 : i32
    %get3A_494 = arith.index_cast %get3A_493 : i32 to index
    %get3A_495 = arith.constant 16 : index
    %get3A_496 = tpu.vector_load %arg13[%get3A_494, %get3A_495] {strides = array<i32>} : memref<32x64xi32, #tpu.memory_space<vmem>>, vector<16xi32>,
    %add3A_497 = arith.addi %add3A_487, %get3A_496 : vector<16xi32>
    %gt3A_498 = arith.constant 15 : i32
    %gt3A_499 = arith.cmpi sgt, %add3A, %gt3A_498 : i32
    %convert_element_type3A_500 = arith.extui %gt3A_499 : i1 to i32
    %cond3A_501 = arith.constant 0 : i32
    %cond3A_502 = arith.cmpi ne, %convert_element_type3A_500, %cond3A_501 : i32
    scf.if %cond3A_502 {
      %get3A_1424 = arith.constant 16 : index
      %get3A_1425 = tpu.vector_load %arg15[%get3A_1424] {strides = array<i32>} : memref<64xi32, #tpu.memory_space<vmem>>, vector<16xi32>,
      %add3A_1426 = arith.addi %get3A_1425, %get3A_496 : vector<16xi32>
      %swap3A_1427 = arith.constant 16 : index
      %swap3A_1428 = tpu.vector_load %arg15[%swap3A_1427] {strides = array<i32>} : memref<64xi32, #tpu.memory_space<vmem>>, vector<16xi32>,
      tpu.vector_store %arg15[%swap3A_1427], %add3A_1426 {strides = array<i32>} : memref<64xi32, #tpu.memory_space<vmem>>, vector<16xi32>,
    } else {
    }
    %get3A_503 = arith.constant 16 : i32
    %get3A_504 = arith.index_cast %get3A_503 : i32 to index
    %get3A_505 = arith.constant 16 : index
    %get3A_506 = tpu.vector_load %arg13[%get3A_504, %get3A_505] {strides = array<i32>} : memref<32x64xi32, #tpu.memory_space<vmem>>, vector<16xi32>,
    %add3A_507 = arith.addi %add3A_497, %get3A_506 : vector<16xi32>
    %gt3A_508 = arith.constant 16 : i32
    %gt3A_509 = arith.cmpi sgt, %add3A, %gt3A_508 : i32
    %convert_element_type3A_510 = arith.extui %gt3A_509 : i1 to i32
    %cond3A_511 = arith.constant 0 : i32
    %cond3A_512 = arith.cmpi ne, %convert_element_type3A_510, %cond3A_511 : i32
    scf.if %cond3A_512 {
      %get3A_1424 = arith.constant 16 : index
      %get3A_1425 = tpu.vector_load %arg15[%get3A_1424] {strides = array<i32>} : memref<64xi32, #tpu.memory_space<vmem>>, vector<16xi32>,
      %add3A_1426 = arith.addi %get3A_1425, %get3A_506 : vector<16xi32>
      %swap3A_1427 = arith.constant 16 : index
      %swap3A_1428 = tpu.vector_load %arg15[%swap3A_1427] {strides = array<i32>} : memref<64xi32, #tpu.memory_space<vmem>>, vector<16xi32>,
      tpu.vector_store %arg15[%swap3A_1427], %add3A_1426 {strides = array<i32>} : memref<64xi32, #tpu.memory_space<vmem>>, vector<16xi32>,
    } else {
    }
    %get3A_513 = arith.constant 17 : i32
    %get3A_514 = arith.index_cast %get3A_513 : i32 to index
    %get3A_515 = arith.constant 16 : index
    %get3A_516 = tpu.vector_load %arg13[%get3A_514, %get3A_515] {strides = array<i32>} : memref<32x64xi32, #tpu.memory_space<vmem>>, vector<16xi32>,
    %add3A_517 = arith.addi %add3A_507, %get3A_516 : vector<16xi32>
    %gt3A_518 = arith.constant 17 : i32
    %gt3A_519 = arith.cmpi sgt, %add3A, %gt3A_518 : i32
    %convert_element_type3A_520 = arith.extui %gt3A_519 : i1 to i32
    %cond3A_521 = arith.constant 0 : i32
    %cond3A_522 = arith.cmpi ne, %convert_element_type3A_520, %cond3A_521 : i32
    scf.if %cond3A_522 {
      %get3A_1424 = arith.constant 16 : index
      %get3A_1425 = tpu.vector_load %arg15[%get3A_1424] {strides = array<i32>} : memref<64xi32, #tpu.memory_space<vmem>>, vector<16xi32>,
      %add3A_1426 = arith.addi %get3A_1425, %get3A_516 : vector<16xi32>
      %swap3A_1427 = arith.constant 16 : index
      %swap3A_1428 = tpu.vector_load %arg15[%swap3A_1427] {strides = array<i32>} : memref<64xi32, #tpu.memory_space<vmem>>, vector<16xi32>,
      tpu.vector_store %arg15[%swap3A_1427], %add3A_1426 {strides = array<i32>} : memref<64xi32, #tpu.memory_space<vmem>>, vector<16xi32>,
    } else {
    }
    %get3A_523 = arith.constant 18 : i32
    %get3A_524 = arith.index_cast %get3A_523 : i32 to index
    %get3A_525 = arith.constant 16 : index
    %get3A_526 = tpu.vector_load %arg13[%get3A_524, %get3A_525] {strides = array<i32>} : memref<32x64xi32, #tpu.memory_space<vmem>>, vector<16xi32>,
    %add3A_527 = arith.addi %add3A_517, %get3A_526 : vector<16xi32>
    %gt3A_528 = arith.constant 18 : i32
    %gt3A_529 = arith.cmpi sgt, %add3A, %gt3A_528 : i32
    %convert_element_type3A_530 = arith.extui %gt3A_529 : i1 to i32
    %cond3A_531 = arith.constant 0 : i32
    %cond3A_532 = arith.cmpi ne, %convert_element_type3A_530, %cond3A_531 : i32
    scf.if %cond3A_532 {
      %get3A_1424 = arith.constant 16 : index
      %get3A_1425 = tpu.vector_load %arg15[%get3A_1424] {strides = array<i32>} : memref<64xi32, #tpu.memory_space<vmem>>, vector<16xi32>,
      %add3A_1426 = arith.addi %get3A_1425, %get3A_526 : vector<16xi32>
      %swap3A_1427 = arith.constant 16 : index
      %swap3A_1428 = tpu.vector_load %arg15[%swap3A_1427] {strides = array<i32>} : memref<64xi32, #tpu.memory_space<vmem>>, vector<16xi32>,
      tpu.vector_store %arg15[%swap3A_1427], %add3A_1426 {strides = array<i32>} : memref<64xi32, #tpu.memory_space<vmem>>, vector<16xi32>,
    } else {
    }
    %get3A_533 = arith.constant 19 : i32
    %get3A_534 = arith.index_cast %get3A_533 : i32 to index
    %get3A_535 = arith.constant 16 : index
    %get3A_536 = tpu.vector_load %arg13[%get3A_534, %get3A_535] {strides = array<i32>} : memref<32x64xi32, #tpu.memory_space<vmem>>, vector<16xi32>,
    %add3A_537 = arith.addi %add3A_527, %get3A_536 : vector<16xi32>
    %gt3A_538 = arith.constant 19 : i32
    %gt3A_539 = arith.cmpi sgt, %add3A, %gt3A_538 : i32
    %convert_element_type3A_540 = arith.extui %gt3A_539 : i1 to i32
    %cond3A_541 = arith.constant 0 : i32
    %cond3A_542 = arith.cmpi ne, %convert_element_type3A_540, %cond3A_541 : i32
    scf.if %cond3A_542 {
      %get3A_1424 = arith.constant 16 : index
      %get3A_1425 = tpu.vector_load %arg15[%get3A_1424] {strides = array<i32>} : memref<64xi32, #tpu.memory_space<vmem>>, vector<16xi32>,
      %add3A_1426 = arith.addi %get3A_1425, %get3A_536 : vector<16xi32>
      %swap3A_1427 = arith.constant 16 : index
      %swap3A_1428 = tpu.vector_load %arg15[%swap3A_1427] {strides = array<i32>} : memref<64xi32, #tpu.memory_space<vmem>>, vector<16xi32>,
      tpu.vector_store %arg15[%swap3A_1427], %add3A_1426 {strides = array<i32>} : memref<64xi32, #tpu.memory_space<vmem>>, vector<16xi32>,
    } else {
    }
    %get3A_543 = arith.constant 20 : i32
    %get3A_544 = arith.index_cast %get3A_543 : i32 to index
    %get3A_545 = arith.constant 16 : index
    %get3A_546 = tpu.vector_load %arg13[%get3A_544, %get3A_545] {strides = array<i32>} : memref<32x64xi32, #tpu.memory_space<vmem>>, vector<16xi32>,
    %add3A_547 = arith.addi %add3A_537, %get3A_546 : vector<16xi32>
    %gt3A_548 = arith.constant 20 : i32
    %gt3A_549 = arith.cmpi sgt, %add3A, %gt3A_548 : i32
    %convert_element_type3A_550 = arith.extui %gt3A_549 : i1 to i32
    %cond3A_551 = arith.constant 0 : i32
    %cond3A_552 = arith.cmpi ne, %convert_element_type3A_550, %cond3A_551 : i32
    scf.if %cond3A_552 {
      %get3A_1424 = arith.constant 16 : index
      %get3A_1425 = tpu.vector_load %arg15[%get3A_1424] {strides = array<i32>} : memref<64xi32, #tpu.memory_space<vmem>>, vector<16xi32>,
      %add3A_1426 = arith.addi %get3A_1425, %get3A_546 : vector<16xi32>
      %swap3A_1427 = arith.constant 16 : index
      %swap3A_1428 = tpu.vector_load %arg15[%swap3A_1427] {strides = array<i32>} : memref<64xi32, #tpu.memory_space<vmem>>, vector<16xi32>,
      tpu.vector_store %arg15[%swap3A_1427], %add3A_1426 {strides = array<i32>} : memref<64xi32, #tpu.memory_space<vmem>>, vector<16xi32>,
    } else {
    }
    %get3A_553 = arith.constant 21 : i32
    %get3A_554 = arith.index_cast %get3A_553 : i32 to index
    %get3A_555 = arith.constant 16 : index
    %get3A_556 = tpu.vector_load %arg13[%get3A_554, %get3A_555] {strides = array<i32>} : memref<32x64xi32, #tpu.memory_space<vmem>>, vector<16xi32>,
    %add3A_557 = arith.addi %add3A_547, %get3A_556 : vector<16xi32>
    %gt3A_558 = arith.constant 21 : i32
    %gt3A_559 = arith.cmpi sgt, %add3A, %gt3A_558 : i32
    %convert_element_type3A_560 = arith.extui %gt3A_559 : i1 to i32
    %cond3A_561 = arith.constant 0 : i32
    %cond3A_562 = arith.cmpi ne, %convert_element_type3A_560, %cond3A_561 : i32
    scf.if %cond3A_562 {
      %get3A_1424 = arith.constant 16 : index
      %get3A_1425 = tpu.vector_load %arg15[%get3A_1424] {strides = array<i32>} : memref<64xi32, #tpu.memory_space<vmem>>, vector<16xi32>,
      %add3A_1426 = arith.addi %get3A_1425, %get3A_556 : vector<16xi32>
      %swap3A_1427 = arith.constant 16 : index
      %swap3A_1428 = tpu.vector_load %arg15[%swap3A_1427] {strides = array<i32>} : memref<64xi32, #tpu.memory_space<vmem>>, vector<16xi32>,
      tpu.vector_store %arg15[%swap3A_1427], %add3A_1426 {strides = array<i32>} : memref<64xi32, #tpu.memory_space<vmem>>, vector<16xi32>,
    } else {
    }
    %get3A_563 = arith.constant 22 : i32
    %get3A_564 = arith.index_cast %get3A_563 : i32 to index
    %get3A_565 = arith.constant 16 : index
    %get3A_566 = tpu.vector_load %arg13[%get3A_564, %get3A_565] {strides = array<i32>} : memref<32x64xi32, #tpu.memory_space<vmem>>, vector<16xi32>,
    %add3A_567 = arith.addi %add3A_557, %get3A_566 : vector<16xi32>
    %gt3A_568 = arith.constant 22 : i32
    %gt3A_569 = arith.cmpi sgt, %add3A, %gt3A_568 : i32
    %convert_element_type3A_570 = arith.extui %gt3A_569 : i1 to i32
    %cond3A_571 = arith.constant 0 : i32
    %cond3A_572 = arith.cmpi ne, %convert_element_type3A_570, %cond3A_571 : i32
    scf.if %cond3A_572 {
      %get3A_1424 = arith.constant 16 : index
      %get3A_1425 = tpu.vector_load %arg15[%get3A_1424] {strides = array<i32>} : memref<64xi32, #tpu.memory_space<vmem>>, vector<16xi32>,
      %add3A_1426 = arith.addi %get3A_1425, %get3A_566 : vector<16xi32>
      %swap3A_1427 = arith.constant 16 : index
      %swap3A_1428 = tpu.vector_load %arg15[%swap3A_1427] {strides = array<i32>} : memref<64xi32, #tpu.memory_space<vmem>>, vector<16xi32>,
      tpu.vector_store %arg15[%swap3A_1427], %add3A_1426 {strides = array<i32>} : memref<64xi32, #tpu.memory_space<vmem>>, vector<16xi32>,
    } else {
    }
    %get3A_573 = arith.constant 23 : i32
    %get3A_574 = arith.index_cast %get3A_573 : i32 to index
    %get3A_575 = arith.constant 16 : index
    %get3A_576 = tpu.vector_load %arg13[%get3A_574, %get3A_575] {strides = array<i32>} : memref<32x64xi32, #tpu.memory_space<vmem>>, vector<16xi32>,
    %add3A_577 = arith.addi %add3A_567, %get3A_576 : vector<16xi32>
    %gt3A_578 = arith.constant 23 : i32
    %gt3A_579 = arith.cmpi sgt, %add3A, %gt3A_578 : i32
    %convert_element_type3A_580 = arith.extui %gt3A_579 : i1 to i32
    %cond3A_581 = arith.constant 0 : i32
    %cond3A_582 = arith.cmpi ne, %convert_element_type3A_580, %cond3A_581 : i32
    scf.if %cond3A_582 {
      %get3A_1424 = arith.constant 16 : index
      %get3A_1425 = tpu.vector_load %arg15[%get3A_1424] {strides = array<i32>} : memref<64xi32, #tpu.memory_space<vmem>>, vector<16xi32>,
      %add3A_1426 = arith.addi %get3A_1425, %get3A_576 : vector<16xi32>
      %swap3A_1427 = arith.constant 16 : index
      %swap3A_1428 = tpu.vector_load %arg15[%swap3A_1427] {strides = array<i32>} : memref<64xi32, #tpu.memory_space<vmem>>, vector<16xi32>,
      tpu.vector_store %arg15[%swap3A_1427], %add3A_1426 {strides = array<i32>} : memref<64xi32, #tpu.memory_space<vmem>>, vector<16xi32>,
    } else {
    }
    %get3A_583 = arith.constant 24 : i32
    %get3A_584 = arith.index_cast %get3A_583 : i32 to index
    %get3A_585 = arith.constant 16 : index
    %get3A_586 = tpu.vector_load %arg13[%get3A_584, %get3A_585] {strides = array<i32>} : memref<32x64xi32, #tpu.memory_space<vmem>>, vector<16xi32>,
    %add3A_587 = arith.addi %add3A_577, %get3A_586 : vector<16xi32>
    %gt3A_588 = arith.constant 24 : i32
    %gt3A_589 = arith.cmpi sgt, %add3A, %gt3A_588 : i32
    %convert_element_type3A_590 = arith.extui %gt3A_589 : i1 to i32
    %cond3A_591 = arith.constant 0 : i32
    %cond3A_592 = arith.cmpi ne, %convert_element_type3A_590, %cond3A_591 : i32
    scf.if %cond3A_592 {
      %get3A_1424 = arith.constant 16 : index
      %get3A_1425 = tpu.vector_load %arg15[%get3A_1424] {strides = array<i32>} : memref<64xi32, #tpu.memory_space<vmem>>, vector<16xi32>,
      %add3A_1426 = arith.addi %get3A_1425, %get3A_586 : vector<16xi32>
      %swap3A_1427 = arith.constant 16 : index
      %swap3A_1428 = tpu.vector_load %arg15[%swap3A_1427] {strides = array<i32>} : memref<64xi32, #tpu.memory_space<vmem>>, vector<16xi32>,
      tpu.vector_store %arg15[%swap3A_1427], %add3A_1426 {strides = array<i32>} : memref<64xi32, #tpu.memory_space<vmem>>, vector<16xi32>,
    } else {
    }
    %get3A_593 = arith.constant 25 : i32
    %get3A_594 = arith.index_cast %get3A_593 : i32 to index
    %get3A_595 = arith.constant 16 : index
    %get3A_596 = tpu.vector_load %arg13[%get3A_594, %get3A_595] {strides = array<i32>} : memref<32x64xi32, #tpu.memory_space<vmem>>, vector<16xi32>,
    %add3A_597 = arith.addi %add3A_587, %get3A_596 : vector<16xi32>
    %gt3A_598 = arith.constant 25 : i32
    %gt3A_599 = arith.cmpi sgt, %add3A, %gt3A_598 : i32
    %convert_element_type3A_600 = arith.extui %gt3A_599 : i1 to i32
    %cond3A_601 = arith.constant 0 : i32
    %cond3A_602 = arith.cmpi ne, %convert_element_type3A_600, %cond3A_601 : i32
    scf.if %cond3A_602 {
      %get3A_1424 = arith.constant 16 : index
      %get3A_1425 = tpu.vector_load %arg15[%get3A_1424] {strides = array<i32>} : memref<64xi32, #tpu.memory_space<vmem>>, vector<16xi32>,
      %add3A_1426 = arith.addi %get3A_1425, %get3A_596 : vector<16xi32>
      %swap3A_1427 = arith.constant 16 : index
      %swap3A_1428 = tpu.vector_load %arg15[%swap3A_1427] {strides = array<i32>} : memref<64xi32, #tpu.memory_space<vmem>>, vector<16xi32>,
      tpu.vector_store %arg15[%swap3A_1427], %add3A_1426 {strides = array<i32>} : memref<64xi32, #tpu.memory_space<vmem>>, vector<16xi32>,
    } else {
    }
    %get3A_603 = arith.constant 26 : i32
    %get3A_604 = arith.index_cast %get3A_603 : i32 to index
    %get3A_605 = arith.constant 16 : index
    %get3A_606 = tpu.vector_load %arg13[%get3A_604, %get3A_605] {strides = array<i32>} : memref<32x64xi32, #tpu.memory_space<vmem>>, vector<16xi32>,
    %add3A_607 = arith.addi %add3A_597, %get3A_606 : vector<16xi32>
    %gt3A_608 = arith.constant 26 : i32
    %gt3A_609 = arith.cmpi sgt, %add3A, %gt3A_608 : i32
    %convert_element_type3A_610 = arith.extui %gt3A_609 : i1 to i32
    %cond3A_611 = arith.constant 0 : i32
    %cond3A_612 = arith.cmpi ne, %convert_element_type3A_610, %cond3A_611 : i32
    scf.if %cond3A_612 {
      %get3A_1424 = arith.constant 16 : index
      %get3A_1425 = tpu.vector_load %arg15[%get3A_1424] {strides = array<i32>} : memref<64xi32, #tpu.memory_space<vmem>>, vector<16xi32>,
      %add3A_1426 = arith.addi %get3A_1425, %get3A_606 : vector<16xi32>
      %swap3A_1427 = arith.constant 16 : index
      %swap3A_1428 = tpu.vector_load %arg15[%swap3A_1427] {strides = array<i32>} : memref<64xi32, #tpu.memory_space<vmem>>, vector<16xi32>,
      tpu.vector_store %arg15[%swap3A_1427], %add3A_1426 {strides = array<i32>} : memref<64xi32, #tpu.memory_space<vmem>>, vector<16xi32>,
    } else {
    }
    %get3A_613 = arith.constant 27 : i32
    %get3A_614 = arith.index_cast %get3A_613 : i32 to index
    %get3A_615 = arith.constant 16 : index
    %get3A_616 = tpu.vector_load %arg13[%get3A_614, %get3A_615] {strides = array<i32>} : memref<32x64xi32, #tpu.memory_space<vmem>>, vector<16xi32>,
    %add3A_617 = arith.addi %add3A_607, %get3A_616 : vector<16xi32>
    %gt3A_618 = arith.constant 27 : i32
    %gt3A_619 = arith.cmpi sgt, %add3A, %gt3A_618 : i32
    %convert_element_type3A_620 = arith.extui %gt3A_619 : i1 to i32
    %cond3A_621 = arith.constant 0 : i32
    %cond3A_622 = arith.cmpi ne, %convert_element_type3A_620, %cond3A_621 : i32
    scf.if %cond3A_622 {
      %get3A_1424 = arith.constant 16 : index
      %get3A_1425 = tpu.vector_load %arg15[%get3A_1424] {strides = array<i32>} : memref<64xi32, #tpu.memory_space<vmem>>, vector<16xi32>,
      %add3A_1426 = arith.addi %get3A_1425, %get3A_616 : vector<16xi32>
      %swap3A_1427 = arith.constant 16 : index
      %swap3A_1428 = tpu.vector_load %arg15[%swap3A_1427] {strides = array<i32>} : memref<64xi32, #tpu.memory_space<vmem>>, vector<16xi32>,
      tpu.vector_store %arg15[%swap3A_1427], %add3A_1426 {strides = array<i32>} : memref<64xi32, #tpu.memory_space<vmem>>, vector<16xi32>,
    } else {
    }
    %get3A_623 = arith.constant 28 : i32
    %get3A_624 = arith.index_cast %get3A_623 : i32 to index
    %get3A_625 = arith.constant 16 : index
    %get3A_626 = tpu.vector_load %arg13[%get3A_624, %get3A_625] {strides = array<i32>} : memref<32x64xi32, #tpu.memory_space<vmem>>, vector<16xi32>,
    %add3A_627 = arith.addi %add3A_617, %get3A_626 : vector<16xi32>
    %gt3A_628 = arith.constant 28 : i32
    %gt3A_629 = arith.cmpi sgt, %add3A, %gt3A_628 : i32
    %convert_element_type3A_630 = arith.extui %gt3A_629 : i1 to i32
    %cond3A_631 = arith.constant 0 : i32
    %cond3A_632 = arith.cmpi ne, %convert_element_type3A_630, %cond3A_631 : i32
    scf.if %cond3A_632 {
      %get3A_1424 = arith.constant 16 : index
      %get3A_1425 = tpu.vector_load %arg15[%get3A_1424] {strides = array<i32>} : memref<64xi32, #tpu.memory_space<vmem>>, vector<16xi32>,
      %add3A_1426 = arith.addi %get3A_1425, %get3A_626 : vector<16xi32>
      %swap3A_1427 = arith.constant 16 : index
      %swap3A_1428 = tpu.vector_load %arg15[%swap3A_1427] {strides = array<i32>} : memref<64xi32, #tpu.memory_space<vmem>>, vector<16xi32>,
      tpu.vector_store %arg15[%swap3A_1427], %add3A_1426 {strides = array<i32>} : memref<64xi32, #tpu.memory_space<vmem>>, vector<16xi32>,
    } else {
    }
    %get3A_633 = arith.constant 29 : i32
    %get3A_634 = arith.index_cast %get3A_633 : i32 to index
    %get3A_635 = arith.constant 16 : index
    %get3A_636 = tpu.vector_load %arg13[%get3A_634, %get3A_635] {strides = array<i32>} : memref<32x64xi32, #tpu.memory_space<vmem>>, vector<16xi32>,
    %add3A_637 = arith.addi %add3A_627, %get3A_636 : vector<16xi32>
    %gt3A_638 = arith.constant 29 : i32
    %gt3A_639 = arith.cmpi sgt, %add3A, %gt3A_638 : i32
    %convert_element_type3A_640 = arith.extui %gt3A_639 : i1 to i32
    %cond3A_641 = arith.constant 0 : i32
    %cond3A_642 = arith.cmpi ne, %convert_element_type3A_640, %cond3A_641 : i32
    scf.if %cond3A_642 {
      %get3A_1424 = arith.constant 16 : index
      %get3A_1425 = tpu.vector_load %arg15[%get3A_1424] {strides = array<i32>} : memref<64xi32, #tpu.memory_space<vmem>>, vector<16xi32>,
      %add3A_1426 = arith.addi %get3A_1425, %get3A_636 : vector<16xi32>
      %swap3A_1427 = arith.constant 16 : index
      %swap3A_1428 = tpu.vector_load %arg15[%swap3A_1427] {strides = array<i32>} : memref<64xi32, #tpu.memory_space<vmem>>, vector<16xi32>,
      tpu.vector_store %arg15[%swap3A_1427], %add3A_1426 {strides = array<i32>} : memref<64xi32, #tpu.memory_space<vmem>>, vector<16xi32>,
    } else {
    }
    %get3A_643 = arith.constant 30 : i32
    %get3A_644 = arith.index_cast %get3A_643 : i32 to index
    %get3A_645 = arith.constant 16 : index
    %get3A_646 = tpu.vector_load %arg13[%get3A_644, %get3A_645] {strides = array<i32>} : memref<32x64xi32, #tpu.memory_space<vmem>>, vector<16xi32>,
    %add3A_647 = arith.addi %add3A_637, %get3A_646 : vector<16xi32>
    %gt3A_648 = arith.constant 30 : i32
    %gt3A_649 = arith.cmpi sgt, %add3A, %gt3A_648 : i32
    %convert_element_type3A_650 = arith.extui %gt3A_649 : i1 to i32
    %cond3A_651 = arith.constant 0 : i32
    %cond3A_652 = arith.cmpi ne, %convert_element_type3A_650, %cond3A_651 : i32
    scf.if %cond3A_652 {
      %get3A_1424 = arith.constant 16 : index
      %get3A_1425 = tpu.vector_load %arg15[%get3A_1424] {strides = array<i32>} : memref<64xi32, #tpu.memory_space<vmem>>, vector<16xi32>,
      %add3A_1426 = arith.addi %get3A_1425, %get3A_646 : vector<16xi32>
      %swap3A_1427 = arith.constant 16 : index
      %swap3A_1428 = tpu.vector_load %arg15[%swap3A_1427] {strides = array<i32>} : memref<64xi32, #tpu.memory_space<vmem>>, vector<16xi32>,
      tpu.vector_store %arg15[%swap3A_1427], %add3A_1426 {strides = array<i32>} : memref<64xi32, #tpu.memory_space<vmem>>, vector<16xi32>,
    } else {
    }
    %get3A_653 = arith.constant 31 : i32
    %get3A_654 = arith.index_cast %get3A_653 : i32 to index
    %get3A_655 = arith.constant 16 : index
    %get3A_656 = tpu.vector_load %arg13[%get3A_654, %get3A_655] {strides = array<i32>} : memref<32x64xi32, #tpu.memory_space<vmem>>, vector<16xi32>,
    %add3A_657 = arith.addi %add3A_647, %get3A_656 : vector<16xi32>
    %gt3A_658 = arith.constant 31 : i32
    %gt3A_659 = arith.cmpi sgt, %add3A, %gt3A_658 : i32
    %convert_element_type3A_660 = arith.extui %gt3A_659 : i1 to i32
    %cond3A_661 = arith.constant 0 : i32
    %cond3A_662 = arith.cmpi ne, %convert_element_type3A_660, %cond3A_661 : i32
    scf.if %cond3A_662 {
      %get3A_1424 = arith.constant 16 : index
      %get3A_1425 = tpu.vector_load %arg15[%get3A_1424] {strides = array<i32>} : memref<64xi32, #tpu.memory_space<vmem>>, vector<16xi32>,
      %add3A_1426 = arith.addi %get3A_1425, %get3A_656 : vector<16xi32>
      %swap3A_1427 = arith.constant 16 : index
      %swap3A_1428 = tpu.vector_load %arg15[%swap3A_1427] {strides = array<i32>} : memref<64xi32, #tpu.memory_space<vmem>>, vector<16xi32>,
      tpu.vector_store %arg15[%swap3A_1427], %add3A_1426 {strides = array<i32>} : memref<64xi32, #tpu.memory_space<vmem>>, vector<16xi32>,
    } else {
    }
    %get3A_663 = arith.constant 0 : index
    %get3A_664 = tpu.vector_load %arg18[%get3A_663] {strides = array<i32>} : memref<16xi32, #tpu.memory_space<vmem>>, vector<16xi32>,
    %broadcast_in_dim3A_665 = arith.constant true
    %broadcast_in_dim3A_666 = vector.broadcast %broadcast_in_dim3A_665 : i1 to vector<16xi1>
    %masked_cumsum3A_667 = tpu.scan <sum>, %add3A_657 masked %broadcast_in_dim3A_666 : vector<16xi32>, vector<16xi1> -> vector<16xi32>
    %add3A_668 = arith.addi %masked_cumsum3A_667, %get3A_664 : vector<16xi32>
    %sub3A_669 = arith.subi %add3A_668, %add3A_657 : vector<16xi32>
    %swap3A_670 = arith.constant 16 : index
    %swap3A_671 = tpu.vector_load %arg16[%swap3A_670] {strides = array<i32>} : memref<80xi32, #tpu.memory_space<vmem>>, vector<16xi32>,
    tpu.vector_store %arg16[%swap3A_670], %sub3A_669 {strides = array<i32>} : memref<80xi32, #tpu.memory_space<vmem>>, vector<16xi32>,
    %get3A_672 = arith.constant 16 : index
    %get3A_673 = tpu.vector_load %arg15[%get3A_672] {strides = array<i32>} : memref<64xi32, #tpu.memory_space<vmem>>, vector<16xi32>,
    %add3A_674 = arith.addi %sub3A_669, %get3A_673 : vector<16xi32>
    %swap3A_675 = arith.constant 16 : index
    %swap3A_676 = tpu.vector_load %arg14[%swap3A_675] {strides = array<i32>} : memref<64xi32, #tpu.memory_space<vmem>>, vector<16xi32>,
    tpu.vector_store %arg14[%swap3A_675], %add3A_674 {strides = array<i32>} : memref<64xi32, #tpu.memory_space<vmem>>, vector<16xi32>,
    %swap3A_677 = arith.constant 0 : index
    %swap3A_678 = tpu.vector_load %arg17[%swap3A_677] {strides = array<i32>} : memref<16xi32, #tpu.memory_space<vmem>>, vector<16xi32>,
    tpu.vector_store %arg17[%swap3A_677], %add3A_668 {strides = array<i32>} : memref<16xi32, #tpu.memory_space<vmem>>, vector<16xi32>,
    %broadcast_in_dim3A_679 = arith.constant 15 : i32
    %broadcast_in_dim3A_680 = vector.broadcast %broadcast_in_dim3A_679 : i32 to vector<16xi32>
    %gather3A_681 = tpu.vector_load_idx %arg17[%broadcast_in_dim3A_680] : memref<16xi32, #tpu.memory_space<vmem>>[vector<16xi32>], vector<16xi32>,
    %swap3A_682 = arith.constant 0 : index
    %swap3A_683 = tpu.vector_load %arg18[%swap3A_682] {strides = array<i32>} : memref<16xi32, #tpu.memory_space<vmem>>, vector<16xi32>,
    tpu.vector_store %arg18[%swap3A_682], %gather3A_681 {strides = array<i32>} : memref<16xi32, #tpu.memory_space<vmem>>, vector<16xi32>,
    %swap3A_684 = arith.constant 32 : index
    %swap3A_685 = tpu.vector_load %arg15[%swap3A_684] {strides = array<i32>} : memref<64xi32, #tpu.memory_space<vmem>>, vector<16xi32>,
    tpu.vector_store %arg15[%swap3A_684], %broadcast_in_dim3A_3 {strides = array<i32>} : memref<64xi32, #tpu.memory_space<vmem>>, vector<16xi32>,
    %get3A_686 = arith.constant 0 : i32
    %get3A_687 = arith.index_cast %get3A_686 : i32 to index
    %get3A_688 = arith.constant 32 : index
    %get3A_689 = tpu.vector_load %arg13[%get3A_687, %get3A_688] {strides = array<i32>} : memref<32x64xi32, #tpu.memory_space<vmem>>, vector<16xi32>,
    %add3A_690 = arith.addi %broadcast_in_dim3A_3, %get3A_689 : vector<16xi32>
    %gt3A_691 = arith.constant 0 : i32
    %gt3A_692 = arith.cmpi sgt, %add3A, %gt3A_691 : i32
    %convert_element_type3A_693 = arith.extui %gt3A_692 : i1 to i32
    %cond3A_694 = arith.constant 0 : i32
    %cond3A_695 = arith.cmpi ne, %convert_element_type3A_693, %cond3A_694 : i32
    scf.if %cond3A_695 {
      %get3A_1424 = arith.constant 32 : index
      %get3A_1425 = tpu.vector_load %arg15[%get3A_1424] {strides = array<i32>} : memref<64xi32, #tpu.memory_space<vmem>>, vector<16xi32>,
      %add3A_1426 = arith.addi %get3A_1425, %get3A_689 : vector<16xi32>
      %swap3A_1427 = arith.constant 32 : index
      %swap3A_1428 = tpu.vector_load %arg15[%swap3A_1427] {strides = array<i32>} : memref<64xi32, #tpu.memory_space<vmem>>, vector<16xi32>,
      tpu.vector_store %arg15[%swap3A_1427], %add3A_1426 {strides = array<i32>} : memref<64xi32, #tpu.memory_space<vmem>>, vector<16xi32>,
    } else {
    }
    %get3A_696 = arith.constant 1 : i32
    %get3A_697 = arith.index_cast %get3A_696 : i32 to index
    %get3A_698 = arith.constant 32 : index
    %get3A_699 = tpu.vector_load %arg13[%get3A_697, %get3A_698] {strides = array<i32>} : memref<32x64xi32, #tpu.memory_space<vmem>>, vector<16xi32>,
    %add3A_700 = arith.addi %add3A_690, %get3A_699 : vector<16xi32>
    %gt3A_701 = arith.constant 1 : i32
    %gt3A_702 = arith.cmpi sgt, %add3A, %gt3A_701 : i32
    %convert_element_type3A_703 = arith.extui %gt3A_702 : i1 to i32
    %cond3A_704 = arith.constant 0 : i32
    %cond3A_705 = arith.cmpi ne, %convert_element_type3A_703, %cond3A_704 : i32
    scf.if %cond3A_705 {
      %get3A_1424 = arith.constant 32 : index
      %get3A_1425 = tpu.vector_load %arg15[%get3A_1424] {strides = array<i32>} : memref<64xi32, #tpu.memory_space<vmem>>, vector<16xi32>,
      %add3A_1426 = arith.addi %get3A_1425, %get3A_699 : vector<16xi32>
      %swap3A_1427 = arith.constant 32 : index
      %swap3A_1428 = tpu.vector_load %arg15[%swap3A_1427] {strides = array<i32>} : memref<64xi32, #tpu.memory_space<vmem>>, vector<16xi32>,
      tpu.vector_store %arg15[%swap3A_1427], %add3A_1426 {strides = array<i32>} : memref<64xi32, #tpu.memory_space<vmem>>, vector<16xi32>,
    } else {
    }
    %get3A_706 = arith.constant 2 : i32
    %get3A_707 = arith.index_cast %get3A_706 : i32 to index
    %get3A_708 = arith.constant 32 : index
    %get3A_709 = tpu.vector_load %arg13[%get3A_707, %get3A_708] {strides = array<i32>} : memref<32x64xi32, #tpu.memory_space<vmem>>, vector<16xi32>,
    %add3A_710 = arith.addi %add3A_700, %get3A_709 : vector<16xi32>
    %gt3A_711 = arith.constant 2 : i32
    %gt3A_712 = arith.cmpi sgt, %add3A, %gt3A_711 : i32
    %convert_element_type3A_713 = arith.extui %gt3A_712 : i1 to i32
    %cond3A_714 = arith.constant 0 : i32
    %cond3A_715 = arith.cmpi ne, %convert_element_type3A_713, %cond3A_714 : i32
    scf.if %cond3A_715 {
      %get3A_1424 = arith.constant 32 : index
      %get3A_1425 = tpu.vector_load %arg15[%get3A_1424] {strides = array<i32>} : memref<64xi32, #tpu.memory_space<vmem>>, vector<16xi32>,
      %add3A_1426 = arith.addi %get3A_1425, %get3A_709 : vector<16xi32>
      %swap3A_1427 = arith.constant 32 : index
      %swap3A_1428 = tpu.vector_load %arg15[%swap3A_1427] {strides = array<i32>} : memref<64xi32, #tpu.memory_space<vmem>>, vector<16xi32>,
      tpu.vector_store %arg15[%swap3A_1427], %add3A_1426 {strides = array<i32>} : memref<64xi32, #tpu.memory_space<vmem>>, vector<16xi32>,
    } else {
    }
    %get3A_716 = arith.constant 3 : i32
    %get3A_717 = arith.index_cast %get3A_716 : i32 to index
    %get3A_718 = arith.constant 32 : index
    %get3A_719 = tpu.vector_load %arg13[%get3A_717, %get3A_718] {strides = array<i32>} : memref<32x64xi32, #tpu.memory_space<vmem>>, vector<16xi32>,
    %add3A_720 = arith.addi %add3A_710, %get3A_719 : vector<16xi32>
    %gt3A_721 = arith.constant 3 : i32
    %gt3A_722 = arith.cmpi sgt, %add3A, %gt3A_721 : i32
    %convert_element_type3A_723 = arith.extui %gt3A_722 : i1 to i32
    %cond3A_724 = arith.constant 0 : i32
    %cond3A_725 = arith.cmpi ne, %convert_element_type3A_723, %cond3A_724 : i32
    scf.if %cond3A_725 {
      %get3A_1424 = arith.constant 32 : index
      %get3A_1425 = tpu.vector_load %arg15[%get3A_1424] {strides = array<i32>} : memref<64xi32, #tpu.memory_space<vmem>>, vector<16xi32>,
      %add3A_1426 = arith.addi %get3A_1425, %get3A_719 : vector<16xi32>
      %swap3A_1427 = arith.constant 32 : index
      %swap3A_1428 = tpu.vector_load %arg15[%swap3A_1427] {strides = array<i32>} : memref<64xi32, #tpu.memory_space<vmem>>, vector<16xi32>,
      tpu.vector_store %arg15[%swap3A_1427], %add3A_1426 {strides = array<i32>} : memref<64xi32, #tpu.memory_space<vmem>>, vector<16xi32>,
    } else {
    }
    %get3A_726 = arith.constant 4 : i32
    %get3A_727 = arith.index_cast %get3A_726 : i32 to index
    %get3A_728 = arith.constant 32 : index
    %get3A_729 = tpu.vector_load %arg13[%get3A_727, %get3A_728] {strides = array<i32>} : memref<32x64xi32, #tpu.memory_space<vmem>>, vector<16xi32>,
    %add3A_730 = arith.addi %add3A_720, %get3A_729 : vector<16xi32>
    %gt3A_731 = arith.constant 4 : i32
    %gt3A_732 = arith.cmpi sgt, %add3A, %gt3A_731 : i32
    %convert_element_type3A_733 = arith.extui %gt3A_732 : i1 to i32
    %cond3A_734 = arith.constant 0 : i32
    %cond3A_735 = arith.cmpi ne, %convert_element_type3A_733, %cond3A_734 : i32
    scf.if %cond3A_735 {
      %get3A_1424 = arith.constant 32 : index
      %get3A_1425 = tpu.vector_load %arg15[%get3A_1424] {strides = array<i32>} : memref<64xi32, #tpu.memory_space<vmem>>, vector<16xi32>,
      %add3A_1426 = arith.addi %get3A_1425, %get3A_729 : vector<16xi32>
      %swap3A_1427 = arith.constant 32 : index
      %swap3A_1428 = tpu.vector_load %arg15[%swap3A_1427] {strides = array<i32>} : memref<64xi32, #tpu.memory_space<vmem>>, vector<16xi32>,
      tpu.vector_store %arg15[%swap3A_1427], %add3A_1426 {strides = array<i32>} : memref<64xi32, #tpu.memory_space<vmem>>, vector<16xi32>,
    } else {
    }
    %get3A_736 = arith.constant 5 : i32
    %get3A_737 = arith.index_cast %get3A_736 : i32 to index
    %get3A_738 = arith.constant 32 : index
    %get3A_739 = tpu.vector_load %arg13[%get3A_737, %get3A_738] {strides = array<i32>} : memref<32x64xi32, #tpu.memory_space<vmem>>, vector<16xi32>,
    %add3A_740 = arith.addi %add3A_730, %get3A_739 : vector<16xi32>
    %gt3A_741 = arith.constant 5 : i32
    %gt3A_742 = arith.cmpi sgt, %add3A, %gt3A_741 : i32
    %convert_element_type3A_743 = arith.extui %gt3A_742 : i1 to i32
    %cond3A_744 = arith.constant 0 : i32
    %cond3A_745 = arith.cmpi ne, %convert_element_type3A_743, %cond3A_744 : i32
    scf.if %cond3A_745 {
      %get3A_1424 = arith.constant 32 : index
      %get3A_1425 = tpu.vector_load %arg15[%get3A_1424] {strides = array<i32>} : memref<64xi32, #tpu.memory_space<vmem>>, vector<16xi32>,
      %add3A_1426 = arith.addi %get3A_1425, %get3A_739 : vector<16xi32>
      %swap3A_1427 = arith.constant 32 : index
      %swap3A_1428 = tpu.vector_load %arg15[%swap3A_1427] {strides = array<i32>} : memref<64xi32, #tpu.memory_space<vmem>>, vector<16xi32>,
      tpu.vector_store %arg15[%swap3A_1427], %add3A_1426 {strides = array<i32>} : memref<64xi32, #tpu.memory_space<vmem>>, vector<16xi32>,
    } else {
    }
    %get3A_746 = arith.constant 6 : i32
    %get3A_747 = arith.index_cast %get3A_746 : i32 to index
    %get3A_748 = arith.constant 32 : index
    %get3A_749 = tpu.vector_load %arg13[%get3A_747, %get3A_748] {strides = array<i32>} : memref<32x64xi32, #tpu.memory_space<vmem>>, vector<16xi32>,
    %add3A_750 = arith.addi %add3A_740, %get3A_749 : vector<16xi32>
    %gt3A_751 = arith.constant 6 : i32
    %gt3A_752 = arith.cmpi sgt, %add3A, %gt3A_751 : i32
    %convert_element_type3A_753 = arith.extui %gt3A_752 : i1 to i32
    %cond3A_754 = arith.constant 0 : i32
    %cond3A_755 = arith.cmpi ne, %convert_element_type3A_753, %cond3A_754 : i32
    scf.if %cond3A_755 {
      %get3A_1424 = arith.constant 32 : index
      %get3A_1425 = tpu.vector_load %arg15[%get3A_1424] {strides = array<i32>} : memref<64xi32, #tpu.memory_space<vmem>>, vector<16xi32>,
      %add3A_1426 = arith.addi %get3A_1425, %get3A_749 : vector<16xi32>
      %swap3A_1427 = arith.constant 32 : index
      %swap3A_1428 = tpu.vector_load %arg15[%swap3A_1427] {strides = array<i32>} : memref<64xi32, #tpu.memory_space<vmem>>, vector<16xi32>,
      tpu.vector_store %arg15[%swap3A_1427], %add3A_1426 {strides = array<i32>} : memref<64xi32, #tpu.memory_space<vmem>>, vector<16xi32>,
    } else {
    }
    %get3A_756 = arith.constant 7 : i32
    %get3A_757 = arith.index_cast %get3A_756 : i32 to index
    %get3A_758 = arith.constant 32 : index
    %get3A_759 = tpu.vector_load %arg13[%get3A_757, %get3A_758] {strides = array<i32>} : memref<32x64xi32, #tpu.memory_space<vmem>>, vector<16xi32>,
    %add3A_760 = arith.addi %add3A_750, %get3A_759 : vector<16xi32>
    %gt3A_761 = arith.constant 7 : i32
    %gt3A_762 = arith.cmpi sgt, %add3A, %gt3A_761 : i32
    %convert_element_type3A_763 = arith.extui %gt3A_762 : i1 to i32
    %cond3A_764 = arith.constant 0 : i32
    %cond3A_765 = arith.cmpi ne, %convert_element_type3A_763, %cond3A_764 : i32
    scf.if %cond3A_765 {
      %get3A_1424 = arith.constant 32 : index
      %get3A_1425 = tpu.vector_load %arg15[%get3A_1424] {strides = array<i32>} : memref<64xi32, #tpu.memory_space<vmem>>, vector<16xi32>,
      %add3A_1426 = arith.addi %get3A_1425, %get3A_759 : vector<16xi32>
      %swap3A_1427 = arith.constant 32 : index
      %swap3A_1428 = tpu.vector_load %arg15[%swap3A_1427] {strides = array<i32>} : memref<64xi32, #tpu.memory_space<vmem>>, vector<16xi32>,
      tpu.vector_store %arg15[%swap3A_1427], %add3A_1426 {strides = array<i32>} : memref<64xi32, #tpu.memory_space<vmem>>, vector<16xi32>,
    } else {
    }
    %get3A_766 = arith.constant 8 : i32
    %get3A_767 = arith.index_cast %get3A_766 : i32 to index
    %get3A_768 = arith.constant 32 : index
    %get3A_769 = tpu.vector_load %arg13[%get3A_767, %get3A_768] {strides = array<i32>} : memref<32x64xi32, #tpu.memory_space<vmem>>, vector<16xi32>,
    %add3A_770 = arith.addi %add3A_760, %get3A_769 : vector<16xi32>
    %gt3A_771 = arith.constant 8 : i32
    %gt3A_772 = arith.cmpi sgt, %add3A, %gt3A_771 : i32
    %convert_element_type3A_773 = arith.extui %gt3A_772 : i1 to i32
    %cond3A_774 = arith.constant 0 : i32
    %cond3A_775 = arith.cmpi ne, %convert_element_type3A_773, %cond3A_774 : i32
    scf.if %cond3A_775 {
      %get3A_1424 = arith.constant 32 : index
      %get3A_1425 = tpu.vector_load %arg15[%get3A_1424] {strides = array<i32>} : memref<64xi32, #tpu.memory_space<vmem>>, vector<16xi32>,
      %add3A_1426 = arith.addi %get3A_1425, %get3A_769 : vector<16xi32>
      %swap3A_1427 = arith.constant 32 : index
      %swap3A_1428 = tpu.vector_load %arg15[%swap3A_1427] {strides = array<i32>} : memref<64xi32, #tpu.memory_space<vmem>>, vector<16xi32>,
      tpu.vector_store %arg15[%swap3A_1427], %add3A_1426 {strides = array<i32>} : memref<64xi32, #tpu.memory_space<vmem>>, vector<16xi32>,
    } else {
    }
    %get3A_776 = arith.constant 9 : i32
    %get3A_777 = arith.index_cast %get3A_776 : i32 to index
    %get3A_778 = arith.constant 32 : index
    %get3A_779 = tpu.vector_load %arg13[%get3A_777, %get3A_778] {strides = array<i32>} : memref<32x64xi32, #tpu.memory_space<vmem>>, vector<16xi32>,
    %add3A_780 = arith.addi %add3A_770, %get3A_779 : vector<16xi32>
    %gt3A_781 = arith.constant 9 : i32
    %gt3A_782 = arith.cmpi sgt, %add3A, %gt3A_781 : i32
    %convert_element_type3A_783 = arith.extui %gt3A_782 : i1 to i32
    %cond3A_784 = arith.constant 0 : i32
    %cond3A_785 = arith.cmpi ne, %convert_element_type3A_783, %cond3A_784 : i32
    scf.if %cond3A_785 {
      %get3A_1424 = arith.constant 32 : index
      %get3A_1425 = tpu.vector_load %arg15[%get3A_1424] {strides = array<i32>} : memref<64xi32, #tpu.memory_space<vmem>>, vector<16xi32>,
      %add3A_1426 = arith.addi %get3A_1425, %get3A_779 : vector<16xi32>
      %swap3A_1427 = arith.constant 32 : index
      %swap3A_1428 = tpu.vector_load %arg15[%swap3A_1427] {strides = array<i32>} : memref<64xi32, #tpu.memory_space<vmem>>, vector<16xi32>,
      tpu.vector_store %arg15[%swap3A_1427], %add3A_1426 {strides = array<i32>} : memref<64xi32, #tpu.memory_space<vmem>>, vector<16xi32>,
    } else {
    }
    %get3A_786 = arith.constant 10 : i32
    %get3A_787 = arith.index_cast %get3A_786 : i32 to index
    %get3A_788 = arith.constant 32 : index
    %get3A_789 = tpu.vector_load %arg13[%get3A_787, %get3A_788] {strides = array<i32>} : memref<32x64xi32, #tpu.memory_space<vmem>>, vector<16xi32>,
    %add3A_790 = arith.addi %add3A_780, %get3A_789 : vector<16xi32>
    %gt3A_791 = arith.constant 10 : i32
    %gt3A_792 = arith.cmpi sgt, %add3A, %gt3A_791 : i32
    %convert_element_type3A_793 = arith.extui %gt3A_792 : i1 to i32
    %cond3A_794 = arith.constant 0 : i32
    %cond3A_795 = arith.cmpi ne, %convert_element_type3A_793, %cond3A_794 : i32
    scf.if %cond3A_795 {
      %get3A_1424 = arith.constant 32 : index
      %get3A_1425 = tpu.vector_load %arg15[%get3A_1424] {strides = array<i32>} : memref<64xi32, #tpu.memory_space<vmem>>, vector<16xi32>,
      %add3A_1426 = arith.addi %get3A_1425, %get3A_789 : vector<16xi32>
      %swap3A_1427 = arith.constant 32 : index
      %swap3A_1428 = tpu.vector_load %arg15[%swap3A_1427] {strides = array<i32>} : memref<64xi32, #tpu.memory_space<vmem>>, vector<16xi32>,
      tpu.vector_store %arg15[%swap3A_1427], %add3A_1426 {strides = array<i32>} : memref<64xi32, #tpu.memory_space<vmem>>, vector<16xi32>,
    } else {
    }
    %get3A_796 = arith.constant 11 : i32
    %get3A_797 = arith.index_cast %get3A_796 : i32 to index
    %get3A_798 = arith.constant 32 : index
    %get3A_799 = tpu.vector_load %arg13[%get3A_797, %get3A_798] {strides = array<i32>} : memref<32x64xi32, #tpu.memory_space<vmem>>, vector<16xi32>,
    %add3A_800 = arith.addi %add3A_790, %get3A_799 : vector<16xi32>
    %gt3A_801 = arith.constant 11 : i32
    %gt3A_802 = arith.cmpi sgt, %add3A, %gt3A_801 : i32
    %convert_element_type3A_803 = arith.extui %gt3A_802 : i1 to i32
    %cond3A_804 = arith.constant 0 : i32
    %cond3A_805 = arith.cmpi ne, %convert_element_type3A_803, %cond3A_804 : i32
    scf.if %cond3A_805 {
      %get3A_1424 = arith.constant 32 : index
      %get3A_1425 = tpu.vector_load %arg15[%get3A_1424] {strides = array<i32>} : memref<64xi32, #tpu.memory_space<vmem>>, vector<16xi32>,
      %add3A_1426 = arith.addi %get3A_1425, %get3A_799 : vector<16xi32>
      %swap3A_1427 = arith.constant 32 : index
      %swap3A_1428 = tpu.vector_load %arg15[%swap3A_1427] {strides = array<i32>} : memref<64xi32, #tpu.memory_space<vmem>>, vector<16xi32>,
      tpu.vector_store %arg15[%swap3A_1427], %add3A_1426 {strides = array<i32>} : memref<64xi32, #tpu.memory_space<vmem>>, vector<16xi32>,
    } else {
    }
    %get3A_806 = arith.constant 12 : i32
    %get3A_807 = arith.index_cast %get3A_806 : i32 to index
    %get3A_808 = arith.constant 32 : index
    %get3A_809 = tpu.vector_load %arg13[%get3A_807, %get3A_808] {strides = array<i32>} : memref<32x64xi32, #tpu.memory_space<vmem>>, vector<16xi32>,
    %add3A_810 = arith.addi %add3A_800, %get3A_809 : vector<16xi32>
    %gt3A_811 = arith.constant 12 : i32
    %gt3A_812 = arith.cmpi sgt, %add3A, %gt3A_811 : i32
    %convert_element_type3A_813 = arith.extui %gt3A_812 : i1 to i32
    %cond3A_814 = arith.constant 0 : i32
    %cond3A_815 = arith.cmpi ne, %convert_element_type3A_813, %cond3A_814 : i32
    scf.if %cond3A_815 {
      %get3A_1424 = arith.constant 32 : index
      %get3A_1425 = tpu.vector_load %arg15[%get3A_1424] {strides = array<i32>} : memref<64xi32, #tpu.memory_space<vmem>>, vector<16xi32>,
      %add3A_1426 = arith.addi %get3A_1425, %get3A_809 : vector<16xi32>
      %swap3A_1427 = arith.constant 32 : index
      %swap3A_1428 = tpu.vector_load %arg15[%swap3A_1427] {strides = array<i32>} : memref<64xi32, #tpu.memory_space<vmem>>, vector<16xi32>,
      tpu.vector_store %arg15[%swap3A_1427], %add3A_1426 {strides = array<i32>} : memref<64xi32, #tpu.memory_space<vmem>>, vector<16xi32>,
    } else {
    }
    %get3A_816 = arith.constant 13 : i32
    %get3A_817 = arith.index_cast %get3A_816 : i32 to index
    %get3A_818 = arith.constant 32 : index
    %get3A_819 = tpu.vector_load %arg13[%get3A_817, %get3A_818] {strides = array<i32>} : memref<32x64xi32, #tpu.memory_space<vmem>>, vector<16xi32>,
    %add3A_820 = arith.addi %add3A_810, %get3A_819 : vector<16xi32>
    %gt3A_821 = arith.constant 13 : i32
    %gt3A_822 = arith.cmpi sgt, %add3A, %gt3A_821 : i32
    %convert_element_type3A_823 = arith.extui %gt3A_822 : i1 to i32
    %cond3A_824 = arith.constant 0 : i32
    %cond3A_825 = arith.cmpi ne, %convert_element_type3A_823, %cond3A_824 : i32
    scf.if %cond3A_825 {
      %get3A_1424 = arith.constant 32 : index
      %get3A_1425 = tpu.vector_load %arg15[%get3A_1424] {strides = array<i32>} : memref<64xi32, #tpu.memory_space<vmem>>, vector<16xi32>,
      %add3A_1426 = arith.addi %get3A_1425, %get3A_819 : vector<16xi32>
      %swap3A_1427 = arith.constant 32 : index
      %swap3A_1428 = tpu.vector_load %arg15[%swap3A_1427] {strides = array<i32>} : memref<64xi32, #tpu.memory_space<vmem>>, vector<16xi32>,
      tpu.vector_store %arg15[%swap3A_1427], %add3A_1426 {strides = array<i32>} : memref<64xi32, #tpu.memory_space<vmem>>, vector<16xi32>,
    } else {
    }
    %get3A_826 = arith.constant 14 : i32
    %get3A_827 = arith.index_cast %get3A_826 : i32 to index
    %get3A_828 = arith.constant 32 : index
    %get3A_829 = tpu.vector_load %arg13[%get3A_827, %get3A_828] {strides = array<i32>} : memref<32x64xi32, #tpu.memory_space<vmem>>, vector<16xi32>,
    %add3A_830 = arith.addi %add3A_820, %get3A_829 : vector<16xi32>
    %gt3A_831 = arith.constant 14 : i32
    %gt3A_832 = arith.cmpi sgt, %add3A, %gt3A_831 : i32
    %convert_element_type3A_833 = arith.extui %gt3A_832 : i1 to i32
    %cond3A_834 = arith.constant 0 : i32
    %cond3A_835 = arith.cmpi ne, %convert_element_type3A_833, %cond3A_834 : i32
    scf.if %cond3A_835 {
      %get3A_1424 = arith.constant 32 : index
      %get3A_1425 = tpu.vector_load %arg15[%get3A_1424] {strides = array<i32>} : memref<64xi32, #tpu.memory_space<vmem>>, vector<16xi32>,
      %add3A_1426 = arith.addi %get3A_1425, %get3A_829 : vector<16xi32>
      %swap3A_1427 = arith.constant 32 : index
      %swap3A_1428 = tpu.vector_load %arg15[%swap3A_1427] {strides = array<i32>} : memref<64xi32, #tpu.memory_space<vmem>>, vector<16xi32>,
      tpu.vector_store %arg15[%swap3A_1427], %add3A_1426 {strides = array<i32>} : memref<64xi32, #tpu.memory_space<vmem>>, vector<16xi32>,
    } else {
    }
    %get3A_836 = arith.constant 15 : i32
    %get3A_837 = arith.index_cast %get3A_836 : i32 to index
    %get3A_838 = arith.constant 32 : index
    %get3A_839 = tpu.vector_load %arg13[%get3A_837, %get3A_838] {strides = array<i32>} : memref<32x64xi32, #tpu.memory_space<vmem>>, vector<16xi32>,
    %add3A_840 = arith.addi %add3A_830, %get3A_839 : vector<16xi32>
    %gt3A_841 = arith.constant 15 : i32
    %gt3A_842 = arith.cmpi sgt, %add3A, %gt3A_841 : i32
    %convert_element_type3A_843 = arith.extui %gt3A_842 : i1 to i32
    %cond3A_844 = arith.constant 0 : i32
    %cond3A_845 = arith.cmpi ne, %convert_element_type3A_843, %cond3A_844 : i32
    scf.if %cond3A_845 {
      %get3A_1424 = arith.constant 32 : index
      %get3A_1425 = tpu.vector_load %arg15[%get3A_1424] {strides = array<i32>} : memref<64xi32, #tpu.memory_space<vmem>>, vector<16xi32>,
      %add3A_1426 = arith.addi %get3A_1425, %get3A_839 : vector<16xi32>
      %swap3A_1427 = arith.constant 32 : index
      %swap3A_1428 = tpu.vector_load %arg15[%swap3A_1427] {strides = array<i32>} : memref<64xi32, #tpu.memory_space<vmem>>, vector<16xi32>,
      tpu.vector_store %arg15[%swap3A_1427], %add3A_1426 {strides = array<i32>} : memref<64xi32, #tpu.memory_space<vmem>>, vector<16xi32>,
    } else {
    }
    %get3A_846 = arith.constant 16 : i32
    %get3A_847 = arith.index_cast %get3A_846 : i32 to index
    %get3A_848 = arith.constant 32 : index
    %get3A_849 = tpu.vector_load %arg13[%get3A_847, %get3A_848] {strides = array<i32>} : memref<32x64xi32, #tpu.memory_space<vmem>>, vector<16xi32>,
    %add3A_850 = arith.addi %add3A_840, %get3A_849 : vector<16xi32>
    %gt3A_851 = arith.constant 16 : i32
    %gt3A_852 = arith.cmpi sgt, %add3A, %gt3A_851 : i32
    %convert_element_type3A_853 = arith.extui %gt3A_852 : i1 to i32
    %cond3A_854 = arith.constant 0 : i32
    %cond3A_855 = arith.cmpi ne, %convert_element_type3A_853, %cond3A_854 : i32
    scf.if %cond3A_855 {
      %get3A_1424 = arith.constant 32 : index
      %get3A_1425 = tpu.vector_load %arg15[%get3A_1424] {strides = array<i32>} : memref<64xi32, #tpu.memory_space<vmem>>, vector<16xi32>,
      %add3A_1426 = arith.addi %get3A_1425, %get3A_849 : vector<16xi32>
      %swap3A_1427 = arith.constant 32 : index
      %swap3A_1428 = tpu.vector_load %arg15[%swap3A_1427] {strides = array<i32>} : memref<64xi32, #tpu.memory_space<vmem>>, vector<16xi32>,
      tpu.vector_store %arg15[%swap3A_1427], %add3A_1426 {strides = array<i32>} : memref<64xi32, #tpu.memory_space<vmem>>, vector<16xi32>,
    } else {
    }
    %get3A_856 = arith.constant 17 : i32
    %get3A_857 = arith.index_cast %get3A_856 : i32 to index
    %get3A_858 = arith.constant 32 : index
    %get3A_859 = tpu.vector_load %arg13[%get3A_857, %get3A_858] {strides = array<i32>} : memref<32x64xi32, #tpu.memory_space<vmem>>, vector<16xi32>,
    %add3A_860 = arith.addi %add3A_850, %get3A_859 : vector<16xi32>
    %gt3A_861 = arith.constant 17 : i32
    %gt3A_862 = arith.cmpi sgt, %add3A, %gt3A_861 : i32
    %convert_element_type3A_863 = arith.extui %gt3A_862 : i1 to i32
    %cond3A_864 = arith.constant 0 : i32
    %cond3A_865 = arith.cmpi ne, %convert_element_type3A_863, %cond3A_864 : i32
    scf.if %cond3A_865 {
      %get3A_1424 = arith.constant 32 : index
      %get3A_1425 = tpu.vector_load %arg15[%get3A_1424] {strides = array<i32>} : memref<64xi32, #tpu.memory_space<vmem>>, vector<16xi32>,
      %add3A_1426 = arith.addi %get3A_1425, %get3A_859 : vector<16xi32>
      %swap3A_1427 = arith.constant 32 : index
      %swap3A_1428 = tpu.vector_load %arg15[%swap3A_1427] {strides = array<i32>} : memref<64xi32, #tpu.memory_space<vmem>>, vector<16xi32>,
      tpu.vector_store %arg15[%swap3A_1427], %add3A_1426 {strides = array<i32>} : memref<64xi32, #tpu.memory_space<vmem>>, vector<16xi32>,
    } else {
    }
    %get3A_866 = arith.constant 18 : i32
    %get3A_867 = arith.index_cast %get3A_866 : i32 to index
    %get3A_868 = arith.constant 32 : index
    %get3A_869 = tpu.vector_load %arg13[%get3A_867, %get3A_868] {strides = array<i32>} : memref<32x64xi32, #tpu.memory_space<vmem>>, vector<16xi32>,
    %add3A_870 = arith.addi %add3A_860, %get3A_869 : vector<16xi32>
    %gt3A_871 = arith.constant 18 : i32
    %gt3A_872 = arith.cmpi sgt, %add3A, %gt3A_871 : i32
    %convert_element_type3A_873 = arith.extui %gt3A_872 : i1 to i32
    %cond3A_874 = arith.constant 0 : i32
    %cond3A_875 = arith.cmpi ne, %convert_element_type3A_873, %cond3A_874 : i32
    scf.if %cond3A_875 {
      %get3A_1424 = arith.constant 32 : index
      %get3A_1425 = tpu.vector_load %arg15[%get3A_1424] {strides = array<i32>} : memref<64xi32, #tpu.memory_space<vmem>>, vector<16xi32>,
      %add3A_1426 = arith.addi %get3A_1425, %get3A_869 : vector<16xi32>
      %swap3A_1427 = arith.constant 32 : index
      %swap3A_1428 = tpu.vector_load %arg15[%swap3A_1427] {strides = array<i32>} : memref<64xi32, #tpu.memory_space<vmem>>, vector<16xi32>,
      tpu.vector_store %arg15[%swap3A_1427], %add3A_1426 {strides = array<i32>} : memref<64xi32, #tpu.memory_space<vmem>>, vector<16xi32>,
    } else {
    }
    %get3A_876 = arith.constant 19 : i32
    %get3A_877 = arith.index_cast %get3A_876 : i32 to index
    %get3A_878 = arith.constant 32 : index
    %get3A_879 = tpu.vector_load %arg13[%get3A_877, %get3A_878] {strides = array<i32>} : memref<32x64xi32, #tpu.memory_space<vmem>>, vector<16xi32>,
    %add3A_880 = arith.addi %add3A_870, %get3A_879 : vector<16xi32>
    %gt3A_881 = arith.constant 19 : i32
    %gt3A_882 = arith.cmpi sgt, %add3A, %gt3A_881 : i32
    %convert_element_type3A_883 = arith.extui %gt3A_882 : i1 to i32
    %cond3A_884 = arith.constant 0 : i32
    %cond3A_885 = arith.cmpi ne, %convert_element_type3A_883, %cond3A_884 : i32
    scf.if %cond3A_885 {
      %get3A_1424 = arith.constant 32 : index
      %get3A_1425 = tpu.vector_load %arg15[%get3A_1424] {strides = array<i32>} : memref<64xi32, #tpu.memory_space<vmem>>, vector<16xi32>,
      %add3A_1426 = arith.addi %get3A_1425, %get3A_879 : vector<16xi32>
      %swap3A_1427 = arith.constant 32 : index
      %swap3A_1428 = tpu.vector_load %arg15[%swap3A_1427] {strides = array<i32>} : memref<64xi32, #tpu.memory_space<vmem>>, vector<16xi32>,
      tpu.vector_store %arg15[%swap3A_1427], %add3A_1426 {strides = array<i32>} : memref<64xi32, #tpu.memory_space<vmem>>, vector<16xi32>,
    } else {
    }
    %get3A_886 = arith.constant 20 : i32
    %get3A_887 = arith.index_cast %get3A_886 : i32 to index
    %get3A_888 = arith.constant 32 : index
    %get3A_889 = tpu.vector_load %arg13[%get3A_887, %get3A_888] {strides = array<i32>} : memref<32x64xi32, #tpu.memory_space<vmem>>, vector<16xi32>,
    %add3A_890 = arith.addi %add3A_880, %get3A_889 : vector<16xi32>
    %gt3A_891 = arith.constant 20 : i32
    %gt3A_892 = arith.cmpi sgt, %add3A, %gt3A_891 : i32
    %convert_element_type3A_893 = arith.extui %gt3A_892 : i1 to i32
    %cond3A_894 = arith.constant 0 : i32
    %cond3A_895 = arith.cmpi ne, %convert_element_type3A_893, %cond3A_894 : i32
    scf.if %cond3A_895 {
      %get3A_1424 = arith.constant 32 : index
      %get3A_1425 = tpu.vector_load %arg15[%get3A_1424] {strides = array<i32>} : memref<64xi32, #tpu.memory_space<vmem>>, vector<16xi32>,
      %add3A_1426 = arith.addi %get3A_1425, %get3A_889 : vector<16xi32>
      %swap3A_1427 = arith.constant 32 : index
      %swap3A_1428 = tpu.vector_load %arg15[%swap3A_1427] {strides = array<i32>} : memref<64xi32, #tpu.memory_space<vmem>>, vector<16xi32>,
      tpu.vector_store %arg15[%swap3A_1427], %add3A_1426 {strides = array<i32>} : memref<64xi32, #tpu.memory_space<vmem>>, vector<16xi32>,
    } else {
    }
    %get3A_896 = arith.constant 21 : i32
    %get3A_897 = arith.index_cast %get3A_896 : i32 to index
    %get3A_898 = arith.constant 32 : index
    %get3A_899 = tpu.vector_load %arg13[%get3A_897, %get3A_898] {strides = array<i32>} : memref<32x64xi32, #tpu.memory_space<vmem>>, vector<16xi32>,
    %add3A_900 = arith.addi %add3A_890, %get3A_899 : vector<16xi32>
    %gt3A_901 = arith.constant 21 : i32
    %gt3A_902 = arith.cmpi sgt, %add3A, %gt3A_901 : i32
    %convert_element_type3A_903 = arith.extui %gt3A_902 : i1 to i32
    %cond3A_904 = arith.constant 0 : i32
    %cond3A_905 = arith.cmpi ne, %convert_element_type3A_903, %cond3A_904 : i32
    scf.if %cond3A_905 {
      %get3A_1424 = arith.constant 32 : index
      %get3A_1425 = tpu.vector_load %arg15[%get3A_1424] {strides = array<i32>} : memref<64xi32, #tpu.memory_space<vmem>>, vector<16xi32>,
      %add3A_1426 = arith.addi %get3A_1425, %get3A_899 : vector<16xi32>
      %swap3A_1427 = arith.constant 32 : index
      %swap3A_1428 = tpu.vector_load %arg15[%swap3A_1427] {strides = array<i32>} : memref<64xi32, #tpu.memory_space<vmem>>, vector<16xi32>,
      tpu.vector_store %arg15[%swap3A_1427], %add3A_1426 {strides = array<i32>} : memref<64xi32, #tpu.memory_space<vmem>>, vector<16xi32>,
    } else {
    }
    %get3A_906 = arith.constant 22 : i32
    %get3A_907 = arith.index_cast %get3A_906 : i32 to index
    %get3A_908 = arith.constant 32 : index
    %get3A_909 = tpu.vector_load %arg13[%get3A_907, %get3A_908] {strides = array<i32>} : memref<32x64xi32, #tpu.memory_space<vmem>>, vector<16xi32>,
    %add3A_910 = arith.addi %add3A_900, %get3A_909 : vector<16xi32>
    %gt3A_911 = arith.constant 22 : i32
    %gt3A_912 = arith.cmpi sgt, %add3A, %gt3A_911 : i32
    %convert_element_type3A_913 = arith.extui %gt3A_912 : i1 to i32
    %cond3A_914 = arith.constant 0 : i32
    %cond3A_915 = arith.cmpi ne, %convert_element_type3A_913, %cond3A_914 : i32
    scf.if %cond3A_915 {
      %get3A_1424 = arith.constant 32 : index
      %get3A_1425 = tpu.vector_load %arg15[%get3A_1424] {strides = array<i32>} : memref<64xi32, #tpu.memory_space<vmem>>, vector<16xi32>,
      %add3A_1426 = arith.addi %get3A_1425, %get3A_909 : vector<16xi32>
      %swap3A_1427 = arith.constant 32 : index
      %swap3A_1428 = tpu.vector_load %arg15[%swap3A_1427] {strides = array<i32>} : memref<64xi32, #tpu.memory_space<vmem>>, vector<16xi32>,
      tpu.vector_store %arg15[%swap3A_1427], %add3A_1426 {strides = array<i32>} : memref<64xi32, #tpu.memory_space<vmem>>, vector<16xi32>,
    } else {
    }
    %get3A_916 = arith.constant 23 : i32
    %get3A_917 = arith.index_cast %get3A_916 : i32 to index
    %get3A_918 = arith.constant 32 : index
    %get3A_919 = tpu.vector_load %arg13[%get3A_917, %get3A_918] {strides = array<i32>} : memref<32x64xi32, #tpu.memory_space<vmem>>, vector<16xi32>,
    %add3A_920 = arith.addi %add3A_910, %get3A_919 : vector<16xi32>
    %gt3A_921 = arith.constant 23 : i32
    %gt3A_922 = arith.cmpi sgt, %add3A, %gt3A_921 : i32
    %convert_element_type3A_923 = arith.extui %gt3A_922 : i1 to i32
    %cond3A_924 = arith.constant 0 : i32
    %cond3A_925 = arith.cmpi ne, %convert_element_type3A_923, %cond3A_924 : i32
    scf.if %cond3A_925 {
      %get3A_1424 = arith.constant 32 : index
      %get3A_1425 = tpu.vector_load %arg15[%get3A_1424] {strides = array<i32>} : memref<64xi32, #tpu.memory_space<vmem>>, vector<16xi32>,
      %add3A_1426 = arith.addi %get3A_1425, %get3A_919 : vector<16xi32>
      %swap3A_1427 = arith.constant 32 : index
      %swap3A_1428 = tpu.vector_load %arg15[%swap3A_1427] {strides = array<i32>} : memref<64xi32, #tpu.memory_space<vmem>>, vector<16xi32>,
      tpu.vector_store %arg15[%swap3A_1427], %add3A_1426 {strides = array<i32>} : memref<64xi32, #tpu.memory_space<vmem>>, vector<16xi32>,
    } else {
    }
    %get3A_926 = arith.constant 24 : i32
    %get3A_927 = arith.index_cast %get3A_926 : i32 to index
    %get3A_928 = arith.constant 32 : index
    %get3A_929 = tpu.vector_load %arg13[%get3A_927, %get3A_928] {strides = array<i32>} : memref<32x64xi32, #tpu.memory_space<vmem>>, vector<16xi32>,
    %add3A_930 = arith.addi %add3A_920, %get3A_929 : vector<16xi32>
    %gt3A_931 = arith.constant 24 : i32
    %gt3A_932 = arith.cmpi sgt, %add3A, %gt3A_931 : i32
    %convert_element_type3A_933 = arith.extui %gt3A_932 : i1 to i32
    %cond3A_934 = arith.constant 0 : i32
    %cond3A_935 = arith.cmpi ne, %convert_element_type3A_933, %cond3A_934 : i32
    scf.if %cond3A_935 {
      %get3A_1424 = arith.constant 32 : index
      %get3A_1425 = tpu.vector_load %arg15[%get3A_1424] {strides = array<i32>} : memref<64xi32, #tpu.memory_space<vmem>>, vector<16xi32>,
      %add3A_1426 = arith.addi %get3A_1425, %get3A_929 : vector<16xi32>
      %swap3A_1427 = arith.constant 32 : index
      %swap3A_1428 = tpu.vector_load %arg15[%swap3A_1427] {strides = array<i32>} : memref<64xi32, #tpu.memory_space<vmem>>, vector<16xi32>,
      tpu.vector_store %arg15[%swap3A_1427], %add3A_1426 {strides = array<i32>} : memref<64xi32, #tpu.memory_space<vmem>>, vector<16xi32>,
    } else {
    }
    %get3A_936 = arith.constant 25 : i32
    %get3A_937 = arith.index_cast %get3A_936 : i32 to index
    %get3A_938 = arith.constant 32 : index
    %get3A_939 = tpu.vector_load %arg13[%get3A_937, %get3A_938] {strides = array<i32>} : memref<32x64xi32, #tpu.memory_space<vmem>>, vector<16xi32>,
    %add3A_940 = arith.addi %add3A_930, %get3A_939 : vector<16xi32>
    %gt3A_941 = arith.constant 25 : i32
    %gt3A_942 = arith.cmpi sgt, %add3A, %gt3A_941 : i32
    %convert_element_type3A_943 = arith.extui %gt3A_942 : i1 to i32
    %cond3A_944 = arith.constant 0 : i32
    %cond3A_945 = arith.cmpi ne, %convert_element_type3A_943, %cond3A_944 : i32
    scf.if %cond3A_945 {
      %get3A_1424 = arith.constant 32 : index
      %get3A_1425 = tpu.vector_load %arg15[%get3A_1424] {strides = array<i32>} : memref<64xi32, #tpu.memory_space<vmem>>, vector<16xi32>,
      %add3A_1426 = arith.addi %get3A_1425, %get3A_939 : vector<16xi32>
      %swap3A_1427 = arith.constant 32 : index
      %swap3A_1428 = tpu.vector_load %arg15[%swap3A_1427] {strides = array<i32>} : memref<64xi32, #tpu.memory_space<vmem>>, vector<16xi32>,
      tpu.vector_store %arg15[%swap3A_1427], %add3A_1426 {strides = array<i32>} : memref<64xi32, #tpu.memory_space<vmem>>, vector<16xi32>,
    } else {
    }
    %get3A_946 = arith.constant 26 : i32
    %get3A_947 = arith.index_cast %get3A_946 : i32 to index
    %get3A_948 = arith.constant 32 : index
    %get3A_949 = tpu.vector_load %arg13[%get3A_947, %get3A_948] {strides = array<i32>} : memref<32x64xi32, #tpu.memory_space<vmem>>, vector<16xi32>,
    %add3A_950 = arith.addi %add3A_940, %get3A_949 : vector<16xi32>
    %gt3A_951 = arith.constant 26 : i32
    %gt3A_952 = arith.cmpi sgt, %add3A, %gt3A_951 : i32
    %convert_element_type3A_953 = arith.extui %gt3A_952 : i1 to i32
    %cond3A_954 = arith.constant 0 : i32
    %cond3A_955 = arith.cmpi ne, %convert_element_type3A_953, %cond3A_954 : i32
    scf.if %cond3A_955 {
      %get3A_1424 = arith.constant 32 : index
      %get3A_1425 = tpu.vector_load %arg15[%get3A_1424] {strides = array<i32>} : memref<64xi32, #tpu.memory_space<vmem>>, vector<16xi32>,
      %add3A_1426 = arith.addi %get3A_1425, %get3A_949 : vector<16xi32>
      %swap3A_1427 = arith.constant 32 : index
      %swap3A_1428 = tpu.vector_load %arg15[%swap3A_1427] {strides = array<i32>} : memref<64xi32, #tpu.memory_space<vmem>>, vector<16xi32>,
      tpu.vector_store %arg15[%swap3A_1427], %add3A_1426 {strides = array<i32>} : memref<64xi32, #tpu.memory_space<vmem>>, vector<16xi32>,
    } else {
    }
    %get3A_956 = arith.constant 27 : i32
    %get3A_957 = arith.index_cast %get3A_956 : i32 to index
    %get3A_958 = arith.constant 32 : index
    %get3A_959 = tpu.vector_load %arg13[%get3A_957, %get3A_958] {strides = array<i32>} : memref<32x64xi32, #tpu.memory_space<vmem>>, vector<16xi32>,
    %add3A_960 = arith.addi %add3A_950, %get3A_959 : vector<16xi32>
    %gt3A_961 = arith.constant 27 : i32
    %gt3A_962 = arith.cmpi sgt, %add3A, %gt3A_961 : i32
    %convert_element_type3A_963 = arith.extui %gt3A_962 : i1 to i32
    %cond3A_964 = arith.constant 0 : i32
    %cond3A_965 = arith.cmpi ne, %convert_element_type3A_963, %cond3A_964 : i32
    scf.if %cond3A_965 {
      %get3A_1424 = arith.constant 32 : index
      %get3A_1425 = tpu.vector_load %arg15[%get3A_1424] {strides = array<i32>} : memref<64xi32, #tpu.memory_space<vmem>>, vector<16xi32>,
      %add3A_1426 = arith.addi %get3A_1425, %get3A_959 : vector<16xi32>
      %swap3A_1427 = arith.constant 32 : index
      %swap3A_1428 = tpu.vector_load %arg15[%swap3A_1427] {strides = array<i32>} : memref<64xi32, #tpu.memory_space<vmem>>, vector<16xi32>,
      tpu.vector_store %arg15[%swap3A_1427], %add3A_1426 {strides = array<i32>} : memref<64xi32, #tpu.memory_space<vmem>>, vector<16xi32>,
    } else {
    }
    %get3A_966 = arith.constant 28 : i32
    %get3A_967 = arith.index_cast %get3A_966 : i32 to index
    %get3A_968 = arith.constant 32 : index
    %get3A_969 = tpu.vector_load %arg13[%get3A_967, %get3A_968] {strides = array<i32>} : memref<32x64xi32, #tpu.memory_space<vmem>>, vector<16xi32>,
    %add3A_970 = arith.addi %add3A_960, %get3A_969 : vector<16xi32>
    %gt3A_971 = arith.constant 28 : i32
    %gt3A_972 = arith.cmpi sgt, %add3A, %gt3A_971 : i32
    %convert_element_type3A_973 = arith.extui %gt3A_972 : i1 to i32
    %cond3A_974 = arith.constant 0 : i32
    %cond3A_975 = arith.cmpi ne, %convert_element_type3A_973, %cond3A_974 : i32
    scf.if %cond3A_975 {
      %get3A_1424 = arith.constant 32 : index
      %get3A_1425 = tpu.vector_load %arg15[%get3A_1424] {strides = array<i32>} : memref<64xi32, #tpu.memory_space<vmem>>, vector<16xi32>,
      %add3A_1426 = arith.addi %get3A_1425, %get3A_969 : vector<16xi32>
      %swap3A_1427 = arith.constant 32 : index
      %swap3A_1428 = tpu.vector_load %arg15[%swap3A_1427] {strides = array<i32>} : memref<64xi32, #tpu.memory_space<vmem>>, vector<16xi32>,
      tpu.vector_store %arg15[%swap3A_1427], %add3A_1426 {strides = array<i32>} : memref<64xi32, #tpu.memory_space<vmem>>, vector<16xi32>,
    } else {
    }
    %get3A_976 = arith.constant 29 : i32
    %get3A_977 = arith.index_cast %get3A_976 : i32 to index
    %get3A_978 = arith.constant 32 : index
    %get3A_979 = tpu.vector_load %arg13[%get3A_977, %get3A_978] {strides = array<i32>} : memref<32x64xi32, #tpu.memory_space<vmem>>, vector<16xi32>,
    %add3A_980 = arith.addi %add3A_970, %get3A_979 : vector<16xi32>
    %gt3A_981 = arith.constant 29 : i32
    %gt3A_982 = arith.cmpi sgt, %add3A, %gt3A_981 : i32
    %convert_element_type3A_983 = arith.extui %gt3A_982 : i1 to i32
    %cond3A_984 = arith.constant 0 : i32
    %cond3A_985 = arith.cmpi ne, %convert_element_type3A_983, %cond3A_984 : i32
    scf.if %cond3A_985 {
      %get3A_1424 = arith.constant 32 : index
      %get3A_1425 = tpu.vector_load %arg15[%get3A_1424] {strides = array<i32>} : memref<64xi32, #tpu.memory_space<vmem>>, vector<16xi32>,
      %add3A_1426 = arith.addi %get3A_1425, %get3A_979 : vector<16xi32>
      %swap3A_1427 = arith.constant 32 : index
      %swap3A_1428 = tpu.vector_load %arg15[%swap3A_1427] {strides = array<i32>} : memref<64xi32, #tpu.memory_space<vmem>>, vector<16xi32>,
      tpu.vector_store %arg15[%swap3A_1427], %add3A_1426 {strides = array<i32>} : memref<64xi32, #tpu.memory_space<vmem>>, vector<16xi32>,
    } else {
    }
    %get3A_986 = arith.constant 30 : i32
    %get3A_987 = arith.index_cast %get3A_986 : i32 to index
    %get3A_988 = arith.constant 32 : index
    %get3A_989 = tpu.vector_load %arg13[%get3A_987, %get3A_988] {strides = array<i32>} : memref<32x64xi32, #tpu.memory_space<vmem>>, vector<16xi32>,
    %add3A_990 = arith.addi %add3A_980, %get3A_989 : vector<16xi32>
    %gt3A_991 = arith.constant 30 : i32
    %gt3A_992 = arith.cmpi sgt, %add3A, %gt3A_991 : i32
    %convert_element_type3A_993 = arith.extui %gt3A_992 : i1 to i32
    %cond3A_994 = arith.constant 0 : i32
    %cond3A_995 = arith.cmpi ne, %convert_element_type3A_993, %cond3A_994 : i32
    scf.if %cond3A_995 {
      %get3A_1424 = arith.constant 32 : index
      %get3A_1425 = tpu.vector_load %arg15[%get3A_1424] {strides = array<i32>} : memref<64xi32, #tpu.memory_space<vmem>>, vector<16xi32>,
      %add3A_1426 = arith.addi %get3A_1425, %get3A_989 : vector<16xi32>
      %swap3A_1427 = arith.constant 32 : index
      %swap3A_1428 = tpu.vector_load %arg15[%swap3A_1427] {strides = array<i32>} : memref<64xi32, #tpu.memory_space<vmem>>, vector<16xi32>,
      tpu.vector_store %arg15[%swap3A_1427], %add3A_1426 {strides = array<i32>} : memref<64xi32, #tpu.memory_space<vmem>>, vector<16xi32>,
    } else {
    }
    %get3A_996 = arith.constant 31 : i32
    %get3A_997 = arith.index_cast %get3A_996 : i32 to index
    %get3A_998 = arith.constant 32 : index
    %get3A_999 = tpu.vector_load %arg13[%get3A_997, %get3A_998] {strides = array<i32>} : memref<32x64xi32, #tpu.memory_space<vmem>>, vector<16xi32>,
    %add3A_1000 = arith.addi %add3A_990, %get3A_999 : vector<16xi32>
    %gt3A_1001 = arith.constant 31 : i32
    %gt3A_1002 = arith.cmpi sgt, %add3A, %gt3A_1001 : i32
    %convert_element_type3A_1003 = arith.extui %gt3A_1002 : i1 to i32
    %cond3A_1004 = arith.constant 0 : i32
    %cond3A_1005 = arith.cmpi ne, %convert_element_type3A_1003, %cond3A_1004 : i32
    scf.if %cond3A_1005 {
      %get3A_1424 = arith.constant 32 : index
      %get3A_1425 = tpu.vector_load %arg15[%get3A_1424] {strides = array<i32>} : memref<64xi32, #tpu.memory_space<vmem>>, vector<16xi32>,
      %add3A_1426 = arith.addi %get3A_1425, %get3A_999 : vector<16xi32>
      %swap3A_1427 = arith.constant 32 : index
      %swap3A_1428 = tpu.vector_load %arg15[%swap3A_1427] {strides = array<i32>} : memref<64xi32, #tpu.memory_space<vmem>>, vector<16xi32>,
      tpu.vector_store %arg15[%swap3A_1427], %add3A_1426 {strides = array<i32>} : memref<64xi32, #tpu.memory_space<vmem>>, vector<16xi32>,
    } else {
    }
    %get3A_1006 = arith.constant 0 : index
    %get3A_1007 = tpu.vector_load %arg18[%get3A_1006] {strides = array<i32>} : memref<16xi32, #tpu.memory_space<vmem>>, vector<16xi32>,
    %broadcast_in_dim3A_1008 = arith.constant true
    %broadcast_in_dim3A_1009 = vector.broadcast %broadcast_in_dim3A_1008 : i1 to vector<16xi1>
    %masked_cumsum3A_1010 = tpu.scan <sum>, %add3A_1000 masked %broadcast_in_dim3A_1009 : vector<16xi32>, vector<16xi1> -> vector<16xi32>
    %add3A_1011 = arith.addi %masked_cumsum3A_1010, %get3A_1007 : vector<16xi32>
    %sub3A_1012 = arith.subi %add3A_1011, %add3A_1000 : vector<16xi32>
    %swap3A_1013 = arith.constant 32 : index
    %swap3A_1014 = tpu.vector_load %arg16[%swap3A_1013] {strides = array<i32>} : memref<80xi32, #tpu.memory_space<vmem>>, vector<16xi32>,
    tpu.vector_store %arg16[%swap3A_1013], %sub3A_1012 {strides = array<i32>} : memref<80xi32, #tpu.memory_space<vmem>>, vector<16xi32>,
    %get3A_1015 = arith.constant 32 : index
    %get3A_1016 = tpu.vector_load %arg15[%get3A_1015] {strides = array<i32>} : memref<64xi32, #tpu.memory_space<vmem>>, vector<16xi32>,
    %add3A_1017 = arith.addi %sub3A_1012, %get3A_1016 : vector<16xi32>
    %swap3A_1018 = arith.constant 32 : index
    %swap3A_1019 = tpu.vector_load %arg14[%swap3A_1018] {strides = array<i32>} : memref<64xi32, #tpu.memory_space<vmem>>, vector<16xi32>,
    tpu.vector_store %arg14[%swap3A_1018], %add3A_1017 {strides = array<i32>} : memref<64xi32, #tpu.memory_space<vmem>>, vector<16xi32>,
    %swap3A_1020 = arith.constant 0 : index
    %swap3A_1021 = tpu.vector_load %arg17[%swap3A_1020] {strides = array<i32>} : memref<16xi32, #tpu.memory_space<vmem>>, vector<16xi32>,
    tpu.vector_store %arg17[%swap3A_1020], %add3A_1011 {strides = array<i32>} : memref<16xi32, #tpu.memory_space<vmem>>, vector<16xi32>,
    %broadcast_in_dim3A_1022 = arith.constant 15 : i32
    %broadcast_in_dim3A_1023 = vector.broadcast %broadcast_in_dim3A_1022 : i32 to vector<16xi32>
    %gather3A_1024 = tpu.vector_load_idx %arg17[%broadcast_in_dim3A_1023] : memref<16xi32, #tpu.memory_space<vmem>>[vector<16xi32>], vector<16xi32>,
    %swap3A_1025 = arith.constant 0 : index
    %swap3A_1026 = tpu.vector_load %arg18[%swap3A_1025] {strides = array<i32>} : memref<16xi32, #tpu.memory_space<vmem>>, vector<16xi32>,
    tpu.vector_store %arg18[%swap3A_1025], %gather3A_1024 {strides = array<i32>} : memref<16xi32, #tpu.memory_space<vmem>>, vector<16xi32>,
    %swap3A_1027 = arith.constant 48 : index
    %swap3A_1028 = tpu.vector_load %arg15[%swap3A_1027] {strides = array<i32>} : memref<64xi32, #tpu.memory_space<vmem>>, vector<16xi32>,
    tpu.vector_store %arg15[%swap3A_1027], %broadcast_in_dim3A_3 {strides = array<i32>} : memref<64xi32, #tpu.memory_space<vmem>>, vector<16xi32>,
    %get3A_1029 = arith.constant 0 : i32
    %get3A_1030 = arith.index_cast %get3A_1029 : i32 to index
    %get3A_1031 = arith.constant 48 : index
    %get3A_1032 = tpu.vector_load %arg13[%get3A_1030, %get3A_1031] {strides = array<i32>} : memref<32x64xi32, #tpu.memory_space<vmem>>, vector<16xi32>,
    %add3A_1033 = arith.addi %broadcast_in_dim3A_3, %get3A_1032 : vector<16xi32>
    %gt3A_1034 = arith.constant 0 : i32
    %gt3A_1035 = arith.cmpi sgt, %add3A, %gt3A_1034 : i32
    %convert_element_type3A_1036 = arith.extui %gt3A_1035 : i1 to i32
    %cond3A_1037 = arith.constant 0 : i32
    %cond3A_1038 = arith.cmpi ne, %convert_element_type3A_1036, %cond3A_1037 : i32
    scf.if %cond3A_1038 {
      %get3A_1424 = arith.constant 48 : index
      %get3A_1425 = tpu.vector_load %arg15[%get3A_1424] {strides = array<i32>} : memref<64xi32, #tpu.memory_space<vmem>>, vector<16xi32>,
      %add3A_1426 = arith.addi %get3A_1425, %get3A_1032 : vector<16xi32>
      %swap3A_1427 = arith.constant 48 : index
      %swap3A_1428 = tpu.vector_load %arg15[%swap3A_1427] {strides = array<i32>} : memref<64xi32, #tpu.memory_space<vmem>>, vector<16xi32>,
      tpu.vector_store %arg15[%swap3A_1427], %add3A_1426 {strides = array<i32>} : memref<64xi32, #tpu.memory_space<vmem>>, vector<16xi32>,
    } else {
    }
    %get3A_1039 = arith.constant 1 : i32
    %get3A_1040 = arith.index_cast %get3A_1039 : i32 to index
    %get3A_1041 = arith.constant 48 : index
    %get3A_1042 = tpu.vector_load %arg13[%get3A_1040, %get3A_1041] {strides = array<i32>} : memref<32x64xi32, #tpu.memory_space<vmem>>, vector<16xi32>,
    %add3A_1043 = arith.addi %add3A_1033, %get3A_1042 : vector<16xi32>
    %gt3A_1044 = arith.constant 1 : i32
    %gt3A_1045 = arith.cmpi sgt, %add3A, %gt3A_1044 : i32
    %convert_element_type3A_1046 = arith.extui %gt3A_1045 : i1 to i32
    %cond3A_1047 = arith.constant 0 : i32
    %cond3A_1048 = arith.cmpi ne, %convert_element_type3A_1046, %cond3A_1047 : i32
    scf.if %cond3A_1048 {
      %get3A_1424 = arith.constant 48 : index
      %get3A_1425 = tpu.vector_load %arg15[%get3A_1424] {strides = array<i32>} : memref<64xi32, #tpu.memory_space<vmem>>, vector<16xi32>,
      %add3A_1426 = arith.addi %get3A_1425, %get3A_1042 : vector<16xi32>
      %swap3A_1427 = arith.constant 48 : index
      %swap3A_1428 = tpu.vector_load %arg15[%swap3A_1427] {strides = array<i32>} : memref<64xi32, #tpu.memory_space<vmem>>, vector<16xi32>,
      tpu.vector_store %arg15[%swap3A_1427], %add3A_1426 {strides = array<i32>} : memref<64xi32, #tpu.memory_space<vmem>>, vector<16xi32>,
    } else {
    }
    %get3A_1049 = arith.constant 2 : i32
    %get3A_1050 = arith.index_cast %get3A_1049 : i32 to index
    %get3A_1051 = arith.constant 48 : index
    %get3A_1052 = tpu.vector_load %arg13[%get3A_1050, %get3A_1051] {strides = array<i32>} : memref<32x64xi32, #tpu.memory_space<vmem>>, vector<16xi32>,
    %add3A_1053 = arith.addi %add3A_1043, %get3A_1052 : vector<16xi32>
    %gt3A_1054 = arith.constant 2 : i32
    %gt3A_1055 = arith.cmpi sgt, %add3A, %gt3A_1054 : i32
    %convert_element_type3A_1056 = arith.extui %gt3A_1055 : i1 to i32
    %cond3A_1057 = arith.constant 0 : i32
    %cond3A_1058 = arith.cmpi ne, %convert_element_type3A_1056, %cond3A_1057 : i32
    scf.if %cond3A_1058 {
      %get3A_1424 = arith.constant 48 : index
      %get3A_1425 = tpu.vector_load %arg15[%get3A_1424] {strides = array<i32>} : memref<64xi32, #tpu.memory_space<vmem>>, vector<16xi32>,
      %add3A_1426 = arith.addi %get3A_1425, %get3A_1052 : vector<16xi32>
      %swap3A_1427 = arith.constant 48 : index
      %swap3A_1428 = tpu.vector_load %arg15[%swap3A_1427] {strides = array<i32>} : memref<64xi32, #tpu.memory_space<vmem>>, vector<16xi32>,
      tpu.vector_store %arg15[%swap3A_1427], %add3A_1426 {strides = array<i32>} : memref<64xi32, #tpu.memory_space<vmem>>, vector<16xi32>,
    } else {
    }
    %get3A_1059 = arith.constant 3 : i32
    %get3A_1060 = arith.index_cast %get3A_1059 : i32 to index
    %get3A_1061 = arith.constant 48 : index
    %get3A_1062 = tpu.vector_load %arg13[%get3A_1060, %get3A_1061] {strides = array<i32>} : memref<32x64xi32, #tpu.memory_space<vmem>>, vector<16xi32>,
    %add3A_1063 = arith.addi %add3A_1053, %get3A_1062 : vector<16xi32>
    %gt3A_1064 = arith.constant 3 : i32
    %gt3A_1065 = arith.cmpi sgt, %add3A, %gt3A_1064 : i32
    %convert_element_type3A_1066 = arith.extui %gt3A_1065 : i1 to i32
    %cond3A_1067 = arith.constant 0 : i32
    %cond3A_1068 = arith.cmpi ne, %convert_element_type3A_1066, %cond3A_1067 : i32
    scf.if %cond3A_1068 {
      %get3A_1424 = arith.constant 48 : index
      %get3A_1425 = tpu.vector_load %arg15[%get3A_1424] {strides = array<i32>} : memref<64xi32, #tpu.memory_space<vmem>>, vector<16xi32>,
      %add3A_1426 = arith.addi %get3A_1425, %get3A_1062 : vector<16xi32>
      %swap3A_1427 = arith.constant 48 : index
      %swap3A_1428 = tpu.vector_load %arg15[%swap3A_1427] {strides = array<i32>} : memref<64xi32, #tpu.memory_space<vmem>>, vector<16xi32>,
      tpu.vector_store %arg15[%swap3A_1427], %add3A_1426 {strides = array<i32>} : memref<64xi32, #tpu.memory_space<vmem>>, vector<16xi32>,
    } else {
    }
    %get3A_1069 = arith.constant 4 : i32
    %get3A_1070 = arith.index_cast %get3A_1069 : i32 to index
    %get3A_1071 = arith.constant 48 : index
    %get3A_1072 = tpu.vector_load %arg13[%get3A_1070, %get3A_1071] {strides = array<i32>} : memref<32x64xi32, #tpu.memory_space<vmem>>, vector<16xi32>,
    %add3A_1073 = arith.addi %add3A_1063, %get3A_1072 : vector<16xi32>
    %gt3A_1074 = arith.constant 4 : i32
    %gt3A_1075 = arith.cmpi sgt, %add3A, %gt3A_1074 : i32
    %convert_element_type3A_1076 = arith.extui %gt3A_1075 : i1 to i32
    %cond3A_1077 = arith.constant 0 : i32
    %cond3A_1078 = arith.cmpi ne, %convert_element_type3A_1076, %cond3A_1077 : i32
    scf.if %cond3A_1078 {
      %get3A_1424 = arith.constant 48 : index
      %get3A_1425 = tpu.vector_load %arg15[%get3A_1424] {strides = array<i32>} : memref<64xi32, #tpu.memory_space<vmem>>, vector<16xi32>,
      %add3A_1426 = arith.addi %get3A_1425, %get3A_1072 : vector<16xi32>
      %swap3A_1427 = arith.constant 48 : index
      %swap3A_1428 = tpu.vector_load %arg15[%swap3A_1427] {strides = array<i32>} : memref<64xi32, #tpu.memory_space<vmem>>, vector<16xi32>,
      tpu.vector_store %arg15[%swap3A_1427], %add3A_1426 {strides = array<i32>} : memref<64xi32, #tpu.memory_space<vmem>>, vector<16xi32>,
    } else {
    }
    %get3A_1079 = arith.constant 5 : i32
    %get3A_1080 = arith.index_cast %get3A_1079 : i32 to index
    %get3A_1081 = arith.constant 48 : index
    %get3A_1082 = tpu.vector_load %arg13[%get3A_1080, %get3A_1081] {strides = array<i32>} : memref<32x64xi32, #tpu.memory_space<vmem>>, vector<16xi32>,
    %add3A_1083 = arith.addi %add3A_1073, %get3A_1082 : vector<16xi32>
    %gt3A_1084 = arith.constant 5 : i32
    %gt3A_1085 = arith.cmpi sgt, %add3A, %gt3A_1084 : i32
    %convert_element_type3A_1086 = arith.extui %gt3A_1085 : i1 to i32
    %cond3A_1087 = arith.constant 0 : i32
    %cond3A_1088 = arith.cmpi ne, %convert_element_type3A_1086, %cond3A_1087 : i32
    scf.if %cond3A_1088 {
      %get3A_1424 = arith.constant 48 : index
      %get3A_1425 = tpu.vector_load %arg15[%get3A_1424] {strides = array<i32>} : memref<64xi32, #tpu.memory_space<vmem>>, vector<16xi32>,
      %add3A_1426 = arith.addi %get3A_1425, %get3A_1082 : vector<16xi32>
      %swap3A_1427 = arith.constant 48 : index
      %swap3A_1428 = tpu.vector_load %arg15[%swap3A_1427] {strides = array<i32>} : memref<64xi32, #tpu.memory_space<vmem>>, vector<16xi32>,
      tpu.vector_store %arg15[%swap3A_1427], %add3A_1426 {strides = array<i32>} : memref<64xi32, #tpu.memory_space<vmem>>, vector<16xi32>,
    } else {
    }
    %get3A_1089 = arith.constant 6 : i32
    %get3A_1090 = arith.index_cast %get3A_1089 : i32 to index
    %get3A_1091 = arith.constant 48 : index
    %get3A_1092 = tpu.vector_load %arg13[%get3A_1090, %get3A_1091] {strides = array<i32>} : memref<32x64xi32, #tpu.memory_space<vmem>>, vector<16xi32>,
    %add3A_1093 = arith.addi %add3A_1083, %get3A_1092 : vector<16xi32>
    %gt3A_1094 = arith.constant 6 : i32
    %gt3A_1095 = arith.cmpi sgt, %add3A, %gt3A_1094 : i32
    %convert_element_type3A_1096 = arith.extui %gt3A_1095 : i1 to i32
    %cond3A_1097 = arith.constant 0 : i32
    %cond3A_1098 = arith.cmpi ne, %convert_element_type3A_1096, %cond3A_1097 : i32
    scf.if %cond3A_1098 {
      %get3A_1424 = arith.constant 48 : index
      %get3A_1425 = tpu.vector_load %arg15[%get3A_1424] {strides = array<i32>} : memref<64xi32, #tpu.memory_space<vmem>>, vector<16xi32>,
      %add3A_1426 = arith.addi %get3A_1425, %get3A_1092 : vector<16xi32>
      %swap3A_1427 = arith.constant 48 : index
      %swap3A_1428 = tpu.vector_load %arg15[%swap3A_1427] {strides = array<i32>} : memref<64xi32, #tpu.memory_space<vmem>>, vector<16xi32>,
      tpu.vector_store %arg15[%swap3A_1427], %add3A_1426 {strides = array<i32>} : memref<64xi32, #tpu.memory_space<vmem>>, vector<16xi32>,
    } else {
    }
    %get3A_1099 = arith.constant 7 : i32
    %get3A_1100 = arith.index_cast %get3A_1099 : i32 to index
    %get3A_1101 = arith.constant 48 : index
    %get3A_1102 = tpu.vector_load %arg13[%get3A_1100, %get3A_1101] {strides = array<i32>} : memref<32x64xi32, #tpu.memory_space<vmem>>, vector<16xi32>,
    %add3A_1103 = arith.addi %add3A_1093, %get3A_1102 : vector<16xi32>
    %gt3A_1104 = arith.constant 7 : i32
    %gt3A_1105 = arith.cmpi sgt, %add3A, %gt3A_1104 : i32
    %convert_element_type3A_1106 = arith.extui %gt3A_1105 : i1 to i32
    %cond3A_1107 = arith.constant 0 : i32
    %cond3A_1108 = arith.cmpi ne, %convert_element_type3A_1106, %cond3A_1107 : i32
    scf.if %cond3A_1108 {
      %get3A_1424 = arith.constant 48 : index
      %get3A_1425 = tpu.vector_load %arg15[%get3A_1424] {strides = array<i32>} : memref<64xi32, #tpu.memory_space<vmem>>, vector<16xi32>,
      %add3A_1426 = arith.addi %get3A_1425, %get3A_1102 : vector<16xi32>
      %swap3A_1427 = arith.constant 48 : index
      %swap3A_1428 = tpu.vector_load %arg15[%swap3A_1427] {strides = array<i32>} : memref<64xi32, #tpu.memory_space<vmem>>, vector<16xi32>,
      tpu.vector_store %arg15[%swap3A_1427], %add3A_1426 {strides = array<i32>} : memref<64xi32, #tpu.memory_space<vmem>>, vector<16xi32>,
    } else {
    }
    %get3A_1109 = arith.constant 8 : i32
    %get3A_1110 = arith.index_cast %get3A_1109 : i32 to index
    %get3A_1111 = arith.constant 48 : index
    %get3A_1112 = tpu.vector_load %arg13[%get3A_1110, %get3A_1111] {strides = array<i32>} : memref<32x64xi32, #tpu.memory_space<vmem>>, vector<16xi32>,
    %add3A_1113 = arith.addi %add3A_1103, %get3A_1112 : vector<16xi32>
    %gt3A_1114 = arith.constant 8 : i32
    %gt3A_1115 = arith.cmpi sgt, %add3A, %gt3A_1114 : i32
    %convert_element_type3A_1116 = arith.extui %gt3A_1115 : i1 to i32
    %cond3A_1117 = arith.constant 0 : i32
    %cond3A_1118 = arith.cmpi ne, %convert_element_type3A_1116, %cond3A_1117 : i32
    scf.if %cond3A_1118 {
      %get3A_1424 = arith.constant 48 : index
      %get3A_1425 = tpu.vector_load %arg15[%get3A_1424] {strides = array<i32>} : memref<64xi32, #tpu.memory_space<vmem>>, vector<16xi32>,
      %add3A_1426 = arith.addi %get3A_1425, %get3A_1112 : vector<16xi32>
      %swap3A_1427 = arith.constant 48 : index
      %swap3A_1428 = tpu.vector_load %arg15[%swap3A_1427] {strides = array<i32>} : memref<64xi32, #tpu.memory_space<vmem>>, vector<16xi32>,
      tpu.vector_store %arg15[%swap3A_1427], %add3A_1426 {strides = array<i32>} : memref<64xi32, #tpu.memory_space<vmem>>, vector<16xi32>,
    } else {
    }
    %get3A_1119 = arith.constant 9 : i32
    %get3A_1120 = arith.index_cast %get3A_1119 : i32 to index
    %get3A_1121 = arith.constant 48 : index
    %get3A_1122 = tpu.vector_load %arg13[%get3A_1120, %get3A_1121] {strides = array<i32>} : memref<32x64xi32, #tpu.memory_space<vmem>>, vector<16xi32>,
    %add3A_1123 = arith.addi %add3A_1113, %get3A_1122 : vector<16xi32>
    %gt3A_1124 = arith.constant 9 : i32
    %gt3A_1125 = arith.cmpi sgt, %add3A, %gt3A_1124 : i32
    %convert_element_type3A_1126 = arith.extui %gt3A_1125 : i1 to i32
    %cond3A_1127 = arith.constant 0 : i32
    %cond3A_1128 = arith.cmpi ne, %convert_element_type3A_1126, %cond3A_1127 : i32
    scf.if %cond3A_1128 {
      %get3A_1424 = arith.constant 48 : index
      %get3A_1425 = tpu.vector_load %arg15[%get3A_1424] {strides = array<i32>} : memref<64xi32, #tpu.memory_space<vmem>>, vector<16xi32>,
      %add3A_1426 = arith.addi %get3A_1425, %get3A_1122 : vector<16xi32>
      %swap3A_1427 = arith.constant 48 : index
      %swap3A_1428 = tpu.vector_load %arg15[%swap3A_1427] {strides = array<i32>} : memref<64xi32, #tpu.memory_space<vmem>>, vector<16xi32>,
      tpu.vector_store %arg15[%swap3A_1427], %add3A_1426 {strides = array<i32>} : memref<64xi32, #tpu.memory_space<vmem>>, vector<16xi32>,
    } else {
    }
    %get3A_1129 = arith.constant 10 : i32
    %get3A_1130 = arith.index_cast %get3A_1129 : i32 to index
    %get3A_1131 = arith.constant 48 : index
    %get3A_1132 = tpu.vector_load %arg13[%get3A_1130, %get3A_1131] {strides = array<i32>} : memref<32x64xi32, #tpu.memory_space<vmem>>, vector<16xi32>,
    %add3A_1133 = arith.addi %add3A_1123, %get3A_1132 : vector<16xi32>
    %gt3A_1134 = arith.constant 10 : i32
    %gt3A_1135 = arith.cmpi sgt, %add3A, %gt3A_1134 : i32
    %convert_element_type3A_1136 = arith.extui %gt3A_1135 : i1 to i32
    %cond3A_1137 = arith.constant 0 : i32
    %cond3A_1138 = arith.cmpi ne, %convert_element_type3A_1136, %cond3A_1137 : i32
    scf.if %cond3A_1138 {
      %get3A_1424 = arith.constant 48 : index
      %get3A_1425 = tpu.vector_load %arg15[%get3A_1424] {strides = array<i32>} : memref<64xi32, #tpu.memory_space<vmem>>, vector<16xi32>,
      %add3A_1426 = arith.addi %get3A_1425, %get3A_1132 : vector<16xi32>
      %swap3A_1427 = arith.constant 48 : index
      %swap3A_1428 = tpu.vector_load %arg15[%swap3A_1427] {strides = array<i32>} : memref<64xi32, #tpu.memory_space<vmem>>, vector<16xi32>,
      tpu.vector_store %arg15[%swap3A_1427], %add3A_1426 {strides = array<i32>} : memref<64xi32, #tpu.memory_space<vmem>>, vector<16xi32>,
    } else {
    }
    %get3A_1139 = arith.constant 11 : i32
    %get3A_1140 = arith.index_cast %get3A_1139 : i32 to index
    %get3A_1141 = arith.constant 48 : index
    %get3A_1142 = tpu.vector_load %arg13[%get3A_1140, %get3A_1141] {strides = array<i32>} : memref<32x64xi32, #tpu.memory_space<vmem>>, vector<16xi32>,
    %add3A_1143 = arith.addi %add3A_1133, %get3A_1142 : vector<16xi32>
    %gt3A_1144 = arith.constant 11 : i32
    %gt3A_1145 = arith.cmpi sgt, %add3A, %gt3A_1144 : i32
    %convert_element_type3A_1146 = arith.extui %gt3A_1145 : i1 to i32
    %cond3A_1147 = arith.constant 0 : i32
    %cond3A_1148 = arith.cmpi ne, %convert_element_type3A_1146, %cond3A_1147 : i32
    scf.if %cond3A_1148 {
      %get3A_1424 = arith.constant 48 : index
      %get3A_1425 = tpu.vector_load %arg15[%get3A_1424] {strides = array<i32>} : memref<64xi32, #tpu.memory_space<vmem>>, vector<16xi32>,
      %add3A_1426 = arith.addi %get3A_1425, %get3A_1142 : vector<16xi32>
      %swap3A_1427 = arith.constant 48 : index
      %swap3A_1428 = tpu.vector_load %arg15[%swap3A_1427] {strides = array<i32>} : memref<64xi32, #tpu.memory_space<vmem>>, vector<16xi32>,
      tpu.vector_store %arg15[%swap3A_1427], %add3A_1426 {strides = array<i32>} : memref<64xi32, #tpu.memory_space<vmem>>, vector<16xi32>,
    } else {
    }
    %get3A_1149 = arith.constant 12 : i32
    %get3A_1150 = arith.index_cast %get3A_1149 : i32 to index
    %get3A_1151 = arith.constant 48 : index
    %get3A_1152 = tpu.vector_load %arg13[%get3A_1150, %get3A_1151] {strides = array<i32>} : memref<32x64xi32, #tpu.memory_space<vmem>>, vector<16xi32>,
    %add3A_1153 = arith.addi %add3A_1143, %get3A_1152 : vector<16xi32>
    %gt3A_1154 = arith.constant 12 : i32
    %gt3A_1155 = arith.cmpi sgt, %add3A, %gt3A_1154 : i32
    %convert_element_type3A_1156 = arith.extui %gt3A_1155 : i1 to i32
    %cond3A_1157 = arith.constant 0 : i32
    %cond3A_1158 = arith.cmpi ne, %convert_element_type3A_1156, %cond3A_1157 : i32
    scf.if %cond3A_1158 {
      %get3A_1424 = arith.constant 48 : index
      %get3A_1425 = tpu.vector_load %arg15[%get3A_1424] {strides = array<i32>} : memref<64xi32, #tpu.memory_space<vmem>>, vector<16xi32>,
      %add3A_1426 = arith.addi %get3A_1425, %get3A_1152 : vector<16xi32>
      %swap3A_1427 = arith.constant 48 : index
      %swap3A_1428 = tpu.vector_load %arg15[%swap3A_1427] {strides = array<i32>} : memref<64xi32, #tpu.memory_space<vmem>>, vector<16xi32>,
      tpu.vector_store %arg15[%swap3A_1427], %add3A_1426 {strides = array<i32>} : memref<64xi32, #tpu.memory_space<vmem>>, vector<16xi32>,
    } else {
    }
    %get3A_1159 = arith.constant 13 : i32
    %get3A_1160 = arith.index_cast %get3A_1159 : i32 to index
    %get3A_1161 = arith.constant 48 : index
    %get3A_1162 = tpu.vector_load %arg13[%get3A_1160, %get3A_1161] {strides = array<i32>} : memref<32x64xi32, #tpu.memory_space<vmem>>, vector<16xi32>,
    %add3A_1163 = arith.addi %add3A_1153, %get3A_1162 : vector<16xi32>
    %gt3A_1164 = arith.constant 13 : i32
    %gt3A_1165 = arith.cmpi sgt, %add3A, %gt3A_1164 : i32
    %convert_element_type3A_1166 = arith.extui %gt3A_1165 : i1 to i32
    %cond3A_1167 = arith.constant 0 : i32
    %cond3A_1168 = arith.cmpi ne, %convert_element_type3A_1166, %cond3A_1167 : i32
    scf.if %cond3A_1168 {
      %get3A_1424 = arith.constant 48 : index
      %get3A_1425 = tpu.vector_load %arg15[%get3A_1424] {strides = array<i32>} : memref<64xi32, #tpu.memory_space<vmem>>, vector<16xi32>,
      %add3A_1426 = arith.addi %get3A_1425, %get3A_1162 : vector<16xi32>
      %swap3A_1427 = arith.constant 48 : index
      %swap3A_1428 = tpu.vector_load %arg15[%swap3A_1427] {strides = array<i32>} : memref<64xi32, #tpu.memory_space<vmem>>, vector<16xi32>,
      tpu.vector_store %arg15[%swap3A_1427], %add3A_1426 {strides = array<i32>} : memref<64xi32, #tpu.memory_space<vmem>>, vector<16xi32>,
    } else {
    }
    %get3A_1169 = arith.constant 14 : i32
    %get3A_1170 = arith.index_cast %get3A_1169 : i32 to index
    %get3A_1171 = arith.constant 48 : index
    %get3A_1172 = tpu.vector_load %arg13[%get3A_1170, %get3A_1171] {strides = array<i32>} : memref<32x64xi32, #tpu.memory_space<vmem>>, vector<16xi32>,
    %add3A_1173 = arith.addi %add3A_1163, %get3A_1172 : vector<16xi32>
    %gt3A_1174 = arith.constant 14 : i32
    %gt3A_1175 = arith.cmpi sgt, %add3A, %gt3A_1174 : i32
    %convert_element_type3A_1176 = arith.extui %gt3A_1175 : i1 to i32
    %cond3A_1177 = arith.constant 0 : i32
    %cond3A_1178 = arith.cmpi ne, %convert_element_type3A_1176, %cond3A_1177 : i32
    scf.if %cond3A_1178 {
      %get3A_1424 = arith.constant 48 : index
      %get3A_1425 = tpu.vector_load %arg15[%get3A_1424] {strides = array<i32>} : memref<64xi32, #tpu.memory_space<vmem>>, vector<16xi32>,
      %add3A_1426 = arith.addi %get3A_1425, %get3A_1172 : vector<16xi32>
      %swap3A_1427 = arith.constant 48 : index
      %swap3A_1428 = tpu.vector_load %arg15[%swap3A_1427] {strides = array<i32>} : memref<64xi32, #tpu.memory_space<vmem>>, vector<16xi32>,
      tpu.vector_store %arg15[%swap3A_1427], %add3A_1426 {strides = array<i32>} : memref<64xi32, #tpu.memory_space<vmem>>, vector<16xi32>,
    } else {
    }
    %get3A_1179 = arith.constant 15 : i32
    %get3A_1180 = arith.index_cast %get3A_1179 : i32 to index
    %get3A_1181 = arith.constant 48 : index
    %get3A_1182 = tpu.vector_load %arg13[%get3A_1180, %get3A_1181] {strides = array<i32>} : memref<32x64xi32, #tpu.memory_space<vmem>>, vector<16xi32>,
    %add3A_1183 = arith.addi %add3A_1173, %get3A_1182 : vector<16xi32>
    %gt3A_1184 = arith.constant 15 : i32
    %gt3A_1185 = arith.cmpi sgt, %add3A, %gt3A_1184 : i32
    %convert_element_type3A_1186 = arith.extui %gt3A_1185 : i1 to i32
    %cond3A_1187 = arith.constant 0 : i32
    %cond3A_1188 = arith.cmpi ne, %convert_element_type3A_1186, %cond3A_1187 : i32
    scf.if %cond3A_1188 {
      %get3A_1424 = arith.constant 48 : index
      %get3A_1425 = tpu.vector_load %arg15[%get3A_1424] {strides = array<i32>} : memref<64xi32, #tpu.memory_space<vmem>>, vector<16xi32>,
      %add3A_1426 = arith.addi %get3A_1425, %get3A_1182 : vector<16xi32>
      %swap3A_1427 = arith.constant 48 : index
      %swap3A_1428 = tpu.vector_load %arg15[%swap3A_1427] {strides = array<i32>} : memref<64xi32, #tpu.memory_space<vmem>>, vector<16xi32>,
      tpu.vector_store %arg15[%swap3A_1427], %add3A_1426 {strides = array<i32>} : memref<64xi32, #tpu.memory_space<vmem>>, vector<16xi32>,
    } else {
    }
    %get3A_1189 = arith.constant 16 : i32
    %get3A_1190 = arith.index_cast %get3A_1189 : i32 to index
    %get3A_1191 = arith.constant 48 : index
    %get3A_1192 = tpu.vector_load %arg13[%get3A_1190, %get3A_1191] {strides = array<i32>} : memref<32x64xi32, #tpu.memory_space<vmem>>, vector<16xi32>,
    %add3A_1193 = arith.addi %add3A_1183, %get3A_1192 : vector<16xi32>
    %gt3A_1194 = arith.constant 16 : i32
    %gt3A_1195 = arith.cmpi sgt, %add3A, %gt3A_1194 : i32
    %convert_element_type3A_1196 = arith.extui %gt3A_1195 : i1 to i32
    %cond3A_1197 = arith.constant 0 : i32
    %cond3A_1198 = arith.cmpi ne, %convert_element_type3A_1196, %cond3A_1197 : i32
    scf.if %cond3A_1198 {
      %get3A_1424 = arith.constant 48 : index
      %get3A_1425 = tpu.vector_load %arg15[%get3A_1424] {strides = array<i32>} : memref<64xi32, #tpu.memory_space<vmem>>, vector<16xi32>,
      %add3A_1426 = arith.addi %get3A_1425, %get3A_1192 : vector<16xi32>
      %swap3A_1427 = arith.constant 48 : index
      %swap3A_1428 = tpu.vector_load %arg15[%swap3A_1427] {strides = array<i32>} : memref<64xi32, #tpu.memory_space<vmem>>, vector<16xi32>,
      tpu.vector_store %arg15[%swap3A_1427], %add3A_1426 {strides = array<i32>} : memref<64xi32, #tpu.memory_space<vmem>>, vector<16xi32>,
    } else {
    }
    %get3A_1199 = arith.constant 17 : i32
    %get3A_1200 = arith.index_cast %get3A_1199 : i32 to index
    %get3A_1201 = arith.constant 48 : index
    %get3A_1202 = tpu.vector_load %arg13[%get3A_1200, %get3A_1201] {strides = array<i32>} : memref<32x64xi32, #tpu.memory_space<vmem>>, vector<16xi32>,
    %add3A_1203 = arith.addi %add3A_1193, %get3A_1202 : vector<16xi32>
    %gt3A_1204 = arith.constant 17 : i32
    %gt3A_1205 = arith.cmpi sgt, %add3A, %gt3A_1204 : i32
    %convert_element_type3A_1206 = arith.extui %gt3A_1205 : i1 to i32
    %cond3A_1207 = arith.constant 0 : i32
    %cond3A_1208 = arith.cmpi ne, %convert_element_type3A_1206, %cond3A_1207 : i32
    scf.if %cond3A_1208 {
      %get3A_1424 = arith.constant 48 : index
      %get3A_1425 = tpu.vector_load %arg15[%get3A_1424] {strides = array<i32>} : memref<64xi32, #tpu.memory_space<vmem>>, vector<16xi32>,
      %add3A_1426 = arith.addi %get3A_1425, %get3A_1202 : vector<16xi32>
      %swap3A_1427 = arith.constant 48 : index
      %swap3A_1428 = tpu.vector_load %arg15[%swap3A_1427] {strides = array<i32>} : memref<64xi32, #tpu.memory_space<vmem>>, vector<16xi32>,
      tpu.vector_store %arg15[%swap3A_1427], %add3A_1426 {strides = array<i32>} : memref<64xi32, #tpu.memory_space<vmem>>, vector<16xi32>,
    } else {
    }
    %get3A_1209 = arith.constant 18 : i32
    %get3A_1210 = arith.index_cast %get3A_1209 : i32 to index
    %get3A_1211 = arith.constant 48 : index
    %get3A_1212 = tpu.vector_load %arg13[%get3A_1210, %get3A_1211] {strides = array<i32>} : memref<32x64xi32, #tpu.memory_space<vmem>>, vector<16xi32>,
    %add3A_1213 = arith.addi %add3A_1203, %get3A_1212 : vector<16xi32>
    %gt3A_1214 = arith.constant 18 : i32
    %gt3A_1215 = arith.cmpi sgt, %add3A, %gt3A_1214 : i32
    %convert_element_type3A_1216 = arith.extui %gt3A_1215 : i1 to i32
    %cond3A_1217 = arith.constant 0 : i32
    %cond3A_1218 = arith.cmpi ne, %convert_element_type3A_1216, %cond3A_1217 : i32
    scf.if %cond3A_1218 {
      %get3A_1424 = arith.constant 48 : index
      %get3A_1425 = tpu.vector_load %arg15[%get3A_1424] {strides = array<i32>} : memref<64xi32, #tpu.memory_space<vmem>>, vector<16xi32>,
      %add3A_1426 = arith.addi %get3A_1425, %get3A_1212 : vector<16xi32>
      %swap3A_1427 = arith.constant 48 : index
      %swap3A_1428 = tpu.vector_load %arg15[%swap3A_1427] {strides = array<i32>} : memref<64xi32, #tpu.memory_space<vmem>>, vector<16xi32>,
      tpu.vector_store %arg15[%swap3A_1427], %add3A_1426 {strides = array<i32>} : memref<64xi32, #tpu.memory_space<vmem>>, vector<16xi32>,
    } else {
    }
    %get3A_1219 = arith.constant 19 : i32
    %get3A_1220 = arith.index_cast %get3A_1219 : i32 to index
    %get3A_1221 = arith.constant 48 : index
    %get3A_1222 = tpu.vector_load %arg13[%get3A_1220, %get3A_1221] {strides = array<i32>} : memref<32x64xi32, #tpu.memory_space<vmem>>, vector<16xi32>,
    %add3A_1223 = arith.addi %add3A_1213, %get3A_1222 : vector<16xi32>
    %gt3A_1224 = arith.constant 19 : i32
    %gt3A_1225 = arith.cmpi sgt, %add3A, %gt3A_1224 : i32
    %convert_element_type3A_1226 = arith.extui %gt3A_1225 : i1 to i32
    %cond3A_1227 = arith.constant 0 : i32
    %cond3A_1228 = arith.cmpi ne, %convert_element_type3A_1226, %cond3A_1227 : i32
    scf.if %cond3A_1228 {
      %get3A_1424 = arith.constant 48 : index
      %get3A_1425 = tpu.vector_load %arg15[%get3A_1424] {strides = array<i32>} : memref<64xi32, #tpu.memory_space<vmem>>, vector<16xi32>,
      %add3A_1426 = arith.addi %get3A_1425, %get3A_1222 : vector<16xi32>
      %swap3A_1427 = arith.constant 48 : index
      %swap3A_1428 = tpu.vector_load %arg15[%swap3A_1427] {strides = array<i32>} : memref<64xi32, #tpu.memory_space<vmem>>, vector<16xi32>,
      tpu.vector_store %arg15[%swap3A_1427], %add3A_1426 {strides = array<i32>} : memref<64xi32, #tpu.memory_space<vmem>>, vector<16xi32>,
    } else {
    }
    %get3A_1229 = arith.constant 20 : i32
    %get3A_1230 = arith.index_cast %get3A_1229 : i32 to index
    %get3A_1231 = arith.constant 48 : index
    %get3A_1232 = tpu.vector_load %arg13[%get3A_1230, %get3A_1231] {strides = array<i32>} : memref<32x64xi32, #tpu.memory_space<vmem>>, vector<16xi32>,
    %add3A_1233 = arith.addi %add3A_1223, %get3A_1232 : vector<16xi32>
    %gt3A_1234 = arith.constant 20 : i32
    %gt3A_1235 = arith.cmpi sgt, %add3A, %gt3A_1234 : i32
    %convert_element_type3A_1236 = arith.extui %gt3A_1235 : i1 to i32
    %cond3A_1237 = arith.constant 0 : i32
    %cond3A_1238 = arith.cmpi ne, %convert_element_type3A_1236, %cond3A_1237 : i32
    scf.if %cond3A_1238 {
      %get3A_1424 = arith.constant 48 : index
      %get3A_1425 = tpu.vector_load %arg15[%get3A_1424] {strides = array<i32>} : memref<64xi32, #tpu.memory_space<vmem>>, vector<16xi32>,
      %add3A_1426 = arith.addi %get3A_1425, %get3A_1232 : vector<16xi32>
      %swap3A_1427 = arith.constant 48 : index
      %swap3A_1428 = tpu.vector_load %arg15[%swap3A_1427] {strides = array<i32>} : memref<64xi32, #tpu.memory_space<vmem>>, vector<16xi32>,
      tpu.vector_store %arg15[%swap3A_1427], %add3A_1426 {strides = array<i32>} : memref<64xi32, #tpu.memory_space<vmem>>, vector<16xi32>,
    } else {
    }
    %get3A_1239 = arith.constant 21 : i32
    %get3A_1240 = arith.index_cast %get3A_1239 : i32 to index
    %get3A_1241 = arith.constant 48 : index
    %get3A_1242 = tpu.vector_load %arg13[%get3A_1240, %get3A_1241] {strides = array<i32>} : memref<32x64xi32, #tpu.memory_space<vmem>>, vector<16xi32>,
    %add3A_1243 = arith.addi %add3A_1233, %get3A_1242 : vector<16xi32>
    %gt3A_1244 = arith.constant 21 : i32
    %gt3A_1245 = arith.cmpi sgt, %add3A, %gt3A_1244 : i32
    %convert_element_type3A_1246 = arith.extui %gt3A_1245 : i1 to i32
    %cond3A_1247 = arith.constant 0 : i32
    %cond3A_1248 = arith.cmpi ne, %convert_element_type3A_1246, %cond3A_1247 : i32
    scf.if %cond3A_1248 {
      %get3A_1424 = arith.constant 48 : index
      %get3A_1425 = tpu.vector_load %arg15[%get3A_1424] {strides = array<i32>} : memref<64xi32, #tpu.memory_space<vmem>>, vector<16xi32>,
      %add3A_1426 = arith.addi %get3A_1425, %get3A_1242 : vector<16xi32>
      %swap3A_1427 = arith.constant 48 : index
      %swap3A_1428 = tpu.vector_load %arg15[%swap3A_1427] {strides = array<i32>} : memref<64xi32, #tpu.memory_space<vmem>>, vector<16xi32>,
      tpu.vector_store %arg15[%swap3A_1427], %add3A_1426 {strides = array<i32>} : memref<64xi32, #tpu.memory_space<vmem>>, vector<16xi32>,
    } else {
    }
    %get3A_1249 = arith.constant 22 : i32
    %get3A_1250 = arith.index_cast %get3A_1249 : i32 to index
    %get3A_1251 = arith.constant 48 : index
    %get3A_1252 = tpu.vector_load %arg13[%get3A_1250, %get3A_1251] {strides = array<i32>} : memref<32x64xi32, #tpu.memory_space<vmem>>, vector<16xi32>,
    %add3A_1253 = arith.addi %add3A_1243, %get3A_1252 : vector<16xi32>
    %gt3A_1254 = arith.constant 22 : i32
    %gt3A_1255 = arith.cmpi sgt, %add3A, %gt3A_1254 : i32
    %convert_element_type3A_1256 = arith.extui %gt3A_1255 : i1 to i32
    %cond3A_1257 = arith.constant 0 : i32
    %cond3A_1258 = arith.cmpi ne, %convert_element_type3A_1256, %cond3A_1257 : i32
    scf.if %cond3A_1258 {
      %get3A_1424 = arith.constant 48 : index
      %get3A_1425 = tpu.vector_load %arg15[%get3A_1424] {strides = array<i32>} : memref<64xi32, #tpu.memory_space<vmem>>, vector<16xi32>,
      %add3A_1426 = arith.addi %get3A_1425, %get3A_1252 : vector<16xi32>
      %swap3A_1427 = arith.constant 48 : index
      %swap3A_1428 = tpu.vector_load %arg15[%swap3A_1427] {strides = array<i32>} : memref<64xi32, #tpu.memory_space<vmem>>, vector<16xi32>,
      tpu.vector_store %arg15[%swap3A_1427], %add3A_1426 {strides = array<i32>} : memref<64xi32, #tpu.memory_space<vmem>>, vector<16xi32>,
    } else {
    }
    %get3A_1259 = arith.constant 23 : i32
    %get3A_1260 = arith.index_cast %get3A_1259 : i32 to index
    %get3A_1261 = arith.constant 48 : index
    %get3A_1262 = tpu.vector_load %arg13[%get3A_1260, %get3A_1261] {strides = array<i32>} : memref<32x64xi32, #tpu.memory_space<vmem>>, vector<16xi32>,
    %add3A_1263 = arith.addi %add3A_1253, %get3A_1262 : vector<16xi32>
    %gt3A_1264 = arith.constant 23 : i32
    %gt3A_1265 = arith.cmpi sgt, %add3A, %gt3A_1264 : i32
    %convert_element_type3A_1266 = arith.extui %gt3A_1265 : i1 to i32
    %cond3A_1267 = arith.constant 0 : i32
    %cond3A_1268 = arith.cmpi ne, %convert_element_type3A_1266, %cond3A_1267 : i32
    scf.if %cond3A_1268 {
      %get3A_1424 = arith.constant 48 : index
      %get3A_1425 = tpu.vector_load %arg15[%get3A_1424] {strides = array<i32>} : memref<64xi32, #tpu.memory_space<vmem>>, vector<16xi32>,
      %add3A_1426 = arith.addi %get3A_1425, %get3A_1262 : vector<16xi32>
      %swap3A_1427 = arith.constant 48 : index
      %swap3A_1428 = tpu.vector_load %arg15[%swap3A_1427] {strides = array<i32>} : memref<64xi32, #tpu.memory_space<vmem>>, vector<16xi32>,
      tpu.vector_store %arg15[%swap3A_1427], %add3A_1426 {strides = array<i32>} : memref<64xi32, #tpu.memory_space<vmem>>, vector<16xi32>,
    } else {
    }
    %get3A_1269 = arith.constant 24 : i32
    %get3A_1270 = arith.index_cast %get3A_1269 : i32 to index
    %get3A_1271 = arith.constant 48 : index
    %get3A_1272 = tpu.vector_load %arg13[%get3A_1270, %get3A_1271] {strides = array<i32>} : memref<32x64xi32, #tpu.memory_space<vmem>>, vector<16xi32>,
    %add3A_1273 = arith.addi %add3A_1263, %get3A_1272 : vector<16xi32>
    %gt3A_1274 = arith.constant 24 : i32
    %gt3A_1275 = arith.cmpi sgt, %add3A, %gt3A_1274 : i32
    %convert_element_type3A_1276 = arith.extui %gt3A_1275 : i1 to i32
    %cond3A_1277 = arith.constant 0 : i32
    %cond3A_1278 = arith.cmpi ne, %convert_element_type3A_1276, %cond3A_1277 : i32
    scf.if %cond3A_1278 {
      %get3A_1424 = arith.constant 48 : index
      %get3A_1425 = tpu.vector_load %arg15[%get3A_1424] {strides = array<i32>} : memref<64xi32, #tpu.memory_space<vmem>>, vector<16xi32>,
      %add3A_1426 = arith.addi %get3A_1425, %get3A_1272 : vector<16xi32>
      %swap3A_1427 = arith.constant 48 : index
      %swap3A_1428 = tpu.vector_load %arg15[%swap3A_1427] {strides = array<i32>} : memref<64xi32, #tpu.memory_space<vmem>>, vector<16xi32>,
      tpu.vector_store %arg15[%swap3A_1427], %add3A_1426 {strides = array<i32>} : memref<64xi32, #tpu.memory_space<vmem>>, vector<16xi32>,
    } else {
    }
    %get3A_1279 = arith.constant 25 : i32
    %get3A_1280 = arith.index_cast %get3A_1279 : i32 to index
    %get3A_1281 = arith.constant 48 : index
    %get3A_1282 = tpu.vector_load %arg13[%get3A_1280, %get3A_1281] {strides = array<i32>} : memref<32x64xi32, #tpu.memory_space<vmem>>, vector<16xi32>,
    %add3A_1283 = arith.addi %add3A_1273, %get3A_1282 : vector<16xi32>
    %gt3A_1284 = arith.constant 25 : i32
    %gt3A_1285 = arith.cmpi sgt, %add3A, %gt3A_1284 : i32
    %convert_element_type3A_1286 = arith.extui %gt3A_1285 : i1 to i32
    %cond3A_1287 = arith.constant 0 : i32
    %cond3A_1288 = arith.cmpi ne, %convert_element_type3A_1286, %cond3A_1287 : i32
    scf.if %cond3A_1288 {
      %get3A_1424 = arith.constant 48 : index
      %get3A_1425 = tpu.vector_load %arg15[%get3A_1424] {strides = array<i32>} : memref<64xi32, #tpu.memory_space<vmem>>, vector<16xi32>,
      %add3A_1426 = arith.addi %get3A_1425, %get3A_1282 : vector<16xi32>
      %swap3A_1427 = arith.constant 48 : index
      %swap3A_1428 = tpu.vector_load %arg15[%swap3A_1427] {strides = array<i32>} : memref<64xi32, #tpu.memory_space<vmem>>, vector<16xi32>,
      tpu.vector_store %arg15[%swap3A_1427], %add3A_1426 {strides = array<i32>} : memref<64xi32, #tpu.memory_space<vmem>>, vector<16xi32>,
    } else {
    }
    %get3A_1289 = arith.constant 26 : i32
    %get3A_1290 = arith.index_cast %get3A_1289 : i32 to index
    %get3A_1291 = arith.constant 48 : index
    %get3A_1292 = tpu.vector_load %arg13[%get3A_1290, %get3A_1291] {strides = array<i32>} : memref<32x64xi32, #tpu.memory_space<vmem>>, vector<16xi32>,
    %add3A_1293 = arith.addi %add3A_1283, %get3A_1292 : vector<16xi32>
    %gt3A_1294 = arith.constant 26 : i32
    %gt3A_1295 = arith.cmpi sgt, %add3A, %gt3A_1294 : i32
    %convert_element_type3A_1296 = arith.extui %gt3A_1295 : i1 to i32
    %cond3A_1297 = arith.constant 0 : i32
    %cond3A_1298 = arith.cmpi ne, %convert_element_type3A_1296, %cond3A_1297 : i32
    scf.if %cond3A_1298 {
      %get3A_1424 = arith.constant 48 : index
      %get3A_1425 = tpu.vector_load %arg15[%get3A_1424] {strides = array<i32>} : memref<64xi32, #tpu.memory_space<vmem>>, vector<16xi32>,
      %add3A_1426 = arith.addi %get3A_1425, %get3A_1292 : vector<16xi32>
      %swap3A_1427 = arith.constant 48 : index
      %swap3A_1428 = tpu.vector_load %arg15[%swap3A_1427] {strides = array<i32>} : memref<64xi32, #tpu.memory_space<vmem>>, vector<16xi32>,
      tpu.vector_store %arg15[%swap3A_1427], %add3A_1426 {strides = array<i32>} : memref<64xi32, #tpu.memory_space<vmem>>, vector<16xi32>,
    } else {
    }
    %get3A_1299 = arith.constant 27 : i32
    %get3A_1300 = arith.index_cast %get3A_1299 : i32 to index
    %get3A_1301 = arith.constant 48 : index
    %get3A_1302 = tpu.vector_load %arg13[%get3A_1300, %get3A_1301] {strides = array<i32>} : memref<32x64xi32, #tpu.memory_space<vmem>>, vector<16xi32>,
    %add3A_1303 = arith.addi %add3A_1293, %get3A_1302 : vector<16xi32>
    %gt3A_1304 = arith.constant 27 : i32
    %gt3A_1305 = arith.cmpi sgt, %add3A, %gt3A_1304 : i32
    %convert_element_type3A_1306 = arith.extui %gt3A_1305 : i1 to i32
    %cond3A_1307 = arith.constant 0 : i32
    %cond3A_1308 = arith.cmpi ne, %convert_element_type3A_1306, %cond3A_1307 : i32
    scf.if %cond3A_1308 {
      %get3A_1424 = arith.constant 48 : index
      %get3A_1425 = tpu.vector_load %arg15[%get3A_1424] {strides = array<i32>} : memref<64xi32, #tpu.memory_space<vmem>>, vector<16xi32>,
      %add3A_1426 = arith.addi %get3A_1425, %get3A_1302 : vector<16xi32>
      %swap3A_1427 = arith.constant 48 : index
      %swap3A_1428 = tpu.vector_load %arg15[%swap3A_1427] {strides = array<i32>} : memref<64xi32, #tpu.memory_space<vmem>>, vector<16xi32>,
      tpu.vector_store %arg15[%swap3A_1427], %add3A_1426 {strides = array<i32>} : memref<64xi32, #tpu.memory_space<vmem>>, vector<16xi32>,
    } else {
    }
    %get3A_1309 = arith.constant 28 : i32
    %get3A_1310 = arith.index_cast %get3A_1309 : i32 to index
    %get3A_1311 = arith.constant 48 : index
    %get3A_1312 = tpu.vector_load %arg13[%get3A_1310, %get3A_1311] {strides = array<i32>} : memref<32x64xi32, #tpu.memory_space<vmem>>, vector<16xi32>,
    %add3A_1313 = arith.addi %add3A_1303, %get3A_1312 : vector<16xi32>
    %gt3A_1314 = arith.constant 28 : i32
    %gt3A_1315 = arith.cmpi sgt, %add3A, %gt3A_1314 : i32
    %convert_element_type3A_1316 = arith.extui %gt3A_1315 : i1 to i32
    %cond3A_1317 = arith.constant 0 : i32
    %cond3A_1318 = arith.cmpi ne, %convert_element_type3A_1316, %cond3A_1317 : i32
    scf.if %cond3A_1318 {
      %get3A_1424 = arith.constant 48 : index
      %get3A_1425 = tpu.vector_load %arg15[%get3A_1424] {strides = array<i32>} : memref<64xi32, #tpu.memory_space<vmem>>, vector<16xi32>,
      %add3A_1426 = arith.addi %get3A_1425, %get3A_1312 : vector<16xi32>
      %swap3A_1427 = arith.constant 48 : index
      %swap3A_1428 = tpu.vector_load %arg15[%swap3A_1427] {strides = array<i32>} : memref<64xi32, #tpu.memory_space<vmem>>, vector<16xi32>,
      tpu.vector_store %arg15[%swap3A_1427], %add3A_1426 {strides = array<i32>} : memref<64xi32, #tpu.memory_space<vmem>>, vector<16xi32>,
    } else {
    }
    %get3A_1319 = arith.constant 29 : i32
    %get3A_1320 = arith.index_cast %get3A_1319 : i32 to index
    %get3A_1321 = arith.constant 48 : index
    %get3A_1322 = tpu.vector_load %arg13[%get3A_1320, %get3A_1321] {strides = array<i32>} : memref<32x64xi32, #tpu.memory_space<vmem>>, vector<16xi32>,
    %add3A_1323 = arith.addi %add3A_1313, %get3A_1322 : vector<16xi32>
    %gt3A_1324 = arith.constant 29 : i32
    %gt3A_1325 = arith.cmpi sgt, %add3A, %gt3A_1324 : i32
    %convert_element_type3A_1326 = arith.extui %gt3A_1325 : i1 to i32
    %cond3A_1327 = arith.constant 0 : i32
    %cond3A_1328 = arith.cmpi ne, %convert_element_type3A_1326, %cond3A_1327 : i32
    scf.if %cond3A_1328 {
      %get3A_1424 = arith.constant 48 : index
      %get3A_1425 = tpu.vector_load %arg15[%get3A_1424] {strides = array<i32>} : memref<64xi32, #tpu.memory_space<vmem>>, vector<16xi32>,
      %add3A_1426 = arith.addi %get3A_1425, %get3A_1322 : vector<16xi32>
      %swap3A_1427 = arith.constant 48 : index
      %swap3A_1428 = tpu.vector_load %arg15[%swap3A_1427] {strides = array<i32>} : memref<64xi32, #tpu.memory_space<vmem>>, vector<16xi32>,
      tpu.vector_store %arg15[%swap3A_1427], %add3A_1426 {strides = array<i32>} : memref<64xi32, #tpu.memory_space<vmem>>, vector<16xi32>,
    } else {
    }
    %get3A_1329 = arith.constant 30 : i32
    %get3A_1330 = arith.index_cast %get3A_1329 : i32 to index
    %get3A_1331 = arith.constant 48 : index
    %get3A_1332 = tpu.vector_load %arg13[%get3A_1330, %get3A_1331] {strides = array<i32>} : memref<32x64xi32, #tpu.memory_space<vmem>>, vector<16xi32>,
    %add3A_1333 = arith.addi %add3A_1323, %get3A_1332 : vector<16xi32>
    %gt3A_1334 = arith.constant 30 : i32
    %gt3A_1335 = arith.cmpi sgt, %add3A, %gt3A_1334 : i32
    %convert_element_type3A_1336 = arith.extui %gt3A_1335 : i1 to i32
    %cond3A_1337 = arith.constant 0 : i32
    %cond3A_1338 = arith.cmpi ne, %convert_element_type3A_1336, %cond3A_1337 : i32
    scf.if %cond3A_1338 {
      %get3A_1424 = arith.constant 48 : index
      %get3A_1425 = tpu.vector_load %arg15[%get3A_1424] {strides = array<i32>} : memref<64xi32, #tpu.memory_space<vmem>>, vector<16xi32>,
      %add3A_1426 = arith.addi %get3A_1425, %get3A_1332 : vector<16xi32>
      %swap3A_1427 = arith.constant 48 : index
      %swap3A_1428 = tpu.vector_load %arg15[%swap3A_1427] {strides = array<i32>} : memref<64xi32, #tpu.memory_space<vmem>>, vector<16xi32>,
      tpu.vector_store %arg15[%swap3A_1427], %add3A_1426 {strides = array<i32>} : memref<64xi32, #tpu.memory_space<vmem>>, vector<16xi32>,
    } else {
    }
    %get3A_1339 = arith.constant 31 : i32
    %get3A_1340 = arith.index_cast %get3A_1339 : i32 to index
    %get3A_1341 = arith.constant 48 : index
    %get3A_1342 = tpu.vector_load %arg13[%get3A_1340, %get3A_1341] {strides = array<i32>} : memref<32x64xi32, #tpu.memory_space<vmem>>, vector<16xi32>,
    %add3A_1343 = arith.addi %add3A_1333, %get3A_1342 : vector<16xi32>
    %gt3A_1344 = arith.constant 31 : i32
    %gt3A_1345 = arith.cmpi sgt, %add3A, %gt3A_1344 : i32
    %convert_element_type3A_1346 = arith.extui %gt3A_1345 : i1 to i32
    %cond3A_1347 = arith.constant 0 : i32
    %cond3A_1348 = arith.cmpi ne, %convert_element_type3A_1346, %cond3A_1347 : i32
    scf.if %cond3A_1348 {
      %get3A_1424 = arith.constant 48 : index
      %get3A_1425 = tpu.vector_load %arg15[%get3A_1424] {strides = array<i32>} : memref<64xi32, #tpu.memory_space<vmem>>, vector<16xi32>,
      %add3A_1426 = arith.addi %get3A_1425, %get3A_1342 : vector<16xi32>
      %swap3A_1427 = arith.constant 48 : index
      %swap3A_1428 = tpu.vector_load %arg15[%swap3A_1427] {strides = array<i32>} : memref<64xi32, #tpu.memory_space<vmem>>, vector<16xi32>,
      tpu.vector_store %arg15[%swap3A_1427], %add3A_1426 {strides = array<i32>} : memref<64xi32, #tpu.memory_space<vmem>>, vector<16xi32>,
    } else {
    }
    %get3A_1349 = arith.constant 0 : index
    %get3A_1350 = tpu.vector_load %arg18[%get3A_1349] {strides = array<i32>} : memref<16xi32, #tpu.memory_space<vmem>>, vector<16xi32>,
    %broadcast_in_dim3A_1351 = arith.constant true
    %broadcast_in_dim3A_1352 = vector.broadcast %broadcast_in_dim3A_1351 : i1 to vector<16xi1>
    %masked_cumsum3A_1353 = tpu.scan <sum>, %add3A_1343 masked %broadcast_in_dim3A_1352 : vector<16xi32>, vector<16xi1> -> vector<16xi32>
    %add3A_1354 = arith.addi %masked_cumsum3A_1353, %get3A_1350 : vector<16xi32>
    %sub3A_1355 = arith.subi %add3A_1354, %add3A_1343 : vector<16xi32>
    %swap3A_1356 = arith.constant 48 : index
    %swap3A_1357 = tpu.vector_load %arg16[%swap3A_1356] {strides = array<i32>} : memref<80xi32, #tpu.memory_space<vmem>>, vector<16xi32>,
    tpu.vector_store %arg16[%swap3A_1356], %sub3A_1355 {strides = array<i32>} : memref<80xi32, #tpu.memory_space<vmem>>, vector<16xi32>,
    %get3A_1358 = arith.constant 48 : index
    %get3A_1359 = tpu.vector_load %arg15[%get3A_1358] {strides = array<i32>} : memref<64xi32, #tpu.memory_space<vmem>>, vector<16xi32>,
    %add3A_1360 = arith.addi %sub3A_1355, %get3A_1359 : vector<16xi32>
    %swap3A_1361 = arith.constant 48 : index
    %swap3A_1362 = tpu.vector_load %arg14[%swap3A_1361] {strides = array<i32>} : memref<64xi32, #tpu.memory_space<vmem>>, vector<16xi32>,
    tpu.vector_store %arg14[%swap3A_1361], %add3A_1360 {strides = array<i32>} : memref<64xi32, #tpu.memory_space<vmem>>, vector<16xi32>,
    %swap3A_1363 = arith.constant 0 : index
    %swap3A_1364 = tpu.vector_load %arg17[%swap3A_1363] {strides = array<i32>} : memref<16xi32, #tpu.memory_space<vmem>>, vector<16xi32>,
    tpu.vector_store %arg17[%swap3A_1363], %add3A_1354 {strides = array<i32>} : memref<16xi32, #tpu.memory_space<vmem>>, vector<16xi32>,
    %broadcast_in_dim3A_1365 = arith.constant 15 : i32
    %broadcast_in_dim3A_1366 = vector.broadcast %broadcast_in_dim3A_1365 : i32 to vector<16xi32>
    %gather3A_1367 = tpu.vector_load_idx %arg17[%broadcast_in_dim3A_1366] : memref<16xi32, #tpu.memory_space<vmem>>[vector<16xi32>], vector<16xi32>,
    %swap3A_1368 = arith.constant 0 : index
    %swap3A_1369 = tpu.vector_load %arg18[%swap3A_1368] {strides = array<i32>} : memref<16xi32, #tpu.memory_space<vmem>>, vector<16xi32>,
    tpu.vector_store %arg18[%swap3A_1368], %gather3A_1367 {strides = array<i32>} : memref<16xi32, #tpu.memory_space<vmem>>, vector<16xi32>,
    %eq3A = arith.constant 0 : i32
    %eq3A_1370 = vector.broadcast %eq3A : i32 to vector<16xi32>
    %eq3A_1371 = arith.cmpi eq, %iota3A, %eq3A_1370 : vector<16xi32>
    %jit3A = arith.constant 2048 : i32
    %jit3A_1372 = arith.constant 0 : i32
    %broadcast_in_dim3A_1373 = vector.broadcast %jit3A : i32 to vector<16xi32>
    %broadcast_in_dim3A_1374 = vector.broadcast %jit3A_1372 : i32 to vector<16xi32>
    %select_n3A = arith.select %eq3A_1371, %broadcast_in_dim3A_1373, %broadcast_in_dim3A_1374 : vector<16xi1>, vector<16xi32>
    %swap3A_1375 = arith.constant 64 : index
    %swap3A_1376 = tpu.vector_load %arg16[%swap3A_1375] {strides = array<i32>} : memref<80xi32, #tpu.memory_space<vmem>>, vector<16xi32>,
    tpu.vector_store %arg16[%swap3A_1375], %select_n3A {strides = array<i32>} : memref<80xi32, #tpu.memory_space<vmem>>, vector<16xi32>,
    %get3A_1377 = arith.constant 0 : index
    %get3A_1378 = tpu.vector_load %arg10[%get3A_1377] {strides = array<i32>} : memref<64xi32, #tpu.memory_space<vmem>>, vector<16xi32>,
    %gather3A_1379 = tpu.vector_load_idx %arg14[%get3A_1378] : memref<64xi32, #tpu.memory_space<vmem>>[vector<16xi32>], vector<16xi32>,
    %get3A_1380 = arith.constant 0 : index
    %get3A_1381 = tpu.vector_load %arg11[%get3A_1380] {strides = array<i32>} : memref<64xi32, #tpu.memory_space<vmem>>, vector<16xi32>,
    %add3A_1382 = arith.addi %gather3A_1379, %get3A_1381 : vector<16xi32>
    %swap3A_1383 = arith.constant 0 : index
    %swap3A_1384 = tpu.vector_load %arg12[%swap3A_1383] {strides = array<i32>} : memref<64xi32, #tpu.memory_space<vmem>>, vector<16xi32>,
    tpu.vector_store %arg12[%swap3A_1383], %add3A_1382 {strides = array<i32>} : memref<64xi32, #tpu.memory_space<vmem>>, vector<16xi32>,
    %get3A_1385 = arith.constant 16 : index
    %get3A_1386 = tpu.vector_load %arg10[%get3A_1385] {strides = array<i32>} : memref<64xi32, #tpu.memory_space<vmem>>, vector<16xi32>,
    %gather3A_1387 = tpu.vector_load_idx %arg14[%get3A_1386] : memref<64xi32, #tpu.memory_space<vmem>>[vector<16xi32>], vector<16xi32>,
    %get3A_1388 = arith.constant 16 : index
    %get3A_1389 = tpu.vector_load %arg11[%get3A_1388] {strides = array<i32>} : memref<64xi32, #tpu.memory_space<vmem>>, vector<16xi32>,
    %add3A_1390 = arith.addi %gather3A_1387, %get3A_1389 : vector<16xi32>
    %swap3A_1391 = arith.constant 16 : index
    %swap3A_1392 = tpu.vector_load %arg12[%swap3A_1391] {strides = array<i32>} : memref<64xi32, #tpu.memory_space<vmem>>, vector<16xi32>,
    tpu.vector_store %arg12[%swap3A_1391], %add3A_1390 {strides = array<i32>} : memref<64xi32, #tpu.memory_space<vmem>>, vector<16xi32>,
    %get3A_1393 = arith.constant 32 : index
    %get3A_1394 = tpu.vector_load %arg10[%get3A_1393] {strides = array<i32>} : memref<64xi32, #tpu.memory_space<vmem>>, vector<16xi32>,
    %gather3A_1395 = tpu.vector_load_idx %arg14[%get3A_1394] : memref<64xi32, #tpu.memory_space<vmem>>[vector<16xi32>], vector<16xi32>,
    %get3A_1396 = arith.constant 32 : index
    %get3A_1397 = tpu.vector_load %arg11[%get3A_1396] {strides = array<i32>} : memref<64xi32, #tpu.memory_space<vmem>>, vector<16xi32>,
    %add3A_1398 = arith.addi %gather3A_1395, %get3A_1397 : vector<16xi32>
    %swap3A_1399 = arith.constant 32 : index
    %swap3A_1400 = tpu.vector_load %arg12[%swap3A_1399] {strides = array<i32>} : memref<64xi32, #tpu.memory_space<vmem>>, vector<16xi32>,
    tpu.vector_store %arg12[%swap3A_1399], %add3A_1398 {strides = array<i32>} : memref<64xi32, #tpu.memory_space<vmem>>, vector<16xi32>,
    %get3A_1401 = arith.constant 48 : index
    %get3A_1402 = tpu.vector_load %arg10[%get3A_1401] {strides = array<i32>} : memref<64xi32, #tpu.memory_space<vmem>>, vector<16xi32>,
    %gather3A_1403 = tpu.vector_load_idx %arg14[%get3A_1402] : memref<64xi32, #tpu.memory_space<vmem>>[vector<16xi32>], vector<16xi32>,
    %get3A_1404 = arith.constant 48 : index
    %get3A_1405 = tpu.vector_load %arg11[%get3A_1404] {strides = array<i32>} : memref<64xi32, #tpu.memory_space<vmem>>, vector<16xi32>,
    %add3A_1406 = arith.addi %gather3A_1403, %get3A_1405 : vector<16xi32>
    %swap3A_1407 = arith.constant 48 : index
    %swap3A_1408 = tpu.vector_load %arg12[%swap3A_1407] {strides = array<i32>} : memref<64xi32, #tpu.memory_space<vmem>>, vector<16xi32>,
    tpu.vector_store %arg12[%swap3A_1407], %add3A_1406 {strides = array<i32>} : memref<64xi32, #tpu.memory_space<vmem>>, vector<16xi32>,
    "tpu.region"() ({
      %run_scoped3A = tpu.sem_alloc : memref<!tpu.dma_semaphore, #tpu.memory_space<semaphore_mem>>
      %dma_start3A_1424 = tpu.memref_slice %arg7[%mul3A_2] : memref<2048xi32, #tpu.memory_space<hbm>> -> memref<64xi32, #tpu.memory_space<hbm>>
      %dma_start3A_1425 = tpu.memref_slice %arg7[%mul3A_2] : memref<2048xi32, #tpu.memory_space<hbm>> -> memref<64xi32, #tpu.memory_space<hbm>>
      tpu.enqueue_dma source(%arg12 : memref<64xi32, #tpu.memory_space<vmem>>) target(%dma_start3A_1425 : memref<64xi32, #tpu.memory_space<hbm>>) target_semaphore(%run_scoped3A : memref<!tpu.dma_semaphore, #tpu.memory_space<semaphore_mem>>)
      %dma_wait3A_1426 = tpu.memref_slice %arg7[%mul3A_2] : memref<2048xi32, #tpu.memory_space<hbm>> -> memref<64xi32, #tpu.memory_space<hbm>>
      %dma_wait3A_1427 = tpu.memref_slice %arg7[%mul3A_2] : memref<2048xi32, #tpu.memory_space<hbm>> -> memref<64xi32, #tpu.memory_space<hbm>>
      tpu.wait_dma2 semaphore(%run_scoped3A : memref<!tpu.dma_semaphore, #tpu.memory_space<semaphore_mem>>) src(%arg12 : memref<64xi32, #tpu.memory_space<vmem>>) dst(%dma_wait3A_1427 : memref<64xi32, #tpu.memory_space<hbm>>)
      tpu.yield
    }) : () -> ()
    %eq3A_1409 = arith.constant 0 : i32
    %eq3A_1410 = arith.cmpi eq, %add3A, %eq3A_1409 : i32
    %convert_element_type3A_1411 = arith.extui %eq3A_1410 : i1 to i32
    %cond3A_1412 = arith.constant 0 : i32
    %cond3A_1413 = arith.cmpi ne, %convert_element_type3A_1411, %cond3A_1412 : i32
    scf.if %cond3A_1413 {
      "tpu.region"() ({
        %run_scoped3A = tpu.sem_alloc : memref<!tpu.dma_semaphore, #tpu.memory_space<semaphore_mem>>
        tpu.enqueue_dma source(%arg16 : memref<80xi32, #tpu.memory_space<vmem>>) target(%arg8 : memref<80xi32, #tpu.memory_space<hbm>>) target_semaphore(%run_scoped3A : memref<!tpu.dma_semaphore, #tpu.memory_space<semaphore_mem>>)
        tpu.wait_dma2 semaphore(%run_scoped3A : memref<!tpu.dma_semaphore, #tpu.memory_space<semaphore_mem>>) src(%arg16 : memref<80xi32, #tpu.memory_space<vmem>>) dst(%arg8 : memref<80xi32, #tpu.memory_space<hbm>>)
        tpu.yield
      }) : () -> ()
    } else {
    }
    "tpu.region"() ({
      %run_scoped3A = tpu.sem_alloc : memref<!tpu.dma_semaphore, #tpu.memory_space<semaphore_mem>>
      %dma_start3A_1424 = arith.constant 0 : i32
      %dma_start3A_1425 = arith.constant 0 : i32
      %dma_start3A_1426 = tpu.memref_slice %arg19[%dma_start3A_1424, %dma_start3A_1425] : memref<64x1152xf32, #tpu.memory_space<vmem>> -> memref<64x1024xf32, #tpu.memory_space<vmem>>
      %dma_start3A_1427 = arith.constant 0 : i32
      %dma_start3A_1428 = tpu.memref_slice %arg5[%mul3A_2, %dma_start3A_1427] : memref<2048x1024xf32, #tpu.memory_space<hbm>> -> memref<64x1024xf32, #tpu.memory_space<hbm>>
      %dma_start3A_1429 = arith.constant 0 : i32
      %dma_start3A_1430 = arith.constant 0 : i32
      %dma_start3A_1431 = tpu.memref_slice %arg19[%dma_start3A_1429, %dma_start3A_1430] : memref<64x1152xf32, #tpu.memory_space<vmem>> -> memref<64x1024xf32, #tpu.memory_space<vmem>>
      %dma_start3A_1432 = arith.constant 0 : i32
      %dma_start3A_1433 = tpu.memref_slice %arg5[%mul3A_2, %dma_start3A_1432] : memref<2048x1024xf32, #tpu.memory_space<hbm>> -> memref<64x1024xf32, #tpu.memory_space<hbm>>
      tpu.enqueue_dma source(%dma_start3A_1433 : memref<64x1024xf32, #tpu.memory_space<hbm>>) target(%dma_start3A_1431 : memref<64x1024xf32, #tpu.memory_space<vmem>>) target_semaphore(%run_scoped3A : memref<!tpu.dma_semaphore, #tpu.memory_space<semaphore_mem>>)
      %dma_wait3A_1434 = arith.constant 0 : i32
      %dma_wait3A_1435 = arith.constant 0 : i32
      %dma_wait3A_1436 = tpu.memref_slice %arg19[%dma_wait3A_1434, %dma_wait3A_1435] : memref<64x1152xf32, #tpu.memory_space<vmem>> -> memref<64x1024xf32, #tpu.memory_space<vmem>>
      %dma_wait3A_1437 = arith.constant 0 : i32
      %dma_wait3A_1438 = tpu.memref_slice %arg5[%mul3A_2, %dma_wait3A_1437] : memref<2048x1024xf32, #tpu.memory_space<hbm>> -> memref<64x1024xf32, #tpu.memory_space<hbm>>
      %dma_wait3A_1439 = arith.constant 0 : i32
      %dma_wait3A_1440 = arith.constant 0 : i32
      %dma_wait3A_1441 = tpu.memref_slice %arg19[%dma_wait3A_1439, %dma_wait3A_1440] : memref<64x1152xf32, #tpu.memory_space<vmem>> -> memref<64x1024xf32, #tpu.memory_space<vmem>>
      %dma_wait3A_1442 = arith.constant 0 : i32
      %dma_wait3A_1443 = tpu.memref_slice %arg5[%mul3A_2, %dma_wait3A_1442] : memref<2048x1024xf32, #tpu.memory_space<hbm>> -> memref<64x1024xf32, #tpu.memory_space<hbm>>
      tpu.wait_dma2 semaphore(%run_scoped3A : memref<!tpu.dma_semaphore, #tpu.memory_space<semaphore_mem>>) src(%dma_wait3A_1443 : memref<64x1024xf32, #tpu.memory_space<hbm>>) dst(%dma_wait3A_1441 : memref<64x1024xf32, #tpu.memory_space<vmem>>)
      tpu.yield
    }) : () -> ()
    "tpu.region"() ({
      %run_scoped3A = tpu.sem_alloc : memref<!tpu.dma_semaphore, #tpu.memory_space<semaphore_mem>>
      %dma_start3A_1424 = tpu.memref_slice %arg6[%mul3A_2] : memref<2048xf32, #tpu.memory_space<hbm>> -> memref<64xf32, #tpu.memory_space<hbm>>
      %dma_start3A_1425 = tpu.memref_slice %arg6[%mul3A_2] : memref<2048xf32, #tpu.memory_space<hbm>> -> memref<64xf32, #tpu.memory_space<hbm>>
      tpu.enqueue_dma source(%dma_start3A_1425 : memref<64xf32, #tpu.memory_space<hbm>>) target(%arg20 : memref<64xf32, #tpu.memory_space<vmem>>) target_semaphore(%run_scoped3A : memref<!tpu.dma_semaphore, #tpu.memory_space<semaphore_mem>>)
      %dma_wait3A_1426 = tpu.memref_slice %arg6[%mul3A_2] : memref<2048xf32, #tpu.memory_space<hbm>> -> memref<64xf32, #tpu.memory_space<hbm>>
      %dma_wait3A_1427 = tpu.memref_slice %arg6[%mul3A_2] : memref<2048xf32, #tpu.memory_space<hbm>> -> memref<64xf32, #tpu.memory_space<hbm>>
      tpu.wait_dma2 semaphore(%run_scoped3A : memref<!tpu.dma_semaphore, #tpu.memory_space<semaphore_mem>>) src(%dma_wait3A_1427 : memref<64xf32, #tpu.memory_space<hbm>>) dst(%arg20 : memref<64xf32, #tpu.memory_space<vmem>>)
      tpu.yield
    }) : () -> ()
    %scan3A = arith.constant 0 : i32
    %scan3A_1414 = arith.constant 0 : i32
    %scan3A_1415 = arith.constant 64 : i32
    %scan3A_1416 = arith.addi %scan3A_1414, %scan3A_1415 : i32
    %scan3A_1417 = arith.constant 1 : i32
    %scan3A_1418 = scf.for %scan3A_1424 = %scan3A_1414 to %scan3A_1416 step %scan3A_1417 iter_args(%scan3A_1425 = %scan3A) -> (i32)  : i32 {
      %broadcast_in_dim3A_1426 = arith.constant 0 : i32
      %broadcast_in_dim3A_1427 = vector.broadcast %broadcast_in_dim3A_1426 : i32 to vector<16xi32>
      %add3A_1428 = vector.broadcast %scan3A_1424 : i32 to vector<16xi32>
      %add3A_1429 = arith.addi %broadcast_in_dim3A_1427, %add3A_1428 : vector<16xi32>
      %gather3A_1430 = tpu.vector_load_idx %arg20[%add3A_1429] : memref<64xf32, #tpu.memory_space<vmem>>[vector<16xi32>], vector<16xf32>,
      %swap3A_1431 = arith.index_cast %scan3A_1424 : i32 to index
      %swap3A_1432 = arith.constant 1024 : index
      %swap3A_1433 = tpu.vector_load %arg19[%swap3A_1431, %swap3A_1432] {strides = array<i32>} : memref<64x1152xf32, #tpu.memory_space<vmem>>, vector<16xf32>,
      tpu.vector_store %arg19[%swap3A_1431, %swap3A_1432], %gather3A_1430 {strides = array<i32>} : memref<64x1152xf32, #tpu.memory_space<vmem>>, vector<16xf32>,
      %scan3A_1434 = arith.constant 0 : i32
      scf.yield %scan3A_1434 : i32
    }
    %scan3A_1419 = arith.constant 64 : i32
    %dma_start3A = arith.constant 0 : i32
    %dma_start3A_1420 = arith.constant 0 : i32
    %dma_start3A_1421 = tpu.memref_slice %arg9[%dma_start3A, %dma_start3A_1420] : memref<2048x1152xf32, #tpu.memory_space<hbm>> -> memref<2048x1152xf32, #tpu.memory_space<hbm>>
    tpu.enqueue_indirect_dma source(%arg19 : memref<64x1152xf32, #tpu.memory_space<vmem>>) target(%dma_start3A_1421 : memref<2048x1152xf32, #tpu.memory_space<hbm>>) offsets(%arg12 : memref<64xi32, #tpu.memory_space<vmem>>) semaphore(%arg21 : memref<!tpu.dma_semaphore, #tpu.memory_space<semaphore_mem>>)
    %dma_wait3A = arith.constant 0 : i32
    %dma_wait3A_1422 = arith.constant 0 : i32
    %dma_wait3A_1423 = tpu.memref_slice %arg9[%dma_wait3A, %dma_wait3A_1422] : memref<2048x1152xf32, #tpu.memory_space<hbm>> -> memref<2048x1152xf32, #tpu.memory_space<hbm>>
    tpu.wait_indirect_dma semaphore(%arg21 : memref<!tpu.dma_semaphore, #tpu.memory_space<semaphore_mem>>) src(%arg19 : memref<64x1152xf32, #tpu.memory_space<vmem>>) dst(%dma_wait3A_1423 : memref<2048x1152xf32, #tpu.memory_space<hbm>>)
    return
  }
}

#map = affine_map<(d0, d1) -> (0, 0)>
#map1 = affine_map<(d0, d1) -> (0)>
module attributes {stable_mosaic.version = 14 : i64} {
  func.func @k(%arg0: i32, %arg1: i32, %arg2: memref<2048x1024xf32, #tpu.memory_space<hbm>>, %arg3: memref<2048xi32, #tpu.memory_space<hbm>>, %arg4: memref<2048x1024xf32, #tpu.memory_space<hbm>>, %arg5: memref<64xi32, #tpu.memory_space<vmem>>, %arg6: memref<64x1024xf32, #tpu.memory_space<vmem>>, %arg7: memref<!tpu.dma_semaphore, #tpu.memory_space<semaphore_mem>>) attributes {dimension_semantics = [#tpu.dimension_semantics<core_parallel>, #tpu.dimension_semantics<subcore_parallel>], iteration_bounds = array<i64: 2, 16>, scalar_prefetch = 0 : i64, scratch_operands = 3 : i64, tpu.core_type = #tpu.core_type<sc_vector_subcore>, window_params = [{transform_indices = #map}, {transform_indices = #map1}, {transform_indices = #map}]} {
    %mul3A = arith.constant 2 : i32
    %mul3A_0 = arith.muli %arg1, %mul3A : i32
    %add3A = arith.addi %mul3A_0, %arg0 : i32
    %mul3A_1 = arith.constant 64 : i32
    %mul3A_2 = arith.muli %add3A, %mul3A_1 : i32
    "tpu.region"() ({
      %run_scoped3A = tpu.sem_alloc : memref<!tpu.dma_semaphore, #tpu.memory_space<semaphore_mem>>
      %dma_start3A_7 = tpu.memref_slice %arg3[%mul3A_2] : memref<2048xi32, #tpu.memory_space<hbm>> -> memref<64xi32, #tpu.memory_space<hbm>>
      %dma_start3A_8 = tpu.memref_slice %arg3[%mul3A_2] : memref<2048xi32, #tpu.memory_space<hbm>> -> memref<64xi32, #tpu.memory_space<hbm>>
      tpu.enqueue_dma source(%dma_start3A_8 : memref<64xi32, #tpu.memory_space<hbm>>) target(%arg5 : memref<64xi32, #tpu.memory_space<vmem>>) target_semaphore(%run_scoped3A : memref<!tpu.dma_semaphore, #tpu.memory_space<semaphore_mem>>)
      %dma_wait3A_9 = tpu.memref_slice %arg3[%mul3A_2] : memref<2048xi32, #tpu.memory_space<hbm>> -> memref<64xi32, #tpu.memory_space<hbm>>
      %dma_wait3A_10 = tpu.memref_slice %arg3[%mul3A_2] : memref<2048xi32, #tpu.memory_space<hbm>> -> memref<64xi32, #tpu.memory_space<hbm>>
      tpu.wait_dma2 semaphore(%run_scoped3A : memref<!tpu.dma_semaphore, #tpu.memory_space<semaphore_mem>>) src(%dma_wait3A_10 : memref<64xi32, #tpu.memory_space<hbm>>) dst(%arg5 : memref<64xi32, #tpu.memory_space<vmem>>)
      tpu.yield
    }) : () -> ()
    %dma_start3A = arith.constant 0 : i32
    %dma_start3A_3 = arith.constant 0 : i32
    %dma_start3A_4 = tpu.memref_slice %arg2[%dma_start3A, %dma_start3A_3] : memref<2048x1024xf32, #tpu.memory_space<hbm>> -> memref<2048x1024xf32, #tpu.memory_space<hbm>>
    tpu.enqueue_indirect_dma source(%dma_start3A_4 : memref<2048x1024xf32, #tpu.memory_space<hbm>>) target(%arg6 : memref<64x1024xf32, #tpu.memory_space<vmem>>) offsets(%arg5 : memref<64xi32, #tpu.memory_space<vmem>>) semaphore(%arg7 : memref<!tpu.dma_semaphore, #tpu.memory_space<semaphore_mem>>)
    %dma_wait3A = arith.constant 0 : i32
    %dma_wait3A_5 = arith.constant 0 : i32
    %dma_wait3A_6 = tpu.memref_slice %arg2[%dma_wait3A, %dma_wait3A_5] : memref<2048x1024xf32, #tpu.memory_space<hbm>> -> memref<2048x1024xf32, #tpu.memory_space<hbm>>
    tpu.wait_indirect_dma semaphore(%arg7 : memref<!tpu.dma_semaphore, #tpu.memory_space<semaphore_mem>>) src(%dma_wait3A_6 : memref<2048x1024xf32, #tpu.memory_space<hbm>>) dst(%arg6 : memref<64x1024xf32, #tpu.memory_space<vmem>>)
    "tpu.region"() ({
      %run_scoped3A = tpu.sem_alloc : memref<!tpu.dma_semaphore, #tpu.memory_space<semaphore_mem>>
      %dma_start3A_7 = arith.constant 0 : i32
      %dma_start3A_8 = tpu.memref_slice %arg4[%mul3A_2, %dma_start3A_7] : memref<2048x1024xf32, #tpu.memory_space<hbm>> -> memref<64x1024xf32, #tpu.memory_space<hbm>>
      %dma_start3A_9 = arith.constant 0 : i32
      %dma_start3A_10 = tpu.memref_slice %arg4[%mul3A_2, %dma_start3A_9] : memref<2048x1024xf32, #tpu.memory_space<hbm>> -> memref<64x1024xf32, #tpu.memory_space<hbm>>
      tpu.enqueue_dma source(%arg6 : memref<64x1024xf32, #tpu.memory_space<vmem>>) target(%dma_start3A_10 : memref<64x1024xf32, #tpu.memory_space<hbm>>) target_semaphore(%run_scoped3A : memref<!tpu.dma_semaphore, #tpu.memory_space<semaphore_mem>>)
      %dma_wait3A_11 = arith.constant 0 : i32
      %dma_wait3A_12 = tpu.memref_slice %arg4[%mul3A_2, %dma_wait3A_11] : memref<2048x1024xf32, #tpu.memory_space<hbm>> -> memref<64x1024xf32, #tpu.memory_space<hbm>>
      %dma_wait3A_13 = arith.constant 0 : i32
      %dma_wait3A_14 = tpu.memref_slice %arg4[%mul3A_2, %dma_wait3A_13] : memref<2048x1024xf32, #tpu.memory_space<hbm>> -> memref<64x1024xf32, #tpu.memory_space<hbm>>
      tpu.wait_dma2 semaphore(%run_scoped3A : memref<!tpu.dma_semaphore, #tpu.memory_space<semaphore_mem>>) src(%arg6 : memref<64x1024xf32, #tpu.memory_space<vmem>>) dst(%dma_wait3A_14 : memref<64x1024xf32, #tpu.memory_space<hbm>>)
      tpu.yield
    }) : () -> ()
    return
  }
}

module attributes {stable_mosaic.version = 14 : i64} {
  func.func @body(%arg0: i32, %arg1: memref<65xi32, #tpu.memory_space<smem>>, %arg2: memref<2048x1152xf32, #tpu.memory_space<vmem>>, %arg3: memref<2x768x1024xf32, #tpu.memory_space<vmem>>, %arg4: memref<2x768x1024xf32, #tpu.memory_space<vmem>>, %arg5: memref<2x1024x768xf32, #tpu.memory_space<vmem>>, %arg6: memref<2048x1024xf32, #tpu.memory_space<vmem>>) attributes {dimension_semantics = [#tpu.dimension_semantics<arbitrary>], iteration_bounds = array<i64: 32>, scalar_prefetch = 1 : i64, scratch_operands = 0 : i64, tpu.core_type = #tpu.core_type<tc>, window_params = [{pipeline_mode = #tpu.pipeline_mode<synchronous>, transform_indices = @transform_0, window_bounds = array<i64: 2048, 1152>}, {transform_indices = @transform_1, window_bounds = array<i64: 2, 768, 1024>}, {transform_indices = @transform_2, window_bounds = array<i64: 2, 768, 1024>}, {transform_indices = @transform_3, window_bounds = array<i64: 2, 1024, 768>}, {pipeline_mode = #tpu.pipeline_mode<synchronous>, transform_indices = @transform_4, window_bounds = array<i64: 2048, 1024>}]} {
    %mul3A = arith.constant 2 : i32
    %mul3A_0 = arith.muli %arg0, %mul3A : i32
    %add3A = arith.constant 0 : i32
    %add3A_1 = arith.addi %mul3A_0, %add3A : i32
    %get3A = arith.index_cast %add3A_1 : i32 to index
    %get3A_2 = memref.load %arg1[%get3A] : memref<65xi32, #tpu.memory_space<smem>>
    %add3A_3 = arith.constant 1 : i32
    %add3A_4 = arith.addi %add3A_1, %add3A_3 : i32
    %get3A_5 = arith.index_cast %add3A_4 : i32 to index
    %get3A_6 = memref.load %arg1[%get3A_5] : memref<65xi32, #tpu.memory_space<smem>>
    %jit3A = arith.constant 128 : i32
    %div3A = arith.divsi %get3A_2, %jit3A : i32
    %sign3A = arith.constant 0 : i32
    %sign3A_7 = arith.cmpi sgt, %get3A_2, %sign3A : i32
    %sign3A_8 = arith.extui %sign3A_7 : i1 to i32
    %sign3A_9 = arith.constant 0 : i32
    %sign3A_10 = arith.cmpi slt, %get3A_2, %sign3A_9 : i32
    %sign3A_11 = arith.extui %sign3A_10 : i1 to i32
    %sign3A_12 = arith.subi %sign3A_8, %sign3A_11 : i32
    %sign3A_13 = arith.constant 0 : i32
    %sign3A_14 = arith.cmpi sgt, %jit3A, %sign3A_13 : i32
    %sign3A_15 = arith.extui %sign3A_14 : i1 to i32
    %sign3A_16 = arith.constant 0 : i32
    %sign3A_17 = arith.cmpi slt, %jit3A, %sign3A_16 : i32
    %sign3A_18 = arith.extui %sign3A_17 : i1 to i32
    %sign3A_19 = arith.subi %sign3A_15, %sign3A_18 : i32
    %ne3A = arith.cmpi ne, %sign3A_12, %sign3A_19 : i32
    %rem3A = arith.remsi %get3A_2, %jit3A : i32
    %ne3A_20 = arith.constant 0 : i32
    %ne3A_21 = arith.cmpi ne, %rem3A, %ne3A_20 : i32
    %and3A = arith.andi %ne3A, %ne3A_21 : i1
    %sub3A = arith.constant 1 : i32
    %sub3A_22 = arith.subi %div3A, %sub3A : i32
    %select_n3A = arith.select %and3A, %sub3A_22, %div3A : i32
    %mul3A_23 = arith.constant 128 : i32
    %mul3A_24 = arith.muli %select_n3A, %mul3A_23 : i32
    %sub3A_25 = arith.subi %get3A_6, %mul3A_24 : i32
    %add3A_26 = arith.constant 127 : i32
    %add3A_27 = arith.addi %sub3A_25, %add3A_26 : i32
    %div3A_28 = arith.constant 128 : i32
    %div3A_29 = arith.divsi %add3A_27, %div3A_28 : i32
    %get3A_30 = arith.constant 0 : index
    %get3A_31 = arith.constant 0 : index
    %get3A_32 = arith.constant 0 : index
    %get3A_33 = vector.load %arg3[%get3A_30, %get3A_31, %get3A_32] : memref<2x768x1024xf32, #tpu.memory_space<vmem>>, vector<1x768x1024xf32>
    %get3A_34 = vector.shape_cast %get3A_33 : vector<1x768x1024xf32> to vector<768x1024xf32>
    %get3A_35 = arith.constant 0 : index
    %get3A_36 = arith.constant 0 : index
    %get3A_37 = arith.constant 0 : index
    %get3A_38 = vector.load %arg4[%get3A_35, %get3A_36, %get3A_37] : memref<2x768x1024xf32, #tpu.memory_space<vmem>>, vector<1x768x1024xf32>
    %get3A_39 = vector.shape_cast %get3A_38 : vector<1x768x1024xf32> to vector<768x1024xf32>
    %get3A_40 = arith.constant 0 : index
    %get3A_41 = arith.constant 0 : index
    %get3A_42 = arith.constant 0 : index
    %get3A_43 = vector.load %arg5[%get3A_40, %get3A_41, %get3A_42] : memref<2x1024x768xf32, #tpu.memory_space<vmem>>, vector<1x1024x768xf32>
    %get3A_44 = vector.shape_cast %get3A_43 : vector<1x1024x768xf32> to vector<1024x768xf32>
    %while3A = arith.constant 0 : i32
    %while3A_45 = arith.constant 0 : i32
    %while3A_46 = arith.subi %div3A_29, %while3A : i32
    %while3A_47 = arith.addi %while3A, %while3A_46 : i32
    %while3A_48 = arith.constant 1 : i32
    %while3A_49 = arith.divsi %while3A_46, %while3A_48 : i32
    %while3A_50 = arith.muli %while3A_49, %while3A_48 : i32
    %while3A_51 = arith.addi %while3A, %while3A_50 : i32
    %while3A_52 = arith.constant 1 : i32
    %while3A_53 = scf.for %while3A_124 = %while3A to %while3A_51 step %while3A_52 iter_args(%while3A_125 = %while3A_45) -> (i32)  : i32 {
      %mul3A_126 = arith.constant 128 : i32
      %mul3A_127 = arith.muli %while3A_124, %mul3A_126 : i32
      %add3A_128 = arith.addi %mul3A_24, %mul3A_127 : i32
      %multiple_of3A = tpu.assume_multiple %add3A_128, 128 : i32
      %get3A_129 = arith.index_cast %multiple_of3A : i32 to index
      %get3A_130 = arith.constant 0 : index
      %get3A_131 = vector.load %arg2[%get3A_129, %get3A_130] : memref<2048x1152xf32, #tpu.memory_space<vmem>>, vector<128x1024xf32>
      %get3A_132 = arith.index_cast %multiple_of3A : i32 to index
      %get3A_133 = arith.constant 1024 : index
      %get3A_134 = vector.load %arg2[%get3A_132, %get3A_133] : memref<2048x1152xf32, #tpu.memory_space<vmem>>, vector<128x1xf32>
      %dot_general3A = arith.constant dense<0.000000e+00> : vector<128x768xf32>
      %dot_general3A_135 = tpu.matmul %get3A_131, %get3A_34, %dot_general3A {dimension_numbers = #tpu.dot_dimension_numbers<[1], [1], [0], [0], [0, 0, 1, 0], [], []>, transpose_lhs_hint = false} : vector<128x1024xf32>, vector<768x1024xf32>, vector<128x768xf32> -> vector<128x768xf32>
      %dot_general3A_136 = arith.constant dense<0.000000e+00> : vector<128x768xf32>
      %dot_general3A_137 = tpu.matmul %get3A_131, %get3A_39, %dot_general3A_136 {dimension_numbers = #tpu.dot_dimension_numbers<[1], [1], [0], [0], [0, 0, 1, 0], [], []>, transpose_lhs_hint = false} : vector<128x1024xf32>, vector<768x1024xf32>, vector<128x768xf32> -> vector<128x768xf32>
      %logistic3A = arith.negf %dot_general3A_135 : vector<128x768xf32>
      %logistic3A_138 = math.exp %logistic3A : vector<128x768xf32>
      %logistic3A_139 = arith.constant 1.000000e+00 : f32
      %logistic3A_140 = vector.broadcast %logistic3A_139 : f32 to vector<128x768xf32>
      %logistic3A_141 = arith.addf %logistic3A_140, %logistic3A_138 : vector<128x768xf32>
      %logistic3A_142 = arith.divf %logistic3A_140, %logistic3A_141 : vector<128x768xf32>
      %mul3A_143 = arith.mulf %dot_general3A_135, %logistic3A_142 : vector<128x768xf32>
      %mul3A_144 = arith.mulf %mul3A_143, %dot_general3A_137 : vector<128x768xf32>
      %dot_general3A_145 = arith.constant dense<0.000000e+00> : vector<128x1024xf32>
      %dot_general3A_146 = tpu.matmul %mul3A_144, %get3A_44, %dot_general3A_145 {dimension_numbers = #tpu.dot_dimension_numbers<[1], [1], [0], [0], [0, 0, 1, 0], [], []>, transpose_lhs_hint = false} : vector<128x768xf32>, vector<1024x768xf32>, vector<128x1024xf32> -> vector<128x1024xf32>
      %mul3A_147 = vector.broadcast %get3A_134 : vector<128x1xf32> to vector<128x1024xf32>
      %mul3A_148 = arith.mulf %dot_general3A_146, %mul3A_147 : vector<128x1024xf32>
      %iota3A = tpu.iota {dimensions = array<i32: 0>} : vector<128x1xi32>
      %add3A_149 = vector.broadcast %multiple_of3A : i32 to vector<128x1xi32>
      %add3A_150 = arith.addi %add3A_149, %iota3A : vector<128x1xi32>
      %ge3A = vector.broadcast %get3A_2 : i32 to vector<128x1xi32>
      %ge3A_151 = arith.cmpi sge, %add3A_150, %ge3A : vector<128x1xi32>
      %lt3A = vector.broadcast %get3A_6 : i32 to vector<128x1xi32>
      %lt3A_152 = arith.cmpi slt, %add3A_150, %lt3A : vector<128x1xi32>
      %and3A_153 = arith.andi %ge3A_151, %lt3A_152 : vector<128x1xi1>
      %get3A_154 = arith.index_cast %multiple_of3A : i32 to index
      %get3A_155 = arith.constant 0 : index
      %get3A_156 = vector.load %arg6[%get3A_154, %get3A_155] : memref<2048x1024xf32, #tpu.memory_space<vmem>>, vector<128x1024xf32>
      %broadcast_in_dim3A = vector.shape_cast %and3A_153 : vector<128x1xi1> to vector<128x1xi1>
      %broadcast_in_dim3A_157 = vector.broadcast %broadcast_in_dim3A : vector<128x1xi1> to vector<128x1024xi1>
      %select_n3A_158 = arith.select %broadcast_in_dim3A_157, %mul3A_148, %get3A_156 : vector<128x1024xi1>, vector<128x1024xf32>
      %swap3A = arith.index_cast %multiple_of3A : i32 to index
      %swap3A_159 = arith.constant 0 : index
      %swap3A_160 = vector.load %arg6[%swap3A, %swap3A_159] : memref<2048x1024xf32, #tpu.memory_space<vmem>>, vector<128x1024xf32>
      tpu.vector_store %arg6[%swap3A, %swap3A_159], %select_n3A_158 {strides = array<i32>} : memref<2048x1024xf32, #tpu.memory_space<vmem>>, vector<128x1024xf32>,
      %while3A_161 = arith.constant 0 : i32
      scf.yield %while3A_161 : i32
    }
    %while3A_54 = arith.constant 1 : i32
    %while3A_55 = scf.for %while3A_124 = %while3A_51 to %while3A_47 step %while3A_54 iter_args(%while3A_125 = %while3A_53) -> (i32)  : i32 {
      %mul3A_126 = arith.constant 128 : i32
      %mul3A_127 = arith.muli %while3A_124, %mul3A_126 : i32
      %add3A_128 = arith.addi %mul3A_24, %mul3A_127 : i32
      %multiple_of3A = tpu.assume_multiple %add3A_128, 128 : i32
      %get3A_129 = arith.index_cast %multiple_of3A : i32 to index
      %get3A_130 = arith.constant 0 : index
      %get3A_131 = vector.load %arg2[%get3A_129, %get3A_130] : memref<2048x1152xf32, #tpu.memory_space<vmem>>, vector<128x1024xf32>
      %get3A_132 = arith.index_cast %multiple_of3A : i32 to index
      %get3A_133 = arith.constant 1024 : index
      %get3A_134 = vector.load %arg2[%get3A_132, %get3A_133] : memref<2048x1152xf32, #tpu.memory_space<vmem>>, vector<128x1xf32>
      %dot_general3A = arith.constant dense<0.000000e+00> : vector<128x768xf32>
      %dot_general3A_135 = tpu.matmul %get3A_131, %get3A_34, %dot_general3A {dimension_numbers = #tpu.dot_dimension_numbers<[1], [1], [0], [0], [0, 0, 1, 0], [], []>, transpose_lhs_hint = false} : vector<128x1024xf32>, vector<768x1024xf32>, vector<128x768xf32> -> vector<128x768xf32>
      %dot_general3A_136 = arith.constant dense<0.000000e+00> : vector<128x768xf32>
      %dot_general3A_137 = tpu.matmul %get3A_131, %get3A_39, %dot_general3A_136 {dimension_numbers = #tpu.dot_dimension_numbers<[1], [1], [0], [0], [0, 0, 1, 0], [], []>, transpose_lhs_hint = false} : vector<128x1024xf32>, vector<768x1024xf32>, vector<128x768xf32> -> vector<128x768xf32>
      %logistic3A = arith.negf %dot_general3A_135 : vector<128x768xf32>
      %logistic3A_138 = math.exp %logistic3A : vector<128x768xf32>
      %logistic3A_139 = arith.constant 1.000000e+00 : f32
      %logistic3A_140 = vector.broadcast %logistic3A_139 : f32 to vector<128x768xf32>
      %logistic3A_141 = arith.addf %logistic3A_140, %logistic3A_138 : vector<128x768xf32>
      %logistic3A_142 = arith.divf %logistic3A_140, %logistic3A_141 : vector<128x768xf32>
      %mul3A_143 = arith.mulf %dot_general3A_135, %logistic3A_142 : vector<128x768xf32>
      %mul3A_144 = arith.mulf %mul3A_143, %dot_general3A_137 : vector<128x768xf32>
      %dot_general3A_145 = arith.constant dense<0.000000e+00> : vector<128x1024xf32>
      %dot_general3A_146 = tpu.matmul %mul3A_144, %get3A_44, %dot_general3A_145 {dimension_numbers = #tpu.dot_dimension_numbers<[1], [1], [0], [0], [0, 0, 1, 0], [], []>, transpose_lhs_hint = false} : vector<128x768xf32>, vector<1024x768xf32>, vector<128x1024xf32> -> vector<128x1024xf32>
      %mul3A_147 = vector.broadcast %get3A_134 : vector<128x1xf32> to vector<128x1024xf32>
      %mul3A_148 = arith.mulf %dot_general3A_146, %mul3A_147 : vector<128x1024xf32>
      %iota3A = tpu.iota {dimensions = array<i32: 0>} : vector<128x1xi32>
      %add3A_149 = vector.broadcast %multiple_of3A : i32 to vector<128x1xi32>
      %add3A_150 = arith.addi %add3A_149, %iota3A : vector<128x1xi32>
      %ge3A = vector.broadcast %get3A_2 : i32 to vector<128x1xi32>
      %ge3A_151 = arith.cmpi sge, %add3A_150, %ge3A : vector<128x1xi32>
      %lt3A = vector.broadcast %get3A_6 : i32 to vector<128x1xi32>
      %lt3A_152 = arith.cmpi slt, %add3A_150, %lt3A : vector<128x1xi32>
      %and3A_153 = arith.andi %ge3A_151, %lt3A_152 : vector<128x1xi1>
      %get3A_154 = arith.index_cast %multiple_of3A : i32 to index
      %get3A_155 = arith.constant 0 : index
      %get3A_156 = vector.load %arg6[%get3A_154, %get3A_155] : memref<2048x1024xf32, #tpu.memory_space<vmem>>, vector<128x1024xf32>
      %broadcast_in_dim3A = vector.shape_cast %and3A_153 : vector<128x1xi1> to vector<128x1xi1>
      %broadcast_in_dim3A_157 = vector.broadcast %broadcast_in_dim3A : vector<128x1xi1> to vector<128x1024xi1>
      %select_n3A_158 = arith.select %broadcast_in_dim3A_157, %mul3A_148, %get3A_156 : vector<128x1024xi1>, vector<128x1024xf32>
      %swap3A = arith.index_cast %multiple_of3A : i32 to index
      %swap3A_159 = arith.constant 0 : index
      %swap3A_160 = vector.load %arg6[%swap3A, %swap3A_159] : memref<2048x1024xf32, #tpu.memory_space<vmem>>, vector<128x1024xf32>
      tpu.vector_store %arg6[%swap3A, %swap3A_159], %select_n3A_158 {strides = array<i32>} : memref<2048x1024xf32, #tpu.memory_space<vmem>>, vector<128x1024xf32>,
      %while3A_161 = arith.constant 0 : i32
      scf.yield %while3A_161 : i32
    }
    %mul3A_56 = arith.constant 2 : i32
    %mul3A_57 = arith.muli %arg0, %mul3A_56 : i32
    %add3A_58 = arith.constant 1 : i32
    %add3A_59 = arith.addi %mul3A_57, %add3A_58 : i32
    %get3A_60 = arith.index_cast %add3A_59 : i32 to index
    %get3A_61 = memref.load %arg1[%get3A_60] : memref<65xi32, #tpu.memory_space<smem>>
    %add3A_62 = arith.constant 1 : i32
    %add3A_63 = arith.addi %add3A_59, %add3A_62 : i32
    %get3A_64 = arith.index_cast %add3A_63 : i32 to index
    %get3A_65 = memref.load %arg1[%get3A_64] : memref<65xi32, #tpu.memory_space<smem>>
    %jit3A_66 = arith.constant 128 : i32
    %div3A_67 = arith.divsi %get3A_61, %jit3A_66 : i32
    %sign3A_68 = arith.constant 0 : i32
    %sign3A_69 = arith.cmpi sgt, %get3A_61, %sign3A_68 : i32
    %sign3A_70 = arith.extui %sign3A_69 : i1 to i32
    %sign3A_71 = arith.constant 0 : i32
    %sign3A_72 = arith.cmpi slt, %get3A_61, %sign3A_71 : i32
    %sign3A_73 = arith.extui %sign3A_72 : i1 to i32
    %sign3A_74 = arith.subi %sign3A_70, %sign3A_73 : i32
    %sign3A_75 = arith.constant 0 : i32
    %sign3A_76 = arith.cmpi sgt, %jit3A_66, %sign3A_75 : i32
    %sign3A_77 = arith.extui %sign3A_76 : i1 to i32
    %sign3A_78 = arith.constant 0 : i32
    %sign3A_79 = arith.cmpi slt, %jit3A_66, %sign3A_78 : i32
    %sign3A_80 = arith.extui %sign3A_79 : i1 to i32
    %sign3A_81 = arith.subi %sign3A_77, %sign3A_80 : i32
    %ne3A_82 = arith.cmpi ne, %sign3A_74, %sign3A_81 : i32
    %rem3A_83 = arith.remsi %get3A_61, %jit3A_66 : i32
    %ne3A_84 = arith.constant 0 : i32
    %ne3A_85 = arith.cmpi ne, %rem3A_83, %ne3A_84 : i32
    %and3A_86 = arith.andi %ne3A_82, %ne3A_85 : i1
    %sub3A_87 = arith.constant 1 : i32
    %sub3A_88 = arith.subi %div3A_67, %sub3A_87 : i32
    %select_n3A_89 = arith.select %and3A_86, %sub3A_88, %div3A_67 : i32
    %mul3A_90 = arith.constant 128 : i32
    %mul3A_91 = arith.muli %select_n3A_89, %mul3A_90 : i32
    %sub3A_92 = arith.subi %get3A_65, %mul3A_91 : i32
    %add3A_93 = arith.constant 127 : i32
    %add3A_94 = arith.addi %sub3A_92, %add3A_93 : i32
    %div3A_95 = arith.constant 128 : i32
    %div3A_96 = arith.divsi %add3A_94, %div3A_95 : i32
    %get3A_97 = arith.constant 1 : index
    %get3A_98 = arith.constant 0 : index
    %get3A_99 = arith.constant 0 : index
    %get3A_100 = vector.load %arg3[%get3A_97, %get3A_98, %get3A_99] : memref<2x768x1024xf32, #tpu.memory_space<vmem>>, vector<1x768x1024xf32>
    %get3A_101 = vector.shape_cast %get3A_100 : vector<1x768x1024xf32> to vector<768x1024xf32>
    %get3A_102 = arith.constant 1 : index
    %get3A_103 = arith.constant 0 : index
    %get3A_104 = arith.constant 0 : index
    %get3A_105 = vector.load %arg4[%get3A_102, %get3A_103, %get3A_104] : memref<2x768x1024xf32, #tpu.memory_space<vmem>>, vector<1x768x1024xf32>
    %get3A_106 = vector.shape_cast %get3A_105 : vector<1x768x1024xf32> to vector<768x1024xf32>
    %get3A_107 = arith.constant 1 : index
    %get3A_108 = arith.constant 0 : index
    %get3A_109 = arith.constant 0 : index
    %get3A_110 = vector.load %arg5[%get3A_107, %get3A_108, %get3A_109] : memref<2x1024x768xf32, #tpu.memory_space<vmem>>, vector<1x1024x768xf32>
    %get3A_111 = vector.shape_cast %get3A_110 : vector<1x1024x768xf32> to vector<1024x768xf32>
    %while3A_112 = arith.constant 0 : i32
    %while3A_113 = arith.constant 0 : i32
    %while3A_114 = arith.subi %div3A_96, %while3A_112 : i32
    %while3A_115 = arith.addi %while3A_112, %while3A_114 : i32
    %while3A_116 = arith.constant 1 : i32
    %while3A_117 = arith.divsi %while3A_114, %while3A_116 : i32
    %while3A_118 = arith.muli %while3A_117, %while3A_116 : i32
    %while3A_119 = arith.addi %while3A_112, %while3A_118 : i32
    %while3A_120 = arith.constant 1 : i32
    %while3A_121 = scf.for %while3A_124 = %while3A_112 to %while3A_119 step %while3A_120 iter_args(%while3A_125 = %while3A_113) -> (i32)  : i32 {
      %mul3A_126 = arith.constant 128 : i32
      %mul3A_127 = arith.muli %while3A_124, %mul3A_126 : i32
      %add3A_128 = arith.addi %mul3A_91, %mul3A_127 : i32
      %multiple_of3A = tpu.assume_multiple %add3A_128, 128 : i32
      %get3A_129 = arith.index_cast %multiple_of3A : i32 to index
      %get3A_130 = arith.constant 0 : index
      %get3A_131 = vector.load %arg2[%get3A_129, %get3A_130] : memref<2048x1152xf32, #tpu.memory_space<vmem>>, vector<128x1024xf32>
      %get3A_132 = arith.index_cast %multiple_of3A : i32 to index
      %get3A_133 = arith.constant 1024 : index
      %get3A_134 = vector.load %arg2[%get3A_132, %get3A_133] : memref<2048x1152xf32, #tpu.memory_space<vmem>>, vector<128x1xf32>
      %dot_general3A = arith.constant dense<0.000000e+00> : vector<128x768xf32>
      %dot_general3A_135 = tpu.matmul %get3A_131, %get3A_101, %dot_general3A {dimension_numbers = #tpu.dot_dimension_numbers<[1], [1], [0], [0], [0, 0, 1, 0], [], []>, transpose_lhs_hint = false} : vector<128x1024xf32>, vector<768x1024xf32>, vector<128x768xf32> -> vector<128x768xf32>
      %dot_general3A_136 = arith.constant dense<0.000000e+00> : vector<128x768xf32>
      %dot_general3A_137 = tpu.matmul %get3A_131, %get3A_106, %dot_general3A_136 {dimension_numbers = #tpu.dot_dimension_numbers<[1], [1], [0], [0], [0, 0, 1, 0], [], []>, transpose_lhs_hint = false} : vector<128x1024xf32>, vector<768x1024xf32>, vector<128x768xf32> -> vector<128x768xf32>
      %logistic3A = arith.negf %dot_general3A_135 : vector<128x768xf32>
      %logistic3A_138 = math.exp %logistic3A : vector<128x768xf32>
      %logistic3A_139 = arith.constant 1.000000e+00 : f32
      %logistic3A_140 = vector.broadcast %logistic3A_139 : f32 to vector<128x768xf32>
      %logistic3A_141 = arith.addf %logistic3A_140, %logistic3A_138 : vector<128x768xf32>
      %logistic3A_142 = arith.divf %logistic3A_140, %logistic3A_141 : vector<128x768xf32>
      %mul3A_143 = arith.mulf %dot_general3A_135, %logistic3A_142 : vector<128x768xf32>
      %mul3A_144 = arith.mulf %mul3A_143, %dot_general3A_137 : vector<128x768xf32>
      %dot_general3A_145 = arith.constant dense<0.000000e+00> : vector<128x1024xf32>
      %dot_general3A_146 = tpu.matmul %mul3A_144, %get3A_111, %dot_general3A_145 {dimension_numbers = #tpu.dot_dimension_numbers<[1], [1], [0], [0], [0, 0, 1, 0], [], []>, transpose_lhs_hint = false} : vector<128x768xf32>, vector<1024x768xf32>, vector<128x1024xf32> -> vector<128x1024xf32>
      %mul3A_147 = vector.broadcast %get3A_134 : vector<128x1xf32> to vector<128x1024xf32>
      %mul3A_148 = arith.mulf %dot_general3A_146, %mul3A_147 : vector<128x1024xf32>
      %iota3A = tpu.iota {dimensions = array<i32: 0>} : vector<128x1xi32>
      %add3A_149 = vector.broadcast %multiple_of3A : i32 to vector<128x1xi32>
      %add3A_150 = arith.addi %add3A_149, %iota3A : vector<128x1xi32>
      %ge3A = vector.broadcast %get3A_61 : i32 to vector<128x1xi32>
      %ge3A_151 = arith.cmpi sge, %add3A_150, %ge3A : vector<128x1xi32>
      %lt3A = vector.broadcast %get3A_65 : i32 to vector<128x1xi32>
      %lt3A_152 = arith.cmpi slt, %add3A_150, %lt3A : vector<128x1xi32>
      %and3A_153 = arith.andi %ge3A_151, %lt3A_152 : vector<128x1xi1>
      %get3A_154 = arith.index_cast %multiple_of3A : i32 to index
      %get3A_155 = arith.constant 0 : index
      %get3A_156 = vector.load %arg6[%get3A_154, %get3A_155] : memref<2048x1024xf32, #tpu.memory_space<vmem>>, vector<128x1024xf32>
      %broadcast_in_dim3A = vector.shape_cast %and3A_153 : vector<128x1xi1> to vector<128x1xi1>
      %broadcast_in_dim3A_157 = vector.broadcast %broadcast_in_dim3A : vector<128x1xi1> to vector<128x1024xi1>
      %select_n3A_158 = arith.select %broadcast_in_dim3A_157, %mul3A_148, %get3A_156 : vector<128x1024xi1>, vector<128x1024xf32>
      %swap3A = arith.index_cast %multiple_of3A : i32 to index
      %swap3A_159 = arith.constant 0 : index
      %swap3A_160 = vector.load %arg6[%swap3A, %swap3A_159] : memref<2048x1024xf32, #tpu.memory_space<vmem>>, vector<128x1024xf32>
      tpu.vector_store %arg6[%swap3A, %swap3A_159], %select_n3A_158 {strides = array<i32>} : memref<2048x1024xf32, #tpu.memory_space<vmem>>, vector<128x1024xf32>,
      %while3A_161 = arith.constant 0 : i32
      scf.yield %while3A_161 : i32
    }
    %while3A_122 = arith.constant 1 : i32
    %while3A_123 = scf.for %while3A_124 = %while3A_119 to %while3A_115 step %while3A_122 iter_args(%while3A_125 = %while3A_121) -> (i32)  : i32 {
      %mul3A_126 = arith.constant 128 : i32
      %mul3A_127 = arith.muli %while3A_124, %mul3A_126 : i32
      %add3A_128 = arith.addi %mul3A_91, %mul3A_127 : i32
      %multiple_of3A = tpu.assume_multiple %add3A_128, 128 : i32
      %get3A_129 = arith.index_cast %multiple_of3A : i32 to index
      %get3A_130 = arith.constant 0 : index
      %get3A_131 = vector.load %arg2[%get3A_129, %get3A_130] : memref<2048x1152xf32, #tpu.memory_space<vmem>>, vector<128x1024xf32>
      %get3A_132 = arith.index_cast %multiple_of3A : i32 to index
      %get3A_133 = arith.constant 1024 : index
      %get3A_134 = vector.load %arg2[%get3A_132, %get3A_133] : memref<2048x1152xf32, #tpu.memory_space<vmem>>, vector<128x1xf32>
      %dot_general3A = arith.constant dense<0.000000e+00> : vector<128x768xf32>
      %dot_general3A_135 = tpu.matmul %get3A_131, %get3A_101, %dot_general3A {dimension_numbers = #tpu.dot_dimension_numbers<[1], [1], [0], [0], [0, 0, 1, 0], [], []>, transpose_lhs_hint = false} : vector<128x1024xf32>, vector<768x1024xf32>, vector<128x768xf32> -> vector<128x768xf32>
      %dot_general3A_136 = arith.constant dense<0.000000e+00> : vector<128x768xf32>
      %dot_general3A_137 = tpu.matmul %get3A_131, %get3A_106, %dot_general3A_136 {dimension_numbers = #tpu.dot_dimension_numbers<[1], [1], [0], [0], [0, 0, 1, 0], [], []>, transpose_lhs_hint = false} : vector<128x1024xf32>, vector<768x1024xf32>, vector<128x768xf32> -> vector<128x768xf32>
      %logistic3A = arith.negf %dot_general3A_135 : vector<128x768xf32>
      %logistic3A_138 = math.exp %logistic3A : vector<128x768xf32>
      %logistic3A_139 = arith.constant 1.000000e+00 : f32
      %logistic3A_140 = vector.broadcast %logistic3A_139 : f32 to vector<128x768xf32>
      %logistic3A_141 = arith.addf %logistic3A_140, %logistic3A_138 : vector<128x768xf32>
      %logistic3A_142 = arith.divf %logistic3A_140, %logistic3A_141 : vector<128x768xf32>
      %mul3A_143 = arith.mulf %dot_general3A_135, %logistic3A_142 : vector<128x768xf32>
      %mul3A_144 = arith.mulf %mul3A_143, %dot_general3A_137 : vector<128x768xf32>
      %dot_general3A_145 = arith.constant dense<0.000000e+00> : vector<128x1024xf32>
      %dot_general3A_146 = tpu.matmul %mul3A_144, %get3A_111, %dot_general3A_145 {dimension_numbers = #tpu.dot_dimension_numbers<[1], [1], [0], [0], [0, 0, 1, 0], [], []>, transpose_lhs_hint = false} : vector<128x768xf32>, vector<1024x768xf32>, vector<128x1024xf32> -> vector<128x1024xf32>
      %mul3A_147 = vector.broadcast %get3A_134 : vector<128x1xf32> to vector<128x1024xf32>
      %mul3A_148 = arith.mulf %dot_general3A_146, %mul3A_147 : vector<128x1024xf32>
      %iota3A = tpu.iota {dimensions = array<i32: 0>} : vector<128x1xi32>
      %add3A_149 = vector.broadcast %multiple_of3A : i32 to vector<128x1xi32>
      %add3A_150 = arith.addi %add3A_149, %iota3A : vector<128x1xi32>
      %ge3A = vector.broadcast %get3A_61 : i32 to vector<128x1xi32>
      %ge3A_151 = arith.cmpi sge, %add3A_150, %ge3A : vector<128x1xi32>
      %lt3A = vector.broadcast %get3A_65 : i32 to vector<128x1xi32>
      %lt3A_152 = arith.cmpi slt, %add3A_150, %lt3A : vector<128x1xi32>
      %and3A_153 = arith.andi %ge3A_151, %lt3A_152 : vector<128x1xi1>
      %get3A_154 = arith.index_cast %multiple_of3A : i32 to index
      %get3A_155 = arith.constant 0 : index
      %get3A_156 = vector.load %arg6[%get3A_154, %get3A_155] : memref<2048x1024xf32, #tpu.memory_space<vmem>>, vector<128x1024xf32>
      %broadcast_in_dim3A = vector.shape_cast %and3A_153 : vector<128x1xi1> to vector<128x1xi1>
      %broadcast_in_dim3A_157 = vector.broadcast %broadcast_in_dim3A : vector<128x1xi1> to vector<128x1024xi1>
      %select_n3A_158 = arith.select %broadcast_in_dim3A_157, %mul3A_148, %get3A_156 : vector<128x1024xi1>, vector<128x1024xf32>
      %swap3A = arith.index_cast %multiple_of3A : i32 to index
      %swap3A_159 = arith.constant 0 : index
      %swap3A_160 = vector.load %arg6[%swap3A, %swap3A_159] : memref<2048x1024xf32, #tpu.memory_space<vmem>>, vector<128x1024xf32>
      tpu.vector_store %arg6[%swap3A, %swap3A_159], %select_n3A_158 {strides = array<i32>} : memref<2048x1024xf32, #tpu.memory_space<vmem>>, vector<128x1024xf32>,
      %while3A_161 = arith.constant 0 : i32
      scf.yield %while3A_161 : i32
    }
    return
  }
  func.func @transform_0(%arg0: i32, %arg1: memref<65xi32, #tpu.memory_space<smem>>) -> (i32, i32) {
    %c0_i32 = arith.constant 0 : i32
    %c0_i32_0 = arith.constant 0 : i32
    %c0_i32_1 = arith.constant 0 : i32
    return %c0_i32, %c0_i32_0 : i32, i32
  }
  func.func @transform_1(%arg0: i32, %arg1: memref<65xi32, #tpu.memory_space<smem>>) -> (i32, i32, i32) {
    %c0_i32 = arith.constant 0 : i32
    %c0_i32_0 = arith.constant 0 : i32
    %c0_i32_1 = arith.constant 0 : i32
    return %arg0, %c0_i32, %c0_i32_0 : i32, i32, i32
  }
  func.func @transform_2(%arg0: i32, %arg1: memref<65xi32, #tpu.memory_space<smem>>) -> (i32, i32, i32) {
    %c0_i32 = arith.constant 0 : i32
    %c0_i32_0 = arith.constant 0 : i32
    %c0_i32_1 = arith.constant 0 : i32
    return %arg0, %c0_i32, %c0_i32_0 : i32, i32, i32
  }
  func.func @transform_3(%arg0: i32, %arg1: memref<65xi32, #tpu.memory_space<smem>>) -> (i32, i32, i32) {
    %c0_i32 = arith.constant 0 : i32
    %c0_i32_0 = arith.constant 0 : i32
    %c0_i32_1 = arith.constant 0 : i32
    return %arg0, %c0_i32, %c0_i32_0 : i32, i32, i32
  }
  func.func @transform_4(%arg0: i32, %arg1: memref<65xi32, #tpu.memory_space<smem>>) -> (i32, i32) {
    %c0_i32 = arith.constant 0 : i32
    %c0_i32_0 = arith.constant 0 : i32
    %c0_i32_1 = arith.constant 0 : i32
    return %c0_i32, %c0_i32_0 : i32, i32
  }
}

</mosaic_0001>

<sc_bundles>
// kernel: kernel.12.cloned.1.call-start
scs
__scs_entry_jumppad:
0x0: {  	(pc) =	sbr.rel $0x88, $3  }
0x1: {  	(tag) =	ssettag $0x0;
	lr =	simm.s32 $0x1  }
0x2: {  	[smem:$0x3F9B] =	sst lr;
	_ =	strace $0xD0000000  }
0x3: {  	_ = 	snop  }
0x4: {  	_ = 	snop  }
0x5: {  	_ = 	snop  }
0x6: {  	_ = 	snop  }
0x7: {  	_ = 	snop  }
__scs_overlays_trampoline_lowered:
0x8: {  	[smem:$0x3FAA] =	sst s0  }
0x9: {  	[smem:$0x3FAB] =	sst s1  }
0xa: {  	[smem:$0x3FAC] =	sst s2  }
0xb: {  	[smem:$0x3FAD] =	sst s3  }
0xc: {  	[smem:$0x3FAE] =	sst s4  }
0xd: {  	[smem:$0x3FAF] =	sst s5  }
0xe: {  	[smem:$0x3FB0] =	sst s6  }
0xf: {  	[smem:$0x3FB1] =	sst s7  }
0x10: {  	[smem:$0x3FB2] =	sst s8  }
0x11: {  	[smem:$0x3FB3] =	sst s9;
	s0 =	simm.s32 @!p0 $0x0  }
0x12: {  	s1 =	sld [smem:$0x3F99];
	s0 =	simm.s32 @p0 $0x1  }
0x13: {  	[smem:$0x3FB4] =	sst s0;
	s0 =	simm.s32 @!p1 $0x0  }
0x14: {  	s2 =	sld [smem:$0x3F98];
	s0 =	simm.s32 @p1 $0x1  }
0x15: {  	[smem:$0x3FB5] =	sst s0;
	s0 =	simm.s32 @!p2 $0x0  }
0x16: {  	s3 =	sld [smem:$0x3FDB];
	s0 =	simm.s32 @p2 $0x1  }
0x17: {  	s4 =	simm.s32 $0x1BF5;
	[smem:$0x3FB7] =	sst s0  }
0x18: {  	s0 =	sld [smem:$0x3F9A];
	_ =	swait.ge [sflag:s4], $0x0  }
0x19: {  	s7 =	sld [smem:$0x3F9B]  }
0x1a: {  	s8 =	sadd.s32 $0xFFFFE003, lr  }
0x1b: {  	s9 =	sadd.s32 $0xFFFFFEF7, lr;
	s5 =	simm.s32 $0xFFFFFFFF;
	p2 =	slt.u32 s8, $0xFFFFF086  }
0x1c: {  	p1 =	slt.u32 s9, $0xF7A;
	s5 =	simm.s32 @!p2 $0x0  }
0x1d: {  	s5 =	simm.s32 @p1 $0x1;
	p0 =	seq.s32 s7, s2  }
0x1e: {  	s7 =	smul.u32 @!p0 $0xF7A, s2;
	p2 =	seq.s32 @!p0 s5, $0x0  }
0x1f: {  	s9 =	smul.u32 $0xF7A, s1;
	s8 =	simm.s32 @!p0 $0x1BF5;
	p2 =	por !p2, p0  }
0x20: {  	[sflag:s8] =	ssyncset.s32 @!p0 $0xFFFFF086;
	s6 =	sadd.s32 @!p0 s3, s7;
	s7 =	simm.s32 @!p0 $0x108  }
0x21: {  	s3 =	sadd.s32 s3, s9;
	s6 =	sadd.s32 @!p0 $0x88, s6;
	s7 =	simm.s32 @p2 $0x1082  }
0x22: {  	[simem:s7], [sflag:s8] =	dma.local @!p0 [hbm:s6], $0xF7A  }
0x23: {  	s9 =	sor.u32 $0xD0000000, s2;
	s6 =	simm.s32 $0x108;
	_ =	swait.ge @!p0 [sflag:s8], $0x0  }
0x24: {  	s3 =	sadd.s32 $0x88, s3;
	s6 =	simm.s32 @!p1 $0x1082;
	[sflag:s4] =	ssyncset.s32 $0xFFFFF086  }
0x25: {  	[simem:s6], [sflag:s4] =	dma.local [hbm:s3], $0xF7A  }
0x26: {  	[smem:$0x3F9B] =	sst s1;
	(tag) =	ssettag s2;
	_ =	strace s9  }
0x27: {  	s1 =	sld [smem:$0x3FAB]  }
0x28: {  	s2 =	sld [smem:$0x3FAC]  }
0x29: {  	s4 =	sld [smem:$0x3FAE]  }
0x2a: {  	p0 =	seq.s32 s5, $0x0;
	s5 =	sld [smem:$0x3FAF]  }
0x2b: {  	s6 =	sld [smem:$0x3FB0]  }
0x2c: {  	s7 =	sld [smem:$0x3FB1]  }
0x2d: {  	s3 =	simm.s32 $0x108;
	s8 =	sld [smem:$0x3FB2]  }
0x2e: {  	s3 =	simm.s32 @!p0 $0x1082;
	s9 =	sld [smem:$0x3FB3]  }
0x2f: {  	lr =	sadd.s32 s0, s3;
	s0 =	sld [smem:$0x3FAA]  }
0x30: {  	s3 =	sld [smem:$0x3FAD]  }
0x31: {  	[smem:$0x3FB6] =	sst s10  }
0x32: {  	s10 =	sld [smem:$0x3FB4];
	_ =	sdelay $0x3  }
0x33: {  	p0 =	seq.s32 s10, $0x1;
	s10 =	sld [smem:$0x3FB6];
	_ =	sdelay $0x3  }
0x34: {  	[smem:$0x3FB6] =	sst s10  }
0x35: {  	s10 =	sld [smem:$0x3FB5];
	_ =	sdelay $0x3  }
0x36: {  	p1 =	seq.s32 s10, $0x1;
	s10 =	sld [smem:$0x3FB6];
	_ =	sdelay $0x3  }
0x37: {  	[smem:$0x3FB6] =	sst s10  }
0x38: {  	s10 =	sld [smem:$0x3FB7]  }
0x39: {  	_ = 	snop;
	(pc) =	sbr.ind lr, $3  }
0x3a: {  	_ = 	snop  }
0x3b: {  	_ = 	snop  }
0x3c: {  	p2 =	seq.s32 s10, $0x1;
	s10 =	sld [smem:$0x3FB6]  }
0x3d: {  	_ =	shalt  }
0x3e: {  	_ =	shalt  }
0x3f: {  	_ =	shalt  }
0x40: {  	_ =	shalt  }
0x41: {  	_ =	shalt  }
0x42: {  	_ =	shalt  }
0x43: {  	_ =	shalt  }
0x44: {  	_ =	shalt  }
0x45: {  	_ =	shalt  }
0x46: {  	_ =	shalt  }
0x47: {  	_ =	shalt  }
0x48: {  	_ =	shalt  }
0x49: {  	_ =	shalt  }
0x4a: {  	_ =	shalt  }
0x4b: {  	_ =	shalt  }
0x4c: {  	_ =	shalt  }
0x4d: {  	_ =	shalt  }
0x4e: {  	_ =	shalt  }
0x4f: {  	_ =	shalt  }
0x50: {  	_ =	shalt  }
0x51: {  	_ =	shalt  }
0x52: {  	_ =	shalt  }
0x53: {  	_ =	shalt  }
0x54: {  	_ =	shalt  }
0x55: {  	_ =	shalt  }
0x56: {  	_ =	shalt  }
0x57: {  	_ =	shalt  }
0x58: {  	_ =	shalt  }
0x59: {  	_ =	shalt  }
0x5a: {  	_ =	shalt  }
0x5b: {  	_ =	shalt  }
0x5c: {  	_ =	shalt  }
0x5d: {  	_ =	shalt  }
0x5e: {  	_ =	shalt  }
0x5f: {  	_ =	shalt  }
0x60: {  	_ =	shalt  }
0x61: {  	_ =	shalt  }
0x62: {  	_ =	shalt  }
0x63: {  	_ =	shalt  }
0x64: {  	_ =	shalt  }
0x65: {  	_ =	shalt  }
0x66: {  	_ =	shalt  }
0x67: {  	_ =	shalt  }
0x68: {  	_ =	shalt  }
0x69: {  	_ =	shalt  }
0x6a: {  	_ =	shalt  }
0x6b: {  	_ =	shalt  }
0x6c: {  	_ =	shalt  }
0x6d: {  	_ =	shalt  }
0x6e: {  	_ =	shalt  }
0x6f: {  	_ =	shalt  }
0x70: {  	_ =	shalt  }
0x71: {  	_ =	shalt  }
0x72: {  	_ =	shalt  }
0x73: {  	_ =	shalt  }
0x74: {  	_ =	shalt  }
0x75: {  	_ =	shalt  }
0x76: {  	_ =	shalt  }
0x77: {  	_ =	shalt  }
0x78: {  	_ =	shalt  }
0x79: {  	_ =	shalt  }
0x7a: {  	_ =	shalt  }
0x7b: {  	_ =	shalt  }
0x7c: {  	_ =	shalt  }
0x7d: {  	_ =	shalt  }
0x7e: {  	_ =	shalt  }
0x7f: {  	_ =	shalt  }
0x80: {  	_ =	shalt  }
0x81: {  	_ =	shalt  }
0x82: {  	_ =	shalt  }
0x83: {  	_ =	shalt  }
0x84: {  	_ =	shalt  }
0x85: {  	_ =	shalt  }
0x86: {  	_ =	shalt  }
0x87: {  	_ =	shalt  }
.Lfunc_end0:
.L_simem_size_0:
called_computation.2_lowered:
.L_overlay_start_0:
0x88: {  	s2 =	sld [smem:$0x3FD9]  }
0x89: {  	s3 =	sld [smem:$0x3FFE];
	_ =	sdelay $0x1  }
0x8a: {  	s1 =	srdreg.scid  }
0x8b: {  	s0 =	sand.u32 $0x1, s1  }
0x8c: {  	s17 =	sshll.u32 s0, $0xA;
	s2 =	sadd.s32 s3, s2  }
0x8d: {  	s2 =	sadd.s32 s2, s17  }
0x8e: {  	[smem:$0x3FC2] =	sst s2  }
0x8f: {  	_ = 	snop  }
0x90: {  	s2 =	sld [smem:$0x3FD0];
	(tm) =	ssettm $0x1  }
0x91: {  	s18 =	sld [smem:$0x3FFB];
	_ =	sdelay $0x3  }
0x92: {  	_ =	strace s18  }
0x93: {  	s3 =	sld [smem:$0x3FFC];
	_ =	sdelay $0x3  }
0x94: {  	_ =	strace s3  }
0x95: {  	s3 =	sld [smem:$0x3FFD];
	_ =	sdelay $0x3  }
0x96: {  	_ =	strace s3  }
0x97: {  	_ =	strace $0x8FFFFFFF  }
0x98: {  	s19 =	sld [smem:$0x3FDB];
	_ =	sdelay $0x1  }
0x99: {  	s4 =	simm.s32 $_scs_section_size  }
0x9a: {  	s5 =	simm.s32 $_size__tile_overlayer_lowered;
	s6 =	simm.s32 $_tile_overlayer_lowered  }
0x9b: {  	s22 =	simm.s32 $0x1BFF;
	s21 =	sshll.u32 s6, $0x1;
	s3 =	sadd.s32 s4, s19  }
0x9c: {  	s7 =	simm.s32 $0x0;
	s20 =	sshll.u32 s5, $0x1;
	s5 =	sadd.s32 s21, s3  }
0x9d: {  	[timem:s7], [sflag:s22] =	dma.local [hbm:s5], s20  }
0x9e: {  	_ =	swait.ge [sflag:s22], s20  }
0x9f: {  	s4 =	ssub.s32 $0x0, s20;
	[sflag:s22] =	ssyncset.done $0x0  }
0xa0: {  	[sflag:s22] =	ssyncadd.s32 s4;
	_ =	sdelay $0x1  }
0xa1: {  	s23 =	simm.s32 $0x1B8B  }
0xa2: {  	_ =	swait.ge [sflag:s23], $0x1  }
0xa3: {  	[sflag:s23] =	ssyncset.done $0x0  }
0xa4: {  	s25 =	simm.s32 $0x1B8E;
	s24 =	sld [smem:$0x3FFE];
	[sflag:s23] =	ssyncadd.s32 $0xFFFFFFFF  }
0xa5: {  	s26 =	simm.s32 $execute0_lowered;
	[smem:$0x3FD2] =	sst s25  }
0xa6: {  	s5 =	sshll.u32 s26, $0x1;
	_ =	strace $0x8000004C;
	[dreg:$0x1] =	wrdreg $0xFFFFFFFF  }
0xa7: {  	s28 =	simm.s32 $_size_execute0_lowered;
	s3 =	sadd.s32 s3, s5;
	[dreg:$0x0] =	wrdreg $0x0  }
0xa8: {  	s5 =	sshll.u32 s28, $0x1;
	[dreg:$0x2] =	wrdreg s3  }
0xa9: {  	[dreg:$0x3] =	wrdreg s5  }
0xaa: {  	[dreg:$0x4] =	wrdreg $0xC0  }
0xab: {  	_ =	task [dreg:s7], $0x5FFFF  }
0xac: {  	[dreg:$0x1] =	wrdreg $0xFFFFFFFF  }
0xad: {  	[dreg:$0x0] =	wrdreg $0x60  }
0xae: {  	[dreg:$0x2] =	wrdreg s24  }
0xaf: {  	[dreg:$0x3] =	wrdreg s2  }
0xb0: {  	[dreg:$0x4] =	wrdreg $0x9  }
0xb1: {  	_ =	task.clear_ibuf [dreg:s7], $0x5FFFF;
	_ =	strace $0x9000004C  }
0xb2: {  	s29 =	simm.s32 $0x9;
	_ =	strace $0x8000004E  }
0xb3: {  	_ =	swait.ge [sflag:s29], $0x1  }
0xb4: {  	[sflag:s29] =	ssyncadd.s32 $0xFFFFFFFF  }
0xb5: {  	_ =	strace $0x9000004E  }
0xb6: {  	_ =	sfence  }
0xb7: {  	s30 =	sld [smem:$0x0];
	_ =	sdelay $0x2  }
0xb8: {  	s31 =	sshll.u32 s1, $0xD;
	s1 =	sshrl.u32 s1, $0x2  }
0xb9: {  	s3 =	sand.u32 $0x4000, s31;
	s1 =	sadd.s32 s1, s30  }
0xba: {  	s0 =	sor.u32 s3, s0;
	s1 =	sshll.u32 s1, $0x11  }
0xbb: {  	s0 =	sor.u32 s1, s0  }
0xbc: {  	s0 =	sadd.s32 $0x8F2B, s0  }
0xbd: {  	[sflag:s0] =	ssyncadd.remote.s32 $0x1  }
0xbe: {  	_ =	sfence.sel $0xFFFF  }
0xbf: {  	[dreg:$0x0] =	wrdreg $0xFFFFFFFF;
	(pc) =	sbr.abs _section_cstart, $3  }
0xc0: {  	[dreg:$0x1] =	wrdreg $0xFFFFFFFF  }
0xc1: {  	_ =	task.clear_ibuf [dreg:s7], $0x2FFFF;
	_ =	strace $0x9FFFFFFF  }
0xc2: {  	(tm) =	ssettm $0x7FFFFFFF  }
0xc3: {  	_ =	shalt  }
tec
execute0_lowered:
.L_overlay_start_1:
0x0: {  	(tag) =	ssettag $0x1  }
0x1: {  	s1 =	srdreg.scid  }
0x2: {  	s0 =	stileid.u32;
	s6 =	rddreg [dreg:$0x0]  }
0x3: {  	s4 =	rddreg [dreg:$0x1];
	s18 =	simm.s32 $0x880;
	s19 =	simm.s32 $0x1080  }
0x4: {  	s20 =	simm.s32 $0x1880;
	s22 =	simm.s32 $0x2080;
	s23 =	simm.s32 $0x2880  }
0x5: {  	s7 =	simm.s32 $0x3080;
	s24 =	simm.s32 $0x3880;
	s8 =	simm.s32 $0x4080  }
0x6: {  	s25 =	simm.s32 $0x4880;
	s26 =	simm.s32 $0x5080;
	s1 =	sand.u32 $0x1, s1  }
0x7: {  	s9 =	simm.s32 $0x80;
	s2 =	sshll.u32 s0, $0x7;
	s3 =	sshll.u32 s1, $0x6  }
0x8: {  	s11 =	simm.s32 $0x6080;
	s3 =	sor.u32 s3, s2;
	s2 =	simm.s32 $0x0  }
0x9: {  	s12 =	simm.s32 $0x6880;
	s13 =	simm.s32 $0x7080;
	[smem:$0x7FF] =	sst s2  }
0xa: {  	s14 =	simm.s32 $0x7880;
	_ =	strace $0x8000004D;
	[dreg:$0x5] =	wrdreg s18  }
0xb: {  	s15 =	simm.s32 $0x8080;
	s16 =	simm.s32 $0x8880;
	[dreg:$0x6] =	wrdreg s19  }
0xc: {  	s17 =	simm.s32 $0x9080;
	s28 =	simm.s32 $0xE080;
	[dreg:$0x7] =	wrdreg s20  }
0xd: {  	s29 =	simm.s32 $0xE880;
	s30 =	simm.s32 $0xF080;
	[dreg:$0x8] =	wrdreg s22  }
0xe: {  	s31 =	simm.s32 $0xF880;
	s1 =	ssub.s32 $0x2, s1;
	[dreg:$0x9] =	wrdreg s23  }
0xf: {  	s21 =	sshrl.u32 s1, $0x1;
	s5 =	sshrl.u32 s3, $0x3;
	[dreg:$0xa] =	wrdreg s7  }
0x10: {  	s3 =	sshll.u32 s3, $0x7;
	s1 =	ssub.s32 s1, s21;
	[dreg:$0xb] =	wrdreg s24  }
0x11: {  	s21 =	simm.s32 $0xB080;
	s5 =	sadd.s32 s5, s6;
	[dreg:$0xc] =	wrdreg s8  }
0x12: {  	s3 =	sadd.s32 s4, s3;
	s4 =	sadd.s32 $0x49B00, s6;
	[dreg:$0xd] =	wrdreg s25  }
0x13: {  	s7 =	smax.u32 s1, $0x1;
	s8 =	simm.s32 $0x2;
	[dreg:$0xe] =	wrdreg s26  }
0x14: {  	s18 =	simm.s32 $0x9880;
	s19 =	simm.s32 $0xA080;
	s20 =	simm.s32 $0xA880  }
0x15: {  	s22 =	simm.s32 $0xB880;
	s23 =	simm.s32 $0xC080;
	s24 =	simm.s32 $0xC880  }
0x16: {  	v2 =	vlaneseq.u32;
	s25 =	simm.s32 $0xD080;
	s26 =	simm.s32 $0xD880;
	s1 =	simm.s32 $0x1  }
0x17: {  	vm0 =	vmmov $0xffff;
	v1 =	vshrl.u32 v2, $0x3;
	s5 =	sadd.s32 $0x49800, s5;
	[dreg:$0x4] =	wrdreg s3;
	s3 =	sadd.s32 $0x49A00, s6  }
0x18: {  	v0 =	vand.u32 $0x7, v2;
	v2 =	vor.u32 $0x8, v2;
	v1 =	vmul.u32 $0x8, v1;
	[dreg:$0x3] =	wrdreg s5;
	s5 =	sadd.s32 $0x49C00, s6;
	s6 =	sadd.s32 $0x49D00, s6  }
.LBB2_1:
0x19: {  	s0 =	rddreg [dreg:$0x3]  }
0x1a: {  	[tilespmem:s2], [sflag:$0x2] =	stream.linear.gather [hbm4b:s0+s2], $0x40, $0x38;
	[tilespmem:$0x10080] =	vst v63  }
0x1b: {  	_ =	swait.ge [sflag:s8], $0x40  }
0x1c: {  	[sflag:s8] =	ssyncset.done $0x0  }
0x1d: {  	[sflag:s8] =	ssyncadd.s32 $0xFFFFFFC0  }
0x1e: {  	v3 =	vld [tilespmem:$0x0];
	_ =	sdelay $0x4  }
0x1f: {  	v4 =	vshll.u32 v3, $0x3  }
0x20: {  	v3 =	vand.u32 $0x7, v3;
	v4 =	vand.u32 $0xFFFFFFC0, v4  }
0x21: {  	v3 =	vor.u32 v3, v4  }
0x22: {  	v4 =	vperm.xlane v3, v0;
	_ =	sdelay $0x1  }
0x23: {  	v4 =	vadd.s32 v1, v4;
	_ =	sdelay $0x4  }
0x24: {  	[tilespmem:s9], [sflag:$0x1] =	stream.indirect_vreg.gather [hbm4b:s3+s2], $0x80, v4, vm0, $0xb8;
	[tilespmem:$0x10080] =	vst v63  }
0x25: {  	s0 =	rddreg [dreg:$0x5];
	v3 =	vperm.xlane v3, v2  }
0x26: {  	[tilespmem:s0], [sflag:$0x1] =	stream.indirect_vreg.gather [hbm4b:s4+s2], $0x80, v4, vm0, $0xb8;
	[tilespmem:$0x10080] =	vst v63  }
0x27: {  	s10 =	rddreg [dreg:$0x6];
	v3 =	vadd.s32 v1, v3  }
0x28: {  	[tilespmem:s10], [sflag:$0x1] =	stream.indirect_vreg.gather [hbm4b:s5+s2], $0x80, v4, vm0, $0xb8;
	[tilespmem:$0x10080] =	vst v63  }
0x29: {  	s0 =	rddreg [dreg:$0x7]  }
0x2a: {  	[tilespmem:s0], [sflag:$0x1] =	stream.indirect_vreg.gather [hbm4b:s6+s2], $0x80, v4, vm0, $0xb8;
	[tilespmem:$0x10080] =	vst v63  }
0x2b: {  	s10 =	rddreg [dreg:$0x8]  }
0x2c: {  	[tilespmem:s10], [sflag:$0x1] =	stream.indirect_vreg.gather [hbm4b:s3+s2], $0x80, v3, vm0, $0xb8;
	[tilespmem:$0x10080] =	vst v63  }
0x2d: {  	s0 =	rddreg [dreg:$0x9]  }
0x2e: {  	[tilespmem:s0], [sflag:$0x1] =	stream.indirect_vreg.gather [hbm4b:s4+s2], $0x80, v3, vm0, $0xb8;
	[tilespmem:$0x10080] =	vst v63  }
0x2f: {  	s10 =	rddreg [dreg:$0xa]  }
0x30: {  	[tilespmem:s10], [sflag:$0x1] =	stream.indirect_vreg.gather [hbm4b:s5+s2], $0x80, v3, vm0, $0xb8;
	[tilespmem:$0x10080] =	vst v63  }
0x31: {  	s0 =	rddreg [dreg:$0xb]  }
0x32: {  	[tilespmem:s0], [sflag:$0x1] =	stream.indirect_vreg.gather [hbm4b:s6+s2], $0x80, v3, vm0, $0xb8;
	[tilespmem:$0x10080] =	vst v63  }
0x33: {  	v3 =	vld [tilespmem:$0x10];
	_ =	sdelay $0x4  }
0x34: {  	v61 =	vshll.u32 v3, $0x3  }
0x35: {  	v3 =	vand.u32 $0x7, v3;
	v4 =	vand.u32 $0xFFFFFFC0, v61  }
0x36: {  	v3 =	vor.u32 v3, v4  }
0x37: {  	v4 =	vperm.xlane v3, v0;
	_ =	sdelay $0x1  }
0x38: {  	v4 =	vadd.s32 v1, v4;
	_ =	sdelay $0x3  }
0x39: {  	s0 =	rddreg [dreg:$0xc]  }
0x3a: {  	[tilespmem:s0], [sflag:$0x1] =	stream.indirect_vreg.gather [hbm4b:s3+s2], $0x80, v4, vm0, $0xb8;
	[tilespmem:$0x10080] =	vst v63  }
0x3b: {  	s10 =	rddreg [dreg:$0xd];
	v3 =	vperm.xlane v3, v2  }
0x3c: {  	[tilespmem:s10], [sflag:$0x1] =	stream.indirect_vreg.gather [hbm4b:s4+s2], $0x80, v4, vm0, $0xb8;
	[tilespmem:$0x10080] =	vst v63  }
0x3d: {  	v3 =	vadd.s32 v1, v3;
	s0 =	rddreg [dreg:$0xe]  }
0x3e: {  	[tilespmem:s0], [sflag:$0x1] =	stream.indirect_vreg.gather [hbm4b:s5+s2], $0x80, v4, vm0, $0xb8;
	[tilespmem:$0x10080] =	vst v63  }
0x3f: {  	s10 =	simm.s32 $0x5880  }
0x40: {  	[tilespmem:s10], [sflag:$0x1] =	stream.indirect_vreg.gather [hbm4b:s6+s2], $0x80, v4, vm0, $0xb8;
	[tilespmem:$0x10080] =	vst v63  }
0x41: {  	_ = 	snop  }
0x42: {  	[tilespmem:s11], [sflag:$0x1] =	stream.indirect_vreg.gather [hbm4b:s3+s2], $0x80, v3, vm0, $0xb8;
	[tilespmem:$0x10080] =	vst v63  }
0x43: {  	_ = 	snop  }
0x44: {  	[tilespmem:s12], [sflag:$0x1] =	stream.indirect_vreg.gather [hbm4b:s4+s2], $0x80, v3, vm0, $0xb8;
	[tilespmem:$0x10080] =	vst v63  }
0x45: {  	_ = 	snop  }
0x46: {  	[tilespmem:s13], [sflag:$0x1] =	stream.indirect_vreg.gather [hbm4b:s5+s2], $0x80, v3, vm0, $0xb8;
	[tilespmem:$0x10080] =	vst v63  }
0x47: {  	_ = 	snop  }
0x48: {  	[tilespmem:s14], [sflag:$0x1] =	stream.indirect_vreg.gather [hbm4b:s6+s2], $0x80, v3, vm0, $0xb8;
	[tilespmem:$0x10080] =	vst v63  }
0x49: {  	v3 =	vld [tilespmem:$0x20];
	_ =	sdelay $0x4  }
0x4a: {  	v62 =	vshll.u32 v3, $0x3  }
0x4b: {  	v3 =	vand.u32 $0x7, v3;
	v4 =	vand.u32 $0xFFFFFFC0, v62  }
0x4c: {  	v3 =	vor.u32 v3, v4  }
0x4d: {  	v4 =	vperm.xlane v3, v0;
	_ =	sdelay $0x1  }
0x4e: {  	v4 =	vadd.s32 v1, v4;
	_ =	sdelay $0x4  }
0x4f: {  	[tilespmem:s15], [sflag:$0x1] =	stream.indirect_vreg.gather [hbm4b:s3+s2], $0x80, v4, vm0, $0xb8;
	[tilespmem:$0x10080] =	vst v63  }
0x50: {  	v3 =	vperm.xlane v3, v2  }
0x51: {  	[tilespmem:s16], [sflag:$0x1] =	stream.indirect_vreg.gather [hbm4b:s4+s2], $0x80, v4, vm0, $0xb8;
	[tilespmem:$0x10080] =	vst v63  }
0x52: {  	v3 =	vadd.s32 v1, v3  }
0x53: {  	[tilespmem:s17], [sflag:$0x1] =	stream.indirect_vreg.gather [hbm4b:s5+s2], $0x80, v4, vm0, $0xb8;
	[tilespmem:$0x10080] =	vst v63  }
0x54: {  	_ = 	snop  }
0x55: {  	[tilespmem:s18], [sflag:$0x1] =	stream.indirect_vreg.gather [hbm4b:s6+s2], $0x80, v4, vm0, $0xb8;
	[tilespmem:$0x10080] =	vst v63  }
0x56: {  	_ = 	snop  }
0x57: {  	[tilespmem:s19], [sflag:$0x1] =	stream.indirect_vreg.gather [hbm4b:s3+s2], $0x80, v3, vm0, $0xb8;
	[tilespmem:$0x10080] =	vst v63  }
0x58: {  	_ = 	snop  }
0x59: {  	[tilespmem:s20], [sflag:$0x1] =	stream.indirect_vreg.gather [hbm4b:s4+s2], $0x80, v3, vm0, $0xb8;
	[tilespmem:$0x10080] =	vst v63  }
0x5a: {  	_ = 	snop  }
0x5b: {  	[tilespmem:s21], [sflag:$0x1] =	stream.indirect_vreg.gather [hbm4b:s5+s2], $0x80, v3, vm0, $0xb8;
	[tilespmem:$0x10080] =	vst v63  }
0x5c: {  	_ = 	snop  }
0x5d: {  	[tilespmem:s22], [sflag:$0x1] =	stream.indirect_vreg.gather [hbm4b:s6+s2], $0x80, v3, vm0, $0xb8;
	[tilespmem:$0x10080] =	vst v63  }
0x5e: {  	v3 =	vld [tilespmem:$0x30];
	_ =	sdelay $0x4  }
0x5f: {  	v63 =	vshll.u32 v3, $0x3  }
0x60: {  	v3 =	vand.u32 $0x7, v3;
	v4 =	vand.u32 $0xFFFFFFC0, v63  }
0x61: {  	v3 =	vor.u32 v3, v4  }
0x62: {  	v4 =	vperm.xlane v3, v0;
	_ =	sdelay $0x1  }
0x63: {  	v4 =	vadd.s32 v1, v4;
	_ =	sdelay $0x4  }
0x64: {  	[tilespmem:s23], [sflag:$0x1] =	stream.indirect_vreg.gather [hbm4b:s3+s2], $0x80, v4, vm0, $0xb8;
	[tilespmem:$0x10080] =	vst v63  }
0x65: {  	v3 =	vperm.xlane v3, v2  }
0x66: {  	[tilespmem:s24], [sflag:$0x1] =	stream.indirect_vreg.gather [hbm4b:s4+s2], $0x80, v4, vm0, $0xb8;
	[tilespmem:$0x10080] =	vst v63  }
0x67: {  	v3 =	vadd.s32 v1, v3  }
0x68: {  	[tilespmem:s25], [sflag:$0x1] =	stream.indirect_vreg.gather [hbm4b:s5+s2], $0x80, v4, vm0, $0xb8;
	[tilespmem:$0x10080] =	vst v63  }
0x69: {  	_ = 	snop  }
0x6a: {  	[tilespmem:s26], [sflag:$0x1] =	stream.indirect_vreg.gather [hbm4b:s6+s2], $0x80, v4, vm0, $0xb8;
	[tilespmem:$0x10080] =	vst v63  }
0x6b: {  	_ = 	snop  }
0x6c: {  	[tilespmem:s28], [sflag:$0x1] =	stream.indirect_vreg.gather [hbm4b:s3+s2], $0x80, v3, vm0, $0xb8;
	[tilespmem:$0x10080] =	vst v63  }
0x6d: {  	_ = 	snop  }
0x6e: {  	[tilespmem:s29], [sflag:$0x1] =	stream.indirect_vreg.gather [hbm4b:s4+s2], $0x80, v3, vm0, $0xb8;
	[tilespmem:$0x10080] =	vst v63  }
0x6f: {  	_ = 	snop  }
0x70: {  	[tilespmem:s30], [sflag:$0x1] =	stream.indirect_vreg.gather [hbm4b:s5+s2], $0x80, v3, vm0, $0xb8;
	[tilespmem:$0x10080] =	vst v63  }
0x71: {  	_ = 	snop  }
0x72: {  	[tilespmem:s31], [sflag:$0x1] =	stream.indirect_vreg.gather [hbm4b:s6+s2], $0x80, v3, vm0, $0xb8;
	[tilespmem:$0x10080] =	vst v63  }
0x73: {  	_ =	swait.ge [sflag:s1], $0x10000  }
0x74: {  	p0 =	sne.s32 s7, $0x1;
	[sflag:s1] =	ssyncset.done $0x0  }
.Ltmp0:
0x75: {  	s10 =	rddreg [dreg:$0x4];
	[sflag:s1] =	ssyncadd.s32 $0xFFFF0000;
	(pc) =	sbr.rel @p0 .LBB2_1-.Ltmp0, $4  }
0x76: {  	[hbm4b:s10+s2] =	stream.linear.scatter [tilespmem:s9], [sflag:$0x2], $0x10000, $0x38;
	[tilespmem:$0x10080] =	vst v63  }
0x77: {  	_ =	swait.ge [sflag:s8], $0x10000  }
0x78: {  	[sflag:s8] =	ssyncset.done $0x0  }
0x79: {  	s7 =	sadd.s32 $0xFFFFFFFF, s7;
	[sflag:s8] =	ssyncadd.s32 $0xFFFF0000  }
0x7a: {  	_ =	sfence.sel $0x180000  }
0x7b: {  	[bflag:$0x0] =	sbarrier.arrive $0xFFFF  }
0x7c: {  	_ =	strace $0x9000004D  }
0x7d: {  	s0 =	stileid.u32;
	[bflag:$0x2] =	sbarrier.arrive $0xFFFF  }
0x7e: {  	p0 =	sne.s32 s0, $0x0;
	s0 =	rddreg [dreg:$0x2]  }
0x7f: {  	s0 =	sadd.s32 @!p0 $0x100000, s0  }
0x80: {  	[sflag:s0] =	ssyncadd.tile.s32 @!p0 $0x1;
	_ =	shalt  }
.Lfunc_end2:
_tile_overlayer_lowered:
.L_overlay_start_2:
0x81: {  	(tag) =	ssettag $0x2  }
0x82: {  	s0 =	rddreg [dreg:$0x0];
	s2 =	stileid.u32  }
0x83: {  	s1 =	rddreg [dreg:$0x1];
	p0 =	sne.s32 s2, $0x0  }
0x84: {  	s3 =	rddreg [dreg:$0x2];
	[bflag:$0x3] =	sbarrier.arrive $0xFFFF;
	s2 =	simm.s32 @!p0 $0x1C02  }
0x85: {  	[timem:s3], [sflag:s2] =	dma.local @!p0 [hbm:s0], s1  }
0x86: {  	s0 =	simm.s32 @!p0 $0x2  }
0x87: {  	_ =	swait.ge @!p0 [sflag:s0], s1  }
0x88: {  	s1 =	ssub.s32 @!p0 $0x0, s1;
	[sflag:s0] =	ssyncset.done @!p0 $0x0  }
0x89: {  	[sflag:s0] =	ssyncadd.s32 @!p0 s1  }
0x8a: {  	[bflag:$0x3] =	sbarrier.arrive $0xFFFF  }
0x8b: {  	_ =	shalt  }

// kernel: kernel.6.cloned.1.call-start
scs
__scs_entry_jumppad:
0x0: {  	(pc) =	sbr.rel $0x88, $3  }
0x1: {  	(tag) =	ssettag $0x0;
	lr =	simm.s32 $0x1  }
0x2: {  	[smem:$0x3F9B] =	sst lr;
	_ =	strace $0xD0000000  }
0x3: {  	_ = 	snop  }
0x4: {  	_ = 	snop  }
0x5: {  	_ = 	snop  }
0x6: {  	_ = 	snop  }
0x7: {  	_ = 	snop  }
__scs_overlays_trampoline_lowered:
0x8: {  	[smem:$0x3FAA] =	sst s0  }
0x9: {  	[smem:$0x3FAB] =	sst s1  }
0xa: {  	[smem:$0x3FAC] =	sst s2  }
0xb: {  	[smem:$0x3FAD] =	sst s3  }
0xc: {  	[smem:$0x3FAE] =	sst s4  }
0xd: {  	[smem:$0x3FAF] =	sst s5  }
0xe: {  	[smem:$0x3FB0] =	sst s6  }
0xf: {  	[smem:$0x3FB1] =	sst s7  }
0x10: {  	[smem:$0x3FB2] =	sst s8  }
0x11: {  	[smem:$0x3FB3] =	sst s9;
	s0 =	simm.s32 @!p0 $0x0  }
0x12: {  	s1 =	sld [smem:$0x3F99];
	s0 =	simm.s32 @p0 $0x1  }
0x13: {  	[smem:$0x3FB4] =	sst s0;
	s0 =	simm.s32 @!p1 $0x0  }
0x14: {  	s2 =	sld [smem:$0x3F98];
	s0 =	simm.s32 @p1 $0x1  }
0x15: {  	[smem:$0x3FB5] =	sst s0;
	s0 =	simm.s32 @!p2 $0x0  }
0x16: {  	s3 =	sld [smem:$0x3FDB];
	s0 =	simm.s32 @p2 $0x1  }
0x17: {  	s4 =	simm.s32 $0x1BF5;
	[smem:$0x3FB7] =	sst s0  }
0x18: {  	s0 =	sld [smem:$0x3F9A];
	_ =	swait.ge [sflag:s4], $0x0  }
0x19: {  	s7 =	sld [smem:$0x3F9B]  }
0x1a: {  	s8 =	sadd.s32 $0xFFFFE003, lr  }
0x1b: {  	s9 =	sadd.s32 $0xFFFFFEF7, lr;
	s5 =	simm.s32 $0xFFFFFFFF;
	p2 =	slt.u32 s8, $0xFFFFF086  }
0x1c: {  	p1 =	slt.u32 s9, $0xF7A;
	s5 =	simm.s32 @!p2 $0x0  }
0x1d: {  	s5 =	simm.s32 @p1 $0x1;
	p0 =	seq.s32 s7, s2  }
0x1e: {  	s7 =	smul.u32 @!p0 $0xF7A, s2;
	p2 =	seq.s32 @!p0 s5, $0x0  }
0x1f: {  	s9 =	smul.u32 $0xF7A, s1;
	s8 =	simm.s32 @!p0 $0x1BF5;
	p2 =	por !p2, p0  }
0x20: {  	[sflag:s8] =	ssyncset.s32 @!p0 $0xFFFFF086;
	s6 =	sadd.s32 @!p0 s3, s7;
	s7 =	simm.s32 @!p0 $0x108  }
0x21: {  	s3 =	sadd.s32 s3, s9;
	s6 =	sadd.s32 @!p0 $0x88, s6;
	s7 =	simm.s32 @p2 $0x1082  }
0x22: {  	[simem:s7], [sflag:s8] =	dma.local @!p0 [hbm:s6], $0xF7A  }
0x23: {  	s9 =	sor.u32 $0xD0000000, s2;
	s6 =	simm.s32 $0x108;
	_ =	swait.ge @!p0 [sflag:s8], $0x0  }
0x24: {  	s3 =	sadd.s32 $0x88, s3;
	s6 =	simm.s32 @!p1 $0x1082;
	[sflag:s4] =	ssyncset.s32 $0xFFFFF086  }
0x25: {  	[simem:s6], [sflag:s4] =	dma.local [hbm:s3], $0xF7A  }
0x26: {  	[smem:$0x3F9B] =	sst s1;
	(tag) =	ssettag s2;
	_ =	strace s9  }
0x27: {  	s1 =	sld [smem:$0x3FAB]  }
0x28: {  	s2 =	sld [smem:$0x3FAC]  }
0x29: {  	s4 =	sld [smem:$0x3FAE]  }
0x2a: {  	p0 =	seq.s32 s5, $0x0;
	s5 =	sld [smem:$0x3FAF]  }
0x2b: {  	s6 =	sld [smem:$0x3FB0]  }
0x2c: {  	s7 =	sld [smem:$0x3FB1]  }
0x2d: {  	s3 =	simm.s32 $0x108;
	s8 =	sld [smem:$0x3FB2]  }
0x2e: {  	s3 =	simm.s32 @!p0 $0x1082;
	s9 =	sld [smem:$0x3FB3]  }
0x2f: {  	lr =	sadd.s32 s0, s3;
	s0 =	sld [smem:$0x3FAA]  }
0x30: {  	s3 =	sld [smem:$0x3FAD]  }
0x31: {  	[smem:$0x3FB6] =	sst s10  }
0x32: {  	s10 =	sld [smem:$0x3FB4];
	_ =	sdelay $0x3  }
0x33: {  	p0 =	seq.s32 s10, $0x1;
	s10 =	sld [smem:$0x3FB6];
	_ =	sdelay $0x3  }
0x34: {  	[smem:$0x3FB6] =	sst s10  }
0x35: {  	s10 =	sld [smem:$0x3FB5];
	_ =	sdelay $0x3  }
0x36: {  	p1 =	seq.s32 s10, $0x1;
	s10 =	sld [smem:$0x3FB6];
	_ =	sdelay $0x3  }
0x37: {  	[smem:$0x3FB6] =	sst s10  }
0x38: {  	s10 =	sld [smem:$0x3FB7]  }
0x39: {  	_ = 	snop;
	(pc) =	sbr.ind lr, $3  }
0x3a: {  	_ = 	snop  }
0x3b: {  	_ = 	snop  }
0x3c: {  	p2 =	seq.s32 s10, $0x1;
	s10 =	sld [smem:$0x3FB6]  }
0x3d: {  	_ =	shalt  }
0x3e: {  	_ =	shalt  }
0x3f: {  	_ =	shalt  }
0x40: {  	_ =	shalt  }
0x41: {  	_ =	shalt  }
0x42: {  	_ =	shalt  }
0x43: {  	_ =	shalt  }
0x44: {  	_ =	shalt  }
0x45: {  	_ =	shalt  }
0x46: {  	_ =	shalt  }
0x47: {  	_ =	shalt  }
0x48: {  	_ =	shalt  }
0x49: {  	_ =	shalt  }
0x4a: {  	_ =	shalt  }
0x4b: {  	_ =	shalt  }
0x4c: {  	_ =	shalt  }
0x4d: {  	_ =	shalt  }
0x4e: {  	_ =	shalt  }
0x4f: {  	_ =	shalt  }
0x50: {  	_ =	shalt  }
0x51: {  	_ =	shalt  }
0x52: {  	_ =	shalt  }
0x53: {  	_ =	shalt  }
0x54: {  	_ =	shalt  }
0x55: {  	_ =	shalt  }
0x56: {  	_ =	shalt  }
0x57: {  	_ =	shalt  }
0x58: {  	_ =	shalt  }
0x59: {  	_ =	shalt  }
0x5a: {  	_ =	shalt  }
0x5b: {  	_ =	shalt  }
0x5c: {  	_ =	shalt  }
0x5d: {  	_ =	shalt  }
0x5e: {  	_ =	shalt  }
0x5f: {  	_ =	shalt  }
0x60: {  	_ =	shalt  }
0x61: {  	_ =	shalt  }
0x62: {  	_ =	shalt  }
0x63: {  	_ =	shalt  }
0x64: {  	_ =	shalt  }
0x65: {  	_ =	shalt  }
0x66: {  	_ =	shalt  }
0x67: {  	_ =	shalt  }
0x68: {  	_ =	shalt  }
0x69: {  	_ =	shalt  }
0x6a: {  	_ =	shalt  }
0x6b: {  	_ =	shalt  }
0x6c: {  	_ =	shalt  }
0x6d: {  	_ =	shalt  }
0x6e: {  	_ =	shalt  }
0x6f: {  	_ =	shalt  }
0x70: {  	_ =	shalt  }
0x71: {  	_ =	shalt  }
0x72: {  	_ =	shalt  }
0x73: {  	_ =	shalt  }
0x74: {  	_ =	shalt  }
0x75: {  	_ =	shalt  }
0x76: {  	_ =	shalt  }
0x77: {  	_ =	shalt  }
0x78: {  	_ =	shalt  }
0x79: {  	_ =	shalt  }
0x7a: {  	_ =	shalt  }
0x7b: {  	_ =	shalt  }
0x7c: {  	_ =	shalt  }
0x7d: {  	_ =	shalt  }
0x7e: {  	_ =	shalt  }
0x7f: {  	_ =	shalt  }
0x80: {  	_ =	shalt  }
0x81: {  	_ =	shalt  }
0x82: {  	_ =	shalt  }
0x83: {  	_ =	shalt  }
0x84: {  	_ =	shalt  }
0x85: {  	_ =	shalt  }
0x86: {  	_ =	shalt  }
0x87: {  	_ =	shalt  }
.Lfunc_end0:
.L_simem_size_0:
called_computation_lowered:
.L_overlay_start_0:
0x88: {  	s2 =	sld [smem:$0x3FD9]  }
0x89: {  	s3 =	sld [smem:$0x3FFE];
	_ =	sdelay $0x1  }
0x8a: {  	s1 =	srdreg.scid  }
0x8b: {  	s0 =	sand.u32 $0x1, s1  }
0x8c: {  	s17 =	sshll.u32 s0, $0xA;
	s2 =	sadd.s32 s3, s2  }
0x8d: {  	s2 =	sadd.s32 s2, s17  }
0x8e: {  	[smem:$0x3FC2] =	sst s2  }
0x8f: {  	_ = 	snop  }
0x90: {  	s2 =	sld [smem:$0x3FC7]  }
0x91: {  	s18 =	sld [smem:$0x3FD0];
	(tm) =	ssettm $0x1  }
0x92: {  	s4 =	sld [smem:$0x3FFB];
	_ =	sdelay $0x3  }
0x93: {  	_ =	strace s4  }
0x94: {  	s4 =	sld [smem:$0x3FFC];
	_ =	sdelay $0x3  }
0x95: {  	_ =	strace s4  }
0x96: {  	s4 =	sld [smem:$0x3FFD];
	_ =	sdelay $0x3  }
0x97: {  	_ =	strace s4  }
0x98: {  	_ =	strace $0x8FFFFFFF  }
0x99: {  	s19 =	sld [smem:$0x3FDB];
	_ =	sdelay $0x1  }
0x9a: {  	s5 =	simm.s32 $_scs_section_size  }
0x9b: {  	s6 =	simm.s32 $_size__tile_overlayer_lowered;
	s7 =	simm.s32 $_tile_overlayer_lowered  }
0x9c: {  	s22 =	simm.s32 $0x1BFF;
	s21 =	sshll.u32 s7, $0x1;
	s4 =	sadd.s32 s5, s19  }
0x9d: {  	s8 =	simm.s32 $0x0;
	s20 =	sshll.u32 s6, $0x1;
	s6 =	sadd.s32 s21, s4  }
0x9e: {  	[timem:s8], [sflag:s22] =	dma.local [hbm:s6], s20  }
0x9f: {  	_ =	swait.ge [sflag:s22], s20  }
0xa0: {  	s5 =	ssub.s32 $0x0, s20;
	[sflag:s22] =	ssyncset.done $0x0  }
0xa1: {  	[sflag:s22] =	ssyncadd.s32 s5;
	_ =	sdelay $0x1  }
0xa2: {  	s23 =	simm.s32 $0x1B8B  }
0xa3: {  	_ =	swait.ge [sflag:s23], $0x1  }
0xa4: {  	[sflag:s23] =	ssyncset.done $0x0  }
0xa5: {  	s25 =	simm.s32 $0x1B8E;
	s24 =	sld [smem:$0x3FFE];
	[sflag:s23] =	ssyncadd.s32 $0xFFFFFFFF  }
0xa6: {  	s26 =	simm.s32 $execute0_lowered;
	[smem:$0x3FD2] =	sst s25  }
0xa7: {  	s6 =	sshll.u32 s26, $0x1;
	_ =	strace $0x80000046;
	[dreg:$0x1] =	wrdreg $0xFFFFFFFF  }
0xa8: {  	s28 =	simm.s32 $_size_execute0_lowered;
	s4 =	sadd.s32 s4, s6;
	[dreg:$0x0] =	wrdreg $0x0  }
0xa9: {  	s6 =	sshll.u32 s28, $0x1;
	[dreg:$0x2] =	wrdreg s4  }
0xaa: {  	[dreg:$0x3] =	wrdreg s6  }
0xab: {  	[dreg:$0x4] =	wrdreg $0xC0  }
0xac: {  	_ =	task [dreg:s8], $0x5FFFF  }
0xad: {  	[dreg:$0x1] =	wrdreg $0xFFFFFFFF  }
0xae: {  	[dreg:$0x0] =	wrdreg $0x60  }
0xaf: {  	[dreg:$0x2] =	wrdreg s2  }
0xb0: {  	[dreg:$0x3] =	wrdreg s24  }
0xb1: {  	[dreg:$0x4] =	wrdreg s18  }
0xb2: {  	[dreg:$0x5] =	wrdreg $0x9  }
0xb3: {  	_ =	task.clear_ibuf [dreg:s8], $0x6FFFF;
	_ =	strace $0x90000046  }
0xb4: {  	s29 =	simm.s32 $0x9;
	_ =	strace $0x80000048  }
0xb5: {  	_ =	swait.ge [sflag:s29], $0x1  }
0xb6: {  	[sflag:s29] =	ssyncadd.s32 $0xFFFFFFFF  }
0xb7: {  	_ =	strace $0x90000048  }
0xb8: {  	_ =	sfence  }
0xb9: {  	s30 =	sld [smem:$0x0];
	_ =	sdelay $0x2  }
0xba: {  	s31 =	sshll.u32 s1, $0xD;
	s1 =	sshrl.u32 s1, $0x2  }
0xbb: {  	s3 =	sand.u32 $0x4000, s31;
	s1 =	sadd.s32 s1, s30  }
0xbc: {  	s0 =	sor.u32 s3, s0;
	s1 =	sshll.u32 s1, $0x11  }
0xbd: {  	s0 =	sor.u32 s1, s0  }
0xbe: {  	s0 =	sadd.s32 $0x8F2B, s0  }
0xbf: {  	[sflag:s0] =	ssyncadd.remote.s32 $0x1  }
0xc0: {  	_ =	sfence.sel $0xFFFF  }
0xc1: {  	[dreg:$0x0] =	wrdreg $0xFFFFFFFF;
	(pc) =	sbr.abs _section_cstart, $3  }
0xc2: {  	[dreg:$0x1] =	wrdreg $0xFFFFFFFF  }
0xc3: {  	_ =	task.clear_ibuf [dreg:s8], $0x2FFFF;
	_ =	strace $0x9FFFFFFF  }
0xc4: {  	(tm) =	ssettm $0x7FFFFFFF  }
0xc5: {  	_ =	shalt  }
tec
execute0_lowered:
.L_overlay_start_1:
0x0: {  	(tag) =	ssettag $0x1  }
0x1: {  	v0 =	vimm.s32 $0x0;
	v12 =	vimm.s32 $0x1B;
	v13 =	vimm.s32 $0x1C  }
0x2: {  	v14 =	vimm.s32 $0x1D;
	v15 =	vimm.s32 $0x1E;
	v16 =	vimm.s32 $0x1F  }
0x3: {  	v17 =	vimm.s32 $0x20;
	v18 =	vimm.s32 $0x21;
	v19 =	vimm.s32 $0x22  }
0x4: {  	v20 =	vimm.s32 $0x23;
	v21 =	vimm.s32 $0x24;
	v22 =	vimm.s32 $0x25  }
0x5: {  	v23 =	vimm.s32 $0x26;
	v24 =	vimm.s32 $0x27;
	v25 =	vimm.s32 $0x28  }
0x6: {  	v26 =	vimm.s32 $0x29;
	v27 =	vimm.s32 $0x2A;
	v28 =	vimm.s32 $0x2B  }
0x7: {  	v29 =	vimm.s32 $0x2C;
	v30 =	vimm.s32 $0x2D;
	v31 =	vimm.s32 $0x2E  }
0x8: {  	v32 =	vimm.s32 $0x2F;
	v33 =	vimm.s32 $0x30;
	v34 =	vimm.s32 $0x31  }
0x9: {  	v35 =	vimm.s32 $0x32;
	v36 =	vimm.s32 $0x33;
	v37 =	vimm.s32 $0x34  }
0xa: {  	v38 =	vimm.s32 $0x35;
	v39 =	vimm.s32 $0x36;
	v40 =	vimm.s32 $0x37  }
0xb: {  	v41 =	vimm.s32 $0x38;
	v42 =	vimm.s32 $0x39;
	v43 =	vimm.s32 $0x3A  }
0xc: {  	s3 =	rddreg [dreg:$0x0];
	v44 =	vimm.s32 $0x3B;
	v45 =	vimm.s32 $0x3C;
	v46 =	vimm.s32 $0x3D  }
0xd: {  	s4 =	rddreg [dreg:$0x1];
	v47 =	vimm.s32 $0x3E;
	v48 =	vimm.s32 $0x3F;
	v49 =	vimm.s32 $0x40  }
0xe: {  	s5 =	rddreg [dreg:$0x2];
	v50 =	vimm.s32 $0x41;
	v51 =	vimm.s32 $0x42;
	v52 =	vimm.s32 $0x43  }
0xf: {  	s2 =	srdreg.scid;
	s0 =	stileid.u32;
	v53 =	vimm.s32 $0x44;
	v54 =	vimm.s32 $0x45;
	v55 =	vimm.s32 $0x46  }
0x10: {  	s1 =	rddreg [dreg:$0x3];
	v56 =	vimm.s32 $0x47;
	v57 =	vimm.s32 $0x48;
	v58 =	vimm.s32 $0x49;
	s6 =	sand.u32 $0x1, s2;
	s7 =	sshll.u32 s0, $0x1  }
0x11: {  	v59 =	vimm.s32 $0x4A;
	v60 =	vimm.s32 $0x4B;
	v61 =	vimm.s32 $0x4C;
	s10 =	simm.s32 $0x80;
	s2 =	simm.s32 $0x0;
	s7 =	sor.u32 s6, s7  }
0x12: {  	v62 =	vimm.s32 $0x4D;
	v63 =	vimm.s32 $0x4E;
	v1 =	vimm.s32 $0x4F;
	s6 =	ssub.s32 $0x2, s6;
	[smem:$0x7FF] =	sst s2;
	s8 =	sshll.u32 s7, $0x3  }
0x13: {  	vm3 =	vcmask $0x3F08;
	vm4 =	vcmask $0x3F0C;
	vm5 =	vcmask $0x3F10;
	s9 =	sshrl.u32 s6, $0x1;
	_ =	strace $0x80000047;
	s7 =	sshll.u32 s7, $0x4  }
0x14: {  	vm6 =	vcmask $0x3F14;
	vm7 =	vcmask $0x3F18;
	vm8 =	vcmask $0x3F1C;
	s4 =	sadd.s32 s8, s4;
	s6 =	ssub.s32 s6, s9;
	s3 =	sadd.s32 s3, s8  }
0x15: {  	vm9 =	vcmask $0x3F20;
	vm10 =	vcmask $0x3F24;
	vm11 =	vcmask $0x3F28;
	s5 =	sadd.s32 s5, s7;
	s7 =	simm.s32 $0x10;
	s8 =	simm.s32 $0x1  }
0x16: {  	vm12 =	vcmask $0x3F2C;
	vm13 =	vcmask $0x3F30;
	vm14 =	vcmask $0x3F34;
	s9 =	simm.s32 $0x100;
	s4 =	sadd.s32 $0x1400, s4;
	s6 =	smax.u32 s6, $0x1  }
.LBB2_1:
0x17: {  	[tilespmem:s7], [sflag:$0x1] =	stream.linear.gather [hbm4b:s3+s2], $0x40, $0x38;
	[tilespmem:$0x180] =	vst v63  }
0x18: {  	_ =	swait.ge [sflag:s8], $0x40  }
0x19: {  	[sflag:s8] =	ssyncset.done $0x0  }
0x1a: {  	v3 =	vimm.s32 $0x10;
	[sflag:s8] =	ssyncadd.s32 $0xFFFFFFC0  }
0x1b: {  	[tilespmem:$0x100] =	vst v0  }
0x1c: {  	[tilespmem:$0x110] =	vst v0  }
0x1d: {  	v4 =	vimm.s32 $0x11;
	[tilespmem:$0x120] =	vst v0  }
0x1e: {  	[tilespmem:$0x130] =	vst v0;
	v2 =	vld [tilespmem:$0x10]  }
0x1f: {  	v3 =	vld.idx.msk [tilespmem:v3+s2+$0x0], $0xffff;
	_ =	sdelay $0x2  }
0x20: {  	v5 =	vimm.s32 $0x12;
	v4 =	vld.idx.msk [tilespmem:v4+s2+$0x0], $0xffff;
	_ =	sdelay $0x1  }
0x21: {  	vm15 =	veq.s32 v2, v3;
	v3 =	vimm.s32 $0x13;
	_ =	sdelay $0x1  }
0x22: {  	vm2 =	vcmask $0x3F04;
	v6 =	vimm.s32 $0x14  }
0x23: {  	v5 =	vld.idx.msk [tilespmem:v5+s2+$0x0], $0xffff;
	vm1 =	veq.s32 v2, v4;
	vm0 =	vmand vm15, vm2  }
0x24: {  	v4 =	vsel vm0, $0x1, v0;
	vm0 =	vmand vm1, vm3  }
0x25: {  	v8 =	vsel vm0, $0x1, v0;
	v3 =	vld.idx.msk [tilespmem:v3+s2+$0x0], $0xffff  }
0x26: {  	v4 =	vadd.s32 v4, v8;
	v8 =	vimm.s32 $0x15  }
0x27: {  	v6 =	vld.idx.msk [tilespmem:v6+s2+$0x0], $0xffff  }
0x28: {  	vm0 =	veq.s32 v2, v5  }
0x29: {  	v10 =	vimm.s32 $0x16;
	v5 =	vsel vm1, $0x1, v0;
	vm1 =	vmand vm0, vm4  }
0x2a: {  	v7 =	vsel vm15, $0x1, v0;
	v11 =	vsel vm1, $0x1, v0;
	vm1 =	veq.s32 v2, v3  }
0x2b: {  	v5 =	vadd.s32 v7, v5;
	v9 =	vsel vm0, $0x1, v0;
	v8 =	vld.idx.msk [tilespmem:v8+s2+$0x0], $0xffff;
	vm0 =	vmand vm1, vm5  }
0x2c: {  	v3 =	vadd.s32 v11, v4;
	v11 =	vsel vm0, $0x1, v0;
	vm0 =	veq.s32 v2, v6  }
0x2d: {  	v4 =	vadd.s32 v9, v5;
	v9 =	vsel vm1, $0x1, v0;
	vm1 =	vmand vm0, vm6  }
0x2e: {  	v7 =	vld.idx.msk [tilespmem:v10+s2+$0x0], $0xffff;
	v10 =	vimm.s32 $0x17;
	v3 =	vadd.s32 v11, v3;
	v11 =	vsel vm1, $0x1, v0  }
0x2f: {  	v3 =	vadd.s32 v11, v3;
	v11 =	vimm.s32 $0x19  }
0x30: {  	vm1 =	veq.s32 v2, v8;
	v8 =	vimm.s32 $0x18;
	_ =	sdelay $0x2  }
0x31: {  	v6 =	vld.idx.msk [tilespmem:v10+s2+$0x0], $0xffff;
	v4 =	vadd.s32 v9, v4;
	v5 =	vsel vm0, $0x1, v0;
	vm0 =	vmand vm1, vm7  }
0x32: {  	v9 =	vsel vm0, $0x1, v0;
	vm0 =	veq.s32 v2, v7;
	v7 =	vld.idx.msk [tilespmem:v11+s2+$0x0], $0xffff;
	v11 =	vimm.s32 $0x1A  }
0x33: {  	v8 =	vld.idx.msk [tilespmem:v8+s2+$0x0], $0xffff  }
0x34: {  	vm2 =	vcmask $0x3F38;
	v4 =	vadd.s32 v5, v4;
	v10 =	vsel vm1, $0x1, v0  }
0x35: {  	v4 =	vadd.s32 v10, v4;
	v3 =	vadd.s32 v9, v3;
	vm1 =	vmand vm0, vm8  }
0x36: {  	v10 =	vsel vm0, $0x1, v0;
	v9 =	vsel vm1, $0x1, v0;
	vm1 =	veq.s32 v2, v6  }
0x37: {  	v4 =	vadd.s32 v10, v4;
	v3 =	vadd.s32 v9, v3;
	vm0 =	vmand vm1, vm9;
	v6 =	vld.idx.msk [tilespmem:v11+s2+$0x0], $0xffff  }
0x38: {  	v5 =	vsel vm1, $0x1, v0;
	v9 =	vsel vm0, $0x1, v0;
	vm0 =	veq.s32 v2, v8  }
0x39: {  	v4 =	vadd.s32 v5, v4;
	v3 =	vadd.s32 v9, v3;
	v8 =	vld.idx.msk [tilespmem:v12+s2+$0x0], $0xffff;
	vm1 =	vmand vm0, vm10  }
0x3a: {  	v11 =	vsel vm0, $0x1, v0;
	v10 =	vsel vm1, $0x1, v0;
	vm1 =	veq.s32 v2, v7  }
0x3b: {  	v7 =	vld.idx.msk [tilespmem:v13+s2+$0x0], $0xffff;
	v4 =	vadd.s32 v11, v4;
	v3 =	vadd.s32 v10, v3;
	vm0 =	vmand vm1, vm11  }
0x3c: {  	v10 =	vsel vm1, $0x1, v0;
	v9 =	vsel vm0, $0x1, v0;
	vm0 =	veq.s32 v2, v6  }
0x3d: {  	v4 =	vadd.s32 v10, v4;
	v3 =	vadd.s32 v9, v3;
	v6 =	vld.idx.msk [tilespmem:v14+s2+$0x0], $0xffff;
	vm1 =	vmand vm0, vm12  }
0x3e: {  	v9 =	vsel vm0, $0x1, v0;
	v11 =	vsel vm1, $0x1, v0;
	vm1 =	veq.s32 v2, v8  }
0x3f: {  	v4 =	vadd.s32 v9, v4;
	v3 =	vadd.s32 v11, v3;
	vm0 =	vmand vm1, vm13  }
0x40: {  	v5 =	vsel vm1, $0x1, v0;
	v10 =	vsel vm0, $0x1, v0;
	vm0 =	veq.s32 v2, v7;
	v7 =	vld.idx.msk [tilespmem:v15+s2+$0x0], $0xffff  }
0x41: {  	v8 =	vld.idx.msk [tilespmem:v16+s2+$0x0], $0xffff;
	v4 =	vadd.s32 v5, v4;
	v3 =	vadd.s32 v10, v3;
	vm1 =	vmand vm0, vm14  }
0x42: {  	v9 =	vsel vm0, $0x1, v0;
	v11 =	vsel vm1, $0x1, v0;
	vm1 =	veq.s32 v2, v6  }
0x43: {  	v4 =	vadd.s32 v9, v4;
	v3 =	vadd.s32 v11, v3;
	vm0 =	vmand vm1, vm2  }
0x44: {  	v6 =	vsel vm1, $0x1, v0;
	vm2 =	vcmask $0x3F3C;
	v10 =	vsel vm0, $0x1, v0  }
0x45: {  	v4 =	vadd.s32 v6, v4;
	v3 =	vadd.s32 v10, v3;
	vm0 =	veq.s32 v2, v7  }
0x46: {  	vm1 =	vmand vm0, vm2;
	v11 =	vsel vm0, $0x1, v0;
	vm0 =	veq.s32 v2, v8  }
0x47: {  	v9 =	vsel vm1, $0x1, v0;
	v4 =	vadd.s32 v11, v4;
	v10 =	vsel vm0, $0x1, v0  }
0x48: {  	v3 =	vadd.s32 v9, v3;
	v4 =	vadd.s32 v10, v4  }
0x49: {  	v11 =	vld.idx.msk [tilespmem:v2+s9+$0x0], $0xffff;
	v6 =	vsub.s32 v4, v3  }
0x4a: {  	vm0 =	veq.s32 v6, $0x1;
	_ =	sdelay $0x3  }
0x4b: {  	v3 =	vadd.s32 v11, v3  }
0x4c: {  	[tilespmem:$0x80] =	vst v3;
	v3 =	vadd.s32 v11, v4  }
0x4d: {  	[tilespmem:v2+s9+$0x0] =	vst.idx.msk vm0, v3  }
0x4e: {  	v2 =	vld [tilespmem:$0x20]  }
0x4f: {  	v3 =	vld.idx.msk [tilespmem:v17+s2+$0x0], $0xffff  }
0x50: {  	v8 =	vld.idx.msk [tilespmem:v18+s2+$0x0], $0xffff  }
0x51: {  	v5 =	vld.idx.msk [tilespmem:v19+s2+$0x0], $0xffff;
	_ =	sdelay $0x2  }
0x52: {  	vm2 =	vcmask $0x3F04;
	vm0 =	veq.s32 v2, v3;
	v3 =	vld.idx.msk [tilespmem:v20+s2+$0x0], $0xffff  }
0x53: {  	vm15 =	veq.s32 v2, v8;
	vm1 =	vmand vm0, vm2;
	v7 =	vsel vm0, $0x1, v0  }
0x54: {  	v6 =	vld.idx.msk [tilespmem:v21+s2+$0x0], $0xffff;
	vm0 =	veq.s32 v2, v5;
	v4 =	vsel vm1, $0x1, v0;
	vm1 =	vmand vm15, vm3  }
0x55: {  	v5 =	vsel vm15, $0x1, v0;
	v8 =	vsel vm1, $0x1, v0;
	vm1 =	vmand vm0, vm4  }
0x56: {  	v5 =	vadd.s32 v7, v5;
	v4 =	vadd.s32 v4, v8;
	v8 =	vld.idx.msk [tilespmem:v22+s2+$0x0], $0xffff;
	v9 =	vsel vm1, $0x1, v0  }
0x57: {  	v10 =	vsel vm0, $0x1, v0;
	vm1 =	veq.s32 v2, v3;
	v3 =	vadd.s32 v9, v4  }
0x58: {  	v7 =	vld.idx.msk [tilespmem:v23+s2+$0x0], $0xffff;
	v4 =	vadd.s32 v10, v5;
	vm0 =	vmand vm1, vm5;
	v9 =	vsel vm1, $0x1, v0  }
0x59: {  	v11 =	vsel vm0, $0x1, v0;
	vm0 =	veq.s32 v2, v6;
	v4 =	vadd.s32 v9, v4  }
0x5a: {  	v6 =	vld.idx.msk [tilespmem:v24+s2+$0x0], $0xffff;
	v3 =	vadd.s32 v11, v3;
	vm1 =	vmand vm0, vm6;
	v5 =	vsel vm0, $0x1, v0  }
0x5b: {  	v10 =	vsel vm1, $0x1, v0;
	vm1 =	veq.s32 v2, v8;
	v4 =	vadd.s32 v5, v4  }
0x5c: {  	v8 =	vld.idx.msk [tilespmem:v25+s2+$0x0], $0xffff;
	v3 =	vadd.s32 v10, v3;
	vm0 =	vmand vm1, vm7;
	v9 =	vsel vm1, $0x1, v0  }
0x5d: {  	v11 =	vsel vm0, $0x1, v0;
	vm0 =	veq.s32 v2, v7;
	v4 =	vadd.s32 v9, v4  }
0x5e: {  	v7 =	vld.idx.msk [tilespmem:v26+s2+$0x0], $0xffff;
	v3 =	vadd.s32 v11, v3;
	vm1 =	vmand vm0, vm8;
	v11 =	vsel vm0, $0x1, v0  }
0x5f: {  	v10 =	vsel vm1, $0x1, v0;
	vm1 =	veq.s32 v2, v6;
	v4 =	vadd.s32 v11, v4  }
0x60: {  	v6 =	vld.idx.msk [tilespmem:v27+s2+$0x0], $0xffff;
	v3 =	vadd.s32 v10, v3;
	vm0 =	vmand vm1, vm9;
	v5 =	vsel vm1, $0x1, v0  }
0x61: {  	v9 =	vsel vm0, $0x1, v0;
	vm0 =	veq.s32 v2, v8;
	v4 =	vadd.s32 v5, v4  }
0x62: {  	v8 =	vld.idx.msk [tilespmem:v28+s2+$0x0], $0xffff;
	v3 =	vadd.s32 v9, v3;
	vm1 =	vmand vm0, vm10;
	v11 =	vsel vm0, $0x1, v0  }
0x63: {  	v10 =	vsel vm1, $0x1, v0;
	vm1 =	veq.s32 v2, v7;
	v4 =	vadd.s32 v11, v4  }
0x64: {  	v7 =	vld.idx.msk [tilespmem:v29+s2+$0x0], $0xffff;
	v3 =	vadd.s32 v10, v3;
	vm0 =	vmand vm1, vm11;
	v10 =	vsel vm1, $0x1, v0  }
0x65: {  	v9 =	vsel vm0, $0x1, v0;
	vm0 =	veq.s32 v2, v6;
	v4 =	vadd.s32 v10, v4  }
0x66: {  	v6 =	vld.idx.msk [tilespmem:v30+s2+$0x0], $0xffff;
	v3 =	vadd.s32 v9, v3;
	vm1 =	vmand vm0, vm12;
	v9 =	vsel vm0, $0x1, v0  }
0x67: {  	v11 =	vsel vm1, $0x1, v0;
	vm1 =	veq.s32 v2, v8;
	v4 =	vadd.s32 v9, v4  }
0x68: {  	v3 =	vadd.s32 v11, v3;
	vm0 =	vmand vm1, vm13;
	v5 =	vsel vm1, $0x1, v0  }
0x69: {  	v10 =	vsel vm0, $0x1, v0;
	vm0 =	veq.s32 v2, v7;
	v7 =	vld.idx.msk [tilespmem:v31+s2+$0x0], $0xffff;
	v4 =	vadd.s32 v5, v4  }
0x6a: {  	v8 =	vld.idx.msk [tilespmem:v32+s2+$0x0], $0xffff;
	v3 =	vadd.s32 v10, v3;
	vm1 =	vmand vm0, vm14;
	v9 =	vsel vm0, $0x1, v0  }
0x6b: {  	vm0 =	vcmask $0x3F38;
	v11 =	vsel vm1, $0x1, v0;
	vm1 =	veq.s32 v2, v6  }
0x6c: {  	v4 =	vadd.s32 v9, v4;
	v3 =	vadd.s32 v11, v3;
	vm0 =	vmand vm1, vm0  }
0x6d: {  	v6 =	vsel vm1, $0x1, v0;
	vm1 =	vcmask $0x3F3C;
	v10 =	vsel vm0, $0x1, v0  }
0x6e: {  	v4 =	vadd.s32 v6, v4;
	v3 =	vadd.s32 v10, v3;
	vm0 =	veq.s32 v2, v7  }
0x6f: {  	vm1 =	vmand vm0, vm1;
	v11 =	vsel vm0, $0x1, v0;
	vm0 =	veq.s32 v2, v8  }
0x70: {  	v9 =	vsel vm1, $0x1, v0;
	v4 =	vadd.s32 v11, v4;
	v10 =	vsel vm0, $0x1, v0  }
0x71: {  	v3 =	vadd.s32 v9, v3;
	v4 =	vadd.s32 v10, v4  }
0x72: {  	v11 =	vld.idx.msk [tilespmem:v2+s9+$0x0], $0xffff;
	v6 =	vsub.s32 v4, v3  }
0x73: {  	vm0 =	veq.s32 v6, $0x1;
	_ =	sdelay $0x3  }
0x74: {  	v3 =	vadd.s32 v11, v3  }
0x75: {  	[tilespmem:$0x90] =	vst v3;
	v3 =	vadd.s32 v11, v4  }
0x76: {  	[tilespmem:v2+s9+$0x0] =	vst.idx.msk vm0, v3  }
0x77: {  	v2 =	vld [tilespmem:$0x30]  }
0x78: {  	v3 =	vld.idx.msk [tilespmem:v33+s2+$0x0], $0xffff  }
0x79: {  	v8 =	vld.idx.msk [tilespmem:v34+s2+$0x0], $0xffff;
	_ =	sdelay $0x1  }
0x7a: {  	v5 =	vld.idx.msk [tilespmem:v35+s2+$0x0], $0xffff;
	_ =	sdelay $0x1  }
0x7b: {  	vm0 =	veq.s32 v2, v3;
	v3 =	vld.idx.msk [tilespmem:v36+s2+$0x0], $0xffff  }
0x7c: {  	vm15 =	veq.s32 v2, v8;
	vm1 =	vmand vm0, vm2  }
0x7d: {  	v6 =	vld.idx.msk [tilespmem:v37+s2+$0x0], $0xffff;
	v4 =	vsel vm1, $0x1, v0;
	vm1 =	vmand vm15, vm3  }
0x7e: {  	v7 =	vsel vm0, $0x1, v0;
	vm0 =	veq.s32 v2, v5;
	v8 =	vsel vm1, $0x1, v0  }
0x7f: {  	vm1 =	vmand vm0, vm4;
	v4 =	vadd.s32 v4, v8;
	v8 =	vld.idx.msk [tilespmem:v38+s2+$0x0], $0xffff  }
0x80: {  	v5 =	vsel vm15, $0x1, v0;
	v9 =	vsel vm1, $0x1, v0;
	vm1 =	veq.s32 v2, v3  }
0x81: {  	v5 =	vadd.s32 v7, v5;
	v10 =	vsel vm0, $0x1, v0;
	v7 =	vld.idx.msk [tilespmem:v39+s2+$0x0], $0xffff;
	vm0 =	vmand vm1, vm5  }
0x82: {  	v3 =	vadd.s32 v9, v4;
	v11 =	vsel vm0, $0x1, v0;
	vm0 =	veq.s32 v2, v6  }
0x83: {  	v4 =	vadd.s32 v10, v5;
	v9 =	vsel vm1, $0x1, v0;
	v6 =	vld.idx.msk [tilespmem:v40+s2+$0x0], $0xffff;
	vm1 =	vmand vm0, vm6  }
0x84: {  	v4 =	vadd.s32 v9, v4;
	v10 =	vsel vm1, $0x1, v0;
	vm1 =	veq.s32 v2, v8  }
0x85: {  	v3 =	vadd.s32 v11, v3;
	v5 =	vsel vm0, $0x1, v0;
	v8 =	vld.idx.msk [tilespmem:v41+s2+$0x0], $0xffff;
	vm0 =	vmand vm1, vm7  }
0x86: {  	v4 =	vadd.s32 v5, v4;
	v11 =	vsel vm0, $0x1, v0;
	vm0 =	veq.s32 v2, v7  }
0x87: {  	v3 =	vadd.s32 v10, v3;
	v9 =	vsel vm1, $0x1, v0;
	v7 =	vld.idx.msk [tilespmem:v42+s2+$0x0], $0xffff;
	vm1 =	vmand vm0, vm8  }
0x88: {  	v4 =	vadd.s32 v9, v4;
	v10 =	vsel vm1, $0x1, v0;
	vm1 =	veq.s32 v2, v6  }
0x89: {  	v3 =	vadd.s32 v11, v3;
	v11 =	vsel vm0, $0x1, v0;
	v6 =	vld.idx.msk [tilespmem:v43+s2+$0x0], $0xffff;
	vm0 =	vmand vm1, vm9  }
0x8a: {  	v4 =	vadd.s32 v11, v4;
	v9 =	vsel vm0, $0x1, v0;
	vm0 =	veq.s32 v2, v8  }
0x8b: {  	v3 =	vadd.s32 v10, v3;
	v5 =	vsel vm1, $0x1, v0;
	vm1 =	vmand vm0, vm10  }
0x8c: {  	v8 =	vld.idx.msk [tilespmem:v44+s2+$0x0], $0xffff;
	v4 =	vadd.s32 v5, v4;
	v10 =	vsel vm1, $0x1, v0;
	vm1 =	veq.s32 v2, v7  }
0x8d: {  	v3 =	vadd.s32 v9, v3;
	v11 =	vsel vm0, $0x1, v0;
	vm0 =	vmand vm1, vm11  }
0x8e: {  	v7 =	vld.idx.msk [tilespmem:v45+s2+$0x0], $0xffff;
	v4 =	vadd.s32 v11, v4;
	v9 =	vsel vm0, $0x1, v0;
	vm0 =	veq.s32 v2, v6  }
0x8f: {  	v3 =	vadd.s32 v10, v3;
	v10 =	vsel vm1, $0x1, v0;
	vm1 =	vmand vm0, vm12  }
0x90: {  	v6 =	vld.idx.msk [tilespmem:v46+s2+$0x0], $0xffff;
	v4 =	vadd.s32 v10, v4;
	v3 =	vadd.s32 v9, v3;
	v11 =	vsel vm1, $0x1, v0  }
0x91: {  	vm1 =	veq.s32 v2, v8;
	v8 =	vsel vm0, $0x1, v0;
	v3 =	vadd.s32 v11, v3  }
0x92: {  	vm0 =	vmand vm1, vm13;
	v4 =	vadd.s32 v8, v4;
	v5 =	vsel vm1, $0x1, v0  }
0x93: {  	v9 =	vsel vm0, $0x1, v0;
	vm0 =	veq.s32 v2, v7;
	v7 =	vld.idx.msk [tilespmem:v47+s2+$0x0], $0xffff;
	v4 =	vadd.s32 v5, v4  }
0x94: {  	v8 =	vld.idx.msk [tilespmem:v48+s2+$0x0], $0xffff;
	v3 =	vadd.s32 v9, v3;
	vm1 =	vmand vm0, vm14;
	v11 =	vsel vm0, $0x1, v0  }
0x95: {  	vm0 =	vcmask $0x3F38;
	v10 =	vsel vm1, $0x1, v0;
	vm1 =	veq.s32 v2, v6  }
0x96: {  	v4 =	vadd.s32 v11, v4;
	v3 =	vadd.s32 v10, v3;
	vm0 =	vmand vm1, vm0  }
0x97: {  	v6 =	vsel vm1, $0x1, v0;
	vm1 =	vcmask $0x3F3C;
	v9 =	vsel vm0, $0x1, v0  }
0x98: {  	v4 =	vadd.s32 v6, v4;
	v3 =	vadd.s32 v9, v3;
	vm0 =	veq.s32 v2, v7  }
0x99: {  	vm1 =	vmand vm0, vm1;
	v10 =	vsel vm0, $0x1, v0;
	vm0 =	veq.s32 v2, v8  }
0x9a: {  	v11 =	vsel vm1, $0x1, v0;
	v4 =	vadd.s32 v10, v4;
	v8 =	vsel vm0, $0x1, v0  }
0x9b: {  	v3 =	vadd.s32 v11, v3;
	v4 =	vadd.s32 v8, v4  }
0x9c: {  	v9 =	vld.idx.msk [tilespmem:v2+s9+$0x0], $0xffff;
	v6 =	vsub.s32 v4, v3  }
0x9d: {  	vm0 =	veq.s32 v6, $0x1;
	_ =	sdelay $0x3  }
0x9e: {  	v3 =	vadd.s32 v9, v3  }
0x9f: {  	[tilespmem:$0xA0] =	vst v3;
	v3 =	vadd.s32 v9, v4  }
0xa0: {  	[tilespmem:v2+s9+$0x0] =	vst.idx.msk vm0, v3  }
0xa1: {  	v2 =	vld [tilespmem:$0x40]  }
0xa2: {  	v3 =	vld.idx.msk [tilespmem:v49+s2+$0x0], $0xffff  }
0xa3: {  	v10 =	vld.idx.msk [tilespmem:v50+s2+$0x0], $0xffff  }
0xa4: {  	v5 =	vld.idx.msk [tilespmem:v51+s2+$0x0], $0xffff  }
0xa5: {  	v6 =	vld.idx.msk [tilespmem:v52+s2+$0x0], $0xffff;
	_ =	sdelay $0x1  }
0xa6: {  	vm0 =	veq.s32 v2, v3  }
0xa7: {  	vm15 =	veq.s32 v2, v10;
	v3 =	vld.idx.msk [tilespmem:v53+s2+$0x0], $0xffff;
	vm1 =	vmand vm0, vm2;
	v7 =	vsel vm0, $0x1, v0  }
0xa8: {  	vm0 =	veq.s32 v2, v5;
	v9 =	vsel vm15, $0x1, v0;
	v4 =	vsel vm1, $0x1, v0  }
0xa9: {  	v5 =	vld.idx.msk [tilespmem:v54+s2+$0x0], $0xffff;
	vm1 =	vmand vm15, vm3;
	vm15 =	veq.s32 v2, v6;
	v10 =	vsel vm0, $0x1, v0  }
0xaa: {  	v8 =	vsel vm1, $0x1, v0;
	vm1 =	vmand vm0, vm4;
	vm0 =	vmand vm15, vm5  }
0xab: {  	v11 =	vld.idx.msk [tilespmem:v55+s2+$0x0], $0xffff;
	v6 =	vsel vm1, $0x1, v0;
	v4 =	vadd.s32 v4, v8;
	v8 =	vsel vm0, $0x1, v0  }
0xac: {  	vm0 =	veq.s32 v2, v3;
	v3 =	vadd.s32 v7, v9;
	v7 =	vsel vm15, $0x1, v0  }
0xad: {  	v9 =	vld.idx.msk [tilespmem:v56+s2+$0x0], $0xffff;
	v4 =	vadd.s32 v6, v4;
	vm1 =	vmand vm0, vm6;
	v3 =	vadd.s32 v10, v3  }
0xae: {  	v4 =	vadd.s32 v8, v4;
	v6 =	vsel vm1, $0x1, v0;
	vm1 =	veq.s32 v2, v5  }
0xaf: {  	v10 =	vld.idx.msk [tilespmem:v57+s2+$0x0], $0xffff;
	v5 =	vsel vm0, $0x1, v0;
	v3 =	vadd.s32 v7, v3;
	vm0 =	vmand vm1, vm7  }
0xb0: {  	v7 =	vsel vm1, $0x1, v0;
	v8 =	vsel vm0, $0x1, v0;
	vm0 =	veq.s32 v2, v11  }
0xb1: {  	v4 =	vadd.s32 v6, v4;
	v3 =	vadd.s32 v5, v3;
	v11 =	vld.idx.msk [tilespmem:v58+s2+$0x0], $0xffff;
	vm1 =	vmand vm0, vm8  }
0xb2: {  	v3 =	vadd.s32 v7, v3;
	v6 =	vsel vm1, $0x1, v0;
	vm1 =	veq.s32 v2, v9  }
0xb3: {  	v5 =	vsel vm0, $0x1, v0;
	v4 =	vadd.s32 v8, v4;
	v9 =	vld.idx.msk [tilespmem:v59+s2+$0x0], $0xffff;
	vm0 =	vmand vm1, vm9  }
0xb4: {  	v3 =	vadd.s32 v5, v3;
	v8 =	vsel vm0, $0x1, v0;
	vm0 =	veq.s32 v2, v10  }
0xb5: {  	v7 =	vsel vm1, $0x1, v0;
	v4 =	vadd.s32 v6, v4;
	v10 =	vld.idx.msk [tilespmem:v60+s2+$0x0], $0xffff;
	vm1 =	vmand vm0, vm10  }
0xb6: {  	v3 =	vadd.s32 v7, v3;
	v6 =	vsel vm1, $0x1, v0;
	vm1 =	veq.s32 v2, v11  }
0xb7: {  	v5 =	vsel vm0, $0x1, v0;
	v4 =	vadd.s32 v8, v4;
	v11 =	vld.idx.msk [tilespmem:v61+s2+$0x0], $0xffff;
	vm0 =	vmand vm1, vm11  }
0xb8: {  	v3 =	vadd.s32 v5, v3;
	v8 =	vsel vm0, $0x1, v0;
	vm0 =	veq.s32 v2, v9  }
0xb9: {  	v7 =	vsel vm1, $0x1, v0;
	v4 =	vadd.s32 v6, v4;
	v9 =	vld.idx.msk [tilespmem:v62+s2+$0x0], $0xffff;
	vm1 =	vmand vm0, vm12  }
0xba: {  	v3 =	vadd.s32 v7, v3;
	v6 =	vsel vm1, $0x1, v0;
	vm1 =	veq.s32 v2, v10  }
0xbb: {  	v5 =	vsel vm0, $0x1, v0;
	v4 =	vadd.s32 v8, v4;
	vm0 =	vmand vm1, vm13  }
0xbc: {  	v10 =	vld.idx.msk [tilespmem:v63+s2+$0x0], $0xffff;
	v3 =	vadd.s32 v5, v3;
	v8 =	vsel vm0, $0x1, v0;
	vm0 =	veq.s32 v2, v11  }
0xbd: {  	v7 =	vsel vm1, $0x1, v0;
	v4 =	vadd.s32 v6, v4;
	vm1 =	vmand vm0, vm14  }
0xbe: {  	v3 =	vadd.s32 v7, v3;
	v6 =	vsel vm1, $0x1, v0;
	vm1 =	veq.s32 v2, v9;
	v9 =	vld.idx.msk [tilespmem:v1+s2+$0x0], $0xffff  }
0xbf: {  	v5 =	vsel vm0, $0x1, v0;
	vm0 =	vcmask $0x3F38;
	v4 =	vadd.s32 v8, v4  }
0xc0: {  	v3 =	vadd.s32 v5, v3;
	vm0 =	vmand vm1, vm0;
	v7 =	vsel vm1, $0x1, v0  }
0xc1: {  	vm1 =	vcmask $0x3F3C;
	v8 =	vsel vm0, $0x1, v0;
	vm0 =	veq.s32 v2, v10  }
0xc2: {  	v4 =	vadd.s32 v6, v4;
	v3 =	vadd.s32 v7, v3;
	vm1 =	vmand vm0, vm1  }
0xc3: {  	v11 =	vsel vm0, $0x1, v0;
	v4 =	vadd.s32 v8, v4;
	vm0 =	veq.s32 v2, v9  }
0xc4: {  	v10 =	vsel vm1, $0x1, v0;
	v3 =	vadd.s32 v11, v3;
	v9 =	vsel vm0, $0x1, v0  }
0xc5: {  	v4 =	vadd.s32 v10, v4;
	v3 =	vadd.s32 v9, v3  }
0xc6: {  	v10 =	vld.idx.msk [tilespmem:v2+s9+$0x0], $0xffff;
	v11 =	vsub.s32 v3, v4  }
0xc7: {  	vm0 =	veq.s32 v11, $0x1;
	_ =	sdelay $0x3  }
0xc8: {  	v4 =	vadd.s32 v10, v4  }
0xc9: {  	v3 =	vadd.s32 v10, v3;
	[tilespmem:$0xB0] =	vst v4  }
0xca: {  	[tilespmem:v2+s9+$0x0] =	vst.idx.msk vm0, v3  }
0xcb: {  	[hbm4b:s4+s2] =	stream.linear.scatter [tilespmem:s10], [sflag:$0x1], $0x40, $0x38;
	[tilespmem:$0x180] =	vst v63  }
0xcc: {  	_ =	swait.ge [sflag:s8], $0x40  }
0xcd: {  	p0 =	sne.s32 s6, $0x1;
	[sflag:s8] =	ssyncset.done $0x0  }
.Ltmp0:
0xce: {  	[sflag:s8] =	ssyncadd.s32 $0xFFFFFFC0;
	(pc) =	sbr.rel @p0 .LBB2_1-.Ltmp0, $4  }
0xcf: {  	[hbm4b:s5+s2] =	stream.linear.scatter [tilespmem:s9], [sflag:$0x1], $0x80, $0x38;
	[tilespmem:$0x180] =	vst v63  }
0xd0: {  	_ =	swait.ge [sflag:s8], $0x80  }
0xd1: {  	[sflag:s8] =	ssyncset.done $0x0  }
0xd2: {  	s6 =	sadd.s32 $0xFFFFFFFF, s6;
	[sflag:s8] =	ssyncadd.s32 $0xFFFFFF80  }
0xd3: {  	_ =	sfence.sel $0x180000  }
0xd4: {  	[bflag:$0x0] =	sbarrier.arrive $0xFFFF  }
0xd5: {  	p0 =	sne.s32 s0, $0x0;
	_ =	strace $0x90000047  }
0xd6: {  	s0 =	sadd.s32 @!p0 $0x100000, s1;
	[bflag:$0x2] =	sbarrier.arrive $0xFFFF  }
0xd7: {  	[sflag:s0] =	ssyncadd.tile.s32 @!p0 $0x1;
	_ =	shalt  }
.Lfunc_end2:
_tile_overlayer_lowered:
.L_overlay_start_2:
0xd8: {  	(tag) =	ssettag $0x2  }
0xd9: {  	s0 =	rddreg [dreg:$0x0];
	s2 =	stileid.u32  }
0xda: {  	s1 =	rddreg [dreg:$0x1];
	p0 =	sne.s32 s2, $0x0  }
0xdb: {  	s3 =	rddreg [dreg:$0x2];
	[bflag:$0x3] =	sbarrier.arrive $0xFFFF;
	s2 =	simm.s32 @!p0 $0x1C01  }
0xdc: {  	[timem:s3], [sflag:s2] =	dma.local @!p0 [hbm:s0], s1  }
0xdd: {  	s0 =	simm.s32 @!p0 $0x1  }
0xde: {  	_ =	swait.ge @!p0 [sflag:s0], s1  }
0xdf: {  	s1 =	ssub.s32 @!p0 $0x0, s1;
	[sflag:s0] =	ssyncset.done @!p0 $0x0  }
0xe0: {  	[sflag:s0] =	ssyncadd.s32 @!p0 s1  }
0xe1: {  	[bflag:$0x3] =	sbarrier.arrive $0xFFFF  }
0xe2: {  	_ =	shalt  }

// kernel: kernel.9.cloned.1.call-start
scs
__scs_entry_jumppad:
0x0: {  	(pc) =	sbr.rel $0x88, $3  }
0x1: {  	(tag) =	ssettag $0x0;
	lr =	simm.s32 $0x1  }
0x2: {  	[smem:$0x3F9B] =	sst lr;
	_ =	strace $0xD0000000  }
0x3: {  	_ = 	snop  }
0x4: {  	_ = 	snop  }
0x5: {  	_ = 	snop  }
0x6: {  	_ = 	snop  }
0x7: {  	_ = 	snop  }
__scs_overlays_trampoline_lowered:
0x8: {  	[smem:$0x3FAA] =	sst s0  }
0x9: {  	[smem:$0x3FAB] =	sst s1  }
0xa: {  	[smem:$0x3FAC] =	sst s2  }
0xb: {  	[smem:$0x3FAD] =	sst s3  }
0xc: {  	[smem:$0x3FAE] =	sst s4  }
0xd: {  	[smem:$0x3FAF] =	sst s5  }
0xe: {  	[smem:$0x3FB0] =	sst s6  }
0xf: {  	[smem:$0x3FB1] =	sst s7  }
0x10: {  	[smem:$0x3FB2] =	sst s8  }
0x11: {  	[smem:$0x3FB3] =	sst s9;
	s0 =	simm.s32 @!p0 $0x0  }
0x12: {  	s1 =	sld [smem:$0x3F99];
	s0 =	simm.s32 @p0 $0x1  }
0x13: {  	[smem:$0x3FB4] =	sst s0;
	s0 =	simm.s32 @!p1 $0x0  }
0x14: {  	s2 =	sld [smem:$0x3F98];
	s0 =	simm.s32 @p1 $0x1  }
0x15: {  	[smem:$0x3FB5] =	sst s0;
	s0 =	simm.s32 @!p2 $0x0  }
0x16: {  	s3 =	sld [smem:$0x3FDB];
	s0 =	simm.s32 @p2 $0x1  }
0x17: {  	s4 =	simm.s32 $0x1BF5;
	[smem:$0x3FB7] =	sst s0  }
0x18: {  	s0 =	sld [smem:$0x3F9A];
	_ =	swait.ge [sflag:s4], $0x0  }
0x19: {  	s7 =	sld [smem:$0x3F9B]  }
0x1a: {  	s8 =	sadd.s32 $0xFFFFE003, lr  }
0x1b: {  	s9 =	sadd.s32 $0xFFFFFEF7, lr;
	s5 =	simm.s32 $0xFFFFFFFF;
	p2 =	slt.u32 s8, $0xFFFFF086  }
0x1c: {  	p1 =	slt.u32 s9, $0xF7A;
	s5 =	simm.s32 @!p2 $0x0  }
0x1d: {  	s5 =	simm.s32 @p1 $0x1;
	p0 =	seq.s32 s7, s2  }
0x1e: {  	s7 =	smul.u32 @!p0 $0xF7A, s2;
	p2 =	seq.s32 @!p0 s5, $0x0  }
0x1f: {  	s9 =	smul.u32 $0xF7A, s1;
	s8 =	simm.s32 @!p0 $0x1BF5;
	p2 =	por !p2, p0  }
0x20: {  	[sflag:s8] =	ssyncset.s32 @!p0 $0xFFFFF086;
	s6 =	sadd.s32 @!p0 s3, s7;
	s7 =	simm.s32 @!p0 $0x108  }
0x21: {  	s3 =	sadd.s32 s3, s9;
	s6 =	sadd.s32 @!p0 $0x88, s6;
	s7 =	simm.s32 @p2 $0x1082  }
0x22: {  	[simem:s7], [sflag:s8] =	dma.local @!p0 [hbm:s6], $0xF7A  }
0x23: {  	s9 =	sor.u32 $0xD0000000, s2;
	s6 =	simm.s32 $0x108;
	_ =	swait.ge @!p0 [sflag:s8], $0x0  }
0x24: {  	s3 =	sadd.s32 $0x88, s3;
	s6 =	simm.s32 @!p1 $0x1082;
	[sflag:s4] =	ssyncset.s32 $0xFFFFF086  }
0x25: {  	[simem:s6], [sflag:s4] =	dma.local [hbm:s3], $0xF7A  }
0x26: {  	[smem:$0x3F9B] =	sst s1;
	(tag) =	ssettag s2;
	_ =	strace s9  }
0x27: {  	s1 =	sld [smem:$0x3FAB]  }
0x28: {  	s2 =	sld [smem:$0x3FAC]  }
0x29: {  	s4 =	sld [smem:$0x3FAE]  }
0x2a: {  	p0 =	seq.s32 s5, $0x0;
	s5 =	sld [smem:$0x3FAF]  }
0x2b: {  	s6 =	sld [smem:$0x3FB0]  }
0x2c: {  	s7 =	sld [smem:$0x3FB1]  }
0x2d: {  	s3 =	simm.s32 $0x108;
	s8 =	sld [smem:$0x3FB2]  }
0x2e: {  	s3 =	simm.s32 @!p0 $0x1082;
	s9 =	sld [smem:$0x3FB3]  }
0x2f: {  	lr =	sadd.s32 s0, s3;
	s0 =	sld [smem:$0x3FAA]  }
0x30: {  	s3 =	sld [smem:$0x3FAD]  }
0x31: {  	[smem:$0x3FB6] =	sst s10  }
0x32: {  	s10 =	sld [smem:$0x3FB4];
	_ =	sdelay $0x3  }
0x33: {  	p0 =	seq.s32 s10, $0x1;
	s10 =	sld [smem:$0x3FB6];
	_ =	sdelay $0x3  }
0x34: {  	[smem:$0x3FB6] =	sst s10  }
0x35: {  	s10 =	sld [smem:$0x3FB5];
	_ =	sdelay $0x3  }
0x36: {  	p1 =	seq.s32 s10, $0x1;
	s10 =	sld [smem:$0x3FB6];
	_ =	sdelay $0x3  }
0x37: {  	[smem:$0x3FB6] =	sst s10  }
0x38: {  	s10 =	sld [smem:$0x3FB7]  }
0x39: {  	_ = 	snop;
	(pc) =	sbr.ind lr, $3  }
0x3a: {  	_ = 	snop  }
0x3b: {  	_ = 	snop  }
0x3c: {  	p2 =	seq.s32 s10, $0x1;
	s10 =	sld [smem:$0x3FB6]  }
0x3d: {  	_ =	shalt  }
0x3e: {  	_ =	shalt  }
0x3f: {  	_ =	shalt  }
0x40: {  	_ =	shalt  }
0x41: {  	_ =	shalt  }
0x42: {  	_ =	shalt  }
0x43: {  	_ =	shalt  }
0x44: {  	_ =	shalt  }
0x45: {  	_ =	shalt  }
0x46: {  	_ =	shalt  }
0x47: {  	_ =	shalt  }
0x48: {  	_ =	shalt  }
0x49: {  	_ =	shalt  }
0x4a: {  	_ =	shalt  }
0x4b: {  	_ =	shalt  }
0x4c: {  	_ =	shalt  }
0x4d: {  	_ =	shalt  }
0x4e: {  	_ =	shalt  }
0x4f: {  	_ =	shalt  }
0x50: {  	_ =	shalt  }
0x51: {  	_ =	shalt  }
0x52: {  	_ =	shalt  }
0x53: {  	_ =	shalt  }
0x54: {  	_ =	shalt  }
0x55: {  	_ =	shalt  }
0x56: {  	_ =	shalt  }
0x57: {  	_ =	shalt  }
0x58: {  	_ =	shalt  }
0x59: {  	_ =	shalt  }
0x5a: {  	_ =	shalt  }
0x5b: {  	_ =	shalt  }
0x5c: {  	_ =	shalt  }
0x5d: {  	_ =	shalt  }
0x5e: {  	_ =	shalt  }
0x5f: {  	_ =	shalt  }
0x60: {  	_ =	shalt  }
0x61: {  	_ =	shalt  }
0x62: {  	_ =	shalt  }
0x63: {  	_ =	shalt  }
0x64: {  	_ =	shalt  }
0x65: {  	_ =	shalt  }
0x66: {  	_ =	shalt  }
0x67: {  	_ =	shalt  }
0x68: {  	_ =	shalt  }
0x69: {  	_ =	shalt  }
0x6a: {  	_ =	shalt  }
0x6b: {  	_ =	shalt  }
0x6c: {  	_ =	shalt  }
0x6d: {  	_ =	shalt  }
0x6e: {  	_ =	shalt  }
0x6f: {  	_ =	shalt  }
0x70: {  	_ =	shalt  }
0x71: {  	_ =	shalt  }
0x72: {  	_ =	shalt  }
0x73: {  	_ =	shalt  }
0x74: {  	_ =	shalt  }
0x75: {  	_ =	shalt  }
0x76: {  	_ =	shalt  }
0x77: {  	_ =	shalt  }
0x78: {  	_ =	shalt  }
0x79: {  	_ =	shalt  }
0x7a: {  	_ =	shalt  }
0x7b: {  	_ =	shalt  }
0x7c: {  	_ =	shalt  }
0x7d: {  	_ =	shalt  }
0x7e: {  	_ =	shalt  }
0x7f: {  	_ =	shalt  }
0x80: {  	_ =	shalt  }
0x81: {  	_ =	shalt  }
0x82: {  	_ =	shalt  }
0x83: {  	_ =	shalt  }
0x84: {  	_ =	shalt  }
0x85: {  	_ =	shalt  }
0x86: {  	_ =	shalt  }
0x87: {  	_ =	shalt  }
.Lfunc_end0:
.L_simem_size_0:
called_computation.1_lowered:
.L_overlay_start_0:
0x88: {  	s2 =	sld [smem:$0x3FD9]  }
0x89: {  	s3 =	sld [smem:$0x3FFE];
	_ =	sdelay $0x1  }
0x8a: {  	s1 =	srdreg.scid  }
0x8b: {  	s0 =	sand.u32 $0x1, s1  }
0x8c: {  	s17 =	sshll.u32 s0, $0xA;
	s2 =	sadd.s32 s3, s2  }
0x8d: {  	s2 =	sadd.s32 s2, s17  }
0x8e: {  	[smem:$0x3FC2] =	sst s2  }
0x8f: {  	_ = 	snop  }
0x90: {  	s2 =	sld [smem:$0x3FC9]  }
0x91: {  	s18 =	sld [smem:$0x3FC8]  }
0x92: {  	s4 =	sld [smem:$0x3FC7]  }
0x93: {  	s5 =	sld [smem:$0x3FD0];
	(tm) =	ssettm $0x1  }
0x94: {  	s6 =	sld [smem:$0x3FFB];
	_ =	sdelay $0x3  }
0x95: {  	_ =	strace s6  }
0x96: {  	s6 =	sld [smem:$0x3FFC];
	_ =	sdelay $0x3  }
0x97: {  	_ =	strace s6  }
0x98: {  	s6 =	sld [smem:$0x3FFD];
	_ =	sdelay $0x3  }
0x99: {  	_ =	strace s6  }
0x9a: {  	_ =	strace $0x8FFFFFFF  }
0x9b: {  	s19 =	sld [smem:$0x3FDB];
	_ =	sdelay $0x1  }
0x9c: {  	s7 =	simm.s32 $_scs_section_size  }
0x9d: {  	s8 =	simm.s32 $_size__tile_overlayer_lowered;
	s9 =	simm.s32 $_tile_overlayer_lowered  }
0x9e: {  	s22 =	simm.s32 $0x1BFF;
	s21 =	sshll.u32 s9, $0x1;
	s6 =	sadd.s32 s7, s19  }
0x9f: {  	s10 =	simm.s32 $0x0;
	s20 =	sshll.u32 s8, $0x1;
	s8 =	sadd.s32 s21, s6  }
0xa0: {  	[timem:s10], [sflag:s22] =	dma.local [hbm:s8], s20  }
0xa1: {  	_ =	swait.ge [sflag:s22], s20  }
0xa2: {  	s7 =	ssub.s32 $0x0, s20;
	[sflag:s22] =	ssyncset.done $0x0  }
0xa3: {  	[sflag:s22] =	ssyncadd.s32 s7;
	_ =	sdelay $0x1  }
0xa4: {  	s23 =	simm.s32 $0x1B8B  }
0xa5: {  	_ =	swait.ge [sflag:s23], $0x1  }
0xa6: {  	[sflag:s23] =	ssyncset.done $0x0  }
0xa7: {  	s25 =	simm.s32 $0x1B8E;
	s24 =	sld [smem:$0x3FFE];
	[sflag:s23] =	ssyncadd.s32 $0xFFFFFFFF  }
0xa8: {  	s26 =	simm.s32 $execute0_lowered;
	[smem:$0x3FD2] =	sst s25  }
0xa9: {  	s8 =	sshll.u32 s26, $0x1;
	_ =	strace $0x80000049;
	[dreg:$0x1] =	wrdreg $0xFFFFFFFF  }
0xaa: {  	s28 =	simm.s32 $_size_execute0_lowered;
	s6 =	sadd.s32 s6, s8;
	[dreg:$0x0] =	wrdreg $0x0  }
0xab: {  	s8 =	sshll.u32 s28, $0x1;
	[dreg:$0x2] =	wrdreg s6  }
0xac: {  	[dreg:$0x3] =	wrdreg s8  }
0xad: {  	[dreg:$0x4] =	wrdreg $0xC0  }
0xae: {  	_ =	task [dreg:s10], $0x5FFFF  }
0xaf: {  	[dreg:$0x1] =	wrdreg $0xFFFFFFFF  }
0xb0: {  	[dreg:$0x0] =	wrdreg $0x60  }
0xb1: {  	[dreg:$0x2] =	wrdreg s4  }
0xb2: {  	[dreg:$0x3] =	wrdreg s24  }
0xb3: {  	[dreg:$0x4] =	wrdreg s5  }
0xb4: {  	[dreg:$0x5] =	wrdreg s2  }
0xb5: {  	[dreg:$0x6] =	wrdreg s18  }
0xb6: {  	[dreg:$0x7] =	wrdreg $0x9  }
0xb7: {  	_ =	task.clear_ibuf [dreg:s10], $0x8FFFF;
	_ =	strace $0x90000049  }
0xb8: {  	s29 =	simm.s32 $0x9;
	_ =	strace $0x8000004B  }
0xb9: {  	_ =	swait.ge [sflag:s29], $0x1  }
0xba: {  	[sflag:s29] =	ssyncadd.s32 $0xFFFFFFFF  }
0xbb: {  	_ =	strace $0x9000004B  }
0xbc: {  	_ =	sfence  }
0xbd: {  	s30 =	sld [smem:$0x0];
	_ =	sdelay $0x2  }
0xbe: {  	s31 =	sshll.u32 s1, $0xD;
	s1 =	sshrl.u32 s1, $0x2  }
0xbf: {  	s3 =	sand.u32 $0x4000, s31;
	s1 =	sadd.s32 s1, s30  }
0xc0: {  	s0 =	sor.u32 s3, s0;
	s1 =	sshll.u32 s1, $0x11  }
0xc1: {  	s0 =	sor.u32 s1, s0  }
0xc2: {  	s0 =	sadd.s32 $0x8F2B, s0  }
0xc3: {  	[sflag:s0] =	ssyncadd.remote.s32 $0x1  }
0xc4: {  	_ =	sfence.sel $0xFFFF  }
0xc5: {  	[dreg:$0x0] =	wrdreg $0xFFFFFFFF;
	(pc) =	sbr.abs _section_cstart, $3  }
0xc6: {  	[dreg:$0x1] =	wrdreg $0xFFFFFFFF  }
0xc7: {  	_ =	task.clear_ibuf [dreg:s10], $0x2FFFF;
	_ =	strace $0x9FFFFFFF  }
0xc8: {  	(tm) =	ssettm $0x7FFFFFFF  }
0xc9: {  	_ =	shalt  }
tec
execute0_lowered:
.L_overlay_start_1:
0x0: {  	(tag) =	ssettag $0x1  }
0x1: {  	s0 =	rddreg [dreg:$0x0]  }
0x2: {  	s3 =	srdreg.scid;
	s18 =	stileid.u32  }
0x3: {  	s1 =	rddreg [dreg:$0x1];
	s5 =	sand.u32 $0x1, s3;
	s6 =	sshll.u32 s18, $0x1  }
0x4: {  	s2 =	rddreg [dreg:$0x3];
	s17 =	sor.u32 s5, s6  }
0x5: {  	s4 =	rddreg [dreg:$0x4];
	s3 =	simm.s32 $0x0;
	s10 =	sshll.u32 s17, $0x3  }
0x6: {  	[smem:$0x7FF] =	sst s3;
	p0 =	seq.s32 s17, $0x0;
	s0 =	sadd.s32 s0, s10  }
0x7: {  	_ =	strace $0x8000004A;
	[dreg:$0x7] =	wrdreg s0;
	s0 =	simm.s32 @!p0 $0x0  }
0x8: {  	s0 =	simm.s32 @p0 $0x1;
	p0 =	slt.u32 s17, $0x3  }
0x9: {  	[smem:$0x7DE] =	sst s0;
	s0 =	simm.s32 @!p0 $0x0  }
0xa: {  	s0 =	simm.s32 @p0 $0x1;
	p0 =	slt.u32 s17, $0x5  }
0xb: {  	[smem:$0x7DF] =	sst s0;
	s0 =	simm.s32 @!p0 $0x0  }
0xc: {  	s0 =	simm.s32 @p0 $0x1;
	p0 =	slt.u32 s17, $0x7  }
0xd: {  	[smem:$0x7E0] =	sst s0;
	s0 =	simm.s32 @!p0 $0x0  }
0xe: {  	s0 =	simm.s32 @p0 $0x1;
	p0 =	slt.u32 s17, $0x9  }
0xf: {  	[smem:$0x7E1] =	sst s0;
	s0 =	simm.s32 @!p0 $0x0  }
0x10: {  	s0 =	simm.s32 @p0 $0x1;
	p0 =	slt.u32 s17, $0xB  }
0x11: {  	[smem:$0x7E2] =	sst s0;
	s0 =	simm.s32 @!p0 $0x0  }
0x12: {  	s0 =	simm.s32 @p0 $0x1;
	p0 =	slt.u32 s17, $0xD  }
0x13: {  	[smem:$0x7E3] =	sst s0;
	s0 =	simm.s32 @!p0 $0x0  }
0x14: {  	s0 =	simm.s32 @p0 $0x1;
	p0 =	slt.u32 s17, $0xF  }
0x15: {  	[smem:$0x7E4] =	sst s0;
	s0 =	simm.s32 @!p0 $0x0  }
0x16: {  	s0 =	simm.s32 @p0 $0x1;
	p0 =	slt.u32 s17, $0x11  }
0x17: {  	[smem:$0x7E5] =	sst s0;
	s0 =	simm.s32 @!p0 $0x0  }
0x18: {  	s0 =	simm.s32 @p0 $0x1;
	p0 =	slt.u32 s17, $0x13  }
0x19: {  	[smem:$0x7E6] =	sst s0;
	s0 =	simm.s32 @!p0 $0x0  }
0x1a: {  	s0 =	simm.s32 @p0 $0x1;
	p0 =	slt.u32 s17, $0x15  }
0x1b: {  	[smem:$0x7E7] =	sst s0;
	s0 =	simm.s32 @!p0 $0x0  }
0x1c: {  	s0 =	simm.s32 @p0 $0x1;
	p0 =	slt.u32 s17, $0x17  }
0x1d: {  	[smem:$0x7E8] =	sst s0;
	s0 =	simm.s32 @!p0 $0x0  }
0x1e: {  	s0 =	simm.s32 @p0 $0x1;
	p0 =	slt.u32 s17, $0x19  }
0x1f: {  	[smem:$0x7E9] =	sst s0;
	s0 =	simm.s32 @!p0 $0x0  }
0x20: {  	s0 =	simm.s32 @p0 $0x1;
	p0 =	slt.u32 s17, $0x1B  }
0x21: {  	[smem:$0x7EA] =	sst s0;
	s0 =	simm.s32 @!p0 $0x0  }
0x22: {  	s0 =	simm.s32 @p0 $0x1;
	p0 =	slt.u32 s17, $0x1D  }
0x23: {  	[smem:$0x7EB] =	sst s0;
	s0 =	simm.s32 @!p0 $0x0  }
0x24: {  	s0 =	simm.s32 @p0 $0x1;
	p0 =	sne.s32 s17, $0x1F  }
0x25: {  	[smem:$0x7EC] =	sst s0;
	s0 =	simm.s32 @!p0 $0x0  }
0x26: {  	s0 =	simm.s32 @p0 $0x1;
	p0 =	sne.s32 s17, $0x0  }
0x27: {  	[smem:$0x7ED] =	sst s0;
	s0 =	simm.s32 @!p0 $0x0  }
0x28: {  	s0 =	simm.s32 @p0 $0x1;
	p0 =	seq.s32 s18, $0x0  }
0x29: {  	[smem:$0x7EE] =	sst s0;
	s0 =	simm.s32 @!p0 $0x0  }
0x2a: {  	s16 =	simm.s32 $0x2;
	s0 =	simm.s32 @p0 $0x1;
	p0 =	slt.u32 s18, $0x2  }
0x2b: {  	s19 =	simm.s32 $0x1300;
	[smem:$0x7EF] =	sst s0;
	s0 =	simm.s32 @!p0 $0x0  }
0x2c: {  	s20 =	simm.s32 $0x1180;
	s0 =	simm.s32 @p0 $0x1;
	p0 =	slt.u32 s18, $0x3  }
0x2d: {  	s22 =	simm.s32 $0x1400;
	[smem:$0x7F0] =	sst s0;
	s0 =	simm.s32 @!p0 $0x0  }
0x2e: {  	s28 =	simm.s32 $0xA400;
	s0 =	simm.s32 @p0 $0x1;
	p0 =	slt.u32 s18, $0x4  }
0x2f: {  	s29 =	simm.s32 $0xC800;
	[smem:$0x7F1] =	sst s0;
	s0 =	simm.s32 @!p0 $0x0  }
0x30: {  	s30 =	simm.s32 $0xEC00;
	s0 =	simm.s32 @p0 $0x1;
	p0 =	slt.u32 s18, $0x5  }
0x31: {  	s31 =	simm.s32 $0x11000;
	[smem:$0x7F2] =	sst s0;
	s0 =	simm.s32 @!p0 $0x0  }
0x32: {  	s25 =	sadd.s32 $0x1600, s1;
	s0 =	simm.s32 @p0 $0x1;
	p0 =	slt.u32 s18, $0x6  }
0x33: {  	s11 =	sadd.s32 $0x1900, s1;
	[smem:$0x7F3] =	sst s0;
	s0 =	simm.s32 @!p0 $0x0  }
0x34: {  	s12 =	sadd.s32 $0x1A00, s1;
	s0 =	simm.s32 @p0 $0x1;
	p0 =	slt.u32 s18, $0x7  }
0x35: {  	s13 =	sadd.s32 $0x1B00, s1;
	[smem:$0x7F4] =	sst s0;
	s0 =	simm.s32 @!p0 $0x0  }
0x36: {  	s14 =	sadd.s32 $0x1C00, s1;
	s0 =	simm.s32 @p0 $0x1;
	p0 =	slt.u32 s18, $0x8  }
0x37: {  	s24 =	ssub.s32 $0x2, s5;
	[smem:$0x7F5] =	sst s0;
	s0 =	simm.s32 @!p0 $0x0  }
0x38: {  	s5 =	sadd.s32 $0x1800, s1;
	s0 =	simm.s32 @p0 $0x1;
	p0 =	slt.u32 s18, $0x9  }
0x39: {  	s7 =	sshrl.u32 s24, $0x1;
	[smem:$0x7F6] =	sst s0;
	s0 =	simm.s32 @!p0 $0x0  }
0x3a: {  	[dreg:$0x6] =	wrdreg s25;
	s0 =	simm.s32 @p0 $0x1;
	p0 =	slt.u32 s18, $0xA  }
0x3b: {  	s26 =	sshll.u32 s17, $0xD;
	[smem:$0x7F7] =	sst s0;
	s0 =	simm.s32 @!p0 $0x0  }
0x3c: {  	s25 =	simm.s32 $0x5C00;
	s0 =	simm.s32 @p0 $0x1;
	p0 =	slt.u32 s18, $0xB  }
0x3d: {  	s8 =	sadd.s32 s10, s1;
	[smem:$0x7F8] =	sst s0;
	s0 =	simm.s32 @!p0 $0x0  }
0x3e: {  	s15 =	ssub.s32 s24, s7;
	s0 =	simm.s32 @p0 $0x1;
	p0 =	slt.u32 s18, $0xC  }
0x3f: {  	s9 =	sadd.s32 s2, s26;
	[smem:$0x7F9] =	sst s0;
	s0 =	simm.s32 @!p0 $0x0  }
0x40: {  	s10 =	sadd.s32 s4, s10;
	s0 =	simm.s32 @p0 $0x1;
	p0 =	slt.u32 s18, $0xD  }
0x41: {  	s24 =	simm.s32 $0x3800;
	[smem:$0x7FA] =	sst s0;
	s0 =	simm.s32 @!p0 $0x0  }
0x42: {  	s26 =	simm.s32 $0x8000;
	s0 =	simm.s32 @p0 $0x1;
	p0 =	slt.u32 s18, $0xE  }
0x43: {  	s2 =	simm.s32 $0x13400;
	[smem:$0x7FB] =	sst s0;
	s0 =	simm.s32 @!p0 $0x0  }
0x44: {  	s7 =	sadd.s32 $0x1400, s8;
	s0 =	simm.s32 @p0 $0x1;
	p0 =	sne.s32 s18, $0xF  }
0x45: {  	v0 =	vimm.s32 $0x0;
	s8 =	sadd.s32 $0x49800, s8;
	[smem:$0x7FC] =	sst s0;
	s0 =	simm.s32 @!p0 $0x0  }
0x46: {  	vm0 =	vcmask $0x300;
	v1 =	vimm.s32 $0xF;
	v3 =	vlaneseq.u32;
	s15 =	smax.u32 s15, $0x1;
	s23 =	sadd.s32 $0x400, s9;
	s0 =	simm.s32 @p0 $0x1  }
0x47: {  	vm1 =	vmmov $0xff;
	v2 =	vsel vm0, $0x800, v0;
	vm0 =	vmmov $0xffff;
	s17 =	simm.s32 $0x1;
	s18 =	simm.s32 $0x0;
	[smem:$0x7FD] =	sst s0  }
.LBB2_1:
0x48: {  	s0 =	rddreg [dreg:$0x7]  }
0x49: {  	[tilespmem:s3], [sflag:$0x2] =	stream.linear.gather [hbm4b:s0+s3], $0x40, $0x38;
	[tilespmem:$0x13480] =	vst v63  }
0x4a: {  	_ =	swait.ge [sflag:s16], $0x40  }
0x4b: {  	[sflag:s16] =	ssyncset.done $0x0  }
0x4c: {  	s4 =	simm.s32 $0x80;
	[sflag:s16] =	ssyncadd.s32 $0xFFFFFFC0  }
0x4d: {  	[tilespmem:s4], [sflag:$0x2] =	stream.linear.gather [hbm4b:s7+s3], $0x40, $0x38;
	[tilespmem:$0x13480] =	vst v63  }
0x4e: {  	_ =	swait.ge [sflag:s16], $0x40  }
0x4f: {  	[sflag:s16] =	ssyncset.done $0x0  }
0x50: {  	[sflag:s16] =	ssyncadd.s32 $0xFFFFFFC0  }
0x51: {  	s1 =	simm.s32 $0x180;
	s6 =	rddreg [dreg:$0x2]  }
0x52: {  	[tilespmem:s1], [sflag:$0x2] =	stream.linear.gather [hbm4b:s6+s3], $0x1000, $0x38;
	[tilespmem:$0x13480] =	vst v63  }
0x53: {  	_ =	swait.ge [sflag:s16], $0x1000  }
0x54: {  	[sflag:s16] =	ssyncset.done $0x0  }
0x55: {  	[sflag:s16] =	ssyncadd.s32 $0xFFFFF000  }
0x56: {  	v4 =	vld [tilespmem:$0x180]  }
0x57: {  	s21 =	sld [smem:$0x7DE];
	v5 =	vld [tilespmem:$0x200]  }
0x58: {  	s1 =	sld [smem:$0x7EF]  }
0x59: {  	v6 =	vld [tilespmem:$0x280]  }
0x5a: {  	s4 =	sld [smem:$0x7DF];
	p0 =	seq.s32 s21, $0x1  }
0x5b: {  	v8 =	vld [tilespmem:$0x300];
	p2 =	seq.s32 s1, $0x1;
	v7 =	vpsel p0, $0x0, v4  }
0x5c: {  	s6 =	sld [smem:$0x7F0];
	v9 =	vadd.s32 @!p2 v7, v5  }
0x5d: {  	v11 =	vld [tilespmem:$0x380];
	p1 =	seq.s32 s4, $0x1;
	v10 =	vpsel p2, v7, v9  }
0x5e: {  	s21 =	sld [smem:$0x7E0];
	v12 =	vadd.s32 @!p1 v6, v10  }
0x5f: {  	v13 =	vld [tilespmem:$0x400];
	p0 =	seq.s32 s6, $0x1;
	v10 =	vpsel p1, v10, v12  }
0x60: {  	s1 =	sld [smem:$0x7F1];
	v14 =	vadd.s32 @!p0 v8, v10  }
0x61: {  	v15 =	vld [tilespmem:$0x480];
	p3 =	seq.s32 s21, $0x1;
	v10 =	vpsel p0, v10, v14  }
0x62: {  	v17 =	vld [tilespmem:$0x500];
	s4 =	sld [smem:$0x7E1];
	v16 =	vadd.s32 @!p3 v11, v10  }
0x63: {  	v19 =	vld [tilespmem:$0x580];
	p4 =	seq.s32 s1, $0x1;
	v10 =	vpsel p3, v10, v16  }
0x64: {  	v21 =	vld [tilespmem:$0x600];
	s6 =	sld [smem:$0x7F2];
	v18 =	vadd.s32 @!p4 v13, v10  }
0x65: {  	p5 =	seq.s32 s4, $0x1;
	v10 =	vpsel p4, v10, v18  }
0x66: {  	s21 =	sld [smem:$0x7E2];
	v20 =	vadd.s32 @!p5 v15, v10  }
0x67: {  	p6 =	seq.s32 s6, $0x1;
	v10 =	vpsel p5, v10, v20  }
0x68: {  	s1 =	sld [smem:$0x7F3];
	v22 =	vadd.s32 @!p6 v17, v10  }
0x69: {  	v23 =	vld [tilespmem:$0x680];
	p0 =	seq.s32 s21, $0x1;
	v10 =	vpsel p6, v10, v22  }
0x6a: {  	s4 =	sld [smem:$0x7E3];
	v24 =	vadd.s32 @!p0 v19, v10  }
0x6b: {  	v25 =	vld [tilespmem:$0x700];
	v10 =	vpsel p0, v10, v24;
	p0 =	seq.s32 s1, $0x1  }
0x6c: {  	s6 =	sld [smem:$0x7F4];
	v26 =	vadd.s32 @!p0 v21, v10  }
0x6d: {  	v27 =	vld [tilespmem:$0x780];
	v10 =	vpsel p0, v10, v26;
	p0 =	seq.s32 s4, $0x1  }
0x6e: {  	s21 =	sld [smem:$0x7E4];
	v28 =	vadd.s32 @!p0 v23, v10  }
0x6f: {  	v29 =	vld [tilespmem:$0x800];
	v10 =	vpsel p0, v10, v28;
	p0 =	seq.s32 s6, $0x1  }
0x70: {  	s1 =	sld [smem:$0x7F5];
	v30 =	vadd.s32 @!p0 v25, v10  }
0x71: {  	v31 =	vld [tilespmem:$0x880];
	v10 =	vpsel p0, v10, v30;
	p0 =	seq.s32 s21, $0x1  }
0x72: {  	s4 =	sld [smem:$0x7E5];
	v32 =	vadd.s32 @!p0 v27, v10  }
0x73: {  	v33 =	vld [tilespmem:$0x900];
	v10 =	vpsel p0, v10, v32;
	p0 =	seq.s32 s1, $0x1  }
0x74: {  	s6 =	sld [smem:$0x7F6];
	v34 =	vadd.s32 @!p0 v29, v10  }
0x75: {  	v4 =	vadd.s32 v4, v5;
	v5 =	vpsel p0, v10, v34;
	v10 =	vld [tilespmem:$0x980];
	p0 =	seq.s32 s4, $0x1  }
0x76: {  	v4 =	vadd.s32 v6, v4;
	s21 =	sld [smem:$0x7E6];
	v6 =	vadd.s32 @!p0 v31, v5  }
0x77: {  	v4 =	vadd.s32 v8, v4;
	v5 =	vpsel p0, v5, v6;
	p0 =	seq.s32 s6, $0x1  }
0x78: {  	[tilespmem:$0x1200] =	vst v0;
	v4 =	vadd.s32 v11, v4;
	v8 =	vld [tilespmem:$0xA00];
	s1 =	sld [smem:$0x7F0];
	v11 =	vadd.s32 @!p0 v33, v5  }
0x79: {  	[tilespmem:$0x1200] =	vst v7;
	s4 =	sld [smem:$0x7F7];
	v5 =	vpsel p0, v5, v11;
	p0 =	seq.s32 s21, $0x1  }
0x7a: {  	v7 =	vld [tilespmem:$0xA80];
	[tilespmem:$0x1200] =	vst @!p2 v9;
	v9 =	vadd.s32 @!p0 v10, v5  }
0x7b: {  	[tilespmem:$0x1200] =	vst @!p1 v12;
	s6 =	sld [smem:$0x7E7];
	v5 =	vpsel p0, v5, v9;
	p0 =	seq.s32 s1, $0x1  }
0x7c: {  	v12 =	vld [tilespmem:$0xB00];
	s21 =	sld [smem:$0x7F8];
	[tilespmem:$0x1200] =	vst @!p0 v14;
	p0 =	seq.s32 s4, $0x1  }
0x7d: {  	v4 =	vadd.s32 v13, v4;
	s1 =	sld [smem:$0x7E2];
	v13 =	vadd.s32 @!p0 v8, v5  }
0x7e: {  	s4 =	sld [smem:$0x7F3];
	[tilespmem:$0x1200] =	vst @!p3 v16;
	v5 =	vpsel p0, v5, v13;
	p0 =	seq.s32 s6, $0x1  }
0x7f: {  	v4 =	vadd.s32 v15, v4;
	v14 =	vld [tilespmem:$0xB80];
	[tilespmem:$0x1200] =	vst @!p4 v18;
	s6 =	sld [smem:$0x7E8];
	v15 =	vadd.s32 @!p0 v7, v5  }
0x80: {  	p1 =	seq.s32 s1, $0x1;
	s1 =	sld [smem:$0x7F4];
	[tilespmem:$0x1200] =	vst @!p5 v20;
	v5 =	vpsel p0, v5, v15;
	p0 =	seq.s32 s21, $0x1  }
0x81: {  	[tilespmem:$0x1200] =	vst @!p6 v22;
	s21 =	sld [smem:$0x7E3];
	v18 =	vadd.s32 @!p0 v12, v5  }
0x82: {  	v4 =	vadd.s32 v17, v4;
	[tilespmem:$0x1200] =	vst @!p1 v24;
	v5 =	vpsel p0, v5, v18;
	p0 =	seq.s32 s4, $0x1;
	s4 =	sld [smem:$0x7F9]  }
0x83: {  	v4 =	vadd.s32 v19, v4;
	[tilespmem:$0x1200] =	vst @!p0 v26;
	p0 =	seq.s32 s6, $0x1;
	s6 =	sld [smem:$0x7E4]  }
0x84: {  	v4 =	vadd.s32 v21, v4;
	p1 =	seq.s32 s21, $0x1;
	s21 =	sld [smem:$0x7F5];
	v21 =	vadd.s32 @!p0 v14, v5  }
0x85: {  	v5 =	vpsel p0, v5, v21;
	p0 =	seq.s32 s1, $0x1;
	s1 =	sld [smem:$0x7E9]  }
0x86: {  	p6 =	seq.s32 s4, $0x1;
	s4 =	sld [smem:$0x7E5]  }
0x87: {  	v4 =	vadd.s32 v23, v4;
	[tilespmem:$0x1200] =	vst @!p1 v28;
	p5 =	seq.s32 s6, $0x1;
	s6 =	sld [smem:$0x7F6]  }
0x88: {  	v47 =	vld [tilespmem:$0x190];
	v4 =	vadd.s32 v25, v4;
	[tilespmem:$0x1200] =	vst @!p0 v30;
	p0 =	seq.s32 s21, $0x1;
	s21 =	sld [smem:$0x7FA]  }
0x89: {  	v4 =	vadd.s32 v27, v4;
	v16 =	vld [tilespmem:$0xC00];
	p2 =	seq.s32 s1, $0x1;
	s1 =	sld [smem:$0x7E6]  }
0x8a: {  	v4 =	vadd.s32 v29, v4;
	v17 =	vld [tilespmem:$0xC80];
	[tilespmem:$0x1200] =	vst @!p5 v32;
	p5 =	seq.s32 s4, $0x1;
	s4 =	sld [smem:$0x7DE]  }
0x8b: {  	v4 =	vadd.s32 v31, v4;
	v19 =	vld [tilespmem:$0xD00];
	[tilespmem:$0x1200] =	vst @!p0 v34;
	p0 =	seq.s32 s6, $0x1;
	s6 =	sld [smem:$0x7F7]  }
0x8c: {  	v4 =	vadd.s32 v33, v4;
	v23 =	vld [tilespmem:$0xE80];
	p1 =	seq.s32 s21, $0x1;
	s21 =	sld [smem:$0x7EA]  }
0x8d: {  	v25 =	vld [tilespmem:$0xF00];
	v4 =	vadd.s32 v10, v4;
	[tilespmem:$0x1200] =	vst @!p5 v6;
	p5 =	seq.s32 s1, $0x1;
	s1 =	sld [smem:$0x7EF]  }
0x8e: {  	v4 =	vadd.s32 v8, v4;
	v8 =	vld [tilespmem:$0x210];
	v10 =	vadd.s32 @!p6 v16, v5;
	p3 =	seq.s32 s4, $0x1;
	s4 =	sld [smem:$0x7E7]  }
0x8f: {  	v20 =	vld [tilespmem:$0xD80];
	v5 =	vpsel p6, v5, v10;
	[tilespmem:$0x1200] =	vst @!p0 v11;
	p0 =	seq.s32 s6, $0x1;
	s6 =	sld [smem:$0x7F8]  }
0x90: {  	v4 =	vadd.s32 v7, v4;
	v22 =	vld [tilespmem:$0xE00];
	v7 =	vadd.s32 @!p2 v17, v5;
	[tilespmem:$0x1200] =	vst @!p5 v9;
	v9 =	vpsel p3, $0x0, v47;
	p3 =	seq.s32 s21, $0x1;
	s21 =	sld [smem:$0x7FB]  }
0x91: {  	v4 =	vadd.s32 v12, v4;
	v6 =	vld [tilespmem:$0x290];
	v5 =	vpsel p2, v5, v7;
	p5 =	seq.s32 s1, $0x1;
	s1 =	sld [smem:$0x7DF]  }
0x92: {  	v4 =	vadd.s32 v14, v4;
	v12 =	vld [tilespmem:$0xF80];
	v11 =	vadd.s32 @!p1 v19, v5;
	[tilespmem:$0x1200] =	vst @!p0 v13;
	p4 =	seq.s32 s4, $0x1;
	s4 =	sld [smem:$0x7E8]  }
0x93: {  	v4 =	vadd.s32 v16, v4;
	v14 =	vld [tilespmem:$0x310];
	v5 =	vpsel p1, v5, v11;
	[tilespmem:$0x1200] =	vst @!p4 v15;
	p0 =	seq.s32 s6, $0x1;
	s6 =	sld [smem:$0x7EB]  }
0x94: {  	v4 =	vadd.s32 v17, v4;
	v16 =	vld [tilespmem:$0x1000];
	v13 =	vadd.s32 @!p3 v20, v5;
	v17 =	vadd.s32 @!p5 v9, v8;
	[tilespmem:$0x1200] =	vst @!p0 v18;
	p0 =	seq.s32 s21, $0x1;
	s21 =	sld [smem:$0x7F0]  }
0x95: {  	[tilespmem:$0x1380] =	vst v0;
	v4 =	vadd.s32 v19, v4;
	v19 =	vld [tilespmem:$0x390];
	v5 =	vpsel p3, v5, v13;
	v15 =	vpsel p5, v9, v17;
	p4 =	seq.s32 s1, $0x1;
	p5 =	seq.s32 s4, $0x1;
	s1 =	sld [smem:$0x7FC]  }
0x96: {  	v4 =	vadd.s32 v20, v4;
	v20 =	vld [tilespmem:$0x1080];
	v18 =	vadd.s32 @!p0 v22, v5;
	s4 =	sld [smem:$0x7E0];
	v26 =	vadd.s32 @!p4 v6, v15;
	[tilespmem:$0x1200] =	vst @!p5 v21;
	p5 =	por p0, p0  }
0x97: {  	v4 =	vadd.s32 v22, v4;
	v5 =	vpsel p0, v5, v18;
	v21 =	vld [tilespmem:$0x410];
	p0 =	seq.s32 s6, $0x1;
	s6 =	sld [smem:$0x7EC];
	v15 =	vpsel p4, v15, v26;
	[tilespmem:$0x1200] =	vst @!p6 v10;
	p4 =	seq.s32 s21, $0x1  }
0x98: {  	v48 =	vld [tilespmem:$0x1100];
	v4 =	vadd.s32 v23, v4;
	v10 =	vadd.s32 @!p0 v23, v5;
	s21 =	sld [smem:$0x7F1];
	v23 =	vadd.s32 @!p4 v14, v15;
	[tilespmem:$0x1200] =	vst @!p2 v7;
	p2 =	por p0, p0  }
0x99: {  	v4 =	vadd.s32 v25, v4;
	v5 =	vpsel p0, v5, v10;
	p0 =	seq.s32 s1, $0x1;
	s1 =	sld [smem:$0x7FD];
	v7 =	vpsel p4, v15, v23;
	v15 =	vld [tilespmem:$0x490];
	[tilespmem:$0x1200] =	vst @!p1 v11;
	p1 =	seq.s32 s4, $0x1  }
0x9a: {  	v4 =	vadd.s32 v12, v4;
	v11 =	vadd.s32 @!p0 v25, v5;
	s4 =	sld [smem:$0x7E1];
	v25 =	vadd.s32 @!p1 v19, v7;
	[tilespmem:$0x1200] =	vst @!p3 v13  }
0x9b: {  	v4 =	vadd.s32 v16, v4;
	v5 =	vpsel p0, v5, v11;
	v13 =	vld [tilespmem:$0x510];
	p4 =	seq.s32 s21, $0x1;
	s21 =	sld [smem:$0x7F2];
	v7 =	vpsel p1, v7, v25;
	[tilespmem:$0x1200] =	vst @!p5 v18;
	p1 =	seq.s32 s6, $0x1  }
0x9c: {  	v4 =	vadd.s32 v20, v4;
	s6 =	sld [smem:$0x7ED];
	v12 =	vadd.s32 @!p1 v12, v5;
	v18 =	vadd.s32 @!p4 v21, v7;
	[tilespmem:$0x1200] =	vst @!p2 v10  }
0x9d: {  	v4 =	vadd.s32 v48, v4;
	p2 =	por p1, p1;
	v10 =	vld [tilespmem:$0x590];
	v5 =	vpsel p1, v5, v12;
	v7 =	vpsel p4, v7, v18;
	[tilespmem:$0x1200] =	vst @!p0 v11;
	p1 =	seq.s32 s1, $0x1;
	p0 =	seq.s32 s4, $0x1  }
0x9e: {  	(xrf0) =	vadd.scan.msk.s32 $0xffff, v4;
	s1 =	sld [smem:$0x7E2];
	v11 =	vadd.s32 @!p1 v16, v5;
	v16 =	vadd.s32 @!p0 v15, v7;
	[tilespmem:$0x1200] =	vst @!p2 v12  }
0x9f: {  	v12 =	vld [tilespmem:$0x610];
	v5 =	vpsel p1, v5, v11;
	v7 =	vpsel p0, v7, v16;
	[tilespmem:$0x1200] =	vst @!p1 v11;
	p1 =	seq.s32 s6, $0x1;
	p0 =	seq.s32 s21, $0x1  }
0xa0: {  	v49 =	vld [tilespmem:$0x1380];
	s4 =	sld [smem:$0x7F3];
	v5 =	vadd.s32 @!p1 v20, v5;
	v20 =	vadd.s32 @!p0 v13, v7  }
0xa1: {  	[tilespmem:$0x1200] =	vst @!p1 v5;
	v5 =	vpsel p0, v7, v20;
	v7 =	vld [tilespmem:$0x690];
	p0 =	seq.s32 s1, $0x1  }
0xa2: {  	s6 =	sld [smem:$0x7E3];
	v50 =	vld [tilespmem:$0x1200];
	v27 =	vadd.s32 @!p0 v10, v5  }
0xa3: {  	v28 =	vld [tilespmem:$0x710];
	p2 =	seq.s32 s4, $0x1;
	v5 =	vpsel p0, v5, v27  }
0xa4: {  	v51, _, _ =	vpop (xrf0);
	s21 =	sld [smem:$0x7F4];
	v30 =	vadd.s32 @!p2 v12, v5  }
0xa5: {  	v29 =	vld [tilespmem:$0x790];
	v11 =	vadd.s32 v49, v51;
	p0 =	seq.s32 s6, $0x1;
	v5 =	vpsel p2, v5, v30  }
0xa6: {  	v4 =	vsub.s32 v11, v4;
	s1 =	sld [smem:$0x7E4];
	v31 =	vadd.s32 @!p0 v7, v5  }
0xa7: {  	v22 =	vld [tilespmem:$0x810];
	[tilespmem:$0x1280] =	vst v4;
	v4 =	vadd.s32 v50, v4;
	v5 =	vpsel p0, v5, v31;
	p0 =	seq.s32 s21, $0x1  }
0xa8: {  	s4 =	sld [smem:$0x7F5];
	[tilespmem:$0x1180] =	vst v4;
	v4 =	vadd.s32 @!p0 v28, v5  }
0xa9: {  	[tilespmem:$0x1300] =	vst v11;
	v11 =	vld [tilespmem:$0x890];
	v5 =	vpsel p0, v5, v4;
	p0 =	seq.s32 s1, $0x1  }
0xaa: {  	s6 =	sld [smem:$0x7E5];
	v33 =	vadd.s32 @!p0 v29, v5  }
0xab: {  	v34 =	vld [tilespmem:$0x910];
	v5 =	vpsel p0, v5, v33;
	p0 =	seq.s32 s4, $0x1  }
0xac: {  	s21 =	sld [smem:$0x7F6];
	v35 =	vadd.s32 @!p0 v22, v5  }
0xad: {  	v8 =	vadd.s32 v47, v8;
	s1 =	sld [smem:$0x7EF];
	v5 =	vpsel p0, v5, v35;
	p0 =	seq.s32 s6, $0x1  }
0xae: {  	v24 =	vld [tilespmem:$0x990];
	v6 =	vadd.s32 v6, v8;
	s6 =	sld [smem:$0x7DF];
	v8 =	vadd.s32 @!p0 v11, v5  }
0xaf: {  	v6 =	vadd.s32 v14, v6;
	s4 =	sld [smem:$0x7E6];
	v5 =	vpsel p0, v5, v8;
	p0 =	seq.s32 s21, $0x1  }
0xb0: {  	v6 =	vadd.s32 v19, v6;
	v32 =	vld.idx.msk [tilespmem:v1+s19+$0x0], $0xffff;
	[tilespmem:$0x1210] =	vst v0;
	s21 =	sld [smem:$0x7F0];
	v19 =	vadd.s32 @!p0 v34, v5  }
0xb1: {  	v14 =	vld [tilespmem:$0xA10];
	[tilespmem:$0x1210] =	vst v9;
	p1 =	seq.s32 s6, $0x1;
	s6 =	sld [smem:$0x7E7];
	v5 =	vpsel p0, v5, v19;
	p0 =	seq.s32 s1, $0x1  }
0xb2: {  	v6 =	vadd.s32 v21, v6;
	s1 =	sld [smem:$0x7F7];
	[tilespmem:$0x1210] =	vst @!p0 v17;
	p0 =	seq.s32 s4, $0x1  }
0xb3: {  	v6 =	vadd.s32 v15, v6;
	v9 =	vld [tilespmem:$0xA90];
	s4 =	sld [smem:$0x7E0];
	v15 =	vadd.s32 @!p0 v24, v5  }
0xb4: {  	[tilespmem:$0x1210] =	vst @!p1 v26;
	v5 =	vpsel p0, v5, v15;
	p0 =	seq.s32 s21, $0x1;
	s21 =	sld [smem:$0x7E1]  }
0xb5: {  	v6 =	vadd.s32 v13, v6;
	[tilespmem:$0x1210] =	vst @!p0 v23;
	p0 =	seq.s32 s1, $0x1;
	s1 =	sld [smem:$0x7F2]  }
0xb6: {  	v13 =	vld [tilespmem:$0xB10];
	v6 =	vadd.s32 v10, v6;
	p1 =	seq.s32 s4, $0x1;
	s4 =	sld [smem:$0x7F8];
	v10 =	vadd.s32 @!p0 v14, v5  }
0xb7: {  	v6 =	vadd.s32 v12, v6;
	[tilespmem:$0x1210] =	vst @!p1 v25;
	p1 =	por p0, p0;
	v5 =	vpsel p0, v5, v10;
	p0 =	seq.s32 s6, $0x1;
	s6 =	sld [smem:$0x7E2]  }
0xb8: {  	v6 =	vadd.s32 v7, v6;
	[tilespmem:$0x1210] =	vst @!p4 v18;
	p5 =	seq.s32 s21, $0x1;
	s21 =	sld [smem:$0x7E8];
	v7 =	vadd.s32 @!p0 v9, v5  }
0xb9: {  	v12 =	vld [tilespmem:$0xB90];
	[tilespmem:$0x1210] =	vst @!p5 v16;
	v5 =	vpsel p0, v5, v7;
	p0 =	seq.s32 s1, $0x1;
	s1 =	sld [smem:$0x7E3]  }
0xba: {  	[tilespmem:$0x1210] =	vst @!p0 v20;
	p0 =	seq.s32 s4, $0x1;
	s4 =	sld [smem:$0x7F4]  }
0xbb: {  	v6 =	vadd.s32 v28, v6;
	p5 =	seq.s32 s6, $0x1;
	s6 =	sld [smem:$0x7E4];
	v18 =	vadd.s32 @!p0 v13, v5  }
0xbc: {  	v6 =	vadd.s32 v29, v6;
	[tilespmem:$0x1210] =	vst @!p5 v27;
	p5 =	por p0, p0;
	v5 =	vpsel p0, v5, v18;
	p0 =	seq.s32 s21, $0x1;
	s21 =	sld [smem:$0x7F5]  }
0xbd: {  	v6 =	vadd.s32 v22, v6;
	[tilespmem:$0x1210] =	vst @!p2 v30;
	p4 =	seq.s32 s1, $0x1;
	s1 =	sld [smem:$0x7E9]  }
0xbe: {  	v52 =	vld [tilespmem:$0x1A0];
	v6 =	vadd.s32 v11, v6;
	v11 =	vadd.s32 @!p0 v12, v5;
	[tilespmem:$0x1210] =	vst @!p4 v31;
	p4 =	seq.s32 s6, $0x1;
	s6 =	sld [smem:$0x7F6]  }
0xbf: {  	v17 =	vld [tilespmem:$0xC10];
	v5 =	vpsel p0, v5, v11;
	p0 =	seq.s32 s4, $0x1;
	s4 =	sld [smem:$0x7E5]  }
0xc0: {  	v21 =	vld [tilespmem:$0xD90];
	[tilespmem:$0x1210] =	vst @!p0 v4;
	p0 =	seq.s32 s21, $0x1;
	s21 =	sld [smem:$0x7FA]  }
0xc1: {  	v16 =	vld [tilespmem:$0xC90];
	p3 =	seq.s32 s1, $0x1;
	s1 =	sld [smem:$0x7E6]  }
0xc2: {  	v22 =	vld [tilespmem:$0xE10];
	[tilespmem:$0x1210] =	vst @!p4 v33;
	p4 =	seq.s32 s4, $0x1;
	s4 =	sld [smem:$0x7DE]  }
0xc3: {  	v6 =	vadd.s32 v34, v6;
	v20 =	vld [tilespmem:$0xD10];
	[tilespmem:$0x1210] =	vst @!p0 v35;
	p0 =	seq.s32 s6, $0x1;
	s6 =	sld [smem:$0x7EA]  }
0xc4: {  	v23 =	vld [tilespmem:$0xE90];
	v4 =	vadd.s32 v24, v6;
	v6 =	vadd.s32 @!p6 v17, v5;
	[tilespmem:$0x1210] =	vst @!p4 v8;
	p2 =	seq.s32 s21, $0x1;
	s21 =	sld [smem:$0x7EF]  }
0xc5: {  	v4 =	vadd.s32 v14, v4;
	v5 =	vpsel p6, v5, v6;
	v14 =	vld [tilespmem:$0x220];
	p4 =	seq.s32 s1, $0x1;
	s1 =	sld [smem:$0x7E7];
	[tilespmem:$0x1210] =	vst @!p0 v19  }
0xc6: {  	v25 =	vld [tilespmem:$0xF10];
	v4 =	vadd.s32 v9, v4;
	v9 =	vadd.s32 @!p3 v16, v5;
	[tilespmem:$0x1210] =	vst @!p4 v15;
	p4 =	seq.s32 s4, $0x1;
	s4 =	sld [smem:$0x7FB]  }
0xc7: {  	v4 =	vadd.s32 v13, v4;
	v5 =	vpsel p3, v5, v9;
	v8 =	vld [tilespmem:$0x2A0];
	[tilespmem:$0x1210] =	vst @!p1 v10;
	p1 =	seq.s32 s6, $0x1;
	s6 =	sld [smem:$0x7DF]  }
0xc8: {  	v13 =	vld [tilespmem:$0xF90];
	v4 =	vadd.s32 v12, v4;
	v12 =	vadd.s32 @!p2 v20, v5;
	v15 =	vpsel p4, $0x0, v52;
	p0 =	seq.s32 s21, $0x1;
	p4 =	seq.s32 s1, $0x1;
	s21 =	sld [smem:$0x7E8]  }
0xc9: {  	v4 =	vadd.s32 v17, v4;
	v5 =	vpsel p2, v5, v12;
	v17 =	vld [tilespmem:$0x320];
	s1 =	sld [smem:$0x7EB];
	[tilespmem:$0x1210] =	vst @!p4 v7  }
0xca: {  	v4 =	vadd.s32 v16, v4;
	v16 =	vld [tilespmem:$0x1010];
	v10 =	vadd.s32 @!p1 v21, v5;
	v19 =	vadd.s32 @!p0 v15, v14;
	p4 =	por p1, p1;
	[tilespmem:$0x1210] =	vst @!p5 v18;
	p5 =	seq.s32 s4, $0x1;
	s4 =	sld [smem:$0x7F0]  }
0xcb: {  	[tilespmem:$0x1380] =	vst v32;
	v4 =	vadd.s32 v20, v4;
	v20 =	vld [tilespmem:$0x3A0];
	v5 =	vpsel p1, v5, v10;
	v7 =	vpsel p0, v15, v19;
	p0 =	seq.s32 s6, $0x1;
	p1 =	seq.s32 s21, $0x1;
	s6 =	sld [smem:$0x7FC]  }
0xcc: {  	v4 =	vadd.s32 v21, v4;
	v21 =	vld [tilespmem:$0x1090];
	v18 =	vadd.s32 @!p5 v22, v5;
	s21 =	sld [smem:$0x7E0];
	v26 =	vadd.s32 @!p0 v8, v7;
	[tilespmem:$0x1210] =	vst @!p1 v11  }
0xcd: {  	v4 =	vadd.s32 v22, v4;
	v5 =	vpsel p5, v5, v18;
	v11 =	vld [tilespmem:$0x420];
	p1 =	seq.s32 s1, $0x1;
	s1 =	sld [smem:$0x7EC];
	v7 =	vpsel p0, v7, v26;
	[tilespmem:$0x1210] =	vst @!p6 v6;
	p0 =	seq.s32 s4, $0x1  }
0xce: {  	v53 =	vld [tilespmem:$0x1110];
	v4 =	vadd.s32 v23, v4;
	v6 =	vadd.s32 @!p1 v23, v5;
	s4 =	sld [smem:$0x7F1];
	v23 =	vadd.s32 @!p0 v17, v7;
	[tilespmem:$0x1210] =	vst @!p3 v9  }
0xcf: {  	v4 =	vadd.s32 v25, v4;
	v5 =	vpsel p1, v5, v6;
	v9 =	vld [tilespmem:$0x4A0];
	p3 =	seq.s32 s6, $0x1;
	s6 =	sld [smem:$0x7FD];
	v7 =	vpsel p0, v7, v23;
	[tilespmem:$0x1210] =	vst @!p2 v12;
	p0 =	seq.s32 s21, $0x1  }
0xd0: {  	v4 =	vadd.s32 v13, v4;
	v12 =	vadd.s32 @!p3 v25, v5;
	s21 =	sld [smem:$0x7E1];
	v25 =	vadd.s32 @!p0 v20, v7;
	[tilespmem:$0x1210] =	vst @!p4 v10  }
0xd1: {  	v4 =	vadd.s32 v16, v4;
	p2 =	seq.s32 s1, $0x1;
	s1 =	sld [smem:$0x7ED];
	v5 =	vpsel p3, v5, v12;
	v10 =	vld [tilespmem:$0x520];
	v7 =	vpsel p0, v7, v25;
	[tilespmem:$0x1210] =	vst @!p5 v18;
	p0 =	seq.s32 s4, $0x1  }
0xd2: {  	v4 =	vadd.s32 v21, v4;
	v13 =	vadd.s32 @!p2 v13, v5;
	s4 =	sld [smem:$0x7F2];
	v18 =	vadd.s32 @!p0 v11, v7;
	[tilespmem:$0x1210] =	vst @!p1 v6  }
0xd3: {  	v4 =	vadd.s32 v53, v4;
	v5 =	vpsel p2, v5, v13;
	p1 =	seq.s32 s6, $0x1;
	v6 =	vpsel p0, v7, v18;
	v7 =	vld [tilespmem:$0x5A0];
	[tilespmem:$0x1210] =	vst @!p3 v12;
	p0 =	seq.s32 s21, $0x1  }
0xd4: {  	(xrf0) =	vadd.scan.msk.s32 $0xffff, v4;
	s6 =	sld [smem:$0x7E2];
	v12 =	vadd.s32 @!p1 v16, v5;
	v16 =	vadd.s32 @!p0 v9, v6;
	[tilespmem:$0x1210] =	vst @!p2 v13  }
0xd5: {  	v5 =	vpsel p1, v5, v12;
	v13 =	vld [tilespmem:$0x620];
	v6 =	vpsel p0, v6, v16;
	[tilespmem:$0x1210] =	vst @!p1 v12;
	p1 =	seq.s32 s1, $0x1;
	p0 =	seq.s32 s4, $0x1  }
0xd6: {  	v54 =	vld [tilespmem:$0x1380];
	s21 =	sld [smem:$0x7F3];
	v5 =	vadd.s32 @!p1 v21, v5;
	v21 =	vadd.s32 @!p0 v10, v6  }
0xd7: {  	[tilespmem:$0x1210] =	vst @!p1 v5;
	v5 =	vpsel p0, v6, v21;
	v6 =	vld [tilespmem:$0x6A0];
	p0 =	seq.s32 s6, $0x1  }
0xd8: {  	s1 =	sld [smem:$0x7E3];
	v55 =	vld [tilespmem:$0x1210];
	v27 =	vadd.s32 @!p0 v7, v5  }
0xd9: {  	v28 =	vld [tilespmem:$0x720];
	v5 =	vpsel p0, v5, v27;
	p0 =	seq.s32 s21, $0x1  }
0xda: {  	s4 =	sld [smem:$0x7F4];
	v56, _, _ =	vpop (xrf0);
	v30 =	vadd.s32 @!p0 v13, v5  }
0xdb: {  	v29 =	vld [tilespmem:$0x7A0];
	v12 =	vadd.s32 v54, v56;
	v5 =	vpsel p0, v5, v30;
	p0 =	seq.s32 s1, $0x1  }
0xdc: {  	s6 =	sld [smem:$0x7E4];
	v4 =	vsub.s32 v12, v4;
	v31 =	vadd.s32 @!p0 v6, v5  }
0xdd: {  	v22 =	vld [tilespmem:$0x820];
	p3 =	seq.s32 s4, $0x1;
	[tilespmem:$0x1290] =	vst v4;
	v4 =	vadd.s32 v55, v4;
	v5 =	vpsel p0, v5, v31  }
0xde: {  	s21 =	sld [smem:$0x7F5];
	[tilespmem:$0x1190] =	vst v4;
	v4 =	vadd.s32 @!p3 v28, v5  }
0xdf: {  	[tilespmem:$0x1300] =	vst v12;
	v12 =	vld [tilespmem:$0x8A0];
	p0 =	seq.s32 s6, $0x1;
	v5 =	vpsel p3, v5, v4  }
0xe0: {  	s1 =	sld [smem:$0x7E5];
	v33 =	vadd.s32 @!p0 v29, v5  }
0xe1: {  	v34 =	vld [tilespmem:$0x920];
	s4 =	sld [smem:$0x7F6];
	v5 =	vpsel p0, v5, v33;
	p0 =	seq.s32 s21, $0x1  }
0xe2: {  	s6 =	sld [smem:$0x7EF];
	v35 =	vadd.s32 @!p0 v22, v5  }
0xe3: {  	v24 =	vld [tilespmem:$0x9A0];
	v14 =	vadd.s32 v52, v14;
	s21 =	sld [smem:$0x7E6];
	v5 =	vpsel p0, v5, v35;
	p0 =	seq.s32 s1, $0x1  }
0xe4: {  	v8 =	vadd.s32 v8, v14;
	s1 =	sld [smem:$0x7DF];
	v14 =	vadd.s32 @!p0 v12, v5  }
0xe5: {  	v8 =	vadd.s32 v17, v8;
	v17 =	vld [tilespmem:$0xA20];
	p1 =	seq.s32 s6, $0x1;
	s6 =	sld [smem:$0x7F7];
	v5 =	vpsel p0, v5, v14;
	p0 =	seq.s32 s4, $0x1  }
0xe6: {  	v8 =	vadd.s32 v20, v8;
	v32 =	vld.idx.msk [tilespmem:v1+s19+$0x0], $0xffff;
	[tilespmem:$0x1220] =	vst v0;
	s4 =	sld [smem:$0x7F0];
	v20 =	vadd.s32 @!p0 v34, v5  }
0xe7: {  	v8 =	vadd.s32 v11, v8;
	[tilespmem:$0x1220] =	vst v15;
	p2 =	seq.s32 s1, $0x1;
	s1 =	sld [smem:$0x7F1];
	v5 =	vpsel p0, v5, v20;
	p0 =	seq.s32 s21, $0x1  }
0xe8: {  	v8 =	vadd.s32 v9, v8;
	[tilespmem:$0x1220] =	vst @!p1 v19;
	s21 =	sld [smem:$0x7E0];
	v9 =	vadd.s32 @!p0 v24, v5  }
0xe9: {  	v11 =	vld [tilespmem:$0xAA0];
	[tilespmem:$0x1220] =	vst @!p2 v26;
	v5 =	vpsel p0, v5, v9;
	p0 =	seq.s32 s4, $0x1;
	s4 =	sld [smem:$0x7E7]  }
0xea: {  	v8 =	vadd.s32 v10, v8;
	[tilespmem:$0x1220] =	vst @!p0 v23;
	p0 =	seq.s32 s6, $0x1;
	s6 =	sld [smem:$0x7E1]  }
0xeb: {  	v7 =	vadd.s32 v7, v8;
	p2 =	seq.s32 s21, $0x1;
	s21 =	sld [smem:$0x7F2];
	v8 =	vadd.s32 @!p0 v17, v5  }
0xec: {  	v10 =	vld [tilespmem:$0xB20];
	[tilespmem:$0x1220] =	vst @!p2 v25;
	v5 =	vpsel p0, v5, v8;
	p0 =	seq.s32 s1, $0x1;
	s1 =	sld [smem:$0x7F8]  }
0xed: {  	v7 =	vadd.s32 v13, v7;
	[tilespmem:$0x1220] =	vst @!p0 v18;
	p0 =	seq.s32 s4, $0x1;
	s4 =	sld [smem:$0x7E2]  }
0xee: {  	v6 =	vadd.s32 v6, v7;
	p6 =	seq.s32 s6, $0x1;
	s6 =	sld [smem:$0x7F3];
	v7 =	vadd.s32 @!p0 v11, v5  }
0xef: {  	[tilespmem:$0x1220] =	vst @!p6 v16;
	v5 =	vpsel p0, v5, v7;
	p0 =	seq.s32 s21, $0x1;
	s21 =	sld [smem:$0x7E8]  }
0xf0: {  	[tilespmem:$0x1220] =	vst @!p0 v21;
	p0 =	seq.s32 s1, $0x1;
	s1 =	sld [smem:$0x7E3]  }
0xf1: {  	v13 =	vld [tilespmem:$0xBA0];
	p6 =	seq.s32 s4, $0x1;
	s4 =	sld [smem:$0x7F9];
	v18 =	vadd.s32 @!p0 v10, v5  }
0xf2: {  	[tilespmem:$0x1220] =	vst @!p6 v27;
	v5 =	vpsel p0, v5, v18;
	p0 =	seq.s32 s6, $0x1;
	s6 =	sld [smem:$0x7E4]  }
0xf3: {  	v6 =	vadd.s32 v28, v6;
	[tilespmem:$0x1220] =	vst @!p0 v30;
	p0 =	seq.s32 s21, $0x1;
	s21 =	sld [smem:$0x7F5]  }
0xf4: {  	v6 =	vadd.s32 v29, v6;
	v15 =	vld [tilespmem:$0xC20];
	p6 =	seq.s32 s1, $0x1;
	s1 =	sld [smem:$0x7E9]  }
0xf5: {  	v6 =	vadd.s32 v22, v6;
	[tilespmem:$0x1220] =	vst @!p6 v31;
	p6 =	seq.s32 s4, $0x1;
	s4 =	sld [smem:$0x7E5]  }
0xf6: {  	v6 =	vadd.s32 v12, v6;
	v16 =	vld [tilespmem:$0xCA0];
	v12 =	vadd.s32 @!p0 v13, v5;
	[tilespmem:$0x1220] =	vst @!p3 v4;
	p3 =	seq.s32 s6, $0x1;
	s6 =	sld [smem:$0x7F6]  }
0xf7: {  	v57 =	vld [tilespmem:$0x1B0];
	v5 =	vpsel p0, v5, v12;
	p0 =	seq.s32 s21, $0x1;
	s21 =	sld [smem:$0x7FA]  }
0xf8: {  	v19 =	vld [tilespmem:$0xD20];
	v6 =	vadd.s32 v34, v6;
	[tilespmem:$0x1220] =	vst @!p3 v33;
	p5 =	seq.s32 s1, $0x1;
	s1 =	sld [smem:$0x7E6]  }
0xf9: {  	v22 =	vld [tilespmem:$0xE20];
	v4 =	vadd.s32 v24, v6;
	v6 =	vadd.s32 @!p6 v15, v5;
	[tilespmem:$0x1220] =	vst @!p0 v35;
	p3 =	seq.s32 s4, $0x1;
	s4 =	sld [smem:$0x7DE]  }
0xfa: {  	v4 =	vadd.s32 v17, v4;
	v17 =	vld [tilespmem:$0x230];
	v5 =	vpsel p6, v5, v6;
	[tilespmem:$0x1220] =	vst @!p3 v14;
	p0 =	seq.s32 s6, $0x1;
	s6 =	sld [smem:$0x7F7]  }
0xfb: {  	v23 =	vld [tilespmem:$0xEA0];
	v4 =	vadd.s32 v11, v4;
	v11 =	vadd.s32 @!p5 v16, v5;
	[tilespmem:$0x1220] =	vst @!p0 v20;
	p0 =	seq.s32 s21, $0x1;
	s21 =	sld [smem:$0x7E7]  }
0xfc: {  	v21 =	vld [tilespmem:$0xDA0];
	v4 =	vadd.s32 v10, v4;
	v5 =	vpsel p5, v5, v11;
	p3 =	seq.s32 s1, $0x1;
	s1 =	sld [smem:$0x7F8]  }
0xfd: {  	v25 =	vld [tilespmem:$0xF20];
	v4 =	vadd.s32 v13, v4;
	v13 =	vadd.s32 @!p0 v19, v5;
	p2 =	seq.s32 s4, $0x1;
	s4 =	sld [smem:$0x7FB]  }
0xfe: {  	v10 =	vld [tilespmem:$0x2B0];
	[tilespmem:$0x1220] =	vst @!p3 v9;
	p3 =	por p0, p0;
	v5 =	vpsel p0, v5, v13;
	v9 =	vpsel p2, $0x0, v57;
	p0 =	seq.s32 s6, $0x1;
	s6 =	sld [smem:$0x7DF]  }
0xff: {  	v14 =	vld [tilespmem:$0xFA0];
	[tilespmem:$0x1220] =	vst @!p0 v8;
	v20 =	vadd.s32 @!p1 v9, v17;
	p0 =	por p1, p1;
	p1 =	seq.s32 s21, $0x1;
	s21 =	sld [smem:$0x7E8]  }
0x100: {  	v4 =	vadd.s32 v15, v4;
	v15 =	vld [tilespmem:$0x330];
	[tilespmem:$0x1220] =	vst @!p1 v7;
	v7 =	vpsel p0, v9, v20;
	p0 =	seq.s32 s1, $0x1;
	s1 =	sld [smem:$0x7EB]  }
0x101: {  	[tilespmem:$0x1380] =	vst v32;
	v4 =	vadd.s32 v16, v4;
	v16 =	vld [tilespmem:$0x1020];
	v8 =	vadd.s32 @!p4 v21, v5;
	p1 =	seq.s32 s4, $0x1;
	s4 =	sld [smem:$0x7F0]  }
0x102: {  	v4 =	vadd.s32 v19, v4;
	v19 =	vld [tilespmem:$0x3B0];
	v5 =	vpsel p4, v5, v8;
	[tilespmem:$0x1220] =	vst @!p0 v18;
	p0 =	seq.s32 s6, $0x1;
	s6 =	sld [smem:$0x7FC];
	p2 =	seq.s32 s21, $0x1  }
0x103: {  	v4 =	vadd.s32 v21, v4;
	v21 =	vld [tilespmem:$0x10A0];
	v18 =	vadd.s32 @!p1 v22, v5;
	v26 =	vadd.s32 @!p0 v10, v7;
	s21 =	sld [smem:$0x7E0];
	[tilespmem:$0x1220] =	vst @!p2 v12  }
0x104: {  	v4 =	vadd.s32 v22, v4;
	v5 =	vpsel p1, v5, v18;
	v7 =	vpsel p0, v7, v26;
	v12 =	vld [tilespmem:$0x430];
	p2 =	seq.s32 s1, $0x1;
	p0 =	seq.s32 s4, $0x1;
	s1 =	sld [smem:$0x7EC];
	[tilespmem:$0x1220] =	vst @!p6 v6  }
0x105: {  	v58 =	vld [tilespmem:$0x1120];
	v4 =	vadd.s32 v23, v4;
	s4 =	sld [smem:$0x7F1];
	v6 =	vadd.s32 @!p2 v23, v5;
	v23 =	vadd.s32 @!p0 v15, v7;
	p6 =	por p3, p3;
	[tilespmem:$0x1220] =	vst @!p5 v11;
	p5 =	por p0, p0  }
0x106: {  	v4 =	vadd.s32 v25, v4;
	v5 =	vpsel p2, v5, v6;
	v7 =	vpsel p0, v7, v23;
	v11 =	vld [tilespmem:$0x4B0];
	p0 =	seq.s32 s21, $0x1;
	s21 =	sld [smem:$0x7E1];
	[tilespmem:$0x1220] =	vst @!p3 v13;
	p3 =	seq.s32 s6, $0x1  }
0x107: {  	v4 =	vadd.s32 v14, v4;
	s6 =	sld [smem:$0x7FD];
	v13 =	vadd.s32 @!p3 v25, v5;
	v25 =	vadd.s32 @!p0 v19, v7;
	[tilespmem:$0x1220] =	vst @!p4 v8  }
0x108: {  	v4 =	vadd.s32 v16, v4;
	v8 =	vld [tilespmem:$0x530];
	p4 =	seq.s32 s1, $0x1;
	s1 =	sld [smem:$0x7ED];
	v5 =	vpsel p3, v5, v13;
	v7 =	vpsel p0, v7, v25;
	[tilespmem:$0x1220] =	vst @!p1 v18;
	p0 =	seq.s32 s4, $0x1  }
0x109: {  	v4 =	vadd.s32 v21, v4;
	s4 =	sld [smem:$0x7F2];
	v14 =	vadd.s32 @!p4 v14, v5;
	v18 =	vadd.s32 @!p0 v12, v7;
	[tilespmem:$0x1220] =	vst @!p2 v6  }
0x10a: {  	v4 =	vadd.s32 v58, v4;
	p1 =	seq.s32 s6, $0x1;
	v5 =	vpsel p4, v5, v14;
	v6 =	vpsel p0, v7, v18;
	v7 =	vld [tilespmem:$0x5B0];
	[tilespmem:$0x1220] =	vst @!p3 v13;
	p3 =	seq.s32 s21, $0x1  }
0x10b: {  	(xrf0) =	vadd.scan.msk.s32 $0xffff, v4;
	s6 =	sld [smem:$0x7E2];
	v13 =	vadd.s32 @!p1 v16, v5;
	v16 =	vadd.s32 @!p3 v11, v6;
	[tilespmem:$0x1220] =	vst @!p4 v14  }
0x10c: {  	p2 =	por p0, p0;
	v14 =	vld [tilespmem:$0x630];
	p0 =	seq.s32 s4, $0x1;
	v5 =	vpsel p1, v5, v13;
	v6 =	vpsel p3, v6, v16;
	[tilespmem:$0x1220] =	vst @!p1 v13;
	p1 =	seq.s32 s1, $0x1  }
0x10d: {  	v59 =	vld [tilespmem:$0x1380];
	s21 =	sld [smem:$0x7F3];
	v5 =	vadd.s32 @!p1 v21, v5;
	v21 =	vadd.s32 @!p0 v8, v6  }
0x10e: {  	[tilespmem:$0x1220] =	vst @!p1 v5;
	v5 =	vpsel p0, v6, v21;
	v6 =	vld [tilespmem:$0x6B0];
	p0 =	seq.s32 s6, $0x1  }
0x10f: {  	s1 =	sld [smem:$0x7E3];
	v60 =	vld [tilespmem:$0x1220];
	v27 =	vadd.s32 @!p0 v7, v5  }
0x110: {  	v28 =	vld [tilespmem:$0x730];
	v5 =	vpsel p0, v5, v27;
	p0 =	seq.s32 s21, $0x1  }
0x111: {  	s4 =	sld [smem:$0x7F4];
	v61, _, _ =	vpop (xrf0);
	v30 =	vadd.s32 @!p0 v14, v5  }
0x112: {  	v29 =	vld [tilespmem:$0x7B0];
	v13 =	vadd.s32 v59, v61;
	v5 =	vpsel p0, v5, v30;
	p0 =	seq.s32 s1, $0x1  }
0x113: {  	s6 =	sld [smem:$0x7E4];
	v4 =	vsub.s32 v13, v4;
	v31 =	vadd.s32 @!p0 v6, v5  }
0x114: {  	v22 =	vld [tilespmem:$0x830];
	[tilespmem:$0x12A0] =	vst v4;
	v4 =	vadd.s32 v60, v4;
	v5 =	vpsel p0, v5, v31;
	p0 =	seq.s32 s4, $0x1  }
0x115: {  	s21 =	sld [smem:$0x7F5];
	[tilespmem:$0x11A0] =	vst v4;
	v4 =	vadd.s32 @!p0 v28, v5  }
0x116: {  	[tilespmem:$0x1300] =	vst v13;
	v13 =	vld [tilespmem:$0x8B0];
	v5 =	vpsel p0, v5, v4;
	p0 =	seq.s32 s6, $0x1  }
0x117: {  	s1 =	sld [smem:$0x7E5];
	v33 =	vadd.s32 @!p0 v29, v5  }
0x118: {  	v34 =	vld [tilespmem:$0x930];
	v5 =	vpsel p0, v5, v33;
	p0 =	seq.s32 s21, $0x1  }
0x119: {  	s4 =	sld [smem:$0x7F6];
	v35 =	vadd.s32 @!p0 v22, v5  }
0x11a: {  	v17 =	vadd.s32 v57, v17;
	s6 =	sld [smem:$0x7EF];
	v5 =	vpsel p0, v5, v35;
	p0 =	seq.s32 s1, $0x1  }
0x11b: {  	v24 =	vld [tilespmem:$0x9B0];
	v10 =	vadd.s32 v10, v17;
	s1 =	sld [smem:$0x7DF];
	v17 =	vadd.s32 @!p0 v13, v5  }
0x11c: {  	v10 =	vadd.s32 v15, v10;
	s21 =	sld [smem:$0x7E6];
	v5 =	vpsel p0, v5, v17;
	p0 =	seq.s32 s4, $0x1  }
0x11d: {  	v10 =	vadd.s32 v19, v10;
	v32 =	vld.idx.msk [tilespmem:v1+s19+$0x0], $0xffff;
	[tilespmem:$0x1230] =	vst v0;
	s4 =	sld [smem:$0x7F7];
	v19 =	vadd.s32 @!p0 v34, v5  }
0x11e: {  	v15 =	vld [tilespmem:$0xA30];
	[tilespmem:$0x1230] =	vst v9;
	p1 =	seq.s32 s1, $0x1;
	s1 =	sld [smem:$0x7F2];
	v5 =	vpsel p0, v5, v19;
	p0 =	seq.s32 s6, $0x1  }
0x11f: {  	v62 =	vadd.s32 v12, v10;
	s6 =	sld [smem:$0x7E0];
	[tilespmem:$0x1230] =	vst @!p0 v20;
	p0 =	seq.s32 s21, $0x1  }
0x120: {  	v9 =	vadd.s32 v11, v62;
	s21 =	sld [smem:$0x7E7];
	v11 =	vadd.s32 @!p0 v24, v5  }
0x121: {  	[tilespmem:$0x1230] =	vst @!p1 v26;
	v5 =	vpsel p0, v5, v11;
	p0 =	seq.s32 s4, $0x1;
	s4 =	sld [smem:$0x7F8]  }
0x122: {  	v10 =	vld [tilespmem:$0xAB0];
	v8 =	vadd.s32 v8, v9;
	[tilespmem:$0x1230] =	vst @!p5 v23;
	p1 =	seq.s32 s6, $0x1;
	s6 =	sld [smem:$0x7E2]  }
0x123: {  	v7 =	vadd.s32 v7, v8;
	v8 =	vadd.s32 @!p0 v15, v5;
	[tilespmem:$0x1230] =	vst @!p1 v25;
	p4 =	seq.s32 s21, $0x1;
	s21 =	sld [smem:$0x7F3]  }
0x124: {  	v9 =	vld [tilespmem:$0xB30];
	v5 =	vpsel p0, v5, v8;
	[tilespmem:$0x1230] =	vst @!p2 v18;
	p0 =	seq.s32 s1, $0x1;
	s1 =	sld [smem:$0x7E8]  }
0x125: {  	[tilespmem:$0x1230] =	vst @!p3 v16;
	p1 =	seq.s32 s6, $0x1;
	s6 =	sld [smem:$0x7F4]  }
0x126: {  	v12 =	vld [tilespmem:$0xBB0];
	v7 =	vadd.s32 v14, v7;
	[tilespmem:$0x1230] =	vst @!p0 v21;
	p0 =	seq.s32 s4, $0x1;
	s4 =	sld [smem:$0x7E3]  }
0x127: {  	v6 =	vadd.s32 v6, v7;
	v7 =	vadd.s32 @!p4 v10, v5;
	[tilespmem:$0x1230] =	vst @!p1 v27;
	p1 =	seq.s32 s21, $0x1;
	s21 =	sld [smem:$0x7F9]  }
0x128: {  	v14 =	vld [tilespmem:$0xC30];
	v6 =	vadd.s32 v28, v6;
	v5 =	vpsel p4, v5, v7;
	p3 =	seq.s32 s1, $0x1;
	s1 =	sld [smem:$0x7E4]  }
0x129: {  	v6 =	vadd.s32 v29, v6;
	v16 =	vadd.s32 @!p0 v9, v5;
	[tilespmem:$0x1230] =	vst @!p1 v30;
	p1 =	seq.s32 s6, $0x1;
	s6 =	sld [smem:$0x7E9];
	p2 =	seq.s32 s4, $0x1  }
0x12a: {  	v6 =	vadd.s32 v22, v6;
	v18 =	vld [tilespmem:$0xCB0];
	v5 =	vpsel p0, v5, v16;
	s4 =	sld [smem:$0x7F5];
	[tilespmem:$0x1230] =	vst @!p2 v31  }
0x12b: {  	v6 =	vadd.s32 v13, v6;
	v13 =	vadd.s32 @!p3 v12, v5;
	[tilespmem:$0x1230] =	vst @!p1 v4;
	p1 =	seq.s32 s21, $0x1;
	s21 =	sld [smem:$0x7E5]  }
0x12c: {  	v20 =	vld [tilespmem:$0xD30];
	v6 =	vadd.s32 v34, v6;
	v5 =	vpsel p3, v5, v13;
	p2 =	seq.s32 s1, $0x1;
	s1 =	sld [smem:$0x7F6]  }
0x12d: {  	v4 =	vadd.s32 v24, v6;
	v6 =	vadd.s32 @!p1 v14, v5;
	[tilespmem:$0x1230] =	vst @!p2 v33;
	p2 =	seq.s32 s4, $0x1;
	s4 =	sld [smem:$0x7E6]  }
0x12e: {  	v4 =	vadd.s32 v15, v4;
	v15 =	vld [tilespmem:$0xDB0];
	v5 =	vpsel p1, v5, v6;
	[tilespmem:$0x1230] =	vst @!p2 v35;
	p2 =	seq.s32 s6, $0x1;
	s6 =	sld [smem:$0x7F7];
	p5 =	seq.s32 s21, $0x1  }
0x12f: {  	v4 =	vadd.s32 v10, v4;
	v10 =	vadd.s32 @!p2 v18, v5;
	s21 =	sld [smem:$0x7EA];
	[tilespmem:$0x1230] =	vst @!p5 v17;
	p5 =	seq.s32 s1, $0x1  }
0x130: {  	v4 =	vadd.s32 v9, v4;
	v9 =	vld [tilespmem:$0xE30];
	v5 =	vpsel p2, v5, v10;
	[tilespmem:$0x1230] =	vst @!p5 v19;
	p5 =	seq.s32 s4, $0x1  }
0x131: {  	v4 =	vadd.s32 v12, v4;
	s1 =	sld [smem:$0x7FB];
	v12 =	vadd.s32 @!p6 v20, v5;
	[tilespmem:$0x1230] =	vst @!p5 v11;
	p5 =	seq.s32 s6, $0x1  }
0x132: {  	v4 =	vadd.s32 v14, v4;
	v5 =	vpsel p6, v5, v12;
	v11 =	vld [tilespmem:$0xEB0];
	[tilespmem:$0x1230] =	vst @!p5 v8;
	p5 =	seq.s32 s21, $0x1  }
0x133: {  	v14 =	vld [tilespmem:$0xF30];
	s4 =	sld [smem:$0x7EB];
	v4 =	vadd.s32 v18, v4;
	v8 =	vadd.s32 @!p5 v15, v5;
	[tilespmem:$0x1230] =	vst @!p4 v7  }
0x134: {  	v4 =	vadd.s32 v20, v4;
	v7 =	vld [tilespmem:$0xFB0];
	v5 =	vpsel p5, v5, v8;
	[tilespmem:$0x1230] =	vst @!p0 v16;
	p0 =	seq.s32 s1, $0x1  }
0x135: {  	s6 =	sld [smem:$0x7FC];
	v4 =	vadd.s32 v15, v4;
	v16 =	vld [tilespmem:$0x1030];
	v15 =	vadd.s32 @!p0 v9, v5;
	[tilespmem:$0x1230] =	vst @!p3 v13  }
0x136: {  	v4 =	vadd.s32 v9, v4;
	v9 =	vld [tilespmem:$0x10B0];
	v5 =	vpsel p0, v5, v15;
	[tilespmem:$0x1230] =	vst @!p1 v6;
	p1 =	seq.s32 s4, $0x1  }
0x137: {  	v63 =	vld [tilespmem:$0x1130];
	s21 =	sld [smem:$0x7EC];
	v4 =	vadd.s32 v11, v4;
	v6 =	vadd.s32 @!p1 v11, v5;
	[tilespmem:$0x1230] =	vst @!p2 v10  }
0x138: {  	v4 =	vadd.s32 v14, v4;
	p2 =	seq.s32 s6, $0x1;
	v5 =	vpsel p1, v5, v6;
	[tilespmem:$0x1230] =	vst @!p6 v12  }
0x139: {  	s1 =	sld [smem:$0x7FD];
	v4 =	vadd.s32 v7, v4;
	v10 =	vadd.s32 @!p2 v14, v5;
	[tilespmem:$0x1230] =	vst @!p5 v8  }
0x13a: {  	v4 =	vadd.s32 v16, v4;
	v5 =	vpsel p2, v5, v10;
	[tilespmem:$0x1230] =	vst @!p0 v15;
	p0 =	seq.s32 s21, $0x1  }
0x13b: {  	[tilespmem:$0x1380] =	vst v32;
	s4 =	sld [smem:$0x7ED];
	v4 =	vadd.s32 v9, v4;
	v7 =	vadd.s32 @!p0 v7, v5  }
0x13c: {  	[tilespmem:$0x1230] =	vst @!p1 v6;
	v4 =	vadd.s32 v63, v4;
	p1 =	seq.s32 s1, $0x1;
	v5 =	vpsel p0, v5, v7  }
0x13d: {  	[tilespmem:$0x1230] =	vst @!p2 v10;
	(xrf0) =	vadd.scan.msk.s32 $0xffff, v4;
	v6 =	vadd.s32 @!p1 v16, v5  }
0x13e: {  	[tilespmem:$0x1230] =	vst @!p0 v7;
	p0 =	seq.s32 s4, $0x1;
	v5 =	vpsel p1, v5, v6  }
0x13f: {  	[tilespmem:$0x1230] =	vst @!p1 v6;
	v6 =	vld [tilespmem:$0x1380];
	v5 =	vadd.s32 @!p0 v9, v5  }
0x140: {  	[tilespmem:$0x1230] =	vst @!p0 v5  }
0x141: {  	v5 =	vld [tilespmem:$0x1230];
	_ =	sdelay $0x1  }
0x142: {  	v7, _, _ =	vpop (xrf0)  }
0x143: {  	v6 =	vadd.s32 v6, v7  }
0x144: {  	v4 =	vsub.s32 v6, v4  }
0x145: {  	[tilespmem:$0x12B0] =	vst v4;
	v4 =	vadd.s32 v5, v4  }
0x146: {  	[tilespmem:$0x11B0] =	vst v4;
	v4 =	vld [tilespmem:$0x0]  }
0x147: {  	[tilespmem:$0x1300] =	vst v6  }
0x148: {  	v5 =	vld.idx.msk [tilespmem:v1+s19+$0x0], $0xffff;
	_ =	sdelay $0x3  }
0x149: {  	v6 =	vld [tilespmem:$0x80];
	[tilespmem:$0x12C0] =	vst v2  }
0x14a: {  	[tilespmem:$0x1380] =	vst v5;
	v5 =	vld [tilespmem:$0x10]  }
0x14b: {  	v4 =	vld.idx.msk [tilespmem:v4+s20+$0x0], $0xffff;
	_ =	sdelay $0x4  }
0x14c: {  	v4 =	vadd.s32 v4, v6  }
0x14d: {  	[tilespmem:$0x100] =	vst v4  }
0x14e: {  	v4 =	vld.idx.msk [tilespmem:v5+s20+$0x0], $0xffff  }
0x14f: {  	v5 =	vld [tilespmem:$0x20]  }
0x150: {  	v6 =	vld [tilespmem:$0x90];
	_ =	sdelay $0x4  }
0x151: {  	v4 =	vadd.s32 v4, v6  }
0x152: {  	[tilespmem:$0x110] =	vst v4  }
0x153: {  	v4 =	vld.idx.msk [tilespmem:v5+s20+$0x0], $0xffff  }
0x154: {  	v5 =	vld [tilespmem:$0x30]  }
0x155: {  	v6 =	vld [tilespmem:$0xA0];
	_ =	sdelay $0x4  }
0x156: {  	v4 =	vadd.s32 v4, v6  }
0x157: {  	[tilespmem:$0x120] =	vst v4  }
0x158: {  	v4 =	vld.idx.msk [tilespmem:v5+s20+$0x0], $0xffff  }
0x159: {  	v5 =	vld [tilespmem:$0xB0];
	_ =	sdelay $0x4  }
0x15a: {  	v4 =	vadd.s32 v4, v5  }
0x15b: {  	s6 =	simm.s32 $0x100;
	[tilespmem:$0x130] =	vst v4  }
0x15c: {  	[hbm4b:s8+s3] =	stream.linear.scatter [tilespmem:s6], [sflag:$0x2], $0x40, $0x38;
	[tilespmem:$0x13480] =	vst v63  }
0x15d: {  	_ =	swait.ge [sflag:s16], $0x40  }
0x15e: {  	s21 =	sld [smem:$0x7EE];
	_ =	sdelay $0x2  }
0x15f: {  	[sflag:s16] =	ssyncset.done $0x0;
	s4 =	rddreg [dreg:$0x6];
	p0 =	seq.s32 s21, $0x1  }
0x160: {  	[sflag:s16] =	ssyncadd.s32 $0xFFFFFFC0;
	s0 =	simm.s32 @!p0 $0x0;
	s1 =	simm.s32 @!p0 $0x1280  }
0x161: {  	[hbm4b:s4+s0] =	stream.linear.scatter @!p0 [tilespmem:s1], [sflag:$0x2], $0x80, $0x38;
	[tilespmem:$0x13480] =	vst v63  }
0x162: {  	s0 =	simm.s32 @!p0 $0x2  }
0x163: {  	_ =	swait.ge @!p0 [sflag:s0], $0x80  }
0x164: {  	[sflag:s0] =	ssyncset.done @!p0 $0x0  }
0x165: {  	[sflag:s0] =	ssyncadd.s32 @!p0 $0xFFFFFF80  }
0x166: {  	[tilespmem:s22], [sflag:$0x2] =	stream.linear.gather [hbm4b:s9+s3], $0x2000, $0x38;
	[tilespmem:$0x13480] =	vst v63  }
0x167: {  	_ = 	snop  }
0x168: {  	[tilespmem:s24], [sflag:$0x2] =	stream.linear.gather [hbm4b:s23+s3], $0x2000, $0x38;
	[tilespmem:$0x13480] =	vst v63  }
0x169: {  	s1 =	sadd.s32 $0x800, s9  }
0x16a: {  	[tilespmem:s25], [sflag:$0x2] =	stream.linear.gather [hbm4b:s1+s3], $0x2000, $0x38;
	[tilespmem:$0x13480] =	vst v63  }
0x16b: {  	s4 =	sadd.s32 $0xC00, s9  }
0x16c: {  	[tilespmem:s26], [sflag:$0x2] =	stream.linear.gather [hbm4b:s4+s3], $0x2000, $0x38;
	[tilespmem:$0x13480] =	vst v63  }
0x16d: {  	s6 =	sadd.s32 $0x1000, s9  }
0x16e: {  	[tilespmem:s28], [sflag:$0x2] =	stream.linear.gather [hbm4b:s6+s3], $0x2000, $0x38;
	[tilespmem:$0x13480] =	vst v63  }
0x16f: {  	s21 =	sadd.s32 $0x1400, s9  }
0x170: {  	[tilespmem:s29], [sflag:$0x2] =	stream.linear.gather [hbm4b:s21+s3], $0x2000, $0x38;
	[tilespmem:$0x13480] =	vst v63  }
0x171: {  	s1 =	sadd.s32 $0x1800, s9  }
0x172: {  	[tilespmem:s30], [sflag:$0x2] =	stream.linear.gather [hbm4b:s1+s3], $0x2000, $0x38;
	[tilespmem:$0x13480] =	vst v63  }
0x173: {  	s4 =	sadd.s32 $0x1C00, s9  }
0x174: {  	[tilespmem:s31], [sflag:$0x2] =	stream.linear.gather [hbm4b:s4+s3], $0x2000, $0x38;
	[tilespmem:$0x13480] =	vst v63  }
0x175: {  	_ =	swait.ge [sflag:s16], $0x10000  }
0x176: {  	[sflag:s16] =	ssyncset.done $0x0  }
0x177: {  	v4 =	vmov s3;
	[sflag:s16] =	ssyncadd.s32 $0xFFFF0000  }
0x178: {  	[tilespmem:s2], [sflag:$0x2] =	stream.linear.gather [hbm4b:s10+s3], $0x40, $0x38;
	[tilespmem:$0x13480] =	vst v63  }
0x179: {  	_ =	swait.ge [sflag:s16], $0x40  }
0x17a: {  	[sflag:s16] =	ssyncset.done $0x0  }
0x17b: {  	[sflag:s16] =	ssyncadd.s32 $0xFFFFFFC0  }
0x17c: {  	s6 =	simm.s32 $0x1;
	s21 =	simm.s32 $0x0;
	v4 =	vld.idx.msk [tilespmem:v4+s2+$0x0], $0xffff  }
0x17d: {  	v5 =	vmov s6;
	s1 =	smul.u32 $0x9000, s21;
	_ =	sdelay $0x1  }
0x17e: {  	s4 =	sand.u32 $0x380, s3;
	s0 =	sshra.s32 s1, $0x2  }
0x17f: {  	s0 =	sor.u32 s4, s0  }
0x180: {  	[tilespmem:s0+$0x3400] =	vst v4  }
0x181: {  	s6 =	simm.s32 $0x0;
	s21 =	simm.s32 $0x2;
	v4 =	vld.idx.msk [tilespmem:v5+s2+$0x0], $0xffff  }
0x182: {  	s1 =	simm.s32 $0x0;
	s4 =	smul.u32 $0x9000, s6;
	s0 =	simm.s32 $0x3;
	v5 =	vmov s21  }
.LBB2_2:
0x183: {  	p2 =	sne.s32 s0, $0x3F;
	s1 =	sadd.s32 $0x80, s1  }
0x184: {  	s6 =	sand.u32 $0x380, s1;
	s4 =	sshra.s32 s4, $0x2  }
.Ltmp0:
0x185: {  	s4 =	sor.u32 s6, s4;
	(pc) =	sbr.rel @p2 .LBB2_2-.Ltmp0, $4  }
0x186: {  	[tilespmem:s4+$0x3400] =	vst v4  }
0x187: {  	v4 =	vld.idx.msk [tilespmem:v5+s2+$0x0], $0xffff  }
0x188: {  	s4 =	sshrl.u32 s21, $0x3;
	s21 =	smov.u32 s0  }
0x189: {  	s0 =	sadd.s32 $0x1, s0;
	v5 =	vmov s21;
	s4 =	smul.u32 $0x9000, s4  }
0x18a: {  	s0 =	sadd.s32 $0x80, s1  }
0x18b: {  	s1 =	sand.u32 $0x380, s0;
	s4 =	sshra.s32 s4, $0x2  }
0x18c: {  	s1 =	sor.u32 s1, s4  }
0x18d: {  	[tilespmem:s1+$0x3400] =	vst v4  }
0x18e: {  	s21 =	sshrl.u32 s21, $0x3;
	v4 =	vld.idx.msk [tilespmem:v5+s2+$0x0], $0xffff  }
0x18f: {  	s1 =	smul.u32 $0x9000, s21  }
0x190: {  	s0 =	sadd.s32 $0x80, s0  }
0x191: {  	s0 =	sand.u32 $0x380, s0;
	s1 =	sshra.s32 s1, $0x2  }
0x192: {  	s0 =	sor.u32 s0, s1  }
0x193: {  	[tilespmem:s0+$0x3400] =	vst v4  }
0x194: {  	v4 =	vld [tilespmem:$0x100];
	_ =	sdelay $0x4  }
0x195: {  	v5 =	vshrl.u32 v4, $0x3  }
0x196: {  	v5 =	vmul.u32 $0x48, v5  }
0x197: {  	v4 =	vand.u32 $0x7, v4  }
0x198: {  	v6 =	vshrl.u32 v3, $0x3;
	v4 =	vor.u32 v4, v5;
	v5 =	vand.u32 $0x7, v3  }
0x199: {  	v6 =	vmul.u32 $0x8, v6;
	v7 =	vperm.xlane v4, v5;
	_ =	sdelay $0x1  }
0x19a: {  	v7 =	vadd.s32 v6, v7;
	_ =	sdelay $0x4  }
0x19b: {  	[hbm4b:s5+s3] =	stream.indirect_vreg.scatter [tilespmem:s22], [sflag:$0x1], $0x80, v7, vm0, $0xb8;
	[tilespmem:$0x13480] =	vst v63  }
0x19c: {  	s1 =	simm.s32 $0x1C00  }
0x19d: {  	v8 =	vor.u32 $0x8, v3;
	[hbm4b:s11+s3] =	stream.indirect_vreg.scatter [tilespmem:s1], [sflag:$0x1], $0x80, v7, vm0, $0xb8;
	[tilespmem:$0x13480] =	vst v63  }
0x19e: {  	s4 =	simm.s32 $0x2400;
	v4 =	vperm.xlane v4, v8  }
0x19f: {  	[hbm4b:s12+s3] =	stream.indirect_vreg.scatter [tilespmem:s4], [sflag:$0x1], $0x80, v7, vm0, $0xb8;
	[tilespmem:$0x13480] =	vst v63  }
0x1a0: {  	s6 =	simm.s32 $0x2C00;
	v4 =	vadd.s32 v6, v4  }
0x1a1: {  	[hbm4b:s13+s3] =	stream.indirect_vreg.scatter [tilespmem:s6], [sflag:$0x1], $0x80, v7, vm0, $0xb8;
	[tilespmem:$0x13480] =	vst v63  }
0x1a2: {  	s21 =	simm.s32 $0x3400  }
0x1a3: {  	[hbm4b:s14+s3] =	stream.indirect_vreg.scatter [tilespmem:s21], [sflag:$0x1], $0x80, v7, vm1, $0xb8;
	[tilespmem:$0x13480] =	vst v63  }
0x1a4: {  	_ = 	snop  }
0x1a5: {  	[hbm4b:s5+s3] =	stream.indirect_vreg.scatter [tilespmem:s24], [sflag:$0x1], $0x80, v4, vm0, $0xb8;
	[tilespmem:$0x13480] =	vst v63  }
0x1a6: {  	s1 =	simm.s32 $0x4000  }
0x1a7: {  	[hbm4b:s11+s3] =	stream.indirect_vreg.scatter [tilespmem:s1], [sflag:$0x1], $0x80, v4, vm0, $0xb8;
	[tilespmem:$0x13480] =	vst v63  }
0x1a8: {  	s4 =	simm.s32 $0x4800  }
0x1a9: {  	[hbm4b:s12+s3] =	stream.indirect_vreg.scatter [tilespmem:s4], [sflag:$0x1], $0x80, v4, vm0, $0xb8;
	[tilespmem:$0x13480] =	vst v63  }
0x1aa: {  	s6 =	simm.s32 $0x5000  }
0x1ab: {  	[hbm4b:s13+s3] =	stream.indirect_vreg.scatter [tilespmem:s6], [sflag:$0x1], $0x80, v4, vm0, $0xb8;
	[tilespmem:$0x13480] =	vst v63  }
0x1ac: {  	s21 =	simm.s32 $0x5800  }
0x1ad: {  	[hbm4b:s14+s3] =	stream.indirect_vreg.scatter [tilespmem:s21], [sflag:$0x1], $0x80, v4, vm1, $0xb8;
	[tilespmem:$0x13480] =	vst v63  }
0x1ae: {  	v4 =	vld [tilespmem:$0x110];
	_ =	sdelay $0x4  }
0x1af: {  	v61 =	vshrl.u32 v4, $0x3  }
0x1b0: {  	v7 =	vmul.u32 $0x48, v61  }
0x1b1: {  	v4 =	vand.u32 $0x7, v4  }
0x1b2: {  	v4 =	vor.u32 v4, v7  }
0x1b3: {  	v7 =	vperm.xlane v4, v5;
	_ =	sdelay $0x1  }
0x1b4: {  	v7 =	vadd.s32 v6, v7;
	_ =	sdelay $0x4  }
0x1b5: {  	[hbm4b:s5+s3] =	stream.indirect_vreg.scatter [tilespmem:s25], [sflag:$0x1], $0x80, v7, vm0, $0xb8;
	[tilespmem:$0x13480] =	vst v63  }
0x1b6: {  	s1 =	simm.s32 $0x6400  }
0x1b7: {  	[hbm4b:s11+s3] =	stream.indirect_vreg.scatter [tilespmem:s1], [sflag:$0x1], $0x80, v7, vm0, $0xb8;
	[tilespmem:$0x13480] =	vst v63  }
0x1b8: {  	s4 =	simm.s32 $0x6C00;
	v4 =	vperm.xlane v4, v8  }
0x1b9: {  	[hbm4b:s12+s3] =	stream.indirect_vreg.scatter [tilespmem:s4], [sflag:$0x1], $0x80, v7, vm0, $0xb8;
	[tilespmem:$0x13480] =	vst v63  }
0x1ba: {  	s6 =	simm.s32 $0x7400;
	v4 =	vadd.s32 v6, v4  }
0x1bb: {  	[hbm4b:s13+s3] =	stream.indirect_vreg.scatter [tilespmem:s6], [sflag:$0x1], $0x80, v7, vm0, $0xb8;
	[tilespmem:$0x13480] =	vst v63  }
0x1bc: {  	s21 =	simm.s32 $0x7C00  }
0x1bd: {  	[hbm4b:s14+s3] =	stream.indirect_vreg.scatter [tilespmem:s21], [sflag:$0x1], $0x80, v7, vm1, $0xb8;
	[tilespmem:$0x13480] =	vst v63  }
0x1be: {  	_ = 	snop  }
0x1bf: {  	[hbm4b:s5+s3] =	stream.indirect_vreg.scatter [tilespmem:s26], [sflag:$0x1], $0x80, v4, vm0, $0xb8;
	[tilespmem:$0x13480] =	vst v63  }
0x1c0: {  	s1 =	simm.s32 $0x8800  }
0x1c1: {  	[hbm4b:s11+s3] =	stream.indirect_vreg.scatter [tilespmem:s1], [sflag:$0x1], $0x80, v4, vm0, $0xb8;
	[tilespmem:$0x13480] =	vst v63  }
0x1c2: {  	s4 =	simm.s32 $0x9000  }
0x1c3: {  	[hbm4b:s12+s3] =	stream.indirect_vreg.scatter [tilespmem:s4], [sflag:$0x1], $0x80, v4, vm0, $0xb8;
	[tilespmem:$0x13480] =	vst v63  }
0x1c4: {  	s6 =	simm.s32 $0x9800  }
0x1c5: {  	[hbm4b:s13+s3] =	stream.indirect_vreg.scatter [tilespmem:s6], [sflag:$0x1], $0x80, v4, vm0, $0xb8;
	[tilespmem:$0x13480] =	vst v63  }
0x1c6: {  	s21 =	simm.s32 $0xA000  }
0x1c7: {  	[hbm4b:s14+s3] =	stream.indirect_vreg.scatter [tilespmem:s21], [sflag:$0x1], $0x80, v4, vm1, $0xb8;
	[tilespmem:$0x13480] =	vst v63  }
0x1c8: {  	v4 =	vld [tilespmem:$0x120];
	_ =	sdelay $0x4  }
0x1c9: {  	v62 =	vshrl.u32 v4, $0x3  }
0x1ca: {  	v7 =	vmul.u32 $0x48, v62  }
0x1cb: {  	v4 =	vand.u32 $0x7, v4  }
0x1cc: {  	v4 =	vor.u32 v4, v7  }
0x1cd: {  	v7 =	vperm.xlane v4, v5;
	_ =	sdelay $0x1  }
0x1ce: {  	v7 =	vadd.s32 v6, v7;
	_ =	sdelay $0x4  }
0x1cf: {  	[hbm4b:s5+s3] =	stream.indirect_vreg.scatter [tilespmem:s28], [sflag:$0x1], $0x80, v7, vm0, $0xb8;
	[tilespmem:$0x13480] =	vst v63  }
0x1d0: {  	s1 =	simm.s32 $0xAC00  }
0x1d1: {  	[hbm4b:s11+s3] =	stream.indirect_vreg.scatter [tilespmem:s1], [sflag:$0x1], $0x80, v7, vm0, $0xb8;
	[tilespmem:$0x13480] =	vst v63  }
0x1d2: {  	s4 =	simm.s32 $0xB400;
	v4 =	vperm.xlane v4, v8  }
0x1d3: {  	[hbm4b:s12+s3] =	stream.indirect_vreg.scatter [tilespmem:s4], [sflag:$0x1], $0x80, v7, vm0, $0xb8;
	[tilespmem:$0x13480] =	vst v63  }
0x1d4: {  	s6 =	simm.s32 $0xBC00;
	v4 =	vadd.s32 v6, v4  }
0x1d5: {  	[hbm4b:s13+s3] =	stream.indirect_vreg.scatter [tilespmem:s6], [sflag:$0x1], $0x80, v7, vm0, $0xb8;
	[tilespmem:$0x13480] =	vst v63  }
0x1d6: {  	s21 =	simm.s32 $0xC400  }
0x1d7: {  	[hbm4b:s14+s3] =	stream.indirect_vreg.scatter [tilespmem:s21], [sflag:$0x1], $0x80, v7, vm1, $0xb8;
	[tilespmem:$0x13480] =	vst v63  }
0x1d8: {  	_ = 	snop  }
0x1d9: {  	[hbm4b:s5+s3] =	stream.indirect_vreg.scatter [tilespmem:s29], [sflag:$0x1], $0x80, v4, vm0, $0xb8;
	[tilespmem:$0x13480] =	vst v63  }
0x1da: {  	s1 =	simm.s32 $0xD000  }
0x1db: {  	[hbm4b:s11+s3] =	stream.indirect_vreg.scatter [tilespmem:s1], [sflag:$0x1], $0x80, v4, vm0, $0xb8;
	[tilespmem:$0x13480] =	vst v63  }
0x1dc: {  	s4 =	simm.s32 $0xD800  }
0x1dd: {  	[hbm4b:s12+s3] =	stream.indirect_vreg.scatter [tilespmem:s4], [sflag:$0x1], $0x80, v4, vm0, $0xb8;
	[tilespmem:$0x13480] =	vst v63  }
0x1de: {  	s6 =	simm.s32 $0xE000  }
0x1df: {  	[hbm4b:s13+s3] =	stream.indirect_vreg.scatter [tilespmem:s6], [sflag:$0x1], $0x80, v4, vm0, $0xb8;
	[tilespmem:$0x13480] =	vst v63  }
0x1e0: {  	s21 =	simm.s32 $0xE800  }
0x1e1: {  	[hbm4b:s14+s3] =	stream.indirect_vreg.scatter [tilespmem:s21], [sflag:$0x1], $0x80, v4, vm1, $0xb8;
	[tilespmem:$0x13480] =	vst v63  }
0x1e2: {  	v4 =	vld [tilespmem:$0x130];
	_ =	sdelay $0x4  }
0x1e3: {  	v63 =	vshrl.u32 v4, $0x3  }
0x1e4: {  	v7 =	vmul.u32 $0x48, v63  }
0x1e5: {  	v4 =	vand.u32 $0x7, v4  }
0x1e6: {  	v4 =	vor.u32 v4, v7  }
0x1e7: {  	v5 =	vperm.xlane v4, v5;
	_ =	sdelay $0x1  }
0x1e8: {  	v5 =	vadd.s32 v6, v5;
	_ =	sdelay $0x4  }
0x1e9: {  	[hbm4b:s5+s3] =	stream.indirect_vreg.scatter [tilespmem:s30], [sflag:$0x1], $0x80, v5, vm0, $0xb8;
	[tilespmem:$0x13480] =	vst v63  }
0x1ea: {  	s1 =	simm.s32 $0xF400  }
0x1eb: {  	[hbm4b:s11+s3] =	stream.indirect_vreg.scatter [tilespmem:s1], [sflag:$0x1], $0x80, v5, vm0, $0xb8;
	[tilespmem:$0x13480] =	vst v63  }
0x1ec: {  	s4 =	simm.s32 $0xFC00;
	v4 =	vperm.xlane v4, v8  }
0x1ed: {  	[hbm4b:s12+s3] =	stream.indirect_vreg.scatter [tilespmem:s4], [sflag:$0x1], $0x80, v5, vm0, $0xb8;
	[tilespmem:$0x13480] =	vst v63  }
0x1ee: {  	s6 =	simm.s32 $0x10400;
	v4 =	vadd.s32 v6, v4  }
0x1ef: {  	[hbm4b:s13+s3] =	stream.indirect_vreg.scatter [tilespmem:s6], [sflag:$0x1], $0x80, v5, vm0, $0xb8;
	[tilespmem:$0x13480] =	vst v63  }
0x1f0: {  	s21 =	simm.s32 $0x10C00  }
0x1f1: {  	[hbm4b:s14+s3] =	stream.indirect_vreg.scatter [tilespmem:s21], [sflag:$0x1], $0x80, v5, vm1, $0xb8;
	[tilespmem:$0x13480] =	vst v63  }
0x1f2: {  	_ = 	snop  }
0x1f3: {  	[hbm4b:s5+s3] =	stream.indirect_vreg.scatter [tilespmem:s31], [sflag:$0x1], $0x80, v4, vm0, $0xb8;
	[tilespmem:$0x13480] =	vst v63  }
0x1f4: {  	s1 =	simm.s32 $0x11800  }
0x1f5: {  	[hbm4b:s11+s3] =	stream.indirect_vreg.scatter [tilespmem:s1], [sflag:$0x1], $0x80, v4, vm0, $0xb8;
	[tilespmem:$0x13480] =	vst v63  }
0x1f6: {  	s18 =	sadd.s32 $0x1, s18;
	s4 =	simm.s32 $0x12000  }
0x1f7: {  	[hbm4b:s12+s3] =	stream.indirect_vreg.scatter [tilespmem:s4], [sflag:$0x1], $0x80, v4, vm0, $0xb8;
	[tilespmem:$0x13480] =	vst v63  }
0x1f8: {  	p2 =	sne.s32 s18, s15;
	s6 =	simm.s32 $0x12800  }
0x1f9: {  	[hbm4b:s13+s3] =	stream.indirect_vreg.scatter [tilespmem:s6], [sflag:$0x1], $0x80, v4, vm0, $0xb8;
	[tilespmem:$0x13480] =	vst v63  }
.Ltmp1:
0x1fa: {  	s21 =	simm.s32 $0x13000;
	(pc) =	sbr.rel @p2 .LBB2_1-.Ltmp1, $4  }
0x1fb: {  	[hbm4b:s14+s3] =	stream.indirect_vreg.scatter [tilespmem:s21], [sflag:$0x1], $0x80, v4, vm1, $0xb8;
	[tilespmem:$0x13480] =	vst v63  }
0x1fc: {  	_ =	swait.ge [sflag:s17], $0x12000  }
0x1fd: {  	[sflag:s17] =	ssyncset.done $0x0  }
0x1fe: {  	[sflag:s17] =	ssyncadd.s32 $0xFFFEE000  }
0x1ff: {  	_ =	sfence.sel $0x180000  }
0x200: {  	[bflag:$0x0] =	sbarrier.arrive $0xFFFF  }
0x201: {  	_ =	strace $0x9000004A  }
0x202: {  	s0 =	stileid.u32;
	[bflag:$0x2] =	sbarrier.arrive $0xFFFF  }
0x203: {  	p0 =	sne.s32 s0, $0x0;
	s0 =	rddreg [dreg:$0x5]  }
0x204: {  	s0 =	sadd.s32 @!p0 $0x100000, s0  }
0x205: {  	[sflag:s0] =	ssyncadd.tile.s32 @!p0 $0x1;
	_ =	shalt  }
.Lfunc_end2:
_tile_overlayer_lowered:
.L_overlay_start_2:
0x206: {  	(tag) =	ssettag $0x2  }
0x207: {  	s0 =	rddreg [dreg:$0x0];
	s2 =	stileid.u32  }
0x208: {  	s1 =	rddreg [dreg:$0x1];
	p0 =	sne.s32 s2, $0x0  }
0x209: {  	s3 =	rddreg [dreg:$0x2];
	[bflag:$0x3] =	sbarrier.arrive $0xFFFF;
	s2 =	simm.s32 @!p0 $0x1C02  }
0x20a: {  	[timem:s3], [sflag:s2] =	dma.local @!p0 [hbm:s0], s1  }
0x20b: {  	s0 =	simm.s32 @!p0 $0x2  }
0x20c: {  	_ =	swait.ge @!p0 [sflag:s0], s1  }
0x20d: {  	s1 =	ssub.s32 @!p0 $0x0, s1;
	[sflag:s0] =	ssyncset.done @!p0 $0x0  }
0x20e: {  	[sflag:s0] =	ssyncadd.s32 @!p0 s1  }
0x20f: {  	[bflag:$0x3] =	sbarrier.arrive $0xFFFF  }
0x210: {  	_ =	shalt  }

</sc_bundles>
